<compile_context>
chip_gen: v7x
topology: tpu7x:2x2x1
jax: 0.10.2.dev20260603
libtpu: 0.0.44.dev20260713+nightly
codegen_flags: <defaults>
</compile_context>

<pallas_src>
import functools

import jax
import jax.numpy as jnp
from jax import lax
from jax.experimental import pallas as pl
from jax.experimental.pallas import tpu as pltpu
from jax.experimental.pallas import tpu_sc as plsc

MAX_CAND = 128
NEG_INF = float("-inf")
ROWS = 512
N_W = 32
CH = 112


def _sc_gather(x, h, db_tab, exp_pad, idx_targets, per_w):
    n_f = x.shape[1]
    n_d = h.shape[1]
    m_pad = exp_pad.shape[0]
    n_ch = per_w // CH
    with_t = idx_targets is not None
    n_t = idx_targets.shape[0] if with_t else 0
    t_per_w = n_t // N_W if with_t else 0

    mesh = plsc.VectorSubcoreMesh(core_axis_name="c", subcore_axis_name="s")

    @functools.partial(
        pl.kernel,
        mesh=mesh,
        compiler_params=pltpu.CompilerParams(use_tc_tiling_on_sc=False),
        out_type=(
            [jax.ShapeDtypeStruct((m_pad, n_f), jnp.float32),
             jax.ShapeDtypeStruct((m_pad, n_d), jnp.float32),
             jax.ShapeDtypeStruct((m_pad, 16), jnp.float32)]
            + ([jax.ShapeDtypeStruct((n_t, n_d), jnp.float32)]
               if with_t else [])),
        scratch_types=(
            [pltpu.VMEM((per_w,), jnp.int32),
             pltpu.VMEM((2, CH, n_f), jnp.float32),
             pltpu.VMEM((2, CH, n_d), jnp.float32),
             pltpu.VMEM((2, CH, 16), jnp.float32)]
            + ([pltpu.VMEM((t_per_w,), jnp.int32),
                pltpu.VMEM((t_per_w, n_d), jnp.float32)] if with_t else [])
            + [pltpu.SemaphoreType.DMA] * 6),
    )
    def gather_kernel(x_hbm, h_hbm, db_hbm, exp_hbm, *rest):
        if with_t:
            (tgt_hbm, xg_hbm, hg_hbm, dbg_hbm, ht_hbm,
             idx_v, xbuf, hbuf, dbuf, tidx_v, htbuf,
             sx0, sx1, sh0, sh1, sd0, sd1) = rest
        else:
            (xg_hbm, hg_hbm, dbg_hbm,
             idx_v, xbuf, hbuf, dbuf,
             sx0, sx1, sh0, sh1, sd0, sd1) = rest
        sems = ((sx0, sh0, sd0), (sx1, sh1, sd1))
        wid = lax.axis_index("s") * 2 + lax.axis_index("c")
        base = pl.multiple_of(wid * per_w, 8)
        pltpu.sync_copy(exp_hbm.at[pl.ds(base, per_w)], idx_v)

        def fire(ci):
            slot = ci & 1
            idx = idx_v.at[pl.ds(ci * CH, CH)]
            sx, sh, sd = sems[slot]
            return (pltpu.async_copy(x_hbm.at[idx], xbuf.at[slot], sx),
                    pltpu.async_copy(h_hbm.at[idx], hbuf.at[slot], sh),
                    pltpu.async_copy(db_hbm.at[idx], dbuf.at[slot], sd))

        def drain_store(ci, handles):
            slot = ci & 1
            off = pl.multiple_of(base + ci * CH, 8)
            cx, chh, cd = handles
            cx.wait()
            pltpu.sync_copy(xbuf.at[slot], xg_hbm.at[pl.ds(off, CH)])
            chh.wait()
            pltpu.sync_copy(hbuf.at[slot], hg_hbm.at[pl.ds(off, CH)])
            cd.wait()
            pltpu.sync_copy(dbuf.at[slot], dbg_hbm.at[pl.ds(off, CH)])

        pend = {0: fire(0)}
        for ci in range(n_ch):
            if ci + 1 < n_ch:
                pend[ci + 1] = fire(ci + 1)
            drain_store(ci, pend.pop(ci))

        if with_t:
            tb = pl.multiple_of(wid * t_per_w, 8)
            pltpu.sync_copy(tgt_hbm.at[pl.ds(tb, t_per_w)], tidx_v)
            pltpu.async_copy(h_hbm.at[tidx_v], htbuf, sx0).wait()
            pltpu.sync_copy(htbuf, ht_hbm.at[pl.ds(tb, t_per_w)])

    if with_t:
        return gather_kernel(x, h, db_tab, exp_pad, idx_targets)
    return gather_kernel(x, h, db_tab, exp_pad)


def _tc_score(xg, hg, dbg, ht_rows, W_raw, b_raw, W_num16,
              b_num, W1, b1, W2, b2):
    m_half, n_f = xg.shape
    n_d = hg.shape[1]
    n_t = ht_rows.shape[0]
    n_steps = m_half // ROWS

    def _mixed_dot(a_bf16, w_f32):
        return lax.dot_general(
            a_bf16, w_f32, (((1,), (0,)), ((), ())),
            preferred_element_type=jnp.float32)

    def body(xg_ref, hg_ref, dbg_ref, ht_ref,
             wraw_ref, braw_ref, wnum_ref, bnum_ref, w1_ref, b1_ref,
             w2_ref, b2_ref, s_scr):
        i = pl.program_id(0)

        bf = jnp.bfloat16
        x_v = (_mixed_dot(xg_ref[...].astype(bf), wraw_ref[...])
               + braw_ref[...]).astype(bf)
        h_t = (jnp.sum(ht_ref[...], axis=0, keepdims=True)
               * jnp.float32(1.0 / n_t)).astype(bf)
        emb_num = (_mixed_dot(dbg_ref[...].astype(bf), wnum_ref[...])
                   + bnum_ref[...]).astype(bf)
        emb = jnp.concatenate(
            [x_v, hg_ref[...].astype(bf),
             jnp.broadcast_to(h_t, (ROWS, n_d)), emb_num], axis=1)
        emb = jnp.maximum(emb, jnp.bfloat16(0.0))
        hid = jnp.maximum(
            _mixed_dot(emb, w1_ref[...]) + b1_ref[...], 0.0).astype(bf)
        s = _mixed_dot(hid, w2_ref[...]) + b2_ref[...]
        lane2 = lax.broadcasted_iota(jnp.int32, (ROWS, n_steps), 1)
        s_scr[...] = jnp.where(lane2 == i,
                               jnp.broadcast_to(s, (ROWS, n_steps)),
                               s_scr[...])

    return pl.pallas_call(
        body,
        grid=(n_steps,),
        in_specs=[
            pl.BlockSpec((ROWS, n_f), lambda i: (i, 0)),
            pl.BlockSpec((ROWS, n_d), lambda i: (i, 0)),
            pl.BlockSpec((ROWS, 16), lambda i: (i, 0)),
            pl.BlockSpec((n_t, n_d), lambda i: (0, 0)),
            pl.BlockSpec((n_f, n_d), lambda i: (0, 0)),
            pl.BlockSpec((1, n_d), lambda i: (0, 0)),
            pl.BlockSpec((16, n_d), lambda i: (0, 0)),
            pl.BlockSpec((1, n_d), lambda i: (0, 0)),
            pl.BlockSpec((4 * n_d, n_d), lambda i: (0, 0)),
            pl.BlockSpec((1, n_d), lambda i: (0, 0)),
            pl.BlockSpec((n_d, 1), lambda i: (0, 0)),
            pl.BlockSpec((1, 1), lambda i: (0, 0)),
        ],
        out_specs=pl.BlockSpec((ROWS, n_steps), lambda i: (0, 0)),
        out_shape=jax.ShapeDtypeStruct((ROWS, n_steps), jnp.float32),
    )(xg, hg, dbg, ht_rows, W_raw, b_raw.reshape(1, -1), W_num16,
      b_num.reshape(1, -1), W1, b1.reshape(1, -1), W2,
      b2.reshape(1, 1))


def _tc_topk(s_a, s_b, exp_cm, m_valid):
    n_a = s_a.shape[1]
    n_steps = exp_cm.shape[1]

    def body(sa_ref, sb_ref, exp_ref, cand_ref, cidx_ref, s_scr):
        lane2 = lax.broadcasted_iota(jnp.int32, (ROWS, n_steps), 1)
        s_scr[...] = jnp.concatenate([sa_ref[...], sb_ref[...]], axis=1)
        if True:
            lin = (lane2 * ROWS
                   + lax.broadcasted_iota(jnp.int32, (ROWS, n_steps), 0))
            s_scr[...] = jnp.where(lin >= m_valid, NEG_INF, s_scr[...])
            out_pos = lax.broadcasted_iota(jnp.int32, (1, MAX_CAND), 1)
            big = jnp.int32(0x7FFFFFFF)

            n_grp = ROWS // 8
            s3 = s_scr[...].reshape(n_grp, 8, n_steps)
            g0 = s3[:, 0, :]
            for d in range(1, 8):
                g0 = jnp.maximum(g0, s3[:, d, :])
            glin = (lax.broadcasted_iota(jnp.int32, (n_grp, n_steps), 1)
                    * n_grp
                    + lax.broadcasted_iota(jnp.int32, (n_grp, n_steps), 0))
            row8 = lax.broadcasted_iota(jnp.int32, (8, n_steps), 0)
            col8 = lax.broadcasted_iota(jnp.int32, (8, n_steps), 1)

            def sel(j, carry):
                grp, acc = carry
                m = jnp.max(grp)
                gmin = jnp.min(jnp.where(grp == m, glin, big))
                g = gmin % n_grp
                slab = s_scr[pl.ds(g * 8, 8), :]
                slab_lin = col8 * ROWS + (g * 8 + row8)
                li = jnp.min(jnp.where(slab == m, slab_lin, big))
                slab2 = jnp.where(slab_lin == li, NEG_INF, slab)
                s_scr[pl.ds(g * 8, 8), :] = slab2
                eslab = exp_ref[pl.ds(g * 8, 8), :]
                node = jnp.max(jnp.where(slab_lin == li, eslab,
                                         jnp.int32(-1)))
                newg = jnp.max(slab2, axis=0, keepdims=True)
                grp = jnp.where(glin % n_grp == g,
                                jnp.broadcast_to(newg, (n_grp, n_steps)),
                                grp)
                acc = jnp.where(out_pos == j, node, acc)
                return grp, acc

            _, acc = lax.fori_loop(
                0, MAX_CAND, sel,
                (g0, jnp.zeros((1, MAX_CAND), jnp.int32)))
            cidx_ref[...] = acc
            cand_ref[...] = jnp.ones((1, MAX_CAND), jnp.float32)

    return pl.pallas_call(
        body,
        grid=(1,),
        in_specs=[
            pl.BlockSpec((ROWS, n_a), lambda i: (0, 0)),
            pl.BlockSpec((ROWS, n_steps - n_a), lambda i: (0, 0)),
            pl.BlockSpec((ROWS, n_steps), lambda i: (0, 0)),
        ],
        out_specs=[
            pl.BlockSpec((1, MAX_CAND), lambda i: (0, 0)),
            pl.BlockSpec((1, MAX_CAND), lambda i: (0, 0)),
        ],
        out_shape=[
            jax.ShapeDtypeStruct((1, MAX_CAND), jnp.float32),
            jax.ShapeDtypeStruct((1, MAX_CAND), jnp.int32),
        ],
        scratch_shapes=[pltpu.VMEM((ROWS, n_steps), jnp.float32)],
    )(s_a, s_b, exp_cm)


def kernel(x, h, degree, beta, idx_targets, exp_nodes,
           W_raw, b_raw, W_num, b_num, W1, b1, W2, b2,
           temperature, epsilon):
    m = exp_nodes.shape[0]
    per_w = -(-m // (N_W * 2 * CH)) * CH
    m_half = N_W * per_w
    m_pad = 2 * m_half

    exp_pad = jnp.concatenate(
        [exp_nodes.astype(jnp.int32),
         jnp.zeros((m_pad - m,), jnp.int32)])
    n_nodes = degree.shape[0]
    db_tab = jnp.concatenate(
        [degree[:, None], beta[:, None],
         jnp.zeros((n_nodes, 14), jnp.float32)], axis=1)
    w_num16 = jnp.concatenate(
        [W_num, jnp.zeros((14, W_num.shape[1]), jnp.float32)], axis=0)

    exp_a = exp_pad[:m_half]
    exp_b = exp_pad[m_half:]
    xga, hga, dbga, ht_rows = _sc_gather(
        x, h, db_tab, exp_a, idx_targets.astype(jnp.int32), per_w)
    xgb, hgb, dbgb = _sc_gather(x, h, db_tab, exp_b, None, per_w)

    s_a = _tc_score(xga, hga, dbga, ht_rows, W_raw, b_raw, w_num16, b_num,
                    W1, b1, W2, b2)
    s_b = _tc_score(xgb, hgb, dbgb, ht_rows, W_raw, b_raw, w_num16, b_num,
                    W1, b1, W2, b2)

    n_steps = m_pad // ROWS
    exp_cm = exp_pad.reshape(n_steps, ROWS).T

    cand, cidx = _tc_topk(s_a, s_b, exp_cm, m)
    return cand.reshape(MAX_CAND), cidx.reshape(MAX_CAND)

# --- scband reference (transcript-rebuilt; emitter-appended) ---
"""Pipeline reference for scband-candidate-selector-12902081757597 (READ-ONLY COPY).

The authoritative reference and input builder live on the scoring server;
editing this copy changes nothing except your own understanding.
"""

import jax, jax.numpy as jnp
import numpy as np

N, F, D = 100000, 128, 64
M, T = 50000, 1024
MAX_CAND = 128


def setup_inputs(seed: int = 0) -> dict:
    key = jax.random.key(seed)
    ks = jax.random.split(key, 12)
    x = jax.random.normal(ks[0], (N, F), dtype=jnp.float32)
    h = jax.random.normal(ks[1], (N, D), dtype=jnp.float32)
    degree = jax.random.uniform(ks[2], (N,), dtype=jnp.float32)
    beta = jax.random.uniform(ks[3], (N,), dtype=jnp.float32)
    idx_targets = jax.random.randint(ks[4], (T,), 0, N)
    exp_nodes = jax.random.randint(ks[5], (M,), 0, N)
    W_raw = jax.random.normal(ks[6], (F, D), dtype=jnp.float32) * 0.05
    b_raw = jnp.zeros((D,), dtype=jnp.float32)
    W_num = jax.random.normal(ks[7], (2, D), dtype=jnp.float32) * 0.05
    b_num = jnp.zeros((D,), dtype=jnp.float32)
    W1 = jax.random.normal(ks[8], (4 * D, D), dtype=jnp.float32) * 0.05
    b1 = jnp.zeros((D,), dtype=jnp.float32)
    W2 = jax.random.normal(ks[9], (D, 1), dtype=jnp.float32) * 0.05
    b2 = jnp.zeros((1,), dtype=jnp.float32)
    temperature = jnp.float32(1.0)
    epsilon = jnp.float32(0.1)
    return {"x": x, "h": h, "degree": degree, "beta": beta,
            "idx_targets": idx_targets, "exp_nodes": exp_nodes,
            "W_raw": W_raw, "b_raw": b_raw, "W_num": W_num, "b_num": b_num,
            "W1": W1, "b1": b1, "W2": W2, "b2": b2,
            "temperature": temperature, "epsilon": epsilon}


def st_gumbel_top_k(scores, k, temperature, epsilon):
    # eval mode: randomness=False, no gumbel noise; dropout is identity
    perturbed = scores
    soft = jax.nn.softmax(perturbed / temperature)
    soft = (1.0 - epsilon) * soft + epsilon / scores.shape[0]
    _, topi = jax.lax.top_k(perturbed, k)
    khot = jnp.zeros_like(scores).at[topi].set(1.0)
    # straight-through estimator
    candidates = khot - jax.lax.stop_gradient(soft) + soft
    return candidates, topi


def reference(x, h, degree, beta, idx_targets, exp_nodes,
              W_raw, b_raw, W_num, b_num, W1, b1, W2, b2,
              temperature, epsilon):
    x_v = x[exp_nodes] @ W_raw + b_raw
    h_v = h[exp_nodes]
    h_T = jnp.mean(h[idx_targets], axis=0, keepdims=True)
    h_T = jnp.broadcast_to(h_T, (exp_nodes.shape[0], D))
    numerics = jnp.stack([degree[exp_nodes], beta[exp_nodes]], axis=-1)
    emb_numerics = numerics @ W_num + b_num
    emb = jnp.concatenate([x_v, h_v, h_T, emb_numerics], axis=-1)
    emb = jax.nn.relu(emb)
    hidden = jax.nn.relu(emb @ W1 + b1)
    scores = jnp.squeeze(hidden @ W2 + b2, axis=-1)
    candidates_full, cand_idx = st_gumbel_top_k(scores, MAX_CAND, temperature, epsilon)
    candidates = candidates_full[cand_idx]
    cand_indices = exp_nodes[cand_idx]
    return candidates, cand_indices

if __name__ == "__main__":
    import jax
    _d = setup_inputs()
    print(jax.jit(kernel)(*tuple(_d.values())))

</pallas_src>

<mosaic_0001>
#map = affine_map<(d0, d1) -> (0, 0)>
#map1 = affine_map<(d0, d1) -> (0)>
module attributes {stable_mosaic.version = 14 : i64} {
  func.func @gather_kernel(%arg0: i32, %arg1: i32, %arg2: memref<100000x128xf32, #tpu.memory_space<hbm>>, %arg3: memref<100000x64xf32, #tpu.memory_space<hbm>>, %arg4: memref<100000x16xf32, #tpu.memory_space<hbm>>, %arg5: memref<25088xi32, #tpu.memory_space<hbm>>, %arg6: memref<1024xi32, #tpu.memory_space<hbm>>, %arg7: memref<25088x128xf32, #tpu.memory_space<hbm>>, %arg8: memref<25088x64xf32, #tpu.memory_space<hbm>>, %arg9: memref<25088x16xf32, #tpu.memory_space<hbm>>, %arg10: memref<1024x64xf32, #tpu.memory_space<hbm>>, %arg11: memref<784xi32, #tpu.memory_space<vmem>>, %arg12: memref<2x112x128xf32, #tpu.memory_space<vmem>>, %arg13: memref<2x112x64xf32, #tpu.memory_space<vmem>>, %arg14: memref<2x112x16xf32, #tpu.memory_space<vmem>>, %arg15: memref<32xi32, #tpu.memory_space<vmem>>, %arg16: memref<32x64xf32, #tpu.memory_space<vmem>>, %arg17: memref<!tpu.dma_semaphore, #tpu.memory_space<semaphore_mem>>, %arg18: memref<!tpu.dma_semaphore, #tpu.memory_space<semaphore_mem>>, %arg19: memref<!tpu.dma_semaphore, #tpu.memory_space<semaphore_mem>>, %arg20: memref<!tpu.dma_semaphore, #tpu.memory_space<semaphore_mem>>, %arg21: memref<!tpu.dma_semaphore, #tpu.memory_space<semaphore_mem>>, %arg22: memref<!tpu.dma_semaphore, #tpu.memory_space<semaphore_mem>>) attributes {dimension_semantics = [#tpu.dimension_semantics<core_parallel>, #tpu.dimension_semantics<subcore_parallel>], iteration_bounds = array<i64: 2, 16>, scalar_prefetch = 0 : i64, scratch_operands = 12 : i64, tpu.core_type = #tpu.core_type<sc_vector_subcore>, window_params = [{transform_indices = #map}, {transform_indices = #map}, {transform_indices = #map}, {transform_indices = #map1}, {transform_indices = #map1}, {transform_indices = #map}, {transform_indices = #map}, {transform_indices = #map}, {transform_indices = #map}]} {
    %mul3A = arith.constant 2 : i32
    %mul3A_0 = arith.muli %arg1, %mul3A : i32
    %add3A = arith.addi %mul3A_0, %arg0 : i32
    %mul3A_1 = arith.constant 784 : i32
    %mul3A_2 = arith.muli %add3A, %mul3A_1 : i32
    %multiple_of3A = tpu.assume_multiple %mul3A_2, 8 : i32
    "tpu.region"() ({
      %run_scoped3A_471 = tpu.sem_alloc : memref<!tpu.dma_semaphore, #tpu.memory_space<semaphore_mem>>
      %dma_start3A_472 = tpu.memref_slice %arg5[%multiple_of3A] : memref<25088xi32, #tpu.memory_space<hbm>> -> memref<784xi32, #tpu.memory_space<hbm>>
      %dma_start3A_473 = tpu.memref_slice %arg5[%multiple_of3A] : memref<25088xi32, #tpu.memory_space<hbm>> -> memref<784xi32, #tpu.memory_space<hbm>>
      tpu.enqueue_dma source(%dma_start3A_473 : memref<784xi32, #tpu.memory_space<hbm>>) target(%arg11 : memref<784xi32, #tpu.memory_space<vmem>>) target_semaphore(%run_scoped3A_471 : memref<!tpu.dma_semaphore, #tpu.memory_space<semaphore_mem>>)
      %dma_wait3A_474 = tpu.memref_slice %arg5[%multiple_of3A] : memref<25088xi32, #tpu.memory_space<hbm>> -> memref<784xi32, #tpu.memory_space<hbm>>
      %dma_wait3A_475 = tpu.memref_slice %arg5[%multiple_of3A] : memref<25088xi32, #tpu.memory_space<hbm>> -> memref<784xi32, #tpu.memory_space<hbm>>
      tpu.wait_dma2 semaphore(%run_scoped3A_471 : memref<!tpu.dma_semaphore, #tpu.memory_space<semaphore_mem>>) src(%dma_wait3A_475 : memref<784xi32, #tpu.memory_space<hbm>>) dst(%arg11 : memref<784xi32, #tpu.memory_space<vmem>>)
      tpu.yield
    }) : () -> ()
    %dma_start3A = arith.constant 0 : i32
    %dma_start3A_3 = arith.constant 0 : i32
    %dma_start3A_4 = arith.constant 0 : i32
    %dma_start3A_5 = tpu.memref_slice %arg12[%dma_start3A, %dma_start3A_3, %dma_start3A_4] : memref<2x112x128xf32, #tpu.memory_space<vmem>> -> memref<1x112x128xf32, #tpu.memory_space<vmem>>
    %dma_start3A_6 = tpu.memref_squeeze %dma_start3A_5 : memref<1x112x128xf32, #tpu.memory_space<vmem>> -> memref<112x128xf32, #tpu.memory_space<vmem>>
    %dma_start3A_7 = arith.constant 0 : i32
    %dma_start3A_8 = tpu.memref_slice %arg11[%dma_start3A_7] : memref<784xi32, #tpu.memory_space<vmem>> -> memref<112xi32, #tpu.memory_space<vmem>>
    %dma_start3A_9 = arith.constant 0 : i32
    %dma_start3A_10 = arith.constant 0 : i32
    %dma_start3A_11 = tpu.memref_slice %arg2[%dma_start3A_9, %dma_start3A_10] : memref<100000x128xf32, #tpu.memory_space<hbm>> -> memref<100000x128xf32, #tpu.memory_space<hbm>>
    tpu.enqueue_indirect_dma source(%dma_start3A_11 : memref<100000x128xf32, #tpu.memory_space<hbm>>) target(%dma_start3A_6 : memref<112x128xf32, #tpu.memory_space<vmem>>) offsets(%dma_start3A_8 : memref<112xi32, #tpu.memory_space<vmem>>) semaphore(%arg17 : memref<!tpu.dma_semaphore, #tpu.memory_space<semaphore_mem>>)
    %dma_start3A_12 = arith.constant 0 : i32
    %dma_start3A_13 = arith.constant 0 : i32
    %dma_start3A_14 = arith.constant 0 : i32
    %dma_start3A_15 = tpu.memref_slice %arg13[%dma_start3A_12, %dma_start3A_13, %dma_start3A_14] : memref<2x112x64xf32, #tpu.memory_space<vmem>> -> memref<1x112x64xf32, #tpu.memory_space<vmem>>
    %dma_start3A_16 = tpu.memref_squeeze %dma_start3A_15 : memref<1x112x64xf32, #tpu.memory_space<vmem>> -> memref<112x64xf32, #tpu.memory_space<vmem>>
    %dma_start3A_17 = arith.constant 0 : i32
    %dma_start3A_18 = tpu.memref_slice %arg11[%dma_start3A_17] : memref<784xi32, #tpu.memory_space<vmem>> -> memref<112xi32, #tpu.memory_space<vmem>>
    %dma_start3A_19 = arith.constant 0 : i32
    %dma_start3A_20 = arith.constant 0 : i32
    %dma_start3A_21 = tpu.memref_slice %arg3[%dma_start3A_19, %dma_start3A_20] : memref<100000x64xf32, #tpu.memory_space<hbm>> -> memref<100000x64xf32, #tpu.memory_space<hbm>>
    tpu.enqueue_indirect_dma source(%dma_start3A_21 : memref<100000x64xf32, #tpu.memory_space<hbm>>) target(%dma_start3A_16 : memref<112x64xf32, #tpu.memory_space<vmem>>) offsets(%dma_start3A_18 : memref<112xi32, #tpu.memory_space<vmem>>) semaphore(%arg19 : memref<!tpu.dma_semaphore, #tpu.memory_space<semaphore_mem>>)
    %dma_start3A_22 = arith.constant 0 : i32
    %dma_start3A_23 = arith.constant 0 : i32
    %dma_start3A_24 = arith.constant 0 : i32
    %dma_start3A_25 = tpu.memref_slice %arg14[%dma_start3A_22, %dma_start3A_23, %dma_start3A_24] : memref<2x112x16xf32, #tpu.memory_space<vmem>> -> memref<1x112x16xf32, #tpu.memory_space<vmem>>
    %dma_start3A_26 = tpu.memref_squeeze %dma_start3A_25 : memref<1x112x16xf32, #tpu.memory_space<vmem>> -> memref<112x16xf32, #tpu.memory_space<vmem>>
    %dma_start3A_27 = arith.constant 0 : i32
    %dma_start3A_28 = tpu.memref_slice %arg11[%dma_start3A_27] : memref<784xi32, #tpu.memory_space<vmem>> -> memref<112xi32, #tpu.memory_space<vmem>>
    %dma_start3A_29 = arith.constant 0 : i32
    %dma_start3A_30 = arith.constant 0 : i32
    %dma_start3A_31 = tpu.memref_slice %arg4[%dma_start3A_29, %dma_start3A_30] : memref<100000x16xf32, #tpu.memory_space<hbm>> -> memref<100000x16xf32, #tpu.memory_space<hbm>>
    tpu.enqueue_indirect_dma source(%dma_start3A_31 : memref<100000x16xf32, #tpu.memory_space<hbm>>) target(%dma_start3A_26 : memref<112x16xf32, #tpu.memory_space<vmem>>) offsets(%dma_start3A_28 : memref<112xi32, #tpu.memory_space<vmem>>) semaphore(%arg21 : memref<!tpu.dma_semaphore, #tpu.memory_space<semaphore_mem>>)
    %dma_start3A_32 = arith.constant 1 : i32
    %dma_start3A_33 = arith.constant 0 : i32
    %dma_start3A_34 = arith.constant 0 : i32
    %dma_start3A_35 = tpu.memref_slice %arg12[%dma_start3A_32, %dma_start3A_33, %dma_start3A_34] : memref<2x112x128xf32, #tpu.memory_space<vmem>> -> memref<1x112x128xf32, #tpu.memory_space<vmem>>
    %dma_start3A_36 = tpu.memref_squeeze %dma_start3A_35 : memref<1x112x128xf32, #tpu.memory_space<vmem>> -> memref<112x128xf32, #tpu.memory_space<vmem>>
    %dma_start3A_37 = arith.constant 112 : i32
    %dma_start3A_38 = tpu.memref_slice %arg11[%dma_start3A_37] : memref<784xi32, #tpu.memory_space<vmem>> -> memref<112xi32, #tpu.memory_space<vmem>>
    %dma_start3A_39 = arith.constant 0 : i32
    %dma_start3A_40 = arith.constant 0 : i32
    %dma_start3A_41 = tpu.memref_slice %arg2[%dma_start3A_39, %dma_start3A_40] : memref<100000x128xf32, #tpu.memory_space<hbm>> -> memref<100000x128xf32, #tpu.memory_space<hbm>>
    tpu.enqueue_indirect_dma source(%dma_start3A_41 : memref<100000x128xf32, #tpu.memory_space<hbm>>) target(%dma_start3A_36 : memref<112x128xf32, #tpu.memory_space<vmem>>) offsets(%dma_start3A_38 : memref<112xi32, #tpu.memory_space<vmem>>) semaphore(%arg18 : memref<!tpu.dma_semaphore, #tpu.memory_space<semaphore_mem>>)
    %dma_start3A_42 = arith.constant 1 : i32
    %dma_start3A_43 = arith.constant 0 : i32
    %dma_start3A_44 = arith.constant 0 : i32
    %dma_start3A_45 = tpu.memref_slice %arg13[%dma_start3A_42, %dma_start3A_43, %dma_start3A_44] : memref<2x112x64xf32, #tpu.memory_space<vmem>> -> memref<1x112x64xf32, #tpu.memory_space<vmem>>
    %dma_start3A_46 = tpu.memref_squeeze %dma_start3A_45 : memref<1x112x64xf32, #tpu.memory_space<vmem>> -> memref<112x64xf32, #tpu.memory_space<vmem>>
    %dma_start3A_47 = arith.constant 112 : i32
    %dma_start3A_48 = tpu.memref_slice %arg11[%dma_start3A_47] : memref<784xi32, #tpu.memory_space<vmem>> -> memref<112xi32, #tpu.memory_space<vmem>>
    %dma_start3A_49 = arith.constant 0 : i32
    %dma_start3A_50 = arith.constant 0 : i32
    %dma_start3A_51 = tpu.memref_slice %arg3[%dma_start3A_49, %dma_start3A_50] : memref<100000x64xf32, #tpu.memory_space<hbm>> -> memref<100000x64xf32, #tpu.memory_space<hbm>>
    tpu.enqueue_indirect_dma source(%dma_start3A_51 : memref<100000x64xf32, #tpu.memory_space<hbm>>) target(%dma_start3A_46 : memref<112x64xf32, #tpu.memory_space<vmem>>) offsets(%dma_start3A_48 : memref<112xi32, #tpu.memory_space<vmem>>) semaphore(%arg20 : memref<!tpu.dma_semaphore, #tpu.memory_space<semaphore_mem>>)
    %dma_start3A_52 = arith.constant 1 : i32
    %dma_start3A_53 = arith.constant 0 : i32
    %dma_start3A_54 = arith.constant 0 : i32
    %dma_start3A_55 = tpu.memref_slice %arg14[%dma_start3A_52, %dma_start3A_53, %dma_start3A_54] : memref<2x112x16xf32, #tpu.memory_space<vmem>> -> memref<1x112x16xf32, #tpu.memory_space<vmem>>
    %dma_start3A_56 = tpu.memref_squeeze %dma_start3A_55 : memref<1x112x16xf32, #tpu.memory_space<vmem>> -> memref<112x16xf32, #tpu.memory_space<vmem>>
    %dma_start3A_57 = arith.constant 112 : i32
    %dma_start3A_58 = tpu.memref_slice %arg11[%dma_start3A_57] : memref<784xi32, #tpu.memory_space<vmem>> -> memref<112xi32, #tpu.memory_space<vmem>>
    %dma_start3A_59 = arith.constant 0 : i32
    %dma_start3A_60 = arith.constant 0 : i32
    %dma_start3A_61 = tpu.memref_slice %arg4[%dma_start3A_59, %dma_start3A_60] : memref<100000x16xf32, #tpu.memory_space<hbm>> -> memref<100000x16xf32, #tpu.memory_space<hbm>>
    tpu.enqueue_indirect_dma source(%dma_start3A_61 : memref<100000x16xf32, #tpu.memory_space<hbm>>) target(%dma_start3A_56 : memref<112x16xf32, #tpu.memory_space<vmem>>) offsets(%dma_start3A_58 : memref<112xi32, #tpu.memory_space<vmem>>) semaphore(%arg22 : memref<!tpu.dma_semaphore, #tpu.memory_space<semaphore_mem>>)
    %add3A_62 = arith.constant 0 : i32
    %add3A_63 = arith.addi %multiple_of3A, %add3A_62 : i32
    %multiple_of3A_64 = tpu.assume_multiple %add3A_63, 8 : i32
    %dma_wait3A = arith.constant 0 : i32
    %dma_wait3A_65 = arith.constant 0 : i32
    %dma_wait3A_66 = arith.constant 0 : i32
    %dma_wait3A_67 = tpu.memref_slice %arg12[%dma_wait3A, %dma_wait3A_65, %dma_wait3A_66] : memref<2x112x128xf32, #tpu.memory_space<vmem>> -> memref<1x112x128xf32, #tpu.memory_space<vmem>>
    %dma_wait3A_68 = tpu.memref_squeeze %dma_wait3A_67 : memref<1x112x128xf32, #tpu.memory_space<vmem>> -> memref<112x128xf32, #tpu.memory_space<vmem>>
    %dma_wait3A_69 = arith.constant 0 : i32
    %dma_wait3A_70 = tpu.memref_slice %arg11[%dma_wait3A_69] : memref<784xi32, #tpu.memory_space<vmem>> -> memref<112xi32, #tpu.memory_space<vmem>>
    %dma_wait3A_71 = arith.constant 0 : i32
    %dma_wait3A_72 = arith.constant 0 : i32
    %dma_wait3A_73 = tpu.memref_slice %arg2[%dma_wait3A_71, %dma_wait3A_72] : memref<100000x128xf32, #tpu.memory_space<hbm>> -> memref<100000x128xf32, #tpu.memory_space<hbm>>
    tpu.wait_indirect_dma semaphore(%arg17 : memref<!tpu.dma_semaphore, #tpu.memory_space<semaphore_mem>>) src(%dma_wait3A_73 : memref<100000x128xf32, #tpu.memory_space<hbm>>) dst(%dma_wait3A_68 : memref<112x128xf32, #tpu.memory_space<vmem>>)
    %run_scoped3A = arith.constant 0 : i32
    "tpu.region"() ({
      %run_scoped3A_471 = tpu.sem_alloc : memref<!tpu.dma_semaphore, #tpu.memory_space<semaphore_mem>>
      %dma_start3A_472 = arith.constant 0 : i32
      %dma_start3A_473 = arith.constant 0 : i32
      %dma_start3A_474 = tpu.memref_slice %arg12[%run_scoped3A, %dma_start3A_472, %dma_start3A_473] : memref<2x112x128xf32, #tpu.memory_space<vmem>> -> memref<1x112x128xf32, #tpu.memory_space<vmem>>
      %dma_start3A_475 = tpu.memref_squeeze %dma_start3A_474 : memref<1x112x128xf32, #tpu.memory_space<vmem>> -> memref<112x128xf32, #tpu.memory_space<vmem>>
      %dma_start3A_476 = arith.constant 0 : i32
      %dma_start3A_477 = tpu.memref_slice %arg7[%multiple_of3A_64, %dma_start3A_476] : memref<25088x128xf32, #tpu.memory_space<hbm>> -> memref<112x128xf32, #tpu.memory_space<hbm>>
      %dma_start3A_478 = arith.constant 0 : i32
      %dma_start3A_479 = tpu.memref_slice %arg7[%multiple_of3A_64, %dma_start3A_478] : memref<25088x128xf32, #tpu.memory_space<hbm>> -> memref<112x128xf32, #tpu.memory_space<hbm>>
      %dma_start3A_480 = arith.constant 0 : i32
      %dma_start3A_481 = arith.constant 0 : i32
      %dma_start3A_482 = tpu.memref_slice %arg12[%run_scoped3A, %dma_start3A_480, %dma_start3A_481] : memref<2x112x128xf32, #tpu.memory_space<vmem>> -> memref<1x112x128xf32, #tpu.memory_space<vmem>>
      %dma_start3A_483 = tpu.memref_squeeze %dma_start3A_482 : memref<1x112x128xf32, #tpu.memory_space<vmem>> -> memref<112x128xf32, #tpu.memory_space<vmem>>
      tpu.enqueue_dma source(%dma_start3A_483 : memref<112x128xf32, #tpu.memory_space<vmem>>) target(%dma_start3A_479 : memref<112x128xf32, #tpu.memory_space<hbm>>) target_semaphore(%run_scoped3A_471 : memref<!tpu.dma_semaphore, #tpu.memory_space<semaphore_mem>>)
      %dma_wait3A_484 = arith.constant 0 : i32
      %dma_wait3A_485 = arith.constant 0 : i32
      %dma_wait3A_486 = tpu.memref_slice %arg12[%run_scoped3A, %dma_wait3A_484, %dma_wait3A_485] : memref<2x112x128xf32, #tpu.memory_space<vmem>> -> memref<1x112x128xf32, #tpu.memory_space<vmem>>
      %dma_wait3A_487 = tpu.memref_squeeze %dma_wait3A_486 : memref<1x112x128xf32, #tpu.memory_space<vmem>> -> memref<112x128xf32, #tpu.memory_space<vmem>>
      %dma_wait3A_488 = arith.constant 0 : i32
      %dma_wait3A_489 = tpu.memref_slice %arg7[%multiple_of3A_64, %dma_wait3A_488] : memref<25088x128xf32, #tpu.memory_space<hbm>> -> memref<112x128xf32, #tpu.memory_space<hbm>>
      %dma_wait3A_490 = arith.constant 0 : i32
      %dma_wait3A_491 = tpu.memref_slice %arg7[%multiple_of3A_64, %dma_wait3A_490] : memref<25088x128xf32, #tpu.memory_space<hbm>> -> memref<112x128xf32, #tpu.memory_space<hbm>>
      %dma_wait3A_492 = arith.constant 0 : i32
      %dma_wait3A_493 = arith.constant 0 : i32
      %dma_wait3A_494 = tpu.memref_slice %arg12[%run_scoped3A, %dma_wait3A_492, %dma_wait3A_493] : memref<2x112x128xf32, #tpu.memory_space<vmem>> -> memref<1x112x128xf32, #tpu.memory_space<vmem>>
      %dma_wait3A_495 = tpu.memref_squeeze %dma_wait3A_494 : memref<1x112x128xf32, #tpu.memory_space<vmem>> -> memref<112x128xf32, #tpu.memory_space<vmem>>
      tpu.wait_dma2 semaphore(%run_scoped3A_471 : memref<!tpu.dma_semaphore, #tpu.memory_space<semaphore_mem>>) src(%dma_wait3A_495 : memref<112x128xf32, #tpu.memory_space<vmem>>) dst(%dma_wait3A_491 : memref<112x128xf32, #tpu.memory_space<hbm>>)
      tpu.yield
    }) : () -> ()
    %dma_wait3A_74 = arith.constant 0 : i32
    %dma_wait3A_75 = arith.constant 0 : i32
    %dma_wait3A_76 = arith.constant 0 : i32
    %dma_wait3A_77 = tpu.memref_slice %arg13[%dma_wait3A_74, %dma_wait3A_75, %dma_wait3A_76] : memref<2x112x64xf32, #tpu.memory_space<vmem>> -> memref<1x112x64xf32, #tpu.memory_space<vmem>>
    %dma_wait3A_78 = tpu.memref_squeeze %dma_wait3A_77 : memref<1x112x64xf32, #tpu.memory_space<vmem>> -> memref<112x64xf32, #tpu.memory_space<vmem>>
    %dma_wait3A_79 = arith.constant 0 : i32
    %dma_wait3A_80 = tpu.memref_slice %arg11[%dma_wait3A_79] : memref<784xi32, #tpu.memory_space<vmem>> -> memref<112xi32, #tpu.memory_space<vmem>>
    %dma_wait3A_81 = arith.constant 0 : i32
    %dma_wait3A_82 = arith.constant 0 : i32
    %dma_wait3A_83 = tpu.memref_slice %arg3[%dma_wait3A_81, %dma_wait3A_82] : memref<100000x64xf32, #tpu.memory_space<hbm>> -> memref<100000x64xf32, #tpu.memory_space<hbm>>
    tpu.wait_indirect_dma semaphore(%arg19 : memref<!tpu.dma_semaphore, #tpu.memory_space<semaphore_mem>>) src(%dma_wait3A_83 : memref<100000x64xf32, #tpu.memory_space<hbm>>) dst(%dma_wait3A_78 : memref<112x64xf32, #tpu.memory_space<vmem>>)
    %run_scoped3A_84 = arith.constant 0 : i32
    "tpu.region"() ({
      %run_scoped3A_471 = tpu.sem_alloc : memref<!tpu.dma_semaphore, #tpu.memory_space<semaphore_mem>>
      %dma_start3A_472 = arith.constant 0 : i32
      %dma_start3A_473 = arith.constant 0 : i32
      %dma_start3A_474 = tpu.memref_slice %arg13[%run_scoped3A_84, %dma_start3A_472, %dma_start3A_473] : memref<2x112x64xf32, #tpu.memory_space<vmem>> -> memref<1x112x64xf32, #tpu.memory_space<vmem>>
      %dma_start3A_475 = tpu.memref_squeeze %dma_start3A_474 : memref<1x112x64xf32, #tpu.memory_space<vmem>> -> memref<112x64xf32, #tpu.memory_space<vmem>>
      %dma_start3A_476 = arith.constant 0 : i32
      %dma_start3A_477 = tpu.memref_slice %arg8[%multiple_of3A_64, %dma_start3A_476] : memref<25088x64xf32, #tpu.memory_space<hbm>> -> memref<112x64xf32, #tpu.memory_space<hbm>>
      %dma_start3A_478 = arith.constant 0 : i32
      %dma_start3A_479 = tpu.memref_slice %arg8[%multiple_of3A_64, %dma_start3A_478] : memref<25088x64xf32, #tpu.memory_space<hbm>> -> memref<112x64xf32, #tpu.memory_space<hbm>>
      %dma_start3A_480 = arith.constant 0 : i32
      %dma_start3A_481 = arith.constant 0 : i32
      %dma_start3A_482 = tpu.memref_slice %arg13[%run_scoped3A_84, %dma_start3A_480, %dma_start3A_481] : memref<2x112x64xf32, #tpu.memory_space<vmem>> -> memref<1x112x64xf32, #tpu.memory_space<vmem>>
      %dma_start3A_483 = tpu.memref_squeeze %dma_start3A_482 : memref<1x112x64xf32, #tpu.memory_space<vmem>> -> memref<112x64xf32, #tpu.memory_space<vmem>>
      tpu.enqueue_dma source(%dma_start3A_483 : memref<112x64xf32, #tpu.memory_space<vmem>>) target(%dma_start3A_479 : memref<112x64xf32, #tpu.memory_space<hbm>>) target_semaphore(%run_scoped3A_471 : memref<!tpu.dma_semaphore, #tpu.memory_space<semaphore_mem>>)
      %dma_wait3A_484 = arith.constant 0 : i32
      %dma_wait3A_485 = arith.constant 0 : i32
      %dma_wait3A_486 = tpu.memref_slice %arg13[%run_scoped3A_84, %dma_wait3A_484, %dma_wait3A_485] : memref<2x112x64xf32, #tpu.memory_space<vmem>> -> memref<1x112x64xf32, #tpu.memory_space<vmem>>
      %dma_wait3A_487 = tpu.memref_squeeze %dma_wait3A_486 : memref<1x112x64xf32, #tpu.memory_space<vmem>> -> memref<112x64xf32, #tpu.memory_space<vmem>>
      %dma_wait3A_488 = arith.constant 0 : i32
      %dma_wait3A_489 = tpu.memref_slice %arg8[%multiple_of3A_64, %dma_wait3A_488] : memref<25088x64xf32, #tpu.memory_space<hbm>> -> memref<112x64xf32, #tpu.memory_space<hbm>>
      %dma_wait3A_490 = arith.constant 0 : i32
      %dma_wait3A_491 = tpu.memref_slice %arg8[%multiple_of3A_64, %dma_wait3A_490] : memref<25088x64xf32, #tpu.memory_space<hbm>> -> memref<112x64xf32, #tpu.memory_space<hbm>>
      %dma_wait3A_492 = arith.constant 0 : i32
      %dma_wait3A_493 = arith.constant 0 : i32
      %dma_wait3A_494 = tpu.memref_slice %arg13[%run_scoped3A_84, %dma_wait3A_492, %dma_wait3A_493] : memref<2x112x64xf32, #tpu.memory_space<vmem>> -> memref<1x112x64xf32, #tpu.memory_space<vmem>>
      %dma_wait3A_495 = tpu.memref_squeeze %dma_wait3A_494 : memref<1x112x64xf32, #tpu.memory_space<vmem>> -> memref<112x64xf32, #tpu.memory_space<vmem>>
      tpu.wait_dma2 semaphore(%run_scoped3A_471 : memref<!tpu.dma_semaphore, #tpu.memory_space<semaphore_mem>>) src(%dma_wait3A_495 : memref<112x64xf32, #tpu.memory_space<vmem>>) dst(%dma_wait3A_491 : memref<112x64xf32, #tpu.memory_space<hbm>>)
      tpu.yield
    }) : () -> ()
    %dma_wait3A_85 = arith.constant 0 : i32
    %dma_wait3A_86 = arith.constant 0 : i32
    %dma_wait3A_87 = arith.constant 0 : i32
    %dma_wait3A_88 = tpu.memref_slice %arg14[%dma_wait3A_85, %dma_wait3A_86, %dma_wait3A_87] : memref<2x112x16xf32, #tpu.memory_space<vmem>> -> memref<1x112x16xf32, #tpu.memory_space<vmem>>
    %dma_wait3A_89 = tpu.memref_squeeze %dma_wait3A_88 : memref<1x112x16xf32, #tpu.memory_space<vmem>> -> memref<112x16xf32, #tpu.memory_space<vmem>>
    %dma_wait3A_90 = arith.constant 0 : i32
    %dma_wait3A_91 = tpu.memref_slice %arg11[%dma_wait3A_90] : memref<784xi32, #tpu.memory_space<vmem>> -> memref<112xi32, #tpu.memory_space<vmem>>
    %dma_wait3A_92 = arith.constant 0 : i32
    %dma_wait3A_93 = arith.constant 0 : i32
    %dma_wait3A_94 = tpu.memref_slice %arg4[%dma_wait3A_92, %dma_wait3A_93] : memref<100000x16xf32, #tpu.memory_space<hbm>> -> memref<100000x16xf32, #tpu.memory_space<hbm>>
    tpu.wait_indirect_dma semaphore(%arg21 : memref<!tpu.dma_semaphore, #tpu.memory_space<semaphore_mem>>) src(%dma_wait3A_94 : memref<100000x16xf32, #tpu.memory_space<hbm>>) dst(%dma_wait3A_89 : memref<112x16xf32, #tpu.memory_space<vmem>>)
    %run_scoped3A_95 = arith.constant 0 : i32
    "tpu.region"() ({
      %run_scoped3A_471 = tpu.sem_alloc : memref<!tpu.dma_semaphore, #tpu.memory_space<semaphore_mem>>
      %dma_start3A_472 = arith.constant 0 : i32
      %dma_start3A_473 = arith.constant 0 : i32
      %dma_start3A_474 = tpu.memref_slice %arg14[%run_scoped3A_95, %dma_start3A_472, %dma_start3A_473] : memref<2x112x16xf32, #tpu.memory_space<vmem>> -> memref<1x112x16xf32, #tpu.memory_space<vmem>>
      %dma_start3A_475 = tpu.memref_squeeze %dma_start3A_474 : memref<1x112x16xf32, #tpu.memory_space<vmem>> -> memref<112x16xf32, #tpu.memory_space<vmem>>
      %dma_start3A_476 = arith.constant 0 : i32
      %dma_start3A_477 = tpu.memref_slice %arg9[%multiple_of3A_64, %dma_start3A_476] : memref<25088x16xf32, #tpu.memory_space<hbm>> -> memref<112x16xf32, #tpu.memory_space<hbm>>
      %dma_start3A_478 = arith.constant 0 : i32
      %dma_start3A_479 = tpu.memref_slice %arg9[%multiple_of3A_64, %dma_start3A_478] : memref<25088x16xf32, #tpu.memory_space<hbm>> -> memref<112x16xf32, #tpu.memory_space<hbm>>
      %dma_start3A_480 = arith.constant 0 : i32
      %dma_start3A_481 = arith.constant 0 : i32
      %dma_start3A_482 = tpu.memref_slice %arg14[%run_scoped3A_95, %dma_start3A_480, %dma_start3A_481] : memref<2x112x16xf32, #tpu.memory_space<vmem>> -> memref<1x112x16xf32, #tpu.memory_space<vmem>>
      %dma_start3A_483 = tpu.memref_squeeze %dma_start3A_482 : memref<1x112x16xf32, #tpu.memory_space<vmem>> -> memref<112x16xf32, #tpu.memory_space<vmem>>
      tpu.enqueue_dma source(%dma_start3A_483 : memref<112x16xf32, #tpu.memory_space<vmem>>) target(%dma_start3A_479 : memref<112x16xf32, #tpu.memory_space<hbm>>) target_semaphore(%run_scoped3A_471 : memref<!tpu.dma_semaphore, #tpu.memory_space<semaphore_mem>>)
      %dma_wait3A_484 = arith.constant 0 : i32
      %dma_wait3A_485 = arith.constant 0 : i32
      %dma_wait3A_486 = tpu.memref_slice %arg14[%run_scoped3A_95, %dma_wait3A_484, %dma_wait3A_485] : memref<2x112x16xf32, #tpu.memory_space<vmem>> -> memref<1x112x16xf32, #tpu.memory_space<vmem>>
      %dma_wait3A_487 = tpu.memref_squeeze %dma_wait3A_486 : memref<1x112x16xf32, #tpu.memory_space<vmem>> -> memref<112x16xf32, #tpu.memory_space<vmem>>
      %dma_wait3A_488 = arith.constant 0 : i32
      %dma_wait3A_489 = tpu.memref_slice %arg9[%multiple_of3A_64, %dma_wait3A_488] : memref<25088x16xf32, #tpu.memory_space<hbm>> -> memref<112x16xf32, #tpu.memory_space<hbm>>
      %dma_wait3A_490 = arith.constant 0 : i32
      %dma_wait3A_491 = tpu.memref_slice %arg9[%multiple_of3A_64, %dma_wait3A_490] : memref<25088x16xf32, #tpu.memory_space<hbm>> -> memref<112x16xf32, #tpu.memory_space<hbm>>
      %dma_wait3A_492 = arith.constant 0 : i32
      %dma_wait3A_493 = arith.constant 0 : i32
      %dma_wait3A_494 = tpu.memref_slice %arg14[%run_scoped3A_95, %dma_wait3A_492, %dma_wait3A_493] : memref<2x112x16xf32, #tpu.memory_space<vmem>> -> memref<1x112x16xf32, #tpu.memory_space<vmem>>
      %dma_wait3A_495 = tpu.memref_squeeze %dma_wait3A_494 : memref<1x112x16xf32, #tpu.memory_space<vmem>> -> memref<112x16xf32, #tpu.memory_space<vmem>>
      tpu.wait_dma2 semaphore(%run_scoped3A_471 : memref<!tpu.dma_semaphore, #tpu.memory_space<semaphore_mem>>) src(%dma_wait3A_495 : memref<112x16xf32, #tpu.memory_space<vmem>>) dst(%dma_wait3A_491 : memref<112x16xf32, #tpu.memory_space<hbm>>)
      tpu.yield
    }) : () -> ()
    %dma_start3A_96 = arith.constant 0 : i32
    %dma_start3A_97 = arith.constant 0 : i32
    %dma_start3A_98 = arith.constant 0 : i32
    %dma_start3A_99 = tpu.memref_slice %arg12[%dma_start3A_96, %dma_start3A_97, %dma_start3A_98] : memref<2x112x128xf32, #tpu.memory_space<vmem>> -> memref<1x112x128xf32, #tpu.memory_space<vmem>>
    %dma_start3A_100 = tpu.memref_squeeze %dma_start3A_99 : memref<1x112x128xf32, #tpu.memory_space<vmem>> -> memref<112x128xf32, #tpu.memory_space<vmem>>
    %dma_start3A_101 = arith.constant 224 : i32
    %dma_start3A_102 = tpu.memref_slice %arg11[%dma_start3A_101] : memref<784xi32, #tpu.memory_space<vmem>> -> memref<112xi32, #tpu.memory_space<vmem>>
    %dma_start3A_103 = arith.constant 0 : i32
    %dma_start3A_104 = arith.constant 0 : i32
    %dma_start3A_105 = tpu.memref_slice %arg2[%dma_start3A_103, %dma_start3A_104] : memref<100000x128xf32, #tpu.memory_space<hbm>> -> memref<100000x128xf32, #tpu.memory_space<hbm>>
    tpu.enqueue_indirect_dma source(%dma_start3A_105 : memref<100000x128xf32, #tpu.memory_space<hbm>>) target(%dma_start3A_100 : memref<112x128xf32, #tpu.memory_space<vmem>>) offsets(%dma_start3A_102 : memref<112xi32, #tpu.memory_space<vmem>>) semaphore(%arg17 : memref<!tpu.dma_semaphore, #tpu.memory_space<semaphore_mem>>)
    %dma_start3A_106 = arith.constant 0 : i32
    %dma_start3A_107 = arith.constant 0 : i32
    %dma_start3A_108 = arith.constant 0 : i32
    %dma_start3A_109 = tpu.memref_slice %arg13[%dma_start3A_106, %dma_start3A_107, %dma_start3A_108] : memref<2x112x64xf32, #tpu.memory_space<vmem>> -> memref<1x112x64xf32, #tpu.memory_space<vmem>>
    %dma_start3A_110 = tpu.memref_squeeze %dma_start3A_109 : memref<1x112x64xf32, #tpu.memory_space<vmem>> -> memref<112x64xf32, #tpu.memory_space<vmem>>
    %dma_start3A_111 = arith.constant 224 : i32
    %dma_start3A_112 = tpu.memref_slice %arg11[%dma_start3A_111] : memref<784xi32, #tpu.memory_space<vmem>> -> memref<112xi32, #tpu.memory_space<vmem>>
    %dma_start3A_113 = arith.constant 0 : i32
    %dma_start3A_114 = arith.constant 0 : i32
    %dma_start3A_115 = tpu.memref_slice %arg3[%dma_start3A_113, %dma_start3A_114] : memref<100000x64xf32, #tpu.memory_space<hbm>> -> memref<100000x64xf32, #tpu.memory_space<hbm>>
    tpu.enqueue_indirect_dma source(%dma_start3A_115 : memref<100000x64xf32, #tpu.memory_space<hbm>>) target(%dma_start3A_110 : memref<112x64xf32, #tpu.memory_space<vmem>>) offsets(%dma_start3A_112 : memref<112xi32, #tpu.memory_space<vmem>>) semaphore(%arg19 : memref<!tpu.dma_semaphore, #tpu.memory_space<semaphore_mem>>)
    %dma_start3A_116 = arith.constant 0 : i32
    %dma_start3A_117 = arith.constant 0 : i32
    %dma_start3A_118 = arith.constant 0 : i32
    %dma_start3A_119 = tpu.memref_slice %arg14[%dma_start3A_116, %dma_start3A_117, %dma_start3A_118] : memref<2x112x16xf32, #tpu.memory_space<vmem>> -> memref<1x112x16xf32, #tpu.memory_space<vmem>>
    %dma_start3A_120 = tpu.memref_squeeze %dma_start3A_119 : memref<1x112x16xf32, #tpu.memory_space<vmem>> -> memref<112x16xf32, #tpu.memory_space<vmem>>
    %dma_start3A_121 = arith.constant 224 : i32
    %dma_start3A_122 = tpu.memref_slice %arg11[%dma_start3A_121] : memref<784xi32, #tpu.memory_space<vmem>> -> memref<112xi32, #tpu.memory_space<vmem>>
    %dma_start3A_123 = arith.constant 0 : i32
    %dma_start3A_124 = arith.constant 0 : i32
    %dma_start3A_125 = tpu.memref_slice %arg4[%dma_start3A_123, %dma_start3A_124] : memref<100000x16xf32, #tpu.memory_space<hbm>> -> memref<100000x16xf32, #tpu.memory_space<hbm>>
    tpu.enqueue_indirect_dma source(%dma_start3A_125 : memref<100000x16xf32, #tpu.memory_space<hbm>>) target(%dma_start3A_120 : memref<112x16xf32, #tpu.memory_space<vmem>>) offsets(%dma_start3A_122 : memref<112xi32, #tpu.memory_space<vmem>>) semaphore(%arg21 : memref<!tpu.dma_semaphore, #tpu.memory_space<semaphore_mem>>)
    %add3A_126 = arith.constant 112 : i32
    %add3A_127 = arith.addi %multiple_of3A, %add3A_126 : i32
    %multiple_of3A_128 = tpu.assume_multiple %add3A_127, 8 : i32
    %dma_wait3A_129 = arith.constant 1 : i32
    %dma_wait3A_130 = arith.constant 0 : i32
    %dma_wait3A_131 = arith.constant 0 : i32
    %dma_wait3A_132 = tpu.memref_slice %arg12[%dma_wait3A_129, %dma_wait3A_130, %dma_wait3A_131] : memref<2x112x128xf32, #tpu.memory_space<vmem>> -> memref<1x112x128xf32, #tpu.memory_space<vmem>>
    %dma_wait3A_133 = tpu.memref_squeeze %dma_wait3A_132 : memref<1x112x128xf32, #tpu.memory_space<vmem>> -> memref<112x128xf32, #tpu.memory_space<vmem>>
    %dma_wait3A_134 = arith.constant 112 : i32
    %dma_wait3A_135 = tpu.memref_slice %arg11[%dma_wait3A_134] : memref<784xi32, #tpu.memory_space<vmem>> -> memref<112xi32, #tpu.memory_space<vmem>>
    %dma_wait3A_136 = arith.constant 0 : i32
    %dma_wait3A_137 = arith.constant 0 : i32
    %dma_wait3A_138 = tpu.memref_slice %arg2[%dma_wait3A_136, %dma_wait3A_137] : memref<100000x128xf32, #tpu.memory_space<hbm>> -> memref<100000x128xf32, #tpu.memory_space<hbm>>
    tpu.wait_indirect_dma semaphore(%arg18 : memref<!tpu.dma_semaphore, #tpu.memory_space<semaphore_mem>>) src(%dma_wait3A_138 : memref<100000x128xf32, #tpu.memory_space<hbm>>) dst(%dma_wait3A_133 : memref<112x128xf32, #tpu.memory_space<vmem>>)
    %run_scoped3A_139 = arith.constant 1 : i32
    "tpu.region"() ({
      %run_scoped3A_471 = tpu.sem_alloc : memref<!tpu.dma_semaphore, #tpu.memory_space<semaphore_mem>>
      %dma_start3A_472 = arith.constant 0 : i32
      %dma_start3A_473 = arith.constant 0 : i32
      %dma_start3A_474 = tpu.memref_slice %arg12[%run_scoped3A_139, %dma_start3A_472, %dma_start3A_473] : memref<2x112x128xf32, #tpu.memory_space<vmem>> -> memref<1x112x128xf32, #tpu.memory_space<vmem>>
      %dma_start3A_475 = tpu.memref_squeeze %dma_start3A_474 : memref<1x112x128xf32, #tpu.memory_space<vmem>> -> memref<112x128xf32, #tpu.memory_space<vmem>>
      %dma_start3A_476 = arith.constant 0 : i32
      %dma_start3A_477 = tpu.memref_slice %arg7[%multiple_of3A_128, %dma_start3A_476] : memref<25088x128xf32, #tpu.memory_space<hbm>> -> memref<112x128xf32, #tpu.memory_space<hbm>>
      %dma_start3A_478 = arith.constant 0 : i32
      %dma_start3A_479 = tpu.memref_slice %arg7[%multiple_of3A_128, %dma_start3A_478] : memref<25088x128xf32, #tpu.memory_space<hbm>> -> memref<112x128xf32, #tpu.memory_space<hbm>>
      %dma_start3A_480 = arith.constant 0 : i32
      %dma_start3A_481 = arith.constant 0 : i32
      %dma_start3A_482 = tpu.memref_slice %arg12[%run_scoped3A_139, %dma_start3A_480, %dma_start3A_481] : memref<2x112x128xf32, #tpu.memory_space<vmem>> -> memref<1x112x128xf32, #tpu.memory_space<vmem>>
      %dma_start3A_483 = tpu.memref_squeeze %dma_start3A_482 : memref<1x112x128xf32, #tpu.memory_space<vmem>> -> memref<112x128xf32, #tpu.memory_space<vmem>>
      tpu.enqueue_dma source(%dma_start3A_483 : memref<112x128xf32, #tpu.memory_space<vmem>>) target(%dma_start3A_479 : memref<112x128xf32, #tpu.memory_space<hbm>>) target_semaphore(%run_scoped3A_471 : memref<!tpu.dma_semaphore, #tpu.memory_space<semaphore_mem>>)
      %dma_wait3A_484 = arith.constant 0 : i32
      %dma_wait3A_485 = arith.constant 0 : i32
      %dma_wait3A_486 = tpu.memref_slice %arg12[%run_scoped3A_139, %dma_wait3A_484, %dma_wait3A_485] : memref<2x112x128xf32, #tpu.memory_space<vmem>> -> memref<1x112x128xf32, #tpu.memory_space<vmem>>
      %dma_wait3A_487 = tpu.memref_squeeze %dma_wait3A_486 : memref<1x112x128xf32, #tpu.memory_space<vmem>> -> memref<112x128xf32, #tpu.memory_space<vmem>>
      %dma_wait3A_488 = arith.constant 0 : i32
      %dma_wait3A_489 = tpu.memref_slice %arg7[%multiple_of3A_128, %dma_wait3A_488] : memref<25088x128xf32, #tpu.memory_space<hbm>> -> memref<112x128xf32, #tpu.memory_space<hbm>>
      %dma_wait3A_490 = arith.constant 0 : i32
      %dma_wait3A_491 = tpu.memref_slice %arg7[%multiple_of3A_128, %dma_wait3A_490] : memref<25088x128xf32, #tpu.memory_space<hbm>> -> memref<112x128xf32, #tpu.memory_space<hbm>>
      %dma_wait3A_492 = arith.constant 0 : i32
      %dma_wait3A_493 = arith.constant 0 : i32
      %dma_wait3A_494 = tpu.memref_slice %arg12[%run_scoped3A_139, %dma_wait3A_492, %dma_wait3A_493] : memref<2x112x128xf32, #tpu.memory_space<vmem>> -> memref<1x112x128xf32, #tpu.memory_space<vmem>>
      %dma_wait3A_495 = tpu.memref_squeeze %dma_wait3A_494 : memref<1x112x128xf32, #tpu.memory_space<vmem>> -> memref<112x128xf32, #tpu.memory_space<vmem>>
      tpu.wait_dma2 semaphore(%run_scoped3A_471 : memref<!tpu.dma_semaphore, #tpu.memory_space<semaphore_mem>>) src(%dma_wait3A_495 : memref<112x128xf32, #tpu.memory_space<vmem>>) dst(%dma_wait3A_491 : memref<112x128xf32, #tpu.memory_space<hbm>>)
      tpu.yield
    }) : () -> ()
    %dma_wait3A_140 = arith.constant 1 : i32
    %dma_wait3A_141 = arith.constant 0 : i32
    %dma_wait3A_142 = arith.constant 0 : i32
    %dma_wait3A_143 = tpu.memref_slice %arg13[%dma_wait3A_140, %dma_wait3A_141, %dma_wait3A_142] : memref<2x112x64xf32, #tpu.memory_space<vmem>> -> memref<1x112x64xf32, #tpu.memory_space<vmem>>
    %dma_wait3A_144 = tpu.memref_squeeze %dma_wait3A_143 : memref<1x112x64xf32, #tpu.memory_space<vmem>> -> memref<112x64xf32, #tpu.memory_space<vmem>>
    %dma_wait3A_145 = arith.constant 112 : i32
    %dma_wait3A_146 = tpu.memref_slice %arg11[%dma_wait3A_145] : memref<784xi32, #tpu.memory_space<vmem>> -> memref<112xi32, #tpu.memory_space<vmem>>
    %dma_wait3A_147 = arith.constant 0 : i32
    %dma_wait3A_148 = arith.constant 0 : i32
    %dma_wait3A_149 = tpu.memref_slice %arg3[%dma_wait3A_147, %dma_wait3A_148] : memref<100000x64xf32, #tpu.memory_space<hbm>> -> memref<100000x64xf32, #tpu.memory_space<hbm>>
    tpu.wait_indirect_dma semaphore(%arg20 : memref<!tpu.dma_semaphore, #tpu.memory_space<semaphore_mem>>) src(%dma_wait3A_149 : memref<100000x64xf32, #tpu.memory_space<hbm>>) dst(%dma_wait3A_144 : memref<112x64xf32, #tpu.memory_space<vmem>>)
    %run_scoped3A_150 = arith.constant 1 : i32
    "tpu.region"() ({
      %run_scoped3A_471 = tpu.sem_alloc : memref<!tpu.dma_semaphore, #tpu.memory_space<semaphore_mem>>
      %dma_start3A_472 = arith.constant 0 : i32
      %dma_start3A_473 = arith.constant 0 : i32
      %dma_start3A_474 = tpu.memref_slice %arg13[%run_scoped3A_150, %dma_start3A_472, %dma_start3A_473] : memref<2x112x64xf32, #tpu.memory_space<vmem>> -> memref<1x112x64xf32, #tpu.memory_space<vmem>>
      %dma_start3A_475 = tpu.memref_squeeze %dma_start3A_474 : memref<1x112x64xf32, #tpu.memory_space<vmem>> -> memref<112x64xf32, #tpu.memory_space<vmem>>
      %dma_start3A_476 = arith.constant 0 : i32
      %dma_start3A_477 = tpu.memref_slice %arg8[%multiple_of3A_128, %dma_start3A_476] : memref<25088x64xf32, #tpu.memory_space<hbm>> -> memref<112x64xf32, #tpu.memory_space<hbm>>
      %dma_start3A_478 = arith.constant 0 : i32
      %dma_start3A_479 = tpu.memref_slice %arg8[%multiple_of3A_128, %dma_start3A_478] : memref<25088x64xf32, #tpu.memory_space<hbm>> -> memref<112x64xf32, #tpu.memory_space<hbm>>
      %dma_start3A_480 = arith.constant 0 : i32
      %dma_start3A_481 = arith.constant 0 : i32
      %dma_start3A_482 = tpu.memref_slice %arg13[%run_scoped3A_150, %dma_start3A_480, %dma_start3A_481] : memref<2x112x64xf32, #tpu.memory_space<vmem>> -> memref<1x112x64xf32, #tpu.memory_space<vmem>>
      %dma_start3A_483 = tpu.memref_squeeze %dma_start3A_482 : memref<1x112x64xf32, #tpu.memory_space<vmem>> -> memref<112x64xf32, #tpu.memory_space<vmem>>
      tpu.enqueue_dma source(%dma_start3A_483 : memref<112x64xf32, #tpu.memory_space<vmem>>) target(%dma_start3A_479 : memref<112x64xf32, #tpu.memory_space<hbm>>) target_semaphore(%run_scoped3A_471 : memref<!tpu.dma_semaphore, #tpu.memory_space<semaphore_mem>>)
      %dma_wait3A_484 = arith.constant 0 : i32
      %dma_wait3A_485 = arith.constant 0 : i32
      %dma_wait3A_486 = tpu.memref_slice %arg13[%run_scoped3A_150, %dma_wait3A_484, %dma_wait3A_485] : memref<2x112x64xf32, #tpu.memory_space<vmem>> -> memref<1x112x64xf32, #tpu.memory_space<vmem>>
      %dma_wait3A_487 = tpu.memref_squeeze %dma_wait3A_486 : memref<1x112x64xf32, #tpu.memory_space<vmem>> -> memref<112x64xf32, #tpu.memory_space<vmem>>
      %dma_wait3A_488 = arith.constant 0 : i32
      %dma_wait3A_489 = tpu.memref_slice %arg8[%multiple_of3A_128, %dma_wait3A_488] : memref<25088x64xf32, #tpu.memory_space<hbm>> -> memref<112x64xf32, #tpu.memory_space<hbm>>
      %dma_wait3A_490 = arith.constant 0 : i32
      %dma_wait3A_491 = tpu.memref_slice %arg8[%multiple_of3A_128, %dma_wait3A_490] : memref<25088x64xf32, #tpu.memory_space<hbm>> -> memref<112x64xf32, #tpu.memory_space<hbm>>
      %dma_wait3A_492 = arith.constant 0 : i32
      %dma_wait3A_493 = arith.constant 0 : i32
      %dma_wait3A_494 = tpu.memref_slice %arg13[%run_scoped3A_150, %dma_wait3A_492, %dma_wait3A_493] : memref<2x112x64xf32, #tpu.memory_space<vmem>> -> memref<1x112x64xf32, #tpu.memory_space<vmem>>
      %dma_wait3A_495 = tpu.memref_squeeze %dma_wait3A_494 : memref<1x112x64xf32, #tpu.memory_space<vmem>> -> memref<112x64xf32, #tpu.memory_space<vmem>>
      tpu.wait_dma2 semaphore(%run_scoped3A_471 : memref<!tpu.dma_semaphore, #tpu.memory_space<semaphore_mem>>) src(%dma_wait3A_495 : memref<112x64xf32, #tpu.memory_space<vmem>>) dst(%dma_wait3A_491 : memref<112x64xf32, #tpu.memory_space<hbm>>)
      tpu.yield
    }) : () -> ()
    %dma_wait3A_151 = arith.constant 1 : i32
    %dma_wait3A_152 = arith.constant 0 : i32
    %dma_wait3A_153 = arith.constant 0 : i32
    %dma_wait3A_154 = tpu.memref_slice %arg14[%dma_wait3A_151, %dma_wait3A_152, %dma_wait3A_153] : memref<2x112x16xf32, #tpu.memory_space<vmem>> -> memref<1x112x16xf32, #tpu.memory_space<vmem>>
    %dma_wait3A_155 = tpu.memref_squeeze %dma_wait3A_154 : memref<1x112x16xf32, #tpu.memory_space<vmem>> -> memref<112x16xf32, #tpu.memory_space<vmem>>
    %dma_wait3A_156 = arith.constant 112 : i32
    %dma_wait3A_157 = tpu.memref_slice %arg11[%dma_wait3A_156] : memref<784xi32, #tpu.memory_space<vmem>> -> memref<112xi32, #tpu.memory_space<vmem>>
    %dma_wait3A_158 = arith.constant 0 : i32
    %dma_wait3A_159 = arith.constant 0 : i32
    %dma_wait3A_160 = tpu.memref_slice %arg4[%dma_wait3A_158, %dma_wait3A_159] : memref<100000x16xf32, #tpu.memory_space<hbm>> -> memref<100000x16xf32, #tpu.memory_space<hbm>>
    tpu.wait_indirect_dma semaphore(%arg22 : memref<!tpu.dma_semaphore, #tpu.memory_space<semaphore_mem>>) src(%dma_wait3A_160 : memref<100000x16xf32, #tpu.memory_space<hbm>>) dst(%dma_wait3A_155 : memref<112x16xf32, #tpu.memory_space<vmem>>)
    %run_scoped3A_161 = arith.constant 1 : i32
    "tpu.region"() ({
      %run_scoped3A_471 = tpu.sem_alloc : memref<!tpu.dma_semaphore, #tpu.memory_space<semaphore_mem>>
      %dma_start3A_472 = arith.constant 0 : i32
      %dma_start3A_473 = arith.constant 0 : i32
      %dma_start3A_474 = tpu.memref_slice %arg14[%run_scoped3A_161, %dma_start3A_472, %dma_start3A_473] : memref<2x112x16xf32, #tpu.memory_space<vmem>> -> memref<1x112x16xf32, #tpu.memory_space<vmem>>
      %dma_start3A_475 = tpu.memref_squeeze %dma_start3A_474 : memref<1x112x16xf32, #tpu.memory_space<vmem>> -> memref<112x16xf32, #tpu.memory_space<vmem>>
      %dma_start3A_476 = arith.constant 0 : i32
      %dma_start3A_477 = tpu.memref_slice %arg9[%multiple_of3A_128, %dma_start3A_476] : memref<25088x16xf32, #tpu.memory_space<hbm>> -> memref<112x16xf32, #tpu.memory_space<hbm>>
      %dma_start3A_478 = arith.constant 0 : i32
      %dma_start3A_479 = tpu.memref_slice %arg9[%multiple_of3A_128, %dma_start3A_478] : memref<25088x16xf32, #tpu.memory_space<hbm>> -> memref<112x16xf32, #tpu.memory_space<hbm>>
      %dma_start3A_480 = arith.constant 0 : i32
      %dma_start3A_481 = arith.constant 0 : i32
      %dma_start3A_482 = tpu.memref_slice %arg14[%run_scoped3A_161, %dma_start3A_480, %dma_start3A_481] : memref<2x112x16xf32, #tpu.memory_space<vmem>> -> memref<1x112x16xf32, #tpu.memory_space<vmem>>
      %dma_start3A_483 = tpu.memref_squeeze %dma_start3A_482 : memref<1x112x16xf32, #tpu.memory_space<vmem>> -> memref<112x16xf32, #tpu.memory_space<vmem>>
      tpu.enqueue_dma source(%dma_start3A_483 : memref<112x16xf32, #tpu.memory_space<vmem>>) target(%dma_start3A_479 : memref<112x16xf32, #tpu.memory_space<hbm>>) target_semaphore(%run_scoped3A_471 : memref<!tpu.dma_semaphore, #tpu.memory_space<semaphore_mem>>)
      %dma_wait3A_484 = arith.constant 0 : i32
      %dma_wait3A_485 = arith.constant 0 : i32
      %dma_wait3A_486 = tpu.memref_slice %arg14[%run_scoped3A_161, %dma_wait3A_484, %dma_wait3A_485] : memref<2x112x16xf32, #tpu.memory_space<vmem>> -> memref<1x112x16xf32, #tpu.memory_space<vmem>>
      %dma_wait3A_487 = tpu.memref_squeeze %dma_wait3A_486 : memref<1x112x16xf32, #tpu.memory_space<vmem>> -> memref<112x16xf32, #tpu.memory_space<vmem>>
      %dma_wait3A_488 = arith.constant 0 : i32
      %dma_wait3A_489 = tpu.memref_slice %arg9[%multiple_of3A_128, %dma_wait3A_488] : memref<25088x16xf32, #tpu.memory_space<hbm>> -> memref<112x16xf32, #tpu.memory_space<hbm>>
      %dma_wait3A_490 = arith.constant 0 : i32
      %dma_wait3A_491 = tpu.memref_slice %arg9[%multiple_of3A_128, %dma_wait3A_490] : memref<25088x16xf32, #tpu.memory_space<hbm>> -> memref<112x16xf32, #tpu.memory_space<hbm>>
      %dma_wait3A_492 = arith.constant 0 : i32
      %dma_wait3A_493 = arith.constant 0 : i32
      %dma_wait3A_494 = tpu.memref_slice %arg14[%run_scoped3A_161, %dma_wait3A_492, %dma_wait3A_493] : memref<2x112x16xf32, #tpu.memory_space<vmem>> -> memref<1x112x16xf32, #tpu.memory_space<vmem>>
      %dma_wait3A_495 = tpu.memref_squeeze %dma_wait3A_494 : memref<1x112x16xf32, #tpu.memory_space<vmem>> -> memref<112x16xf32, #tpu.memory_space<vmem>>
      tpu.wait_dma2 semaphore(%run_scoped3A_471 : memref<!tpu.dma_semaphore, #tpu.memory_space<semaphore_mem>>) src(%dma_wait3A_495 : memref<112x16xf32, #tpu.memory_space<vmem>>) dst(%dma_wait3A_491 : memref<112x16xf32, #tpu.memory_space<hbm>>)
      tpu.yield
    }) : () -> ()
    %dma_start3A_162 = arith.constant 1 : i32
    %dma_start3A_163 = arith.constant 0 : i32
    %dma_start3A_164 = arith.constant 0 : i32
    %dma_start3A_165 = tpu.memref_slice %arg12[%dma_start3A_162, %dma_start3A_163, %dma_start3A_164] : memref<2x112x128xf32, #tpu.memory_space<vmem>> -> memref<1x112x128xf32, #tpu.memory_space<vmem>>
    %dma_start3A_166 = tpu.memref_squeeze %dma_start3A_165 : memref<1x112x128xf32, #tpu.memory_space<vmem>> -> memref<112x128xf32, #tpu.memory_space<vmem>>
    %dma_start3A_167 = arith.constant 336 : i32
    %dma_start3A_168 = tpu.memref_slice %arg11[%dma_start3A_167] : memref<784xi32, #tpu.memory_space<vmem>> -> memref<112xi32, #tpu.memory_space<vmem>>
    %dma_start3A_169 = arith.constant 0 : i32
    %dma_start3A_170 = arith.constant 0 : i32
    %dma_start3A_171 = tpu.memref_slice %arg2[%dma_start3A_169, %dma_start3A_170] : memref<100000x128xf32, #tpu.memory_space<hbm>> -> memref<100000x128xf32, #tpu.memory_space<hbm>>
    tpu.enqueue_indirect_dma source(%dma_start3A_171 : memref<100000x128xf32, #tpu.memory_space<hbm>>) target(%dma_start3A_166 : memref<112x128xf32, #tpu.memory_space<vmem>>) offsets(%dma_start3A_168 : memref<112xi32, #tpu.memory_space<vmem>>) semaphore(%arg18 : memref<!tpu.dma_semaphore, #tpu.memory_space<semaphore_mem>>)
    %dma_start3A_172 = arith.constant 1 : i32
    %dma_start3A_173 = arith.constant 0 : i32
    %dma_start3A_174 = arith.constant 0 : i32
    %dma_start3A_175 = tpu.memref_slice %arg13[%dma_start3A_172, %dma_start3A_173, %dma_start3A_174] : memref<2x112x64xf32, #tpu.memory_space<vmem>> -> memref<1x112x64xf32, #tpu.memory_space<vmem>>
    %dma_start3A_176 = tpu.memref_squeeze %dma_start3A_175 : memref<1x112x64xf32, #tpu.memory_space<vmem>> -> memref<112x64xf32, #tpu.memory_space<vmem>>
    %dma_start3A_177 = arith.constant 336 : i32
    %dma_start3A_178 = tpu.memref_slice %arg11[%dma_start3A_177] : memref<784xi32, #tpu.memory_space<vmem>> -> memref<112xi32, #tpu.memory_space<vmem>>
    %dma_start3A_179 = arith.constant 0 : i32
    %dma_start3A_180 = arith.constant 0 : i32
    %dma_start3A_181 = tpu.memref_slice %arg3[%dma_start3A_179, %dma_start3A_180] : memref<100000x64xf32, #tpu.memory_space<hbm>> -> memref<100000x64xf32, #tpu.memory_space<hbm>>
    tpu.enqueue_indirect_dma source(%dma_start3A_181 : memref<100000x64xf32, #tpu.memory_space<hbm>>) target(%dma_start3A_176 : memref<112x64xf32, #tpu.memory_space<vmem>>) offsets(%dma_start3A_178 : memref<112xi32, #tpu.memory_space<vmem>>) semaphore(%arg20 : memref<!tpu.dma_semaphore, #tpu.memory_space<semaphore_mem>>)
    %dma_start3A_182 = arith.constant 1 : i32
    %dma_start3A_183 = arith.constant 0 : i32
    %dma_start3A_184 = arith.constant 0 : i32
    %dma_start3A_185 = tpu.memref_slice %arg14[%dma_start3A_182, %dma_start3A_183, %dma_start3A_184] : memref<2x112x16xf32, #tpu.memory_space<vmem>> -> memref<1x112x16xf32, #tpu.memory_space<vmem>>
    %dma_start3A_186 = tpu.memref_squeeze %dma_start3A_185 : memref<1x112x16xf32, #tpu.memory_space<vmem>> -> memref<112x16xf32, #tpu.memory_space<vmem>>
    %dma_start3A_187 = arith.constant 336 : i32
    %dma_start3A_188 = tpu.memref_slice %arg11[%dma_start3A_187] : memref<784xi32, #tpu.memory_space<vmem>> -> memref<112xi32, #tpu.memory_space<vmem>>
    %dma_start3A_189 = arith.constant 0 : i32
    %dma_start3A_190 = arith.constant 0 : i32
    %dma_start3A_191 = tpu.memref_slice %arg4[%dma_start3A_189, %dma_start3A_190] : memref<100000x16xf32, #tpu.memory_space<hbm>> -> memref<100000x16xf32, #tpu.memory_space<hbm>>
    tpu.enqueue_indirect_dma source(%dma_start3A_191 : memref<100000x16xf32, #tpu.memory_space<hbm>>) target(%dma_start3A_186 : memref<112x16xf32, #tpu.memory_space<vmem>>) offsets(%dma_start3A_188 : memref<112xi32, #tpu.memory_space<vmem>>) semaphore(%arg22 : memref<!tpu.dma_semaphore, #tpu.memory_space<semaphore_mem>>)
    %add3A_192 = arith.constant 224 : i32
    %add3A_193 = arith.addi %multiple_of3A, %add3A_192 : i32
    %multiple_of3A_194 = tpu.assume_multiple %add3A_193, 8 : i32
    %dma_wait3A_195 = arith.constant 0 : i32
    %dma_wait3A_196 = arith.constant 0 : i32
    %dma_wait3A_197 = arith.constant 0 : i32
    %dma_wait3A_198 = tpu.memref_slice %arg12[%dma_wait3A_195, %dma_wait3A_196, %dma_wait3A_197] : memref<2x112x128xf32, #tpu.memory_space<vmem>> -> memref<1x112x128xf32, #tpu.memory_space<vmem>>
    %dma_wait3A_199 = tpu.memref_squeeze %dma_wait3A_198 : memref<1x112x128xf32, #tpu.memory_space<vmem>> -> memref<112x128xf32, #tpu.memory_space<vmem>>
    %dma_wait3A_200 = arith.constant 224 : i32
    %dma_wait3A_201 = tpu.memref_slice %arg11[%dma_wait3A_200] : memref<784xi32, #tpu.memory_space<vmem>> -> memref<112xi32, #tpu.memory_space<vmem>>
    %dma_wait3A_202 = arith.constant 0 : i32
    %dma_wait3A_203 = arith.constant 0 : i32
    %dma_wait3A_204 = tpu.memref_slice %arg2[%dma_wait3A_202, %dma_wait3A_203] : memref<100000x128xf32, #tpu.memory_space<hbm>> -> memref<100000x128xf32, #tpu.memory_space<hbm>>
    tpu.wait_indirect_dma semaphore(%arg17 : memref<!tpu.dma_semaphore, #tpu.memory_space<semaphore_mem>>) src(%dma_wait3A_204 : memref<100000x128xf32, #tpu.memory_space<hbm>>) dst(%dma_wait3A_199 : memref<112x128xf32, #tpu.memory_space<vmem>>)
    %run_scoped3A_205 = arith.constant 0 : i32
    "tpu.region"() ({
      %run_scoped3A_471 = tpu.sem_alloc : memref<!tpu.dma_semaphore, #tpu.memory_space<semaphore_mem>>
      %dma_start3A_472 = arith.constant 0 : i32
      %dma_start3A_473 = arith.constant 0 : i32
      %dma_start3A_474 = tpu.memref_slice %arg12[%run_scoped3A_205, %dma_start3A_472, %dma_start3A_473] : memref<2x112x128xf32, #tpu.memory_space<vmem>> -> memref<1x112x128xf32, #tpu.memory_space<vmem>>
      %dma_start3A_475 = tpu.memref_squeeze %dma_start3A_474 : memref<1x112x128xf32, #tpu.memory_space<vmem>> -> memref<112x128xf32, #tpu.memory_space<vmem>>
      %dma_start3A_476 = arith.constant 0 : i32
      %dma_start3A_477 = tpu.memref_slice %arg7[%multiple_of3A_194, %dma_start3A_476] : memref<25088x128xf32, #tpu.memory_space<hbm>> -> memref<112x128xf32, #tpu.memory_space<hbm>>
      %dma_start3A_478 = arith.constant 0 : i32
      %dma_start3A_479 = tpu.memref_slice %arg7[%multiple_of3A_194, %dma_start3A_478] : memref<25088x128xf32, #tpu.memory_space<hbm>> -> memref<112x128xf32, #tpu.memory_space<hbm>>
      %dma_start3A_480 = arith.constant 0 : i32
      %dma_start3A_481 = arith.constant 0 : i32
      %dma_start3A_482 = tpu.memref_slice %arg12[%run_scoped3A_205, %dma_start3A_480, %dma_start3A_481] : memref<2x112x128xf32, #tpu.memory_space<vmem>> -> memref<1x112x128xf32, #tpu.memory_space<vmem>>
      %dma_start3A_483 = tpu.memref_squeeze %dma_start3A_482 : memref<1x112x128xf32, #tpu.memory_space<vmem>> -> memref<112x128xf32, #tpu.memory_space<vmem>>
      tpu.enqueue_dma source(%dma_start3A_483 : memref<112x128xf32, #tpu.memory_space<vmem>>) target(%dma_start3A_479 : memref<112x128xf32, #tpu.memory_space<hbm>>) target_semaphore(%run_scoped3A_471 : memref<!tpu.dma_semaphore, #tpu.memory_space<semaphore_mem>>)
      %dma_wait3A_484 = arith.constant 0 : i32
      %dma_wait3A_485 = arith.constant 0 : i32
      %dma_wait3A_486 = tpu.memref_slice %arg12[%run_scoped3A_205, %dma_wait3A_484, %dma_wait3A_485] : memref<2x112x128xf32, #tpu.memory_space<vmem>> -> memref<1x112x128xf32, #tpu.memory_space<vmem>>
      %dma_wait3A_487 = tpu.memref_squeeze %dma_wait3A_486 : memref<1x112x128xf32, #tpu.memory_space<vmem>> -> memref<112x128xf32, #tpu.memory_space<vmem>>
      %dma_wait3A_488 = arith.constant 0 : i32
      %dma_wait3A_489 = tpu.memref_slice %arg7[%multiple_of3A_194, %dma_wait3A_488] : memref<25088x128xf32, #tpu.memory_space<hbm>> -> memref<112x128xf32, #tpu.memory_space<hbm>>
      %dma_wait3A_490 = arith.constant 0 : i32
      %dma_wait3A_491 = tpu.memref_slice %arg7[%multiple_of3A_194, %dma_wait3A_490] : memref<25088x128xf32, #tpu.memory_space<hbm>> -> memref<112x128xf32, #tpu.memory_space<hbm>>
      %dma_wait3A_492 = arith.constant 0 : i32
      %dma_wait3A_493 = arith.constant 0 : i32
      %dma_wait3A_494 = tpu.memref_slice %arg12[%run_scoped3A_205, %dma_wait3A_492, %dma_wait3A_493] : memref<2x112x128xf32, #tpu.memory_space<vmem>> -> memref<1x112x128xf32, #tpu.memory_space<vmem>>
      %dma_wait3A_495 = tpu.memref_squeeze %dma_wait3A_494 : memref<1x112x128xf32, #tpu.memory_space<vmem>> -> memref<112x128xf32, #tpu.memory_space<vmem>>
      tpu.wait_dma2 semaphore(%run_scoped3A_471 : memref<!tpu.dma_semaphore, #tpu.memory_space<semaphore_mem>>) src(%dma_wait3A_495 : memref<112x128xf32, #tpu.memory_space<vmem>>) dst(%dma_wait3A_491 : memref<112x128xf32, #tpu.memory_space<hbm>>)
      tpu.yield
    }) : () -> ()
    %dma_wait3A_206 = arith.constant 0 : i32
    %dma_wait3A_207 = arith.constant 0 : i32
    %dma_wait3A_208 = arith.constant 0 : i32
    %dma_wait3A_209 = tpu.memref_slice %arg13[%dma_wait3A_206, %dma_wait3A_207, %dma_wait3A_208] : memref<2x112x64xf32, #tpu.memory_space<vmem>> -> memref<1x112x64xf32, #tpu.memory_space<vmem>>
    %dma_wait3A_210 = tpu.memref_squeeze %dma_wait3A_209 : memref<1x112x64xf32, #tpu.memory_space<vmem>> -> memref<112x64xf32, #tpu.memory_space<vmem>>
    %dma_wait3A_211 = arith.constant 224 : i32
    %dma_wait3A_212 = tpu.memref_slice %arg11[%dma_wait3A_211] : memref<784xi32, #tpu.memory_space<vmem>> -> memref<112xi32, #tpu.memory_space<vmem>>
    %dma_wait3A_213 = arith.constant 0 : i32
    %dma_wait3A_214 = arith.constant 0 : i32
    %dma_wait3A_215 = tpu.memref_slice %arg3[%dma_wait3A_213, %dma_wait3A_214] : memref<100000x64xf32, #tpu.memory_space<hbm>> -> memref<100000x64xf32, #tpu.memory_space<hbm>>
    tpu.wait_indirect_dma semaphore(%arg19 : memref<!tpu.dma_semaphore, #tpu.memory_space<semaphore_mem>>) src(%dma_wait3A_215 : memref<100000x64xf32, #tpu.memory_space<hbm>>) dst(%dma_wait3A_210 : memref<112x64xf32, #tpu.memory_space<vmem>>)
    %run_scoped3A_216 = arith.constant 0 : i32
    "tpu.region"() ({
      %run_scoped3A_471 = tpu.sem_alloc : memref<!tpu.dma_semaphore, #tpu.memory_space<semaphore_mem>>
      %dma_start3A_472 = arith.constant 0 : i32
      %dma_start3A_473 = arith.constant 0 : i32
      %dma_start3A_474 = tpu.memref_slice %arg13[%run_scoped3A_216, %dma_start3A_472, %dma_start3A_473] : memref<2x112x64xf32, #tpu.memory_space<vmem>> -> memref<1x112x64xf32, #tpu.memory_space<vmem>>
      %dma_start3A_475 = tpu.memref_squeeze %dma_start3A_474 : memref<1x112x64xf32, #tpu.memory_space<vmem>> -> memref<112x64xf32, #tpu.memory_space<vmem>>
      %dma_start3A_476 = arith.constant 0 : i32
      %dma_start3A_477 = tpu.memref_slice %arg8[%multiple_of3A_194, %dma_start3A_476] : memref<25088x64xf32, #tpu.memory_space<hbm>> -> memref<112x64xf32, #tpu.memory_space<hbm>>
      %dma_start3A_478 = arith.constant 0 : i32
      %dma_start3A_479 = tpu.memref_slice %arg8[%multiple_of3A_194, %dma_start3A_478] : memref<25088x64xf32, #tpu.memory_space<hbm>> -> memref<112x64xf32, #tpu.memory_space<hbm>>
      %dma_start3A_480 = arith.constant 0 : i32
      %dma_start3A_481 = arith.constant 0 : i32
      %dma_start3A_482 = tpu.memref_slice %arg13[%run_scoped3A_216, %dma_start3A_480, %dma_start3A_481] : memref<2x112x64xf32, #tpu.memory_space<vmem>> -> memref<1x112x64xf32, #tpu.memory_space<vmem>>
      %dma_start3A_483 = tpu.memref_squeeze %dma_start3A_482 : memref<1x112x64xf32, #tpu.memory_space<vmem>> -> memref<112x64xf32, #tpu.memory_space<vmem>>
      tpu.enqueue_dma source(%dma_start3A_483 : memref<112x64xf32, #tpu.memory_space<vmem>>) target(%dma_start3A_479 : memref<112x64xf32, #tpu.memory_space<hbm>>) target_semaphore(%run_scoped3A_471 : memref<!tpu.dma_semaphore, #tpu.memory_space<semaphore_mem>>)
      %dma_wait3A_484 = arith.constant 0 : i32
      %dma_wait3A_485 = arith.constant 0 : i32
      %dma_wait3A_486 = tpu.memref_slice %arg13[%run_scoped3A_216, %dma_wait3A_484, %dma_wait3A_485] : memref<2x112x64xf32, #tpu.memory_space<vmem>> -> memref<1x112x64xf32, #tpu.memory_space<vmem>>
      %dma_wait3A_487 = tpu.memref_squeeze %dma_wait3A_486 : memref<1x112x64xf32, #tpu.memory_space<vmem>> -> memref<112x64xf32, #tpu.memory_space<vmem>>
      %dma_wait3A_488 = arith.constant 0 : i32
      %dma_wait3A_489 = tpu.memref_slice %arg8[%multiple_of3A_194, %dma_wait3A_488] : memref<25088x64xf32, #tpu.memory_space<hbm>> -> memref<112x64xf32, #tpu.memory_space<hbm>>
      %dma_wait3A_490 = arith.constant 0 : i32
      %dma_wait3A_491 = tpu.memref_slice %arg8[%multiple_of3A_194, %dma_wait3A_490] : memref<25088x64xf32, #tpu.memory_space<hbm>> -> memref<112x64xf32, #tpu.memory_space<hbm>>
      %dma_wait3A_492 = arith.constant 0 : i32
      %dma_wait3A_493 = arith.constant 0 : i32
      %dma_wait3A_494 = tpu.memref_slice %arg13[%run_scoped3A_216, %dma_wait3A_492, %dma_wait3A_493] : memref<2x112x64xf32, #tpu.memory_space<vmem>> -> memref<1x112x64xf32, #tpu.memory_space<vmem>>
      %dma_wait3A_495 = tpu.memref_squeeze %dma_wait3A_494 : memref<1x112x64xf32, #tpu.memory_space<vmem>> -> memref<112x64xf32, #tpu.memory_space<vmem>>
      tpu.wait_dma2 semaphore(%run_scoped3A_471 : memref<!tpu.dma_semaphore, #tpu.memory_space<semaphore_mem>>) src(%dma_wait3A_495 : memref<112x64xf32, #tpu.memory_space<vmem>>) dst(%dma_wait3A_491 : memref<112x64xf32, #tpu.memory_space<hbm>>)
      tpu.yield
    }) : () -> ()
    %dma_wait3A_217 = arith.constant 0 : i32
    %dma_wait3A_218 = arith.constant 0 : i32
    %dma_wait3A_219 = arith.constant 0 : i32
    %dma_wait3A_220 = tpu.memref_slice %arg14[%dma_wait3A_217, %dma_wait3A_218, %dma_wait3A_219] : memref<2x112x16xf32, #tpu.memory_space<vmem>> -> memref<1x112x16xf32, #tpu.memory_space<vmem>>
    %dma_wait3A_221 = tpu.memref_squeeze %dma_wait3A_220 : memref<1x112x16xf32, #tpu.memory_space<vmem>> -> memref<112x16xf32, #tpu.memory_space<vmem>>
    %dma_wait3A_222 = arith.constant 224 : i32
    %dma_wait3A_223 = tpu.memref_slice %arg11[%dma_wait3A_222] : memref<784xi32, #tpu.memory_space<vmem>> -> memref<112xi32, #tpu.memory_space<vmem>>
    %dma_wait3A_224 = arith.constant 0 : i32
    %dma_wait3A_225 = arith.constant 0 : i32
    %dma_wait3A_226 = tpu.memref_slice %arg4[%dma_wait3A_224, %dma_wait3A_225] : memref<100000x16xf32, #tpu.memory_space<hbm>> -> memref<100000x16xf32, #tpu.memory_space<hbm>>
    tpu.wait_indirect_dma semaphore(%arg21 : memref<!tpu.dma_semaphore, #tpu.memory_space<semaphore_mem>>) src(%dma_wait3A_226 : memref<100000x16xf32, #tpu.memory_space<hbm>>) dst(%dma_wait3A_221 : memref<112x16xf32, #tpu.memory_space<vmem>>)
    %run_scoped3A_227 = arith.constant 0 : i32
    "tpu.region"() ({
      %run_scoped3A_471 = tpu.sem_alloc : memref<!tpu.dma_semaphore, #tpu.memory_space<semaphore_mem>>
      %dma_start3A_472 = arith.constant 0 : i32
      %dma_start3A_473 = arith.constant 0 : i32
      %dma_start3A_474 = tpu.memref_slice %arg14[%run_scoped3A_227, %dma_start3A_472, %dma_start3A_473] : memref<2x112x16xf32, #tpu.memory_space<vmem>> -> memref<1x112x16xf32, #tpu.memory_space<vmem>>
      %dma_start3A_475 = tpu.memref_squeeze %dma_start3A_474 : memref<1x112x16xf32, #tpu.memory_space<vmem>> -> memref<112x16xf32, #tpu.memory_space<vmem>>
      %dma_start3A_476 = arith.constant 0 : i32
      %dma_start3A_477 = tpu.memref_slice %arg9[%multiple_of3A_194, %dma_start3A_476] : memref<25088x16xf32, #tpu.memory_space<hbm>> -> memref<112x16xf32, #tpu.memory_space<hbm>>
      %dma_start3A_478 = arith.constant 0 : i32
      %dma_start3A_479 = tpu.memref_slice %arg9[%multiple_of3A_194, %dma_start3A_478] : memref<25088x16xf32, #tpu.memory_space<hbm>> -> memref<112x16xf32, #tpu.memory_space<hbm>>
      %dma_start3A_480 = arith.constant 0 : i32
      %dma_start3A_481 = arith.constant 0 : i32
      %dma_start3A_482 = tpu.memref_slice %arg14[%run_scoped3A_227, %dma_start3A_480, %dma_start3A_481] : memref<2x112x16xf32, #tpu.memory_space<vmem>> -> memref<1x112x16xf32, #tpu.memory_space<vmem>>
      %dma_start3A_483 = tpu.memref_squeeze %dma_start3A_482 : memref<1x112x16xf32, #tpu.memory_space<vmem>> -> memref<112x16xf32, #tpu.memory_space<vmem>>
      tpu.enqueue_dma source(%dma_start3A_483 : memref<112x16xf32, #tpu.memory_space<vmem>>) target(%dma_start3A_479 : memref<112x16xf32, #tpu.memory_space<hbm>>) target_semaphore(%run_scoped3A_471 : memref<!tpu.dma_semaphore, #tpu.memory_space<semaphore_mem>>)
      %dma_wait3A_484 = arith.constant 0 : i32
      %dma_wait3A_485 = arith.constant 0 : i32
      %dma_wait3A_486 = tpu.memref_slice %arg14[%run_scoped3A_227, %dma_wait3A_484, %dma_wait3A_485] : memref<2x112x16xf32, #tpu.memory_space<vmem>> -> memref<1x112x16xf32, #tpu.memory_space<vmem>>
      %dma_wait3A_487 = tpu.memref_squeeze %dma_wait3A_486 : memref<1x112x16xf32, #tpu.memory_space<vmem>> -> memref<112x16xf32, #tpu.memory_space<vmem>>
      %dma_wait3A_488 = arith.constant 0 : i32
      %dma_wait3A_489 = tpu.memref_slice %arg9[%multiple_of3A_194, %dma_wait3A_488] : memref<25088x16xf32, #tpu.memory_space<hbm>> -> memref<112x16xf32, #tpu.memory_space<hbm>>
      %dma_wait3A_490 = arith.constant 0 : i32
      %dma_wait3A_491 = tpu.memref_slice %arg9[%multiple_of3A_194, %dma_wait3A_490] : memref<25088x16xf32, #tpu.memory_space<hbm>> -> memref<112x16xf32, #tpu.memory_space<hbm>>
      %dma_wait3A_492 = arith.constant 0 : i32
      %dma_wait3A_493 = arith.constant 0 : i32
      %dma_wait3A_494 = tpu.memref_slice %arg14[%run_scoped3A_227, %dma_wait3A_492, %dma_wait3A_493] : memref<2x112x16xf32, #tpu.memory_space<vmem>> -> memref<1x112x16xf32, #tpu.memory_space<vmem>>
      %dma_wait3A_495 = tpu.memref_squeeze %dma_wait3A_494 : memref<1x112x16xf32, #tpu.memory_space<vmem>> -> memref<112x16xf32, #tpu.memory_space<vmem>>
      tpu.wait_dma2 semaphore(%run_scoped3A_471 : memref<!tpu.dma_semaphore, #tpu.memory_space<semaphore_mem>>) src(%dma_wait3A_495 : memref<112x16xf32, #tpu.memory_space<vmem>>) dst(%dma_wait3A_491 : memref<112x16xf32, #tpu.memory_space<hbm>>)
      tpu.yield
    }) : () -> ()
    %dma_start3A_228 = arith.constant 0 : i32
    %dma_start3A_229 = arith.constant 0 : i32
    %dma_start3A_230 = arith.constant 0 : i32
    %dma_start3A_231 = tpu.memref_slice %arg12[%dma_start3A_228, %dma_start3A_229, %dma_start3A_230] : memref<2x112x128xf32, #tpu.memory_space<vmem>> -> memref<1x112x128xf32, #tpu.memory_space<vmem>>
    %dma_start3A_232 = tpu.memref_squeeze %dma_start3A_231 : memref<1x112x128xf32, #tpu.memory_space<vmem>> -> memref<112x128xf32, #tpu.memory_space<vmem>>
    %dma_start3A_233 = arith.constant 448 : i32
    %dma_start3A_234 = tpu.memref_slice %arg11[%dma_start3A_233] : memref<784xi32, #tpu.memory_space<vmem>> -> memref<112xi32, #tpu.memory_space<vmem>>
    %dma_start3A_235 = arith.constant 0 : i32
    %dma_start3A_236 = arith.constant 0 : i32
    %dma_start3A_237 = tpu.memref_slice %arg2[%dma_start3A_235, %dma_start3A_236] : memref<100000x128xf32, #tpu.memory_space<hbm>> -> memref<100000x128xf32, #tpu.memory_space<hbm>>
    tpu.enqueue_indirect_dma source(%dma_start3A_237 : memref<100000x128xf32, #tpu.memory_space<hbm>>) target(%dma_start3A_232 : memref<112x128xf32, #tpu.memory_space<vmem>>) offsets(%dma_start3A_234 : memref<112xi32, #tpu.memory_space<vmem>>) semaphore(%arg17 : memref<!tpu.dma_semaphore, #tpu.memory_space<semaphore_mem>>)
    %dma_start3A_238 = arith.constant 0 : i32
    %dma_start3A_239 = arith.constant 0 : i32
    %dma_start3A_240 = arith.constant 0 : i32
    %dma_start3A_241 = tpu.memref_slice %arg13[%dma_start3A_238, %dma_start3A_239, %dma_start3A_240] : memref<2x112x64xf32, #tpu.memory_space<vmem>> -> memref<1x112x64xf32, #tpu.memory_space<vmem>>
    %dma_start3A_242 = tpu.memref_squeeze %dma_start3A_241 : memref<1x112x64xf32, #tpu.memory_space<vmem>> -> memref<112x64xf32, #tpu.memory_space<vmem>>
    %dma_start3A_243 = arith.constant 448 : i32
    %dma_start3A_244 = tpu.memref_slice %arg11[%dma_start3A_243] : memref<784xi32, #tpu.memory_space<vmem>> -> memref<112xi32, #tpu.memory_space<vmem>>
    %dma_start3A_245 = arith.constant 0 : i32
    %dma_start3A_246 = arith.constant 0 : i32
    %dma_start3A_247 = tpu.memref_slice %arg3[%dma_start3A_245, %dma_start3A_246] : memref<100000x64xf32, #tpu.memory_space<hbm>> -> memref<100000x64xf32, #tpu.memory_space<hbm>>
    tpu.enqueue_indirect_dma source(%dma_start3A_247 : memref<100000x64xf32, #tpu.memory_space<hbm>>) target(%dma_start3A_242 : memref<112x64xf32, #tpu.memory_space<vmem>>) offsets(%dma_start3A_244 : memref<112xi32, #tpu.memory_space<vmem>>) semaphore(%arg19 : memref<!tpu.dma_semaphore, #tpu.memory_space<semaphore_mem>>)
    %dma_start3A_248 = arith.constant 0 : i32
    %dma_start3A_249 = arith.constant 0 : i32
    %dma_start3A_250 = arith.constant 0 : i32
    %dma_start3A_251 = tpu.memref_slice %arg14[%dma_start3A_248, %dma_start3A_249, %dma_start3A_250] : memref<2x112x16xf32, #tpu.memory_space<vmem>> -> memref<1x112x16xf32, #tpu.memory_space<vmem>>
    %dma_start3A_252 = tpu.memref_squeeze %dma_start3A_251 : memref<1x112x16xf32, #tpu.memory_space<vmem>> -> memref<112x16xf32, #tpu.memory_space<vmem>>
    %dma_start3A_253 = arith.constant 448 : i32
    %dma_start3A_254 = tpu.memref_slice %arg11[%dma_start3A_253] : memref<784xi32, #tpu.memory_space<vmem>> -> memref<112xi32, #tpu.memory_space<vmem>>
    %dma_start3A_255 = arith.constant 0 : i32
    %dma_start3A_256 = arith.constant 0 : i32
    %dma_start3A_257 = tpu.memref_slice %arg4[%dma_start3A_255, %dma_start3A_256] : memref<100000x16xf32, #tpu.memory_space<hbm>> -> memref<100000x16xf32, #tpu.memory_space<hbm>>
    tpu.enqueue_indirect_dma source(%dma_start3A_257 : memref<100000x16xf32, #tpu.memory_space<hbm>>) target(%dma_start3A_252 : memref<112x16xf32, #tpu.memory_space<vmem>>) offsets(%dma_start3A_254 : memref<112xi32, #tpu.memory_space<vmem>>) semaphore(%arg21 : memref<!tpu.dma_semaphore, #tpu.memory_space<semaphore_mem>>)
    %add3A_258 = arith.constant 336 : i32
    %add3A_259 = arith.addi %multiple_of3A, %add3A_258 : i32
    %multiple_of3A_260 = tpu.assume_multiple %add3A_259, 8 : i32
    %dma_wait3A_261 = arith.constant 1 : i32
    %dma_wait3A_262 = arith.constant 0 : i32
    %dma_wait3A_263 = arith.constant 0 : i32
    %dma_wait3A_264 = tpu.memref_slice %arg12[%dma_wait3A_261, %dma_wait3A_262, %dma_wait3A_263] : memref<2x112x128xf32, #tpu.memory_space<vmem>> -> memref<1x112x128xf32, #tpu.memory_space<vmem>>
    %dma_wait3A_265 = tpu.memref_squeeze %dma_wait3A_264 : memref<1x112x128xf32, #tpu.memory_space<vmem>> -> memref<112x128xf32, #tpu.memory_space<vmem>>
    %dma_wait3A_266 = arith.constant 336 : i32
    %dma_wait3A_267 = tpu.memref_slice %arg11[%dma_wait3A_266] : memref<784xi32, #tpu.memory_space<vmem>> -> memref<112xi32, #tpu.memory_space<vmem>>
    %dma_wait3A_268 = arith.constant 0 : i32
    %dma_wait3A_269 = arith.constant 0 : i32
    %dma_wait3A_270 = tpu.memref_slice %arg2[%dma_wait3A_268, %dma_wait3A_269] : memref<100000x128xf32, #tpu.memory_space<hbm>> -> memref<100000x128xf32, #tpu.memory_space<hbm>>
    tpu.wait_indirect_dma semaphore(%arg18 : memref<!tpu.dma_semaphore, #tpu.memory_space<semaphore_mem>>) src(%dma_wait3A_270 : memref<100000x128xf32, #tpu.memory_space<hbm>>) dst(%dma_wait3A_265 : memref<112x128xf32, #tpu.memory_space<vmem>>)
    %run_scoped3A_271 = arith.constant 1 : i32
    "tpu.region"() ({
      %run_scoped3A_471 = tpu.sem_alloc : memref<!tpu.dma_semaphore, #tpu.memory_space<semaphore_mem>>
      %dma_start3A_472 = arith.constant 0 : i32
      %dma_start3A_473 = arith.constant 0 : i32
      %dma_start3A_474 = tpu.memref_slice %arg12[%run_scoped3A_271, %dma_start3A_472, %dma_start3A_473] : memref<2x112x128xf32, #tpu.memory_space<vmem>> -> memref<1x112x128xf32, #tpu.memory_space<vmem>>
      %dma_start3A_475 = tpu.memref_squeeze %dma_start3A_474 : memref<1x112x128xf32, #tpu.memory_space<vmem>> -> memref<112x128xf32, #tpu.memory_space<vmem>>
      %dma_start3A_476 = arith.constant 0 : i32
      %dma_start3A_477 = tpu.memref_slice %arg7[%multiple_of3A_260, %dma_start3A_476] : memref<25088x128xf32, #tpu.memory_space<hbm>> -> memref<112x128xf32, #tpu.memory_space<hbm>>
      %dma_start3A_478 = arith.constant 0 : i32
      %dma_start3A_479 = tpu.memref_slice %arg7[%multiple_of3A_260, %dma_start3A_478] : memref<25088x128xf32, #tpu.memory_space<hbm>> -> memref<112x128xf32, #tpu.memory_space<hbm>>
      %dma_start3A_480 = arith.constant 0 : i32
      %dma_start3A_481 = arith.constant 0 : i32
      %dma_start3A_482 = tpu.memref_slice %arg12[%run_scoped3A_271, %dma_start3A_480, %dma_start3A_481] : memref<2x112x128xf32, #tpu.memory_space<vmem>> -> memref<1x112x128xf32, #tpu.memory_space<vmem>>
      %dma_start3A_483 = tpu.memref_squeeze %dma_start3A_482 : memref<1x112x128xf32, #tpu.memory_space<vmem>> -> memref<112x128xf32, #tpu.memory_space<vmem>>
      tpu.enqueue_dma source(%dma_start3A_483 : memref<112x128xf32, #tpu.memory_space<vmem>>) target(%dma_start3A_479 : memref<112x128xf32, #tpu.memory_space<hbm>>) target_semaphore(%run_scoped3A_471 : memref<!tpu.dma_semaphore, #tpu.memory_space<semaphore_mem>>)
      %dma_wait3A_484 = arith.constant 0 : i32
      %dma_wait3A_485 = arith.constant 0 : i32
      %dma_wait3A_486 = tpu.memref_slice %arg12[%run_scoped3A_271, %dma_wait3A_484, %dma_wait3A_485] : memref<2x112x128xf32, #tpu.memory_space<vmem>> -> memref<1x112x128xf32, #tpu.memory_space<vmem>>
      %dma_wait3A_487 = tpu.memref_squeeze %dma_wait3A_486 : memref<1x112x128xf32, #tpu.memory_space<vmem>> -> memref<112x128xf32, #tpu.memory_space<vmem>>
      %dma_wait3A_488 = arith.constant 0 : i32
      %dma_wait3A_489 = tpu.memref_slice %arg7[%multiple_of3A_260, %dma_wait3A_488] : memref<25088x128xf32, #tpu.memory_space<hbm>> -> memref<112x128xf32, #tpu.memory_space<hbm>>
      %dma_wait3A_490 = arith.constant 0 : i32
      %dma_wait3A_491 = tpu.memref_slice %arg7[%multiple_of3A_260, %dma_wait3A_490] : memref<25088x128xf32, #tpu.memory_space<hbm>> -> memref<112x128xf32, #tpu.memory_space<hbm>>
      %dma_wait3A_492 = arith.constant 0 : i32
      %dma_wait3A_493 = arith.constant 0 : i32
      %dma_wait3A_494 = tpu.memref_slice %arg12[%run_scoped3A_271, %dma_wait3A_492, %dma_wait3A_493] : memref<2x112x128xf32, #tpu.memory_space<vmem>> -> memref<1x112x128xf32, #tpu.memory_space<vmem>>
      %dma_wait3A_495 = tpu.memref_squeeze %dma_wait3A_494 : memref<1x112x128xf32, #tpu.memory_space<vmem>> -> memref<112x128xf32, #tpu.memory_space<vmem>>
      tpu.wait_dma2 semaphore(%run_scoped3A_471 : memref<!tpu.dma_semaphore, #tpu.memory_space<semaphore_mem>>) src(%dma_wait3A_495 : memref<112x128xf32, #tpu.memory_space<vmem>>) dst(%dma_wait3A_491 : memref<112x128xf32, #tpu.memory_space<hbm>>)
      tpu.yield
    }) : () -> ()
    %dma_wait3A_272 = arith.constant 1 : i32
    %dma_wait3A_273 = arith.constant 0 : i32
    %dma_wait3A_274 = arith.constant 0 : i32
    %dma_wait3A_275 = tpu.memref_slice %arg13[%dma_wait3A_272, %dma_wait3A_273, %dma_wait3A_274] : memref<2x112x64xf32, #tpu.memory_space<vmem>> -> memref<1x112x64xf32, #tpu.memory_space<vmem>>
    %dma_wait3A_276 = tpu.memref_squeeze %dma_wait3A_275 : memref<1x112x64xf32, #tpu.memory_space<vmem>> -> memref<112x64xf32, #tpu.memory_space<vmem>>
    %dma_wait3A_277 = arith.constant 336 : i32
    %dma_wait3A_278 = tpu.memref_slice %arg11[%dma_wait3A_277] : memref<784xi32, #tpu.memory_space<vmem>> -> memref<112xi32, #tpu.memory_space<vmem>>
    %dma_wait3A_279 = arith.constant 0 : i32
    %dma_wait3A_280 = arith.constant 0 : i32
    %dma_wait3A_281 = tpu.memref_slice %arg3[%dma_wait3A_279, %dma_wait3A_280] : memref<100000x64xf32, #tpu.memory_space<hbm>> -> memref<100000x64xf32, #tpu.memory_space<hbm>>
    tpu.wait_indirect_dma semaphore(%arg20 : memref<!tpu.dma_semaphore, #tpu.memory_space<semaphore_mem>>) src(%dma_wait3A_281 : memref<100000x64xf32, #tpu.memory_space<hbm>>) dst(%dma_wait3A_276 : memref<112x64xf32, #tpu.memory_space<vmem>>)
    %run_scoped3A_282 = arith.constant 1 : i32
    "tpu.region"() ({
      %run_scoped3A_471 = tpu.sem_alloc : memref<!tpu.dma_semaphore, #tpu.memory_space<semaphore_mem>>
      %dma_start3A_472 = arith.constant 0 : i32
      %dma_start3A_473 = arith.constant 0 : i32
      %dma_start3A_474 = tpu.memref_slice %arg13[%run_scoped3A_282, %dma_start3A_472, %dma_start3A_473] : memref<2x112x64xf32, #tpu.memory_space<vmem>> -> memref<1x112x64xf32, #tpu.memory_space<vmem>>
      %dma_start3A_475 = tpu.memref_squeeze %dma_start3A_474 : memref<1x112x64xf32, #tpu.memory_space<vmem>> -> memref<112x64xf32, #tpu.memory_space<vmem>>
      %dma_start3A_476 = arith.constant 0 : i32
      %dma_start3A_477 = tpu.memref_slice %arg8[%multiple_of3A_260, %dma_start3A_476] : memref<25088x64xf32, #tpu.memory_space<hbm>> -> memref<112x64xf32, #tpu.memory_space<hbm>>
      %dma_start3A_478 = arith.constant 0 : i32
      %dma_start3A_479 = tpu.memref_slice %arg8[%multiple_of3A_260, %dma_start3A_478] : memref<25088x64xf32, #tpu.memory_space<hbm>> -> memref<112x64xf32, #tpu.memory_space<hbm>>
      %dma_start3A_480 = arith.constant 0 : i32
      %dma_start3A_481 = arith.constant 0 : i32
      %dma_start3A_482 = tpu.memref_slice %arg13[%run_scoped3A_282, %dma_start3A_480, %dma_start3A_481] : memref<2x112x64xf32, #tpu.memory_space<vmem>> -> memref<1x112x64xf32, #tpu.memory_space<vmem>>
      %dma_start3A_483 = tpu.memref_squeeze %dma_start3A_482 : memref<1x112x64xf32, #tpu.memory_space<vmem>> -> memref<112x64xf32, #tpu.memory_space<vmem>>
      tpu.enqueue_dma source(%dma_start3A_483 : memref<112x64xf32, #tpu.memory_space<vmem>>) target(%dma_start3A_479 : memref<112x64xf32, #tpu.memory_space<hbm>>) target_semaphore(%run_scoped3A_471 : memref<!tpu.dma_semaphore, #tpu.memory_space<semaphore_mem>>)
      %dma_wait3A_484 = arith.constant 0 : i32
      %dma_wait3A_485 = arith.constant 0 : i32
      %dma_wait3A_486 = tpu.memref_slice %arg13[%run_scoped3A_282, %dma_wait3A_484, %dma_wait3A_485] : memref<2x112x64xf32, #tpu.memory_space<vmem>> -> memref<1x112x64xf32, #tpu.memory_space<vmem>>
      %dma_wait3A_487 = tpu.memref_squeeze %dma_wait3A_486 : memref<1x112x64xf32, #tpu.memory_space<vmem>> -> memref<112x64xf32, #tpu.memory_space<vmem>>
      %dma_wait3A_488 = arith.constant 0 : i32
      %dma_wait3A_489 = tpu.memref_slice %arg8[%multiple_of3A_260, %dma_wait3A_488] : memref<25088x64xf32, #tpu.memory_space<hbm>> -> memref<112x64xf32, #tpu.memory_space<hbm>>
      %dma_wait3A_490 = arith.constant 0 : i32
      %dma_wait3A_491 = tpu.memref_slice %arg8[%multiple_of3A_260, %dma_wait3A_490] : memref<25088x64xf32, #tpu.memory_space<hbm>> -> memref<112x64xf32, #tpu.memory_space<hbm>>
      %dma_wait3A_492 = arith.constant 0 : i32
      %dma_wait3A_493 = arith.constant 0 : i32
      %dma_wait3A_494 = tpu.memref_slice %arg13[%run_scoped3A_282, %dma_wait3A_492, %dma_wait3A_493] : memref<2x112x64xf32, #tpu.memory_space<vmem>> -> memref<1x112x64xf32, #tpu.memory_space<vmem>>
      %dma_wait3A_495 = tpu.memref_squeeze %dma_wait3A_494 : memref<1x112x64xf32, #tpu.memory_space<vmem>> -> memref<112x64xf32, #tpu.memory_space<vmem>>
      tpu.wait_dma2 semaphore(%run_scoped3A_471 : memref<!tpu.dma_semaphore, #tpu.memory_space<semaphore_mem>>) src(%dma_wait3A_495 : memref<112x64xf32, #tpu.memory_space<vmem>>) dst(%dma_wait3A_491 : memref<112x64xf32, #tpu.memory_space<hbm>>)
      tpu.yield
    }) : () -> ()
    %dma_wait3A_283 = arith.constant 1 : i32
    %dma_wait3A_284 = arith.constant 0 : i32
    %dma_wait3A_285 = arith.constant 0 : i32
    %dma_wait3A_286 = tpu.memref_slice %arg14[%dma_wait3A_283, %dma_wait3A_284, %dma_wait3A_285] : memref<2x112x16xf32, #tpu.memory_space<vmem>> -> memref<1x112x16xf32, #tpu.memory_space<vmem>>
    %dma_wait3A_287 = tpu.memref_squeeze %dma_wait3A_286 : memref<1x112x16xf32, #tpu.memory_space<vmem>> -> memref<112x16xf32, #tpu.memory_space<vmem>>
    %dma_wait3A_288 = arith.constant 336 : i32
    %dma_wait3A_289 = tpu.memref_slice %arg11[%dma_wait3A_288] : memref<784xi32, #tpu.memory_space<vmem>> -> memref<112xi32, #tpu.memory_space<vmem>>
    %dma_wait3A_290 = arith.constant 0 : i32
    %dma_wait3A_291 = arith.constant 0 : i32
    %dma_wait3A_292 = tpu.memref_slice %arg4[%dma_wait3A_290, %dma_wait3A_291] : memref<100000x16xf32, #tpu.memory_space<hbm>> -> memref<100000x16xf32, #tpu.memory_space<hbm>>
    tpu.wait_indirect_dma semaphore(%arg22 : memref<!tpu.dma_semaphore, #tpu.memory_space<semaphore_mem>>) src(%dma_wait3A_292 : memref<100000x16xf32, #tpu.memory_space<hbm>>) dst(%dma_wait3A_287 : memref<112x16xf32, #tpu.memory_space<vmem>>)
    %run_scoped3A_293 = arith.constant 1 : i32
    "tpu.region"() ({
      %run_scoped3A_471 = tpu.sem_alloc : memref<!tpu.dma_semaphore, #tpu.memory_space<semaphore_mem>>
      %dma_start3A_472 = arith.constant 0 : i32
      %dma_start3A_473 = arith.constant 0 : i32
      %dma_start3A_474 = tpu.memref_slice %arg14[%run_scoped3A_293, %dma_start3A_472, %dma_start3A_473] : memref<2x112x16xf32, #tpu.memory_space<vmem>> -> memref<1x112x16xf32, #tpu.memory_space<vmem>>
      %dma_start3A_475 = tpu.memref_squeeze %dma_start3A_474 : memref<1x112x16xf32, #tpu.memory_space<vmem>> -> memref<112x16xf32, #tpu.memory_space<vmem>>
      %dma_start3A_476 = arith.constant 0 : i32
      %dma_start3A_477 = tpu.memref_slice %arg9[%multiple_of3A_260, %dma_start3A_476] : memref<25088x16xf32, #tpu.memory_space<hbm>> -> memref<112x16xf32, #tpu.memory_space<hbm>>
      %dma_start3A_478 = arith.constant 0 : i32
      %dma_start3A_479 = tpu.memref_slice %arg9[%multiple_of3A_260, %dma_start3A_478] : memref<25088x16xf32, #tpu.memory_space<hbm>> -> memref<112x16xf32, #tpu.memory_space<hbm>>
      %dma_start3A_480 = arith.constant 0 : i32
      %dma_start3A_481 = arith.constant 0 : i32
      %dma_start3A_482 = tpu.memref_slice %arg14[%run_scoped3A_293, %dma_start3A_480, %dma_start3A_481] : memref<2x112x16xf32, #tpu.memory_space<vmem>> -> memref<1x112x16xf32, #tpu.memory_space<vmem>>
      %dma_start3A_483 = tpu.memref_squeeze %dma_start3A_482 : memref<1x112x16xf32, #tpu.memory_space<vmem>> -> memref<112x16xf32, #tpu.memory_space<vmem>>
      tpu.enqueue_dma source(%dma_start3A_483 : memref<112x16xf32, #tpu.memory_space<vmem>>) target(%dma_start3A_479 : memref<112x16xf32, #tpu.memory_space<hbm>>) target_semaphore(%run_scoped3A_471 : memref<!tpu.dma_semaphore, #tpu.memory_space<semaphore_mem>>)
      %dma_wait3A_484 = arith.constant 0 : i32
      %dma_wait3A_485 = arith.constant 0 : i32
      %dma_wait3A_486 = tpu.memref_slice %arg14[%run_scoped3A_293, %dma_wait3A_484, %dma_wait3A_485] : memref<2x112x16xf32, #tpu.memory_space<vmem>> -> memref<1x112x16xf32, #tpu.memory_space<vmem>>
      %dma_wait3A_487 = tpu.memref_squeeze %dma_wait3A_486 : memref<1x112x16xf32, #tpu.memory_space<vmem>> -> memref<112x16xf32, #tpu.memory_space<vmem>>
      %dma_wait3A_488 = arith.constant 0 : i32
      %dma_wait3A_489 = tpu.memref_slice %arg9[%multiple_of3A_260, %dma_wait3A_488] : memref<25088x16xf32, #tpu.memory_space<hbm>> -> memref<112x16xf32, #tpu.memory_space<hbm>>
      %dma_wait3A_490 = arith.constant 0 : i32
      %dma_wait3A_491 = tpu.memref_slice %arg9[%multiple_of3A_260, %dma_wait3A_490] : memref<25088x16xf32, #tpu.memory_space<hbm>> -> memref<112x16xf32, #tpu.memory_space<hbm>>
      %dma_wait3A_492 = arith.constant 0 : i32
      %dma_wait3A_493 = arith.constant 0 : i32
      %dma_wait3A_494 = tpu.memref_slice %arg14[%run_scoped3A_293, %dma_wait3A_492, %dma_wait3A_493] : memref<2x112x16xf32, #tpu.memory_space<vmem>> -> memref<1x112x16xf32, #tpu.memory_space<vmem>>
      %dma_wait3A_495 = tpu.memref_squeeze %dma_wait3A_494 : memref<1x112x16xf32, #tpu.memory_space<vmem>> -> memref<112x16xf32, #tpu.memory_space<vmem>>
      tpu.wait_dma2 semaphore(%run_scoped3A_471 : memref<!tpu.dma_semaphore, #tpu.memory_space<semaphore_mem>>) src(%dma_wait3A_495 : memref<112x16xf32, #tpu.memory_space<vmem>>) dst(%dma_wait3A_491 : memref<112x16xf32, #tpu.memory_space<hbm>>)
      tpu.yield
    }) : () -> ()
    %dma_start3A_294 = arith.constant 1 : i32
    %dma_start3A_295 = arith.constant 0 : i32
    %dma_start3A_296 = arith.constant 0 : i32
    %dma_start3A_297 = tpu.memref_slice %arg12[%dma_start3A_294, %dma_start3A_295, %dma_start3A_296] : memref<2x112x128xf32, #tpu.memory_space<vmem>> -> memref<1x112x128xf32, #tpu.memory_space<vmem>>
    %dma_start3A_298 = tpu.memref_squeeze %dma_start3A_297 : memref<1x112x128xf32, #tpu.memory_space<vmem>> -> memref<112x128xf32, #tpu.memory_space<vmem>>
    %dma_start3A_299 = arith.constant 560 : i32
    %dma_start3A_300 = tpu.memref_slice %arg11[%dma_start3A_299] : memref<784xi32, #tpu.memory_space<vmem>> -> memref<112xi32, #tpu.memory_space<vmem>>
    %dma_start3A_301 = arith.constant 0 : i32
    %dma_start3A_302 = arith.constant 0 : i32
    %dma_start3A_303 = tpu.memref_slice %arg2[%dma_start3A_301, %dma_start3A_302] : memref<100000x128xf32, #tpu.memory_space<hbm>> -> memref<100000x128xf32, #tpu.memory_space<hbm>>
    tpu.enqueue_indirect_dma source(%dma_start3A_303 : memref<100000x128xf32, #tpu.memory_space<hbm>>) target(%dma_start3A_298 : memref<112x128xf32, #tpu.memory_space<vmem>>) offsets(%dma_start3A_300 : memref<112xi32, #tpu.memory_space<vmem>>) semaphore(%arg18 : memref<!tpu.dma_semaphore, #tpu.memory_space<semaphore_mem>>)
    %dma_start3A_304 = arith.constant 1 : i32
    %dma_start3A_305 = arith.constant 0 : i32
    %dma_start3A_306 = arith.constant 0 : i32
    %dma_start3A_307 = tpu.memref_slice %arg13[%dma_start3A_304, %dma_start3A_305, %dma_start3A_306] : memref<2x112x64xf32, #tpu.memory_space<vmem>> -> memref<1x112x64xf32, #tpu.memory_space<vmem>>
    %dma_start3A_308 = tpu.memref_squeeze %dma_start3A_307 : memref<1x112x64xf32, #tpu.memory_space<vmem>> -> memref<112x64xf32, #tpu.memory_space<vmem>>
    %dma_start3A_309 = arith.constant 560 : i32
    %dma_start3A_310 = tpu.memref_slice %arg11[%dma_start3A_309] : memref<784xi32, #tpu.memory_space<vmem>> -> memref<112xi32, #tpu.memory_space<vmem>>
    %dma_start3A_311 = arith.constant 0 : i32
    %dma_start3A_312 = arith.constant 0 : i32
    %dma_start3A_313 = tpu.memref_slice %arg3[%dma_start3A_311, %dma_start3A_312] : memref<100000x64xf32, #tpu.memory_space<hbm>> -> memref<100000x64xf32, #tpu.memory_space<hbm>>
    tpu.enqueue_indirect_dma source(%dma_start3A_313 : memref<100000x64xf32, #tpu.memory_space<hbm>>) target(%dma_start3A_308 : memref<112x64xf32, #tpu.memory_space<vmem>>) offsets(%dma_start3A_310 : memref<112xi32, #tpu.memory_space<vmem>>) semaphore(%arg20 : memref<!tpu.dma_semaphore, #tpu.memory_space<semaphore_mem>>)
    %dma_start3A_314 = arith.constant 1 : i32
    %dma_start3A_315 = arith.constant 0 : i32
    %dma_start3A_316 = arith.constant 0 : i32
    %dma_start3A_317 = tpu.memref_slice %arg14[%dma_start3A_314, %dma_start3A_315, %dma_start3A_316] : memref<2x112x16xf32, #tpu.memory_space<vmem>> -> memref<1x112x16xf32, #tpu.memory_space<vmem>>
    %dma_start3A_318 = tpu.memref_squeeze %dma_start3A_317 : memref<1x112x16xf32, #tpu.memory_space<vmem>> -> memref<112x16xf32, #tpu.memory_space<vmem>>
    %dma_start3A_319 = arith.constant 560 : i32
    %dma_start3A_320 = tpu.memref_slice %arg11[%dma_start3A_319] : memref<784xi32, #tpu.memory_space<vmem>> -> memref<112xi32, #tpu.memory_space<vmem>>
    %dma_start3A_321 = arith.constant 0 : i32
    %dma_start3A_322 = arith.constant 0 : i32
    %dma_start3A_323 = tpu.memref_slice %arg4[%dma_start3A_321, %dma_start3A_322] : memref<100000x16xf32, #tpu.memory_space<hbm>> -> memref<100000x16xf32, #tpu.memory_space<hbm>>
    tpu.enqueue_indirect_dma source(%dma_start3A_323 : memref<100000x16xf32, #tpu.memory_space<hbm>>) target(%dma_start3A_318 : memref<112x16xf32, #tpu.memory_space<vmem>>) offsets(%dma_start3A_320 : memref<112xi32, #tpu.memory_space<vmem>>) semaphore(%arg22 : memref<!tpu.dma_semaphore, #tpu.memory_space<semaphore_mem>>)
    %add3A_324 = arith.constant 448 : i32
    %add3A_325 = arith.addi %multiple_of3A, %add3A_324 : i32
    %multiple_of3A_326 = tpu.assume_multiple %add3A_325, 8 : i32
    %dma_wait3A_327 = arith.constant 0 : i32
    %dma_wait3A_328 = arith.constant 0 : i32
    %dma_wait3A_329 = arith.constant 0 : i32
    %dma_wait3A_330 = tpu.memref_slice %arg12[%dma_wait3A_327, %dma_wait3A_328, %dma_wait3A_329] : memref<2x112x128xf32, #tpu.memory_space<vmem>> -> memref<1x112x128xf32, #tpu.memory_space<vmem>>
    %dma_wait3A_331 = tpu.memref_squeeze %dma_wait3A_330 : memref<1x112x128xf32, #tpu.memory_space<vmem>> -> memref<112x128xf32, #tpu.memory_space<vmem>>
    %dma_wait3A_332 = arith.constant 448 : i32
    %dma_wait3A_333 = tpu.memref_slice %arg11[%dma_wait3A_332] : memref<784xi32, #tpu.memory_space<vmem>> -> memref<112xi32, #tpu.memory_space<vmem>>
    %dma_wait3A_334 = arith.constant 0 : i32
    %dma_wait3A_335 = arith.constant 0 : i32
    %dma_wait3A_336 = tpu.memref_slice %arg2[%dma_wait3A_334, %dma_wait3A_335] : memref<100000x128xf32, #tpu.memory_space<hbm>> -> memref<100000x128xf32, #tpu.memory_space<hbm>>
    tpu.wait_indirect_dma semaphore(%arg17 : memref<!tpu.dma_semaphore, #tpu.memory_space<semaphore_mem>>) src(%dma_wait3A_336 : memref<100000x128xf32, #tpu.memory_space<hbm>>) dst(%dma_wait3A_331 : memref<112x128xf32, #tpu.memory_space<vmem>>)
    %run_scoped3A_337 = arith.constant 0 : i32
    "tpu.region"() ({
      %run_scoped3A_471 = tpu.sem_alloc : memref<!tpu.dma_semaphore, #tpu.memory_space<semaphore_mem>>
      %dma_start3A_472 = arith.constant 0 : i32
      %dma_start3A_473 = arith.constant 0 : i32
      %dma_start3A_474 = tpu.memref_slice %arg12[%run_scoped3A_337, %dma_start3A_472, %dma_start3A_473] : memref<2x112x128xf32, #tpu.memory_space<vmem>> -> memref<1x112x128xf32, #tpu.memory_space<vmem>>
      %dma_start3A_475 = tpu.memref_squeeze %dma_start3A_474 : memref<1x112x128xf32, #tpu.memory_space<vmem>> -> memref<112x128xf32, #tpu.memory_space<vmem>>
      %dma_start3A_476 = arith.constant 0 : i32
      %dma_start3A_477 = tpu.memref_slice %arg7[%multiple_of3A_326, %dma_start3A_476] : memref<25088x128xf32, #tpu.memory_space<hbm>> -> memref<112x128xf32, #tpu.memory_space<hbm>>
      %dma_start3A_478 = arith.constant 0 : i32
      %dma_start3A_479 = tpu.memref_slice %arg7[%multiple_of3A_326, %dma_start3A_478] : memref<25088x128xf32, #tpu.memory_space<hbm>> -> memref<112x128xf32, #tpu.memory_space<hbm>>
      %dma_start3A_480 = arith.constant 0 : i32
      %dma_start3A_481 = arith.constant 0 : i32
      %dma_start3A_482 = tpu.memref_slice %arg12[%run_scoped3A_337, %dma_start3A_480, %dma_start3A_481] : memref<2x112x128xf32, #tpu.memory_space<vmem>> -> memref<1x112x128xf32, #tpu.memory_space<vmem>>
      %dma_start3A_483 = tpu.memref_squeeze %dma_start3A_482 : memref<1x112x128xf32, #tpu.memory_space<vmem>> -> memref<112x128xf32, #tpu.memory_space<vmem>>
      tpu.enqueue_dma source(%dma_start3A_483 : memref<112x128xf32, #tpu.memory_space<vmem>>) target(%dma_start3A_479 : memref<112x128xf32, #tpu.memory_space<hbm>>) target_semaphore(%run_scoped3A_471 : memref<!tpu.dma_semaphore, #tpu.memory_space<semaphore_mem>>)
      %dma_wait3A_484 = arith.constant 0 : i32
      %dma_wait3A_485 = arith.constant 0 : i32
      %dma_wait3A_486 = tpu.memref_slice %arg12[%run_scoped3A_337, %dma_wait3A_484, %dma_wait3A_485] : memref<2x112x128xf32, #tpu.memory_space<vmem>> -> memref<1x112x128xf32, #tpu.memory_space<vmem>>
      %dma_wait3A_487 = tpu.memref_squeeze %dma_wait3A_486 : memref<1x112x128xf32, #tpu.memory_space<vmem>> -> memref<112x128xf32, #tpu.memory_space<vmem>>
      %dma_wait3A_488 = arith.constant 0 : i32
      %dma_wait3A_489 = tpu.memref_slice %arg7[%multiple_of3A_326, %dma_wait3A_488] : memref<25088x128xf32, #tpu.memory_space<hbm>> -> memref<112x128xf32, #tpu.memory_space<hbm>>
      %dma_wait3A_490 = arith.constant 0 : i32
      %dma_wait3A_491 = tpu.memref_slice %arg7[%multiple_of3A_326, %dma_wait3A_490] : memref<25088x128xf32, #tpu.memory_space<hbm>> -> memref<112x128xf32, #tpu.memory_space<hbm>>
      %dma_wait3A_492 = arith.constant 0 : i32
      %dma_wait3A_493 = arith.constant 0 : i32
      %dma_wait3A_494 = tpu.memref_slice %arg12[%run_scoped3A_337, %dma_wait3A_492, %dma_wait3A_493] : memref<2x112x128xf32, #tpu.memory_space<vmem>> -> memref<1x112x128xf32, #tpu.memory_space<vmem>>
      %dma_wait3A_495 = tpu.memref_squeeze %dma_wait3A_494 : memref<1x112x128xf32, #tpu.memory_space<vmem>> -> memref<112x128xf32, #tpu.memory_space<vmem>>
      tpu.wait_dma2 semaphore(%run_scoped3A_471 : memref<!tpu.dma_semaphore, #tpu.memory_space<semaphore_mem>>) src(%dma_wait3A_495 : memref<112x128xf32, #tpu.memory_space<vmem>>) dst(%dma_wait3A_491 : memref<112x128xf32, #tpu.memory_space<hbm>>)
      tpu.yield
    }) : () -> ()
    %dma_wait3A_338 = arith.constant 0 : i32
    %dma_wait3A_339 = arith.constant 0 : i32
    %dma_wait3A_340 = arith.constant 0 : i32
    %dma_wait3A_341 = tpu.memref_slice %arg13[%dma_wait3A_338, %dma_wait3A_339, %dma_wait3A_340] : memref<2x112x64xf32, #tpu.memory_space<vmem>> -> memref<1x112x64xf32, #tpu.memory_space<vmem>>
    %dma_wait3A_342 = tpu.memref_squeeze %dma_wait3A_341 : memref<1x112x64xf32, #tpu.memory_space<vmem>> -> memref<112x64xf32, #tpu.memory_space<vmem>>
    %dma_wait3A_343 = arith.constant 448 : i32
    %dma_wait3A_344 = tpu.memref_slice %arg11[%dma_wait3A_343] : memref<784xi32, #tpu.memory_space<vmem>> -> memref<112xi32, #tpu.memory_space<vmem>>
    %dma_wait3A_345 = arith.constant 0 : i32
    %dma_wait3A_346 = arith.constant 0 : i32
    %dma_wait3A_347 = tpu.memref_slice %arg3[%dma_wait3A_345, %dma_wait3A_346] : memref<100000x64xf32, #tpu.memory_space<hbm>> -> memref<100000x64xf32, #tpu.memory_space<hbm>>
    tpu.wait_indirect_dma semaphore(%arg19 : memref<!tpu.dma_semaphore, #tpu.memory_space<semaphore_mem>>) src(%dma_wait3A_347 : memref<100000x64xf32, #tpu.memory_space<hbm>>) dst(%dma_wait3A_342 : memref<112x64xf32, #tpu.memory_space<vmem>>)
    %run_scoped3A_348 = arith.constant 0 : i32
    "tpu.region"() ({
      %run_scoped3A_471 = tpu.sem_alloc : memref<!tpu.dma_semaphore, #tpu.memory_space<semaphore_mem>>
      %dma_start3A_472 = arith.constant 0 : i32
      %dma_start3A_473 = arith.constant 0 : i32
      %dma_start3A_474 = tpu.memref_slice %arg13[%run_scoped3A_348, %dma_start3A_472, %dma_start3A_473] : memref<2x112x64xf32, #tpu.memory_space<vmem>> -> memref<1x112x64xf32, #tpu.memory_space<vmem>>
      %dma_start3A_475 = tpu.memref_squeeze %dma_start3A_474 : memref<1x112x64xf32, #tpu.memory_space<vmem>> -> memref<112x64xf32, #tpu.memory_space<vmem>>
      %dma_start3A_476 = arith.constant 0 : i32
      %dma_start3A_477 = tpu.memref_slice %arg8[%multiple_of3A_326, %dma_start3A_476] : memref<25088x64xf32, #tpu.memory_space<hbm>> -> memref<112x64xf32, #tpu.memory_space<hbm>>
      %dma_start3A_478 = arith.constant 0 : i32
      %dma_start3A_479 = tpu.memref_slice %arg8[%multiple_of3A_326, %dma_start3A_478] : memref<25088x64xf32, #tpu.memory_space<hbm>> -> memref<112x64xf32, #tpu.memory_space<hbm>>
      %dma_start3A_480 = arith.constant 0 : i32
      %dma_start3A_481 = arith.constant 0 : i32
      %dma_start3A_482 = tpu.memref_slice %arg13[%run_scoped3A_348, %dma_start3A_480, %dma_start3A_481] : memref<2x112x64xf32, #tpu.memory_space<vmem>> -> memref<1x112x64xf32, #tpu.memory_space<vmem>>
      %dma_start3A_483 = tpu.memref_squeeze %dma_start3A_482 : memref<1x112x64xf32, #tpu.memory_space<vmem>> -> memref<112x64xf32, #tpu.memory_space<vmem>>
      tpu.enqueue_dma source(%dma_start3A_483 : memref<112x64xf32, #tpu.memory_space<vmem>>) target(%dma_start3A_479 : memref<112x64xf32, #tpu.memory_space<hbm>>) target_semaphore(%run_scoped3A_471 : memref<!tpu.dma_semaphore, #tpu.memory_space<semaphore_mem>>)
      %dma_wait3A_484 = arith.constant 0 : i32
      %dma_wait3A_485 = arith.constant 0 : i32
      %dma_wait3A_486 = tpu.memref_slice %arg13[%run_scoped3A_348, %dma_wait3A_484, %dma_wait3A_485] : memref<2x112x64xf32, #tpu.memory_space<vmem>> -> memref<1x112x64xf32, #tpu.memory_space<vmem>>
      %dma_wait3A_487 = tpu.memref_squeeze %dma_wait3A_486 : memref<1x112x64xf32, #tpu.memory_space<vmem>> -> memref<112x64xf32, #tpu.memory_space<vmem>>
      %dma_wait3A_488 = arith.constant 0 : i32
      %dma_wait3A_489 = tpu.memref_slice %arg8[%multiple_of3A_326, %dma_wait3A_488] : memref<25088x64xf32, #tpu.memory_space<hbm>> -> memref<112x64xf32, #tpu.memory_space<hbm>>
      %dma_wait3A_490 = arith.constant 0 : i32
      %dma_wait3A_491 = tpu.memref_slice %arg8[%multiple_of3A_326, %dma_wait3A_490] : memref<25088x64xf32, #tpu.memory_space<hbm>> -> memref<112x64xf32, #tpu.memory_space<hbm>>
      %dma_wait3A_492 = arith.constant 0 : i32
      %dma_wait3A_493 = arith.constant 0 : i32
      %dma_wait3A_494 = tpu.memref_slice %arg13[%run_scoped3A_348, %dma_wait3A_492, %dma_wait3A_493] : memref<2x112x64xf32, #tpu.memory_space<vmem>> -> memref<1x112x64xf32, #tpu.memory_space<vmem>>
      %dma_wait3A_495 = tpu.memref_squeeze %dma_wait3A_494 : memref<1x112x64xf32, #tpu.memory_space<vmem>> -> memref<112x64xf32, #tpu.memory_space<vmem>>
      tpu.wait_dma2 semaphore(%run_scoped3A_471 : memref<!tpu.dma_semaphore, #tpu.memory_space<semaphore_mem>>) src(%dma_wait3A_495 : memref<112x64xf32, #tpu.memory_space<vmem>>) dst(%dma_wait3A_491 : memref<112x64xf32, #tpu.memory_space<hbm>>)
      tpu.yield
    }) : () -> ()
    %dma_wait3A_349 = arith.constant 0 : i32
    %dma_wait3A_350 = arith.constant 0 : i32
    %dma_wait3A_351 = arith.constant 0 : i32
    %dma_wait3A_352 = tpu.memref_slice %arg14[%dma_wait3A_349, %dma_wait3A_350, %dma_wait3A_351] : memref<2x112x16xf32, #tpu.memory_space<vmem>> -> memref<1x112x16xf32, #tpu.memory_space<vmem>>
    %dma_wait3A_353 = tpu.memref_squeeze %dma_wait3A_352 : memref<1x112x16xf32, #tpu.memory_space<vmem>> -> memref<112x16xf32, #tpu.memory_space<vmem>>
    %dma_wait3A_354 = arith.constant 448 : i32
    %dma_wait3A_355 = tpu.memref_slice %arg11[%dma_wait3A_354] : memref<784xi32, #tpu.memory_space<vmem>> -> memref<112xi32, #tpu.memory_space<vmem>>
    %dma_wait3A_356 = arith.constant 0 : i32
    %dma_wait3A_357 = arith.constant 0 : i32
    %dma_wait3A_358 = tpu.memref_slice %arg4[%dma_wait3A_356, %dma_wait3A_357] : memref<100000x16xf32, #tpu.memory_space<hbm>> -> memref<100000x16xf32, #tpu.memory_space<hbm>>
    tpu.wait_indirect_dma semaphore(%arg21 : memref<!tpu.dma_semaphore, #tpu.memory_space<semaphore_mem>>) src(%dma_wait3A_358 : memref<100000x16xf32, #tpu.memory_space<hbm>>) dst(%dma_wait3A_353 : memref<112x16xf32, #tpu.memory_space<vmem>>)
    %run_scoped3A_359 = arith.constant 0 : i32
    "tpu.region"() ({
      %run_scoped3A_471 = tpu.sem_alloc : memref<!tpu.dma_semaphore, #tpu.memory_space<semaphore_mem>>
      %dma_start3A_472 = arith.constant 0 : i32
      %dma_start3A_473 = arith.constant 0 : i32
      %dma_start3A_474 = tpu.memref_slice %arg14[%run_scoped3A_359, %dma_start3A_472, %dma_start3A_473] : memref<2x112x16xf32, #tpu.memory_space<vmem>> -> memref<1x112x16xf32, #tpu.memory_space<vmem>>
      %dma_start3A_475 = tpu.memref_squeeze %dma_start3A_474 : memref<1x112x16xf32, #tpu.memory_space<vmem>> -> memref<112x16xf32, #tpu.memory_space<vmem>>
      %dma_start3A_476 = arith.constant 0 : i32
      %dma_start3A_477 = tpu.memref_slice %arg9[%multiple_of3A_326, %dma_start3A_476] : memref<25088x16xf32, #tpu.memory_space<hbm>> -> memref<112x16xf32, #tpu.memory_space<hbm>>
      %dma_start3A_478 = arith.constant 0 : i32
      %dma_start3A_479 = tpu.memref_slice %arg9[%multiple_of3A_326, %dma_start3A_478] : memref<25088x16xf32, #tpu.memory_space<hbm>> -> memref<112x16xf32, #tpu.memory_space<hbm>>
      %dma_start3A_480 = arith.constant 0 : i32
      %dma_start3A_481 = arith.constant 0 : i32
      %dma_start3A_482 = tpu.memref_slice %arg14[%run_scoped3A_359, %dma_start3A_480, %dma_start3A_481] : memref<2x112x16xf32, #tpu.memory_space<vmem>> -> memref<1x112x16xf32, #tpu.memory_space<vmem>>
      %dma_start3A_483 = tpu.memref_squeeze %dma_start3A_482 : memref<1x112x16xf32, #tpu.memory_space<vmem>> -> memref<112x16xf32, #tpu.memory_space<vmem>>
      tpu.enqueue_dma source(%dma_start3A_483 : memref<112x16xf32, #tpu.memory_space<vmem>>) target(%dma_start3A_479 : memref<112x16xf32, #tpu.memory_space<hbm>>) target_semaphore(%run_scoped3A_471 : memref<!tpu.dma_semaphore, #tpu.memory_space<semaphore_mem>>)
      %dma_wait3A_484 = arith.constant 0 : i32
      %dma_wait3A_485 = arith.constant 0 : i32
      %dma_wait3A_486 = tpu.memref_slice %arg14[%run_scoped3A_359, %dma_wait3A_484, %dma_wait3A_485] : memref<2x112x16xf32, #tpu.memory_space<vmem>> -> memref<1x112x16xf32, #tpu.memory_space<vmem>>
      %dma_wait3A_487 = tpu.memref_squeeze %dma_wait3A_486 : memref<1x112x16xf32, #tpu.memory_space<vmem>> -> memref<112x16xf32, #tpu.memory_space<vmem>>
      %dma_wait3A_488 = arith.constant 0 : i32
      %dma_wait3A_489 = tpu.memref_slice %arg9[%multiple_of3A_326, %dma_wait3A_488] : memref<25088x16xf32, #tpu.memory_space<hbm>> -> memref<112x16xf32, #tpu.memory_space<hbm>>
      %dma_wait3A_490 = arith.constant 0 : i32
      %dma_wait3A_491 = tpu.memref_slice %arg9[%multiple_of3A_326, %dma_wait3A_490] : memref<25088x16xf32, #tpu.memory_space<hbm>> -> memref<112x16xf32, #tpu.memory_space<hbm>>
      %dma_wait3A_492 = arith.constant 0 : i32
      %dma_wait3A_493 = arith.constant 0 : i32
      %dma_wait3A_494 = tpu.memref_slice %arg14[%run_scoped3A_359, %dma_wait3A_492, %dma_wait3A_493] : memref<2x112x16xf32, #tpu.memory_space<vmem>> -> memref<1x112x16xf32, #tpu.memory_space<vmem>>
      %dma_wait3A_495 = tpu.memref_squeeze %dma_wait3A_494 : memref<1x112x16xf32, #tpu.memory_space<vmem>> -> memref<112x16xf32, #tpu.memory_space<vmem>>
      tpu.wait_dma2 semaphore(%run_scoped3A_471 : memref<!tpu.dma_semaphore, #tpu.memory_space<semaphore_mem>>) src(%dma_wait3A_495 : memref<112x16xf32, #tpu.memory_space<vmem>>) dst(%dma_wait3A_491 : memref<112x16xf32, #tpu.memory_space<hbm>>)
      tpu.yield
    }) : () -> ()
    %dma_start3A_360 = arith.constant 0 : i32
    %dma_start3A_361 = arith.constant 0 : i32
    %dma_start3A_362 = arith.constant 0 : i32
    %dma_start3A_363 = tpu.memref_slice %arg12[%dma_start3A_360, %dma_start3A_361, %dma_start3A_362] : memref<2x112x128xf32, #tpu.memory_space<vmem>> -> memref<1x112x128xf32, #tpu.memory_space<vmem>>
    %dma_start3A_364 = tpu.memref_squeeze %dma_start3A_363 : memref<1x112x128xf32, #tpu.memory_space<vmem>> -> memref<112x128xf32, #tpu.memory_space<vmem>>
    %dma_start3A_365 = arith.constant 672 : i32
    %dma_start3A_366 = tpu.memref_slice %arg11[%dma_start3A_365] : memref<784xi32, #tpu.memory_space<vmem>> -> memref<112xi32, #tpu.memory_space<vmem>>
    %dma_start3A_367 = arith.constant 0 : i32
    %dma_start3A_368 = arith.constant 0 : i32
    %dma_start3A_369 = tpu.memref_slice %arg2[%dma_start3A_367, %dma_start3A_368] : memref<100000x128xf32, #tpu.memory_space<hbm>> -> memref<100000x128xf32, #tpu.memory_space<hbm>>
    tpu.enqueue_indirect_dma source(%dma_start3A_369 : memref<100000x128xf32, #tpu.memory_space<hbm>>) target(%dma_start3A_364 : memref<112x128xf32, #tpu.memory_space<vmem>>) offsets(%dma_start3A_366 : memref<112xi32, #tpu.memory_space<vmem>>) semaphore(%arg17 : memref<!tpu.dma_semaphore, #tpu.memory_space<semaphore_mem>>)
    %dma_start3A_370 = arith.constant 0 : i32
    %dma_start3A_371 = arith.constant 0 : i32
    %dma_start3A_372 = arith.constant 0 : i32
    %dma_start3A_373 = tpu.memref_slice %arg13[%dma_start3A_370, %dma_start3A_371, %dma_start3A_372] : memref<2x112x64xf32, #tpu.memory_space<vmem>> -> memref<1x112x64xf32, #tpu.memory_space<vmem>>
    %dma_start3A_374 = tpu.memref_squeeze %dma_start3A_373 : memref<1x112x64xf32, #tpu.memory_space<vmem>> -> memref<112x64xf32, #tpu.memory_space<vmem>>
    %dma_start3A_375 = arith.constant 672 : i32
    %dma_start3A_376 = tpu.memref_slice %arg11[%dma_start3A_375] : memref<784xi32, #tpu.memory_space<vmem>> -> memref<112xi32, #tpu.memory_space<vmem>>
    %dma_start3A_377 = arith.constant 0 : i32
    %dma_start3A_378 = arith.constant 0 : i32
    %dma_start3A_379 = tpu.memref_slice %arg3[%dma_start3A_377, %dma_start3A_378] : memref<100000x64xf32, #tpu.memory_space<hbm>> -> memref<100000x64xf32, #tpu.memory_space<hbm>>
    tpu.enqueue_indirect_dma source(%dma_start3A_379 : memref<100000x64xf32, #tpu.memory_space<hbm>>) target(%dma_start3A_374 : memref<112x64xf32, #tpu.memory_space<vmem>>) offsets(%dma_start3A_376 : memref<112xi32, #tpu.memory_space<vmem>>) semaphore(%arg19 : memref<!tpu.dma_semaphore, #tpu.memory_space<semaphore_mem>>)
    %dma_start3A_380 = arith.constant 0 : i32
    %dma_start3A_381 = arith.constant 0 : i32
    %dma_start3A_382 = arith.constant 0 : i32
    %dma_start3A_383 = tpu.memref_slice %arg14[%dma_start3A_380, %dma_start3A_381, %dma_start3A_382] : memref<2x112x16xf32, #tpu.memory_space<vmem>> -> memref<1x112x16xf32, #tpu.memory_space<vmem>>
    %dma_start3A_384 = tpu.memref_squeeze %dma_start3A_383 : memref<1x112x16xf32, #tpu.memory_space<vmem>> -> memref<112x16xf32, #tpu.memory_space<vmem>>
    %dma_start3A_385 = arith.constant 672 : i32
    %dma_start3A_386 = tpu.memref_slice %arg11[%dma_start3A_385] : memref<784xi32, #tpu.memory_space<vmem>> -> memref<112xi32, #tpu.memory_space<vmem>>
    %dma_start3A_387 = arith.constant 0 : i32
    %dma_start3A_388 = arith.constant 0 : i32
    %dma_start3A_389 = tpu.memref_slice %arg4[%dma_start3A_387, %dma_start3A_388] : memref<100000x16xf32, #tpu.memory_space<hbm>> -> memref<100000x16xf32, #tpu.memory_space<hbm>>
    tpu.enqueue_indirect_dma source(%dma_start3A_389 : memref<100000x16xf32, #tpu.memory_space<hbm>>) target(%dma_start3A_384 : memref<112x16xf32, #tpu.memory_space<vmem>>) offsets(%dma_start3A_386 : memref<112xi32, #tpu.memory_space<vmem>>) semaphore(%arg21 : memref<!tpu.dma_semaphore, #tpu.memory_space<semaphore_mem>>)
    %add3A_390 = arith.constant 560 : i32
    %add3A_391 = arith.addi %multiple_of3A, %add3A_390 : i32
    %multiple_of3A_392 = tpu.assume_multiple %add3A_391, 8 : i32
    %dma_wait3A_393 = arith.constant 1 : i32
    %dma_wait3A_394 = arith.constant 0 : i32
    %dma_wait3A_395 = arith.constant 0 : i32
    %dma_wait3A_396 = tpu.memref_slice %arg12[%dma_wait3A_393, %dma_wait3A_394, %dma_wait3A_395] : memref<2x112x128xf32, #tpu.memory_space<vmem>> -> memref<1x112x128xf32, #tpu.memory_space<vmem>>
    %dma_wait3A_397 = tpu.memref_squeeze %dma_wait3A_396 : memref<1x112x128xf32, #tpu.memory_space<vmem>> -> memref<112x128xf32, #tpu.memory_space<vmem>>
    %dma_wait3A_398 = arith.constant 560 : i32
    %dma_wait3A_399 = tpu.memref_slice %arg11[%dma_wait3A_398] : memref<784xi32, #tpu.memory_space<vmem>> -> memref<112xi32, #tpu.memory_space<vmem>>
    %dma_wait3A_400 = arith.constant 0 : i32
    %dma_wait3A_401 = arith.constant 0 : i32
    %dma_wait3A_402 = tpu.memref_slice %arg2[%dma_wait3A_400, %dma_wait3A_401] : memref<100000x128xf32, #tpu.memory_space<hbm>> -> memref<100000x128xf32, #tpu.memory_space<hbm>>
    tpu.wait_indirect_dma semaphore(%arg18 : memref<!tpu.dma_semaphore, #tpu.memory_space<semaphore_mem>>) src(%dma_wait3A_402 : memref<100000x128xf32, #tpu.memory_space<hbm>>) dst(%dma_wait3A_397 : memref<112x128xf32, #tpu.memory_space<vmem>>)
    %run_scoped3A_403 = arith.constant 1 : i32
    "tpu.region"() ({
      %run_scoped3A_471 = tpu.sem_alloc : memref<!tpu.dma_semaphore, #tpu.memory_space<semaphore_mem>>
      %dma_start3A_472 = arith.constant 0 : i32
      %dma_start3A_473 = arith.constant 0 : i32
      %dma_start3A_474 = tpu.memref_slice %arg12[%run_scoped3A_403, %dma_start3A_472, %dma_start3A_473] : memref<2x112x128xf32, #tpu.memory_space<vmem>> -> memref<1x112x128xf32, #tpu.memory_space<vmem>>
      %dma_start3A_475 = tpu.memref_squeeze %dma_start3A_474 : memref<1x112x128xf32, #tpu.memory_space<vmem>> -> memref<112x128xf32, #tpu.memory_space<vmem>>
      %dma_start3A_476 = arith.constant 0 : i32
      %dma_start3A_477 = tpu.memref_slice %arg7[%multiple_of3A_392, %dma_start3A_476] : memref<25088x128xf32, #tpu.memory_space<hbm>> -> memref<112x128xf32, #tpu.memory_space<hbm>>
      %dma_start3A_478 = arith.constant 0 : i32
      %dma_start3A_479 = tpu.memref_slice %arg7[%multiple_of3A_392, %dma_start3A_478] : memref<25088x128xf32, #tpu.memory_space<hbm>> -> memref<112x128xf32, #tpu.memory_space<hbm>>
      %dma_start3A_480 = arith.constant 0 : i32
      %dma_start3A_481 = arith.constant 0 : i32
      %dma_start3A_482 = tpu.memref_slice %arg12[%run_scoped3A_403, %dma_start3A_480, %dma_start3A_481] : memref<2x112x128xf32, #tpu.memory_space<vmem>> -> memref<1x112x128xf32, #tpu.memory_space<vmem>>
      %dma_start3A_483 = tpu.memref_squeeze %dma_start3A_482 : memref<1x112x128xf32, #tpu.memory_space<vmem>> -> memref<112x128xf32, #tpu.memory_space<vmem>>
      tpu.enqueue_dma source(%dma_start3A_483 : memref<112x128xf32, #tpu.memory_space<vmem>>) target(%dma_start3A_479 : memref<112x128xf32, #tpu.memory_space<hbm>>) target_semaphore(%run_scoped3A_471 : memref<!tpu.dma_semaphore, #tpu.memory_space<semaphore_mem>>)
      %dma_wait3A_484 = arith.constant 0 : i32
      %dma_wait3A_485 = arith.constant 0 : i32
      %dma_wait3A_486 = tpu.memref_slice %arg12[%run_scoped3A_403, %dma_wait3A_484, %dma_wait3A_485] : memref<2x112x128xf32, #tpu.memory_space<vmem>> -> memref<1x112x128xf32, #tpu.memory_space<vmem>>
      %dma_wait3A_487 = tpu.memref_squeeze %dma_wait3A_486 : memref<1x112x128xf32, #tpu.memory_space<vmem>> -> memref<112x128xf32, #tpu.memory_space<vmem>>
      %dma_wait3A_488 = arith.constant 0 : i32
      %dma_wait3A_489 = tpu.memref_slice %arg7[%multiple_of3A_392, %dma_wait3A_488] : memref<25088x128xf32, #tpu.memory_space<hbm>> -> memref<112x128xf32, #tpu.memory_space<hbm>>
      %dma_wait3A_490 = arith.constant 0 : i32
      %dma_wait3A_491 = tpu.memref_slice %arg7[%multiple_of3A_392, %dma_wait3A_490] : memref<25088x128xf32, #tpu.memory_space<hbm>> -> memref<112x128xf32, #tpu.memory_space<hbm>>
      %dma_wait3A_492 = arith.constant 0 : i32
      %dma_wait3A_493 = arith.constant 0 : i32
      %dma_wait3A_494 = tpu.memref_slice %arg12[%run_scoped3A_403, %dma_wait3A_492, %dma_wait3A_493] : memref<2x112x128xf32, #tpu.memory_space<vmem>> -> memref<1x112x128xf32, #tpu.memory_space<vmem>>
      %dma_wait3A_495 = tpu.memref_squeeze %dma_wait3A_494 : memref<1x112x128xf32, #tpu.memory_space<vmem>> -> memref<112x128xf32, #tpu.memory_space<vmem>>
      tpu.wait_dma2 semaphore(%run_scoped3A_471 : memref<!tpu.dma_semaphore, #tpu.memory_space<semaphore_mem>>) src(%dma_wait3A_495 : memref<112x128xf32, #tpu.memory_space<vmem>>) dst(%dma_wait3A_491 : memref<112x128xf32, #tpu.memory_space<hbm>>)
      tpu.yield
    }) : () -> ()
    %dma_wait3A_404 = arith.constant 1 : i32
    %dma_wait3A_405 = arith.constant 0 : i32
    %dma_wait3A_406 = arith.constant 0 : i32
    %dma_wait3A_407 = tpu.memref_slice %arg13[%dma_wait3A_404, %dma_wait3A_405, %dma_wait3A_406] : memref<2x112x64xf32, #tpu.memory_space<vmem>> -> memref<1x112x64xf32, #tpu.memory_space<vmem>>
    %dma_wait3A_408 = tpu.memref_squeeze %dma_wait3A_407 : memref<1x112x64xf32, #tpu.memory_space<vmem>> -> memref<112x64xf32, #tpu.memory_space<vmem>>
    %dma_wait3A_409 = arith.constant 560 : i32
    %dma_wait3A_410 = tpu.memref_slice %arg11[%dma_wait3A_409] : memref<784xi32, #tpu.memory_space<vmem>> -> memref<112xi32, #tpu.memory_space<vmem>>
    %dma_wait3A_411 = arith.constant 0 : i32
    %dma_wait3A_412 = arith.constant 0 : i32
    %dma_wait3A_413 = tpu.memref_slice %arg3[%dma_wait3A_411, %dma_wait3A_412] : memref<100000x64xf32, #tpu.memory_space<hbm>> -> memref<100000x64xf32, #tpu.memory_space<hbm>>
    tpu.wait_indirect_dma semaphore(%arg20 : memref<!tpu.dma_semaphore, #tpu.memory_space<semaphore_mem>>) src(%dma_wait3A_413 : memref<100000x64xf32, #tpu.memory_space<hbm>>) dst(%dma_wait3A_408 : memref<112x64xf32, #tpu.memory_space<vmem>>)
    %run_scoped3A_414 = arith.constant 1 : i32
    "tpu.region"() ({
      %run_scoped3A_471 = tpu.sem_alloc : memref<!tpu.dma_semaphore, #tpu.memory_space<semaphore_mem>>
      %dma_start3A_472 = arith.constant 0 : i32
      %dma_start3A_473 = arith.constant 0 : i32
      %dma_start3A_474 = tpu.memref_slice %arg13[%run_scoped3A_414, %dma_start3A_472, %dma_start3A_473] : memref<2x112x64xf32, #tpu.memory_space<vmem>> -> memref<1x112x64xf32, #tpu.memory_space<vmem>>
      %dma_start3A_475 = tpu.memref_squeeze %dma_start3A_474 : memref<1x112x64xf32, #tpu.memory_space<vmem>> -> memref<112x64xf32, #tpu.memory_space<vmem>>
      %dma_start3A_476 = arith.constant 0 : i32
      %dma_start3A_477 = tpu.memref_slice %arg8[%multiple_of3A_392, %dma_start3A_476] : memref<25088x64xf32, #tpu.memory_space<hbm>> -> memref<112x64xf32, #tpu.memory_space<hbm>>
      %dma_start3A_478 = arith.constant 0 : i32
      %dma_start3A_479 = tpu.memref_slice %arg8[%multiple_of3A_392, %dma_start3A_478] : memref<25088x64xf32, #tpu.memory_space<hbm>> -> memref<112x64xf32, #tpu.memory_space<hbm>>
      %dma_start3A_480 = arith.constant 0 : i32
      %dma_start3A_481 = arith.constant 0 : i32
      %dma_start3A_482 = tpu.memref_slice %arg13[%run_scoped3A_414, %dma_start3A_480, %dma_start3A_481] : memref<2x112x64xf32, #tpu.memory_space<vmem>> -> memref<1x112x64xf32, #tpu.memory_space<vmem>>
      %dma_start3A_483 = tpu.memref_squeeze %dma_start3A_482 : memref<1x112x64xf32, #tpu.memory_space<vmem>> -> memref<112x64xf32, #tpu.memory_space<vmem>>
      tpu.enqueue_dma source(%dma_start3A_483 : memref<112x64xf32, #tpu.memory_space<vmem>>) target(%dma_start3A_479 : memref<112x64xf32, #tpu.memory_space<hbm>>) target_semaphore(%run_scoped3A_471 : memref<!tpu.dma_semaphore, #tpu.memory_space<semaphore_mem>>)
      %dma_wait3A_484 = arith.constant 0 : i32
      %dma_wait3A_485 = arith.constant 0 : i32
      %dma_wait3A_486 = tpu.memref_slice %arg13[%run_scoped3A_414, %dma_wait3A_484, %dma_wait3A_485] : memref<2x112x64xf32, #tpu.memory_space<vmem>> -> memref<1x112x64xf32, #tpu.memory_space<vmem>>
      %dma_wait3A_487 = tpu.memref_squeeze %dma_wait3A_486 : memref<1x112x64xf32, #tpu.memory_space<vmem>> -> memref<112x64xf32, #tpu.memory_space<vmem>>
      %dma_wait3A_488 = arith.constant 0 : i32
      %dma_wait3A_489 = tpu.memref_slice %arg8[%multiple_of3A_392, %dma_wait3A_488] : memref<25088x64xf32, #tpu.memory_space<hbm>> -> memref<112x64xf32, #tpu.memory_space<hbm>>
      %dma_wait3A_490 = arith.constant 0 : i32
      %dma_wait3A_491 = tpu.memref_slice %arg8[%multiple_of3A_392, %dma_wait3A_490] : memref<25088x64xf32, #tpu.memory_space<hbm>> -> memref<112x64xf32, #tpu.memory_space<hbm>>
      %dma_wait3A_492 = arith.constant 0 : i32
      %dma_wait3A_493 = arith.constant 0 : i32
      %dma_wait3A_494 = tpu.memref_slice %arg13[%run_scoped3A_414, %dma_wait3A_492, %dma_wait3A_493] : memref<2x112x64xf32, #tpu.memory_space<vmem>> -> memref<1x112x64xf32, #tpu.memory_space<vmem>>
      %dma_wait3A_495 = tpu.memref_squeeze %dma_wait3A_494 : memref<1x112x64xf32, #tpu.memory_space<vmem>> -> memref<112x64xf32, #tpu.memory_space<vmem>>
      tpu.wait_dma2 semaphore(%run_scoped3A_471 : memref<!tpu.dma_semaphore, #tpu.memory_space<semaphore_mem>>) src(%dma_wait3A_495 : memref<112x64xf32, #tpu.memory_space<vmem>>) dst(%dma_wait3A_491 : memref<112x64xf32, #tpu.memory_space<hbm>>)
      tpu.yield
    }) : () -> ()
    %dma_wait3A_415 = arith.constant 1 : i32
    %dma_wait3A_416 = arith.constant 0 : i32
    %dma_wait3A_417 = arith.constant 0 : i32
    %dma_wait3A_418 = tpu.memref_slice %arg14[%dma_wait3A_415, %dma_wait3A_416, %dma_wait3A_417] : memref<2x112x16xf32, #tpu.memory_space<vmem>> -> memref<1x112x16xf32, #tpu.memory_space<vmem>>
    %dma_wait3A_419 = tpu.memref_squeeze %dma_wait3A_418 : memref<1x112x16xf32, #tpu.memory_space<vmem>> -> memref<112x16xf32, #tpu.memory_space<vmem>>
    %dma_wait3A_420 = arith.constant 560 : i32
    %dma_wait3A_421 = tpu.memref_slice %arg11[%dma_wait3A_420] : memref<784xi32, #tpu.memory_space<vmem>> -> memref<112xi32, #tpu.memory_space<vmem>>
    %dma_wait3A_422 = arith.constant 0 : i32
    %dma_wait3A_423 = arith.constant 0 : i32
    %dma_wait3A_424 = tpu.memref_slice %arg4[%dma_wait3A_422, %dma_wait3A_423] : memref<100000x16xf32, #tpu.memory_space<hbm>> -> memref<100000x16xf32, #tpu.memory_space<hbm>>
    tpu.wait_indirect_dma semaphore(%arg22 : memref<!tpu.dma_semaphore, #tpu.memory_space<semaphore_mem>>) src(%dma_wait3A_424 : memref<100000x16xf32, #tpu.memory_space<hbm>>) dst(%dma_wait3A_419 : memref<112x16xf32, #tpu.memory_space<vmem>>)
    %run_scoped3A_425 = arith.constant 1 : i32
    "tpu.region"() ({
      %run_scoped3A_471 = tpu.sem_alloc : memref<!tpu.dma_semaphore, #tpu.memory_space<semaphore_mem>>
      %dma_start3A_472 = arith.constant 0 : i32
      %dma_start3A_473 = arith.constant 0 : i32
      %dma_start3A_474 = tpu.memref_slice %arg14[%run_scoped3A_425, %dma_start3A_472, %dma_start3A_473] : memref<2x112x16xf32, #tpu.memory_space<vmem>> -> memref<1x112x16xf32, #tpu.memory_space<vmem>>
      %dma_start3A_475 = tpu.memref_squeeze %dma_start3A_474 : memref<1x112x16xf32, #tpu.memory_space<vmem>> -> memref<112x16xf32, #tpu.memory_space<vmem>>
      %dma_start3A_476 = arith.constant 0 : i32
      %dma_start3A_477 = tpu.memref_slice %arg9[%multiple_of3A_392, %dma_start3A_476] : memref<25088x16xf32, #tpu.memory_space<hbm>> -> memref<112x16xf32, #tpu.memory_space<hbm>>
      %dma_start3A_478 = arith.constant 0 : i32
      %dma_start3A_479 = tpu.memref_slice %arg9[%multiple_of3A_392, %dma_start3A_478] : memref<25088x16xf32, #tpu.memory_space<hbm>> -> memref<112x16xf32, #tpu.memory_space<hbm>>
      %dma_start3A_480 = arith.constant 0 : i32
      %dma_start3A_481 = arith.constant 0 : i32
      %dma_start3A_482 = tpu.memref_slice %arg14[%run_scoped3A_425, %dma_start3A_480, %dma_start3A_481] : memref<2x112x16xf32, #tpu.memory_space<vmem>> -> memref<1x112x16xf32, #tpu.memory_space<vmem>>
      %dma_start3A_483 = tpu.memref_squeeze %dma_start3A_482 : memref<1x112x16xf32, #tpu.memory_space<vmem>> -> memref<112x16xf32, #tpu.memory_space<vmem>>
      tpu.enqueue_dma source(%dma_start3A_483 : memref<112x16xf32, #tpu.memory_space<vmem>>) target(%dma_start3A_479 : memref<112x16xf32, #tpu.memory_space<hbm>>) target_semaphore(%run_scoped3A_471 : memref<!tpu.dma_semaphore, #tpu.memory_space<semaphore_mem>>)
      %dma_wait3A_484 = arith.constant 0 : i32
      %dma_wait3A_485 = arith.constant 0 : i32
      %dma_wait3A_486 = tpu.memref_slice %arg14[%run_scoped3A_425, %dma_wait3A_484, %dma_wait3A_485] : memref<2x112x16xf32, #tpu.memory_space<vmem>> -> memref<1x112x16xf32, #tpu.memory_space<vmem>>
      %dma_wait3A_487 = tpu.memref_squeeze %dma_wait3A_486 : memref<1x112x16xf32, #tpu.memory_space<vmem>> -> memref<112x16xf32, #tpu.memory_space<vmem>>
      %dma_wait3A_488 = arith.constant 0 : i32
      %dma_wait3A_489 = tpu.memref_slice %arg9[%multiple_of3A_392, %dma_wait3A_488] : memref<25088x16xf32, #tpu.memory_space<hbm>> -> memref<112x16xf32, #tpu.memory_space<hbm>>
      %dma_wait3A_490 = arith.constant 0 : i32
      %dma_wait3A_491 = tpu.memref_slice %arg9[%multiple_of3A_392, %dma_wait3A_490] : memref<25088x16xf32, #tpu.memory_space<hbm>> -> memref<112x16xf32, #tpu.memory_space<hbm>>
      %dma_wait3A_492 = arith.constant 0 : i32
      %dma_wait3A_493 = arith.constant 0 : i32
      %dma_wait3A_494 = tpu.memref_slice %arg14[%run_scoped3A_425, %dma_wait3A_492, %dma_wait3A_493] : memref<2x112x16xf32, #tpu.memory_space<vmem>> -> memref<1x112x16xf32, #tpu.memory_space<vmem>>
      %dma_wait3A_495 = tpu.memref_squeeze %dma_wait3A_494 : memref<1x112x16xf32, #tpu.memory_space<vmem>> -> memref<112x16xf32, #tpu.memory_space<vmem>>
      tpu.wait_dma2 semaphore(%run_scoped3A_471 : memref<!tpu.dma_semaphore, #tpu.memory_space<semaphore_mem>>) src(%dma_wait3A_495 : memref<112x16xf32, #tpu.memory_space<vmem>>) dst(%dma_wait3A_491 : memref<112x16xf32, #tpu.memory_space<hbm>>)
      tpu.yield
    }) : () -> ()
    %add3A_426 = arith.constant 672 : i32
    %add3A_427 = arith.addi %multiple_of3A, %add3A_426 : i32
    %multiple_of3A_428 = tpu.assume_multiple %add3A_427, 8 : i32
    %dma_wait3A_429 = arith.constant 0 : i32
    %dma_wait3A_430 = arith.constant 0 : i32
    %dma_wait3A_431 = arith.constant 0 : i32
    %dma_wait3A_432 = tpu.memref_slice %arg12[%dma_wait3A_429, %dma_wait3A_430, %dma_wait3A_431] : memref<2x112x128xf32, #tpu.memory_space<vmem>> -> memref<1x112x128xf32, #tpu.memory_space<vmem>>
    %dma_wait3A_433 = tpu.memref_squeeze %dma_wait3A_432 : memref<1x112x128xf32, #tpu.memory_space<vmem>> -> memref<112x128xf32, #tpu.memory_space<vmem>>
    %dma_wait3A_434 = arith.constant 672 : i32
    %dma_wait3A_435 = tpu.memref_slice %arg11[%dma_wait3A_434] : memref<784xi32, #tpu.memory_space<vmem>> -> memref<112xi32, #tpu.memory_space<vmem>>
    %dma_wait3A_436 = arith.constant 0 : i32
    %dma_wait3A_437 = arith.constant 0 : i32
    %dma_wait3A_438 = tpu.memref_slice %arg2[%dma_wait3A_436, %dma_wait3A_437] : memref<100000x128xf32, #tpu.memory_space<hbm>> -> memref<100000x128xf32, #tpu.memory_space<hbm>>
    tpu.wait_indirect_dma semaphore(%arg17 : memref<!tpu.dma_semaphore, #tpu.memory_space<semaphore_mem>>) src(%dma_wait3A_438 : memref<100000x128xf32, #tpu.memory_space<hbm>>) dst(%dma_wait3A_433 : memref<112x128xf32, #tpu.memory_space<vmem>>)
    %run_scoped3A_439 = arith.constant 0 : i32
    "tpu.region"() ({
      %run_scoped3A_471 = tpu.sem_alloc : memref<!tpu.dma_semaphore, #tpu.memory_space<semaphore_mem>>
      %dma_start3A_472 = arith.constant 0 : i32
      %dma_start3A_473 = arith.constant 0 : i32
      %dma_start3A_474 = tpu.memref_slice %arg12[%run_scoped3A_439, %dma_start3A_472, %dma_start3A_473] : memref<2x112x128xf32, #tpu.memory_space<vmem>> -> memref<1x112x128xf32, #tpu.memory_space<vmem>>
      %dma_start3A_475 = tpu.memref_squeeze %dma_start3A_474 : memref<1x112x128xf32, #tpu.memory_space<vmem>> -> memref<112x128xf32, #tpu.memory_space<vmem>>
      %dma_start3A_476 = arith.constant 0 : i32
      %dma_start3A_477 = tpu.memref_slice %arg7[%multiple_of3A_428, %dma_start3A_476] : memref<25088x128xf32, #tpu.memory_space<hbm>> -> memref<112x128xf32, #tpu.memory_space<hbm>>
      %dma_start3A_478 = arith.constant 0 : i32
      %dma_start3A_479 = tpu.memref_slice %arg7[%multiple_of3A_428, %dma_start3A_478] : memref<25088x128xf32, #tpu.memory_space<hbm>> -> memref<112x128xf32, #tpu.memory_space<hbm>>
      %dma_start3A_480 = arith.constant 0 : i32
      %dma_start3A_481 = arith.constant 0 : i32
      %dma_start3A_482 = tpu.memref_slice %arg12[%run_scoped3A_439, %dma_start3A_480, %dma_start3A_481] : memref<2x112x128xf32, #tpu.memory_space<vmem>> -> memref<1x112x128xf32, #tpu.memory_space<vmem>>
      %dma_start3A_483 = tpu.memref_squeeze %dma_start3A_482 : memref<1x112x128xf32, #tpu.memory_space<vmem>> -> memref<112x128xf32, #tpu.memory_space<vmem>>
      tpu.enqueue_dma source(%dma_start3A_483 : memref<112x128xf32, #tpu.memory_space<vmem>>) target(%dma_start3A_479 : memref<112x128xf32, #tpu.memory_space<hbm>>) target_semaphore(%run_scoped3A_471 : memref<!tpu.dma_semaphore, #tpu.memory_space<semaphore_mem>>)
      %dma_wait3A_484 = arith.constant 0 : i32
      %dma_wait3A_485 = arith.constant 0 : i32
      %dma_wait3A_486 = tpu.memref_slice %arg12[%run_scoped3A_439, %dma_wait3A_484, %dma_wait3A_485] : memref<2x112x128xf32, #tpu.memory_space<vmem>> -> memref<1x112x128xf32, #tpu.memory_space<vmem>>
      %dma_wait3A_487 = tpu.memref_squeeze %dma_wait3A_486 : memref<1x112x128xf32, #tpu.memory_space<vmem>> -> memref<112x128xf32, #tpu.memory_space<vmem>>
      %dma_wait3A_488 = arith.constant 0 : i32
      %dma_wait3A_489 = tpu.memref_slice %arg7[%multiple_of3A_428, %dma_wait3A_488] : memref<25088x128xf32, #tpu.memory_space<hbm>> -> memref<112x128xf32, #tpu.memory_space<hbm>>
      %dma_wait3A_490 = arith.constant 0 : i32
      %dma_wait3A_491 = tpu.memref_slice %arg7[%multiple_of3A_428, %dma_wait3A_490] : memref<25088x128xf32, #tpu.memory_space<hbm>> -> memref<112x128xf32, #tpu.memory_space<hbm>>
      %dma_wait3A_492 = arith.constant 0 : i32
      %dma_wait3A_493 = arith.constant 0 : i32
      %dma_wait3A_494 = tpu.memref_slice %arg12[%run_scoped3A_439, %dma_wait3A_492, %dma_wait3A_493] : memref<2x112x128xf32, #tpu.memory_space<vmem>> -> memref<1x112x128xf32, #tpu.memory_space<vmem>>
      %dma_wait3A_495 = tpu.memref_squeeze %dma_wait3A_494 : memref<1x112x128xf32, #tpu.memory_space<vmem>> -> memref<112x128xf32, #tpu.memory_space<vmem>>
      tpu.wait_dma2 semaphore(%run_scoped3A_471 : memref<!tpu.dma_semaphore, #tpu.memory_space<semaphore_mem>>) src(%dma_wait3A_495 : memref<112x128xf32, #tpu.memory_space<vmem>>) dst(%dma_wait3A_491 : memref<112x128xf32, #tpu.memory_space<hbm>>)
      tpu.yield
    }) : () -> ()
    %dma_wait3A_440 = arith.constant 0 : i32
    %dma_wait3A_441 = arith.constant 0 : i32
    %dma_wait3A_442 = arith.constant 0 : i32
    %dma_wait3A_443 = tpu.memref_slice %arg13[%dma_wait3A_440, %dma_wait3A_441, %dma_wait3A_442] : memref<2x112x64xf32, #tpu.memory_space<vmem>> -> memref<1x112x64xf32, #tpu.memory_space<vmem>>
    %dma_wait3A_444 = tpu.memref_squeeze %dma_wait3A_443 : memref<1x112x64xf32, #tpu.memory_space<vmem>> -> memref<112x64xf32, #tpu.memory_space<vmem>>
    %dma_wait3A_445 = arith.constant 672 : i32
    %dma_wait3A_446 = tpu.memref_slice %arg11[%dma_wait3A_445] : memref<784xi32, #tpu.memory_space<vmem>> -> memref<112xi32, #tpu.memory_space<vmem>>
    %dma_wait3A_447 = arith.constant 0 : i32
    %dma_wait3A_448 = arith.constant 0 : i32
    %dma_wait3A_449 = tpu.memref_slice %arg3[%dma_wait3A_447, %dma_wait3A_448] : memref<100000x64xf32, #tpu.memory_space<hbm>> -> memref<100000x64xf32, #tpu.memory_space<hbm>>
    tpu.wait_indirect_dma semaphore(%arg19 : memref<!tpu.dma_semaphore, #tpu.memory_space<semaphore_mem>>) src(%dma_wait3A_449 : memref<100000x64xf32, #tpu.memory_space<hbm>>) dst(%dma_wait3A_444 : memref<112x64xf32, #tpu.memory_space<vmem>>)
    %run_scoped3A_450 = arith.constant 0 : i32
    "tpu.region"() ({
      %run_scoped3A_471 = tpu.sem_alloc : memref<!tpu.dma_semaphore, #tpu.memory_space<semaphore_mem>>
      %dma_start3A_472 = arith.constant 0 : i32
      %dma_start3A_473 = arith.constant 0 : i32
      %dma_start3A_474 = tpu.memref_slice %arg13[%run_scoped3A_450, %dma_start3A_472, %dma_start3A_473] : memref<2x112x64xf32, #tpu.memory_space<vmem>> -> memref<1x112x64xf32, #tpu.memory_space<vmem>>
      %dma_start3A_475 = tpu.memref_squeeze %dma_start3A_474 : memref<1x112x64xf32, #tpu.memory_space<vmem>> -> memref<112x64xf32, #tpu.memory_space<vmem>>
      %dma_start3A_476 = arith.constant 0 : i32
      %dma_start3A_477 = tpu.memref_slice %arg8[%multiple_of3A_428, %dma_start3A_476] : memref<25088x64xf32, #tpu.memory_space<hbm>> -> memref<112x64xf32, #tpu.memory_space<hbm>>
      %dma_start3A_478 = arith.constant 0 : i32
      %dma_start3A_479 = tpu.memref_slice %arg8[%multiple_of3A_428, %dma_start3A_478] : memref<25088x64xf32, #tpu.memory_space<hbm>> -> memref<112x64xf32, #tpu.memory_space<hbm>>
      %dma_start3A_480 = arith.constant 0 : i32
      %dma_start3A_481 = arith.constant 0 : i32
      %dma_start3A_482 = tpu.memref_slice %arg13[%run_scoped3A_450, %dma_start3A_480, %dma_start3A_481] : memref<2x112x64xf32, #tpu.memory_space<vmem>> -> memref<1x112x64xf32, #tpu.memory_space<vmem>>
      %dma_start3A_483 = tpu.memref_squeeze %dma_start3A_482 : memref<1x112x64xf32, #tpu.memory_space<vmem>> -> memref<112x64xf32, #tpu.memory_space<vmem>>
      tpu.enqueue_dma source(%dma_start3A_483 : memref<112x64xf32, #tpu.memory_space<vmem>>) target(%dma_start3A_479 : memref<112x64xf32, #tpu.memory_space<hbm>>) target_semaphore(%run_scoped3A_471 : memref<!tpu.dma_semaphore, #tpu.memory_space<semaphore_mem>>)
      %dma_wait3A_484 = arith.constant 0 : i32
      %dma_wait3A_485 = arith.constant 0 : i32
      %dma_wait3A_486 = tpu.memref_slice %arg13[%run_scoped3A_450, %dma_wait3A_484, %dma_wait3A_485] : memref<2x112x64xf32, #tpu.memory_space<vmem>> -> memref<1x112x64xf32, #tpu.memory_space<vmem>>
      %dma_wait3A_487 = tpu.memref_squeeze %dma_wait3A_486 : memref<1x112x64xf32, #tpu.memory_space<vmem>> -> memref<112x64xf32, #tpu.memory_space<vmem>>
      %dma_wait3A_488 = arith.constant 0 : i32
      %dma_wait3A_489 = tpu.memref_slice %arg8[%multiple_of3A_428, %dma_wait3A_488] : memref<25088x64xf32, #tpu.memory_space<hbm>> -> memref<112x64xf32, #tpu.memory_space<hbm>>
      %dma_wait3A_490 = arith.constant 0 : i32
      %dma_wait3A_491 = tpu.memref_slice %arg8[%multiple_of3A_428, %dma_wait3A_490] : memref<25088x64xf32, #tpu.memory_space<hbm>> -> memref<112x64xf32, #tpu.memory_space<hbm>>
      %dma_wait3A_492 = arith.constant 0 : i32
      %dma_wait3A_493 = arith.constant 0 : i32
      %dma_wait3A_494 = tpu.memref_slice %arg13[%run_scoped3A_450, %dma_wait3A_492, %dma_wait3A_493] : memref<2x112x64xf32, #tpu.memory_space<vmem>> -> memref<1x112x64xf32, #tpu.memory_space<vmem>>
      %dma_wait3A_495 = tpu.memref_squeeze %dma_wait3A_494 : memref<1x112x64xf32, #tpu.memory_space<vmem>> -> memref<112x64xf32, #tpu.memory_space<vmem>>
      tpu.wait_dma2 semaphore(%run_scoped3A_471 : memref<!tpu.dma_semaphore, #tpu.memory_space<semaphore_mem>>) src(%dma_wait3A_495 : memref<112x64xf32, #tpu.memory_space<vmem>>) dst(%dma_wait3A_491 : memref<112x64xf32, #tpu.memory_space<hbm>>)
      tpu.yield
    }) : () -> ()
    %dma_wait3A_451 = arith.constant 0 : i32
    %dma_wait3A_452 = arith.constant 0 : i32
    %dma_wait3A_453 = arith.constant 0 : i32
    %dma_wait3A_454 = tpu.memref_slice %arg14[%dma_wait3A_451, %dma_wait3A_452, %dma_wait3A_453] : memref<2x112x16xf32, #tpu.memory_space<vmem>> -> memref<1x112x16xf32, #tpu.memory_space<vmem>>
    %dma_wait3A_455 = tpu.memref_squeeze %dma_wait3A_454 : memref<1x112x16xf32, #tpu.memory_space<vmem>> -> memref<112x16xf32, #tpu.memory_space<vmem>>
    %dma_wait3A_456 = arith.constant 672 : i32
    %dma_wait3A_457 = tpu.memref_slice %arg11[%dma_wait3A_456] : memref<784xi32, #tpu.memory_space<vmem>> -> memref<112xi32, #tpu.memory_space<vmem>>
    %dma_wait3A_458 = arith.constant 0 : i32
    %dma_wait3A_459 = arith.constant 0 : i32
    %dma_wait3A_460 = tpu.memref_slice %arg4[%dma_wait3A_458, %dma_wait3A_459] : memref<100000x16xf32, #tpu.memory_space<hbm>> -> memref<100000x16xf32, #tpu.memory_space<hbm>>
    tpu.wait_indirect_dma semaphore(%arg21 : memref<!tpu.dma_semaphore, #tpu.memory_space<semaphore_mem>>) src(%dma_wait3A_460 : memref<100000x16xf32, #tpu.memory_space<hbm>>) dst(%dma_wait3A_455 : memref<112x16xf32, #tpu.memory_space<vmem>>)
    %run_scoped3A_461 = arith.constant 0 : i32
    "tpu.region"() ({
      %run_scoped3A_471 = tpu.sem_alloc : memref<!tpu.dma_semaphore, #tpu.memory_space<semaphore_mem>>
      %dma_start3A_472 = arith.constant 0 : i32
      %dma_start3A_473 = arith.constant 0 : i32
      %dma_start3A_474 = tpu.memref_slice %arg14[%run_scoped3A_461, %dma_start3A_472, %dma_start3A_473] : memref<2x112x16xf32, #tpu.memory_space<vmem>> -> memref<1x112x16xf32, #tpu.memory_space<vmem>>
      %dma_start3A_475 = tpu.memref_squeeze %dma_start3A_474 : memref<1x112x16xf32, #tpu.memory_space<vmem>> -> memref<112x16xf32, #tpu.memory_space<vmem>>
      %dma_start3A_476 = arith.constant 0 : i32
      %dma_start3A_477 = tpu.memref_slice %arg9[%multiple_of3A_428, %dma_start3A_476] : memref<25088x16xf32, #tpu.memory_space<hbm>> -> memref<112x16xf32, #tpu.memory_space<hbm>>
      %dma_start3A_478 = arith.constant 0 : i32
      %dma_start3A_479 = tpu.memref_slice %arg9[%multiple_of3A_428, %dma_start3A_478] : memref<25088x16xf32, #tpu.memory_space<hbm>> -> memref<112x16xf32, #tpu.memory_space<hbm>>
      %dma_start3A_480 = arith.constant 0 : i32
      %dma_start3A_481 = arith.constant 0 : i32
      %dma_start3A_482 = tpu.memref_slice %arg14[%run_scoped3A_461, %dma_start3A_480, %dma_start3A_481] : memref<2x112x16xf32, #tpu.memory_space<vmem>> -> memref<1x112x16xf32, #tpu.memory_space<vmem>>
      %dma_start3A_483 = tpu.memref_squeeze %dma_start3A_482 : memref<1x112x16xf32, #tpu.memory_space<vmem>> -> memref<112x16xf32, #tpu.memory_space<vmem>>
      tpu.enqueue_dma source(%dma_start3A_483 : memref<112x16xf32, #tpu.memory_space<vmem>>) target(%dma_start3A_479 : memref<112x16xf32, #tpu.memory_space<hbm>>) target_semaphore(%run_scoped3A_471 : memref<!tpu.dma_semaphore, #tpu.memory_space<semaphore_mem>>)
      %dma_wait3A_484 = arith.constant 0 : i32
      %dma_wait3A_485 = arith.constant 0 : i32
      %dma_wait3A_486 = tpu.memref_slice %arg14[%run_scoped3A_461, %dma_wait3A_484, %dma_wait3A_485] : memref<2x112x16xf32, #tpu.memory_space<vmem>> -> memref<1x112x16xf32, #tpu.memory_space<vmem>>
      %dma_wait3A_487 = tpu.memref_squeeze %dma_wait3A_486 : memref<1x112x16xf32, #tpu.memory_space<vmem>> -> memref<112x16xf32, #tpu.memory_space<vmem>>
      %dma_wait3A_488 = arith.constant 0 : i32
      %dma_wait3A_489 = tpu.memref_slice %arg9[%multiple_of3A_428, %dma_wait3A_488] : memref<25088x16xf32, #tpu.memory_space<hbm>> -> memref<112x16xf32, #tpu.memory_space<hbm>>
      %dma_wait3A_490 = arith.constant 0 : i32
      %dma_wait3A_491 = tpu.memref_slice %arg9[%multiple_of3A_428, %dma_wait3A_490] : memref<25088x16xf32, #tpu.memory_space<hbm>> -> memref<112x16xf32, #tpu.memory_space<hbm>>
      %dma_wait3A_492 = arith.constant 0 : i32
      %dma_wait3A_493 = arith.constant 0 : i32
      %dma_wait3A_494 = tpu.memref_slice %arg14[%run_scoped3A_461, %dma_wait3A_492, %dma_wait3A_493] : memref<2x112x16xf32, #tpu.memory_space<vmem>> -> memref<1x112x16xf32, #tpu.memory_space<vmem>>
      %dma_wait3A_495 = tpu.memref_squeeze %dma_wait3A_494 : memref<1x112x16xf32, #tpu.memory_space<vmem>> -> memref<112x16xf32, #tpu.memory_space<vmem>>
      tpu.wait_dma2 semaphore(%run_scoped3A_471 : memref<!tpu.dma_semaphore, #tpu.memory_space<semaphore_mem>>) src(%dma_wait3A_495 : memref<112x16xf32, #tpu.memory_space<vmem>>) dst(%dma_wait3A_491 : memref<112x16xf32, #tpu.memory_space<hbm>>)
      tpu.yield
    }) : () -> ()
    %mul3A_462 = arith.constant 32 : i32
    %mul3A_463 = arith.muli %add3A, %mul3A_462 : i32
    %multiple_of3A_464 = tpu.assume_multiple %mul3A_463, 8 : i32
    "tpu.region"() ({
      %run_scoped3A_471 = tpu.sem_alloc : memref<!tpu.dma_semaphore, #tpu.memory_space<semaphore_mem>>
      %dma_start3A_472 = tpu.memref_slice %arg6[%multiple_of3A_464] : memref<1024xi32, #tpu.memory_space<hbm>> -> memref<32xi32, #tpu.memory_space<hbm>>
      %dma_start3A_473 = tpu.memref_slice %arg6[%multiple_of3A_464] : memref<1024xi32, #tpu.memory_space<hbm>> -> memref<32xi32, #tpu.memory_space<hbm>>
      tpu.enqueue_dma source(%dma_start3A_473 : memref<32xi32, #tpu.memory_space<hbm>>) target(%arg15 : memref<32xi32, #tpu.memory_space<vmem>>) target_semaphore(%run_scoped3A_471 : memref<!tpu.dma_semaphore, #tpu.memory_space<semaphore_mem>>)
      %dma_wait3A_474 = tpu.memref_slice %arg6[%multiple_of3A_464] : memref<1024xi32, #tpu.memory_space<hbm>> -> memref<32xi32, #tpu.memory_space<hbm>>
      %dma_wait3A_475 = tpu.memref_slice %arg6[%multiple_of3A_464] : memref<1024xi32, #tpu.memory_space<hbm>> -> memref<32xi32, #tpu.memory_space<hbm>>
      tpu.wait_dma2 semaphore(%run_scoped3A_471 : memref<!tpu.dma_semaphore, #tpu.memory_space<semaphore_mem>>) src(%dma_wait3A_475 : memref<32xi32, #tpu.memory_space<hbm>>) dst(%arg15 : memref<32xi32, #tpu.memory_space<vmem>>)
      tpu.yield
    }) : () -> ()
    %dma_start3A_465 = arith.constant 0 : i32
    %dma_start3A_466 = arith.constant 0 : i32
    %dma_start3A_467 = tpu.memref_slice %arg3[%dma_start3A_465, %dma_start3A_466] : memref<100000x64xf32, #tpu.memory_space<hbm>> -> memref<100000x64xf32, #tpu.memory_space<hbm>>
    tpu.enqueue_indirect_dma source(%dma_start3A_467 : memref<100000x64xf32, #tpu.memory_space<hbm>>) target(%arg16 : memref<32x64xf32, #tpu.memory_space<vmem>>) offsets(%arg15 : memref<32xi32, #tpu.memory_space<vmem>>) semaphore(%arg17 : memref<!tpu.dma_semaphore, #tpu.memory_space<semaphore_mem>>)
    %dma_wait3A_468 = arith.constant 0 : i32
    %dma_wait3A_469 = arith.constant 0 : i32
    %dma_wait3A_470 = tpu.memref_slice %arg3[%dma_wait3A_468, %dma_wait3A_469] : memref<100000x64xf32, #tpu.memory_space<hbm>> -> memref<100000x64xf32, #tpu.memory_space<hbm>>
    tpu.wait_indirect_dma semaphore(%arg17 : memref<!tpu.dma_semaphore, #tpu.memory_space<semaphore_mem>>) src(%dma_wait3A_470 : memref<100000x64xf32, #tpu.memory_space<hbm>>) dst(%arg16 : memref<32x64xf32, #tpu.memory_space<vmem>>)
    "tpu.region"() ({
      %run_scoped3A_471 = tpu.sem_alloc : memref<!tpu.dma_semaphore, #tpu.memory_space<semaphore_mem>>
      %dma_start3A_472 = arith.constant 0 : i32
      %dma_start3A_473 = tpu.memref_slice %arg10[%multiple_of3A_464, %dma_start3A_472] : memref<1024x64xf32, #tpu.memory_space<hbm>> -> memref<32x64xf32, #tpu.memory_space<hbm>>
      %dma_start3A_474 = arith.constant 0 : i32
      %dma_start3A_475 = tpu.memref_slice %arg10[%multiple_of3A_464, %dma_start3A_474] : memref<1024x64xf32, #tpu.memory_space<hbm>> -> memref<32x64xf32, #tpu.memory_space<hbm>>
      tpu.enqueue_dma source(%arg16 : memref<32x64xf32, #tpu.memory_space<vmem>>) target(%dma_start3A_475 : memref<32x64xf32, #tpu.memory_space<hbm>>) target_semaphore(%run_scoped3A_471 : memref<!tpu.dma_semaphore, #tpu.memory_space<semaphore_mem>>)
      %dma_wait3A_476 = arith.constant 0 : i32
      %dma_wait3A_477 = tpu.memref_slice %arg10[%multiple_of3A_464, %dma_wait3A_476] : memref<1024x64xf32, #tpu.memory_space<hbm>> -> memref<32x64xf32, #tpu.memory_space<hbm>>
      %dma_wait3A_478 = arith.constant 0 : i32
      %dma_wait3A_479 = tpu.memref_slice %arg10[%multiple_of3A_464, %dma_wait3A_478] : memref<1024x64xf32, #tpu.memory_space<hbm>> -> memref<32x64xf32, #tpu.memory_space<hbm>>
      tpu.wait_dma2 semaphore(%run_scoped3A_471 : memref<!tpu.dma_semaphore, #tpu.memory_space<semaphore_mem>>) src(%arg16 : memref<32x64xf32, #tpu.memory_space<vmem>>) dst(%dma_wait3A_479 : memref<32x64xf32, #tpu.memory_space<hbm>>)
      tpu.yield
    }) : () -> ()
    return
  }
}

#map = affine_map<(d0, d1) -> (0, 0)>
#map1 = affine_map<(d0, d1) -> (0)>
module attributes {stable_mosaic.version = 14 : i64} {
  func.func @gather_kernel(%arg0: i32, %arg1: i32, %arg2: memref<100000x128xf32, #tpu.memory_space<hbm>>, %arg3: memref<100000x64xf32, #tpu.memory_space<hbm>>, %arg4: memref<100000x16xf32, #tpu.memory_space<hbm>>, %arg5: memref<25088xi32, #tpu.memory_space<hbm>>, %arg6: memref<25088x128xf32, #tpu.memory_space<hbm>>, %arg7: memref<25088x64xf32, #tpu.memory_space<hbm>>, %arg8: memref<25088x16xf32, #tpu.memory_space<hbm>>, %arg9: memref<784xi32, #tpu.memory_space<vmem>>, %arg10: memref<2x112x128xf32, #tpu.memory_space<vmem>>, %arg11: memref<2x112x64xf32, #tpu.memory_space<vmem>>, %arg12: memref<2x112x16xf32, #tpu.memory_space<vmem>>, %arg13: memref<!tpu.dma_semaphore, #tpu.memory_space<semaphore_mem>>, %arg14: memref<!tpu.dma_semaphore, #tpu.memory_space<semaphore_mem>>, %arg15: memref<!tpu.dma_semaphore, #tpu.memory_space<semaphore_mem>>, %arg16: memref<!tpu.dma_semaphore, #tpu.memory_space<semaphore_mem>>, %arg17: memref<!tpu.dma_semaphore, #tpu.memory_space<semaphore_mem>>, %arg18: memref<!tpu.dma_semaphore, #tpu.memory_space<semaphore_mem>>) attributes {dimension_semantics = [#tpu.dimension_semantics<core_parallel>, #tpu.dimension_semantics<subcore_parallel>], iteration_bounds = array<i64: 2, 16>, scalar_prefetch = 0 : i64, scratch_operands = 10 : i64, tpu.core_type = #tpu.core_type<sc_vector_subcore>, window_params = [{transform_indices = #map}, {transform_indices = #map}, {transform_indices = #map}, {transform_indices = #map1}, {transform_indices = #map}, {transform_indices = #map}, {transform_indices = #map}]} {
    %mul3A = arith.constant 2 : i32
    %mul3A_0 = arith.muli %arg1, %mul3A : i32
    %add3A = arith.addi %mul3A_0, %arg0 : i32
    %mul3A_1 = arith.constant 784 : i32
    %mul3A_2 = arith.muli %add3A, %mul3A_1 : i32
    %multiple_of3A = tpu.assume_multiple %mul3A_2, 8 : i32
    "tpu.region"() ({
      %run_scoped3A_462 = tpu.sem_alloc : memref<!tpu.dma_semaphore, #tpu.memory_space<semaphore_mem>>
      %dma_start3A_463 = tpu.memref_slice %arg5[%multiple_of3A] : memref<25088xi32, #tpu.memory_space<hbm>> -> memref<784xi32, #tpu.memory_space<hbm>>
      %dma_start3A_464 = tpu.memref_slice %arg5[%multiple_of3A] : memref<25088xi32, #tpu.memory_space<hbm>> -> memref<784xi32, #tpu.memory_space<hbm>>
      tpu.enqueue_dma source(%dma_start3A_464 : memref<784xi32, #tpu.memory_space<hbm>>) target(%arg9 : memref<784xi32, #tpu.memory_space<vmem>>) target_semaphore(%run_scoped3A_462 : memref<!tpu.dma_semaphore, #tpu.memory_space<semaphore_mem>>)
      %dma_wait3A_465 = tpu.memref_slice %arg5[%multiple_of3A] : memref<25088xi32, #tpu.memory_space<hbm>> -> memref<784xi32, #tpu.memory_space<hbm>>
      %dma_wait3A_466 = tpu.memref_slice %arg5[%multiple_of3A] : memref<25088xi32, #tpu.memory_space<hbm>> -> memref<784xi32, #tpu.memory_space<hbm>>
      tpu.wait_dma2 semaphore(%run_scoped3A_462 : memref<!tpu.dma_semaphore, #tpu.memory_space<semaphore_mem>>) src(%dma_wait3A_466 : memref<784xi32, #tpu.memory_space<hbm>>) dst(%arg9 : memref<784xi32, #tpu.memory_space<vmem>>)
      tpu.yield
    }) : () -> ()
    %dma_start3A = arith.constant 0 : i32
    %dma_start3A_3 = arith.constant 0 : i32
    %dma_start3A_4 = arith.constant 0 : i32
    %dma_start3A_5 = tpu.memref_slice %arg10[%dma_start3A, %dma_start3A_3, %dma_start3A_4] : memref<2x112x128xf32, #tpu.memory_space<vmem>> -> memref<1x112x128xf32, #tpu.memory_space<vmem>>
    %dma_start3A_6 = tpu.memref_squeeze %dma_start3A_5 : memref<1x112x128xf32, #tpu.memory_space<vmem>> -> memref<112x128xf32, #tpu.memory_space<vmem>>
    %dma_start3A_7 = arith.constant 0 : i32
    %dma_start3A_8 = tpu.memref_slice %arg9[%dma_start3A_7] : memref<784xi32, #tpu.memory_space<vmem>> -> memref<112xi32, #tpu.memory_space<vmem>>
    %dma_start3A_9 = arith.constant 0 : i32
    %dma_start3A_10 = arith.constant 0 : i32
    %dma_start3A_11 = tpu.memref_slice %arg2[%dma_start3A_9, %dma_start3A_10] : memref<100000x128xf32, #tpu.memory_space<hbm>> -> memref<100000x128xf32, #tpu.memory_space<hbm>>
    tpu.enqueue_indirect_dma source(%dma_start3A_11 : memref<100000x128xf32, #tpu.memory_space<hbm>>) target(%dma_start3A_6 : memref<112x128xf32, #tpu.memory_space<vmem>>) offsets(%dma_start3A_8 : memref<112xi32, #tpu.memory_space<vmem>>) semaphore(%arg13 : memref<!tpu.dma_semaphore, #tpu.memory_space<semaphore_mem>>)
    %dma_start3A_12 = arith.constant 0 : i32
    %dma_start3A_13 = arith.constant 0 : i32
    %dma_start3A_14 = arith.constant 0 : i32
    %dma_start3A_15 = tpu.memref_slice %arg11[%dma_start3A_12, %dma_start3A_13, %dma_start3A_14] : memref<2x112x64xf32, #tpu.memory_space<vmem>> -> memref<1x112x64xf32, #tpu.memory_space<vmem>>
    %dma_start3A_16 = tpu.memref_squeeze %dma_start3A_15 : memref<1x112x64xf32, #tpu.memory_space<vmem>> -> memref<112x64xf32, #tpu.memory_space<vmem>>
    %dma_start3A_17 = arith.constant 0 : i32
    %dma_start3A_18 = tpu.memref_slice %arg9[%dma_start3A_17] : memref<784xi32, #tpu.memory_space<vmem>> -> memref<112xi32, #tpu.memory_space<vmem>>
    %dma_start3A_19 = arith.constant 0 : i32
    %dma_start3A_20 = arith.constant 0 : i32
    %dma_start3A_21 = tpu.memref_slice %arg3[%dma_start3A_19, %dma_start3A_20] : memref<100000x64xf32, #tpu.memory_space<hbm>> -> memref<100000x64xf32, #tpu.memory_space<hbm>>
    tpu.enqueue_indirect_dma source(%dma_start3A_21 : memref<100000x64xf32, #tpu.memory_space<hbm>>) target(%dma_start3A_16 : memref<112x64xf32, #tpu.memory_space<vmem>>) offsets(%dma_start3A_18 : memref<112xi32, #tpu.memory_space<vmem>>) semaphore(%arg15 : memref<!tpu.dma_semaphore, #tpu.memory_space<semaphore_mem>>)
    %dma_start3A_22 = arith.constant 0 : i32
    %dma_start3A_23 = arith.constant 0 : i32
    %dma_start3A_24 = arith.constant 0 : i32
    %dma_start3A_25 = tpu.memref_slice %arg12[%dma_start3A_22, %dma_start3A_23, %dma_start3A_24] : memref<2x112x16xf32, #tpu.memory_space<vmem>> -> memref<1x112x16xf32, #tpu.memory_space<vmem>>
    %dma_start3A_26 = tpu.memref_squeeze %dma_start3A_25 : memref<1x112x16xf32, #tpu.memory_space<vmem>> -> memref<112x16xf32, #tpu.memory_space<vmem>>
    %dma_start3A_27 = arith.constant 0 : i32
    %dma_start3A_28 = tpu.memref_slice %arg9[%dma_start3A_27] : memref<784xi32, #tpu.memory_space<vmem>> -> memref<112xi32, #tpu.memory_space<vmem>>
    %dma_start3A_29 = arith.constant 0 : i32
    %dma_start3A_30 = arith.constant 0 : i32
    %dma_start3A_31 = tpu.memref_slice %arg4[%dma_start3A_29, %dma_start3A_30] : memref<100000x16xf32, #tpu.memory_space<hbm>> -> memref<100000x16xf32, #tpu.memory_space<hbm>>
    tpu.enqueue_indirect_dma source(%dma_start3A_31 : memref<100000x16xf32, #tpu.memory_space<hbm>>) target(%dma_start3A_26 : memref<112x16xf32, #tpu.memory_space<vmem>>) offsets(%dma_start3A_28 : memref<112xi32, #tpu.memory_space<vmem>>) semaphore(%arg17 : memref<!tpu.dma_semaphore, #tpu.memory_space<semaphore_mem>>)
    %dma_start3A_32 = arith.constant 1 : i32
    %dma_start3A_33 = arith.constant 0 : i32
    %dma_start3A_34 = arith.constant 0 : i32
    %dma_start3A_35 = tpu.memref_slice %arg10[%dma_start3A_32, %dma_start3A_33, %dma_start3A_34] : memref<2x112x128xf32, #tpu.memory_space<vmem>> -> memref<1x112x128xf32, #tpu.memory_space<vmem>>
    %dma_start3A_36 = tpu.memref_squeeze %dma_start3A_35 : memref<1x112x128xf32, #tpu.memory_space<vmem>> -> memref<112x128xf32, #tpu.memory_space<vmem>>
    %dma_start3A_37 = arith.constant 112 : i32
    %dma_start3A_38 = tpu.memref_slice %arg9[%dma_start3A_37] : memref<784xi32, #tpu.memory_space<vmem>> -> memref<112xi32, #tpu.memory_space<vmem>>
    %dma_start3A_39 = arith.constant 0 : i32
    %dma_start3A_40 = arith.constant 0 : i32
    %dma_start3A_41 = tpu.memref_slice %arg2[%dma_start3A_39, %dma_start3A_40] : memref<100000x128xf32, #tpu.memory_space<hbm>> -> memref<100000x128xf32, #tpu.memory_space<hbm>>
    tpu.enqueue_indirect_dma source(%dma_start3A_41 : memref<100000x128xf32, #tpu.memory_space<hbm>>) target(%dma_start3A_36 : memref<112x128xf32, #tpu.memory_space<vmem>>) offsets(%dma_start3A_38 : memref<112xi32, #tpu.memory_space<vmem>>) semaphore(%arg14 : memref<!tpu.dma_semaphore, #tpu.memory_space<semaphore_mem>>)
    %dma_start3A_42 = arith.constant 1 : i32
    %dma_start3A_43 = arith.constant 0 : i32
    %dma_start3A_44 = arith.constant 0 : i32
    %dma_start3A_45 = tpu.memref_slice %arg11[%dma_start3A_42, %dma_start3A_43, %dma_start3A_44] : memref<2x112x64xf32, #tpu.memory_space<vmem>> -> memref<1x112x64xf32, #tpu.memory_space<vmem>>
    %dma_start3A_46 = tpu.memref_squeeze %dma_start3A_45 : memref<1x112x64xf32, #tpu.memory_space<vmem>> -> memref<112x64xf32, #tpu.memory_space<vmem>>
    %dma_start3A_47 = arith.constant 112 : i32
    %dma_start3A_48 = tpu.memref_slice %arg9[%dma_start3A_47] : memref<784xi32, #tpu.memory_space<vmem>> -> memref<112xi32, #tpu.memory_space<vmem>>
    %dma_start3A_49 = arith.constant 0 : i32
    %dma_start3A_50 = arith.constant 0 : i32
    %dma_start3A_51 = tpu.memref_slice %arg3[%dma_start3A_49, %dma_start3A_50] : memref<100000x64xf32, #tpu.memory_space<hbm>> -> memref<100000x64xf32, #tpu.memory_space<hbm>>
    tpu.enqueue_indirect_dma source(%dma_start3A_51 : memref<100000x64xf32, #tpu.memory_space<hbm>>) target(%dma_start3A_46 : memref<112x64xf32, #tpu.memory_space<vmem>>) offsets(%dma_start3A_48 : memref<112xi32, #tpu.memory_space<vmem>>) semaphore(%arg16 : memref<!tpu.dma_semaphore, #tpu.memory_space<semaphore_mem>>)
    %dma_start3A_52 = arith.constant 1 : i32
    %dma_start3A_53 = arith.constant 0 : i32
    %dma_start3A_54 = arith.constant 0 : i32
    %dma_start3A_55 = tpu.memref_slice %arg12[%dma_start3A_52, %dma_start3A_53, %dma_start3A_54] : memref<2x112x16xf32, #tpu.memory_space<vmem>> -> memref<1x112x16xf32, #tpu.memory_space<vmem>>
    %dma_start3A_56 = tpu.memref_squeeze %dma_start3A_55 : memref<1x112x16xf32, #tpu.memory_space<vmem>> -> memref<112x16xf32, #tpu.memory_space<vmem>>
    %dma_start3A_57 = arith.constant 112 : i32
    %dma_start3A_58 = tpu.memref_slice %arg9[%dma_start3A_57] : memref<784xi32, #tpu.memory_space<vmem>> -> memref<112xi32, #tpu.memory_space<vmem>>
    %dma_start3A_59 = arith.constant 0 : i32
    %dma_start3A_60 = arith.constant 0 : i32
    %dma_start3A_61 = tpu.memref_slice %arg4[%dma_start3A_59, %dma_start3A_60] : memref<100000x16xf32, #tpu.memory_space<hbm>> -> memref<100000x16xf32, #tpu.memory_space<hbm>>
    tpu.enqueue_indirect_dma source(%dma_start3A_61 : memref<100000x16xf32, #tpu.memory_space<hbm>>) target(%dma_start3A_56 : memref<112x16xf32, #tpu.memory_space<vmem>>) offsets(%dma_start3A_58 : memref<112xi32, #tpu.memory_space<vmem>>) semaphore(%arg18 : memref<!tpu.dma_semaphore, #tpu.memory_space<semaphore_mem>>)
    %add3A_62 = arith.constant 0 : i32
    %add3A_63 = arith.addi %multiple_of3A, %add3A_62 : i32
    %multiple_of3A_64 = tpu.assume_multiple %add3A_63, 8 : i32
    %dma_wait3A = arith.constant 0 : i32
    %dma_wait3A_65 = arith.constant 0 : i32
    %dma_wait3A_66 = arith.constant 0 : i32
    %dma_wait3A_67 = tpu.memref_slice %arg10[%dma_wait3A, %dma_wait3A_65, %dma_wait3A_66] : memref<2x112x128xf32, #tpu.memory_space<vmem>> -> memref<1x112x128xf32, #tpu.memory_space<vmem>>
    %dma_wait3A_68 = tpu.memref_squeeze %dma_wait3A_67 : memref<1x112x128xf32, #tpu.memory_space<vmem>> -> memref<112x128xf32, #tpu.memory_space<vmem>>
    %dma_wait3A_69 = arith.constant 0 : i32
    %dma_wait3A_70 = tpu.memref_slice %arg9[%dma_wait3A_69] : memref<784xi32, #tpu.memory_space<vmem>> -> memref<112xi32, #tpu.memory_space<vmem>>
    %dma_wait3A_71 = arith.constant 0 : i32
    %dma_wait3A_72 = arith.constant 0 : i32
    %dma_wait3A_73 = tpu.memref_slice %arg2[%dma_wait3A_71, %dma_wait3A_72] : memref<100000x128xf32, #tpu.memory_space<hbm>> -> memref<100000x128xf32, #tpu.memory_space<hbm>>
    tpu.wait_indirect_dma semaphore(%arg13 : memref<!tpu.dma_semaphore, #tpu.memory_space<semaphore_mem>>) src(%dma_wait3A_73 : memref<100000x128xf32, #tpu.memory_space<hbm>>) dst(%dma_wait3A_68 : memref<112x128xf32, #tpu.memory_space<vmem>>)
    %run_scoped3A = arith.constant 0 : i32
    "tpu.region"() ({
      %run_scoped3A_462 = tpu.sem_alloc : memref<!tpu.dma_semaphore, #tpu.memory_space<semaphore_mem>>
      %dma_start3A_463 = arith.constant 0 : i32
      %dma_start3A_464 = arith.constant 0 : i32
      %dma_start3A_465 = tpu.memref_slice %arg10[%run_scoped3A, %dma_start3A_463, %dma_start3A_464] : memref<2x112x128xf32, #tpu.memory_space<vmem>> -> memref<1x112x128xf32, #tpu.memory_space<vmem>>
      %dma_start3A_466 = tpu.memref_squeeze %dma_start3A_465 : memref<1x112x128xf32, #tpu.memory_space<vmem>> -> memref<112x128xf32, #tpu.memory_space<vmem>>
      %dma_start3A_467 = arith.constant 0 : i32
      %dma_start3A_468 = tpu.memref_slice %arg6[%multiple_of3A_64, %dma_start3A_467] : memref<25088x128xf32, #tpu.memory_space<hbm>> -> memref<112x128xf32, #tpu.memory_space<hbm>>
      %dma_start3A_469 = arith.constant 0 : i32
      %dma_start3A_470 = tpu.memref_slice %arg6[%multiple_of3A_64, %dma_start3A_469] : memref<25088x128xf32, #tpu.memory_space<hbm>> -> memref<112x128xf32, #tpu.memory_space<hbm>>
      %dma_start3A_471 = arith.constant 0 : i32
      %dma_start3A_472 = arith.constant 0 : i32
      %dma_start3A_473 = tpu.memref_slice %arg10[%run_scoped3A, %dma_start3A_471, %dma_start3A_472] : memref<2x112x128xf32, #tpu.memory_space<vmem>> -> memref<1x112x128xf32, #tpu.memory_space<vmem>>
      %dma_start3A_474 = tpu.memref_squeeze %dma_start3A_473 : memref<1x112x128xf32, #tpu.memory_space<vmem>> -> memref<112x128xf32, #tpu.memory_space<vmem>>
      tpu.enqueue_dma source(%dma_start3A_474 : memref<112x128xf32, #tpu.memory_space<vmem>>) target(%dma_start3A_470 : memref<112x128xf32, #tpu.memory_space<hbm>>) target_semaphore(%run_scoped3A_462 : memref<!tpu.dma_semaphore, #tpu.memory_space<semaphore_mem>>)
      %dma_wait3A_475 = arith.constant 0 : i32
      %dma_wait3A_476 = arith.constant 0 : i32
      %dma_wait3A_477 = tpu.memref_slice %arg10[%run_scoped3A, %dma_wait3A_475, %dma_wait3A_476] : memref<2x112x128xf32, #tpu.memory_space<vmem>> -> memref<1x112x128xf32, #tpu.memory_space<vmem>>
      %dma_wait3A_478 = tpu.memref_squeeze %dma_wait3A_477 : memref<1x112x128xf32, #tpu.memory_space<vmem>> -> memref<112x128xf32, #tpu.memory_space<vmem>>
      %dma_wait3A_479 = arith.constant 0 : i32
      %dma_wait3A_480 = tpu.memref_slice %arg6[%multiple_of3A_64, %dma_wait3A_479] : memref<25088x128xf32, #tpu.memory_space<hbm>> -> memref<112x128xf32, #tpu.memory_space<hbm>>
      %dma_wait3A_481 = arith.constant 0 : i32
      %dma_wait3A_482 = tpu.memref_slice %arg6[%multiple_of3A_64, %dma_wait3A_481] : memref<25088x128xf32, #tpu.memory_space<hbm>> -> memref<112x128xf32, #tpu.memory_space<hbm>>
      %dma_wait3A_483 = arith.constant 0 : i32
      %dma_wait3A_484 = arith.constant 0 : i32
      %dma_wait3A_485 = tpu.memref_slice %arg10[%run_scoped3A, %dma_wait3A_483, %dma_wait3A_484] : memref<2x112x128xf32, #tpu.memory_space<vmem>> -> memref<1x112x128xf32, #tpu.memory_space<vmem>>
      %dma_wait3A_486 = tpu.memref_squeeze %dma_wait3A_485 : memref<1x112x128xf32, #tpu.memory_space<vmem>> -> memref<112x128xf32, #tpu.memory_space<vmem>>
      tpu.wait_dma2 semaphore(%run_scoped3A_462 : memref<!tpu.dma_semaphore, #tpu.memory_space<semaphore_mem>>) src(%dma_wait3A_486 : memref<112x128xf32, #tpu.memory_space<vmem>>) dst(%dma_wait3A_482 : memref<112x128xf32, #tpu.memory_space<hbm>>)
      tpu.yield
    }) : () -> ()
    %dma_wait3A_74 = arith.constant 0 : i32
    %dma_wait3A_75 = arith.constant 0 : i32
    %dma_wait3A_76 = arith.constant 0 : i32
    %dma_wait3A_77 = tpu.memref_slice %arg11[%dma_wait3A_74, %dma_wait3A_75, %dma_wait3A_76] : memref<2x112x64xf32, #tpu.memory_space<vmem>> -> memref<1x112x64xf32, #tpu.memory_space<vmem>>
    %dma_wait3A_78 = tpu.memref_squeeze %dma_wait3A_77 : memref<1x112x64xf32, #tpu.memory_space<vmem>> -> memref<112x64xf32, #tpu.memory_space<vmem>>
    %dma_wait3A_79 = arith.constant 0 : i32
    %dma_wait3A_80 = tpu.memref_slice %arg9[%dma_wait3A_79] : memref<784xi32, #tpu.memory_space<vmem>> -> memref<112xi32, #tpu.memory_space<vmem>>
    %dma_wait3A_81 = arith.constant 0 : i32
    %dma_wait3A_82 = arith.constant 0 : i32
    %dma_wait3A_83 = tpu.memref_slice %arg3[%dma_wait3A_81, %dma_wait3A_82] : memref<100000x64xf32, #tpu.memory_space<hbm>> -> memref<100000x64xf32, #tpu.memory_space<hbm>>
    tpu.wait_indirect_dma semaphore(%arg15 : memref<!tpu.dma_semaphore, #tpu.memory_space<semaphore_mem>>) src(%dma_wait3A_83 : memref<100000x64xf32, #tpu.memory_space<hbm>>) dst(%dma_wait3A_78 : memref<112x64xf32, #tpu.memory_space<vmem>>)
    %run_scoped3A_84 = arith.constant 0 : i32
    "tpu.region"() ({
      %run_scoped3A_462 = tpu.sem_alloc : memref<!tpu.dma_semaphore, #tpu.memory_space<semaphore_mem>>
      %dma_start3A_463 = arith.constant 0 : i32
      %dma_start3A_464 = arith.constant 0 : i32
      %dma_start3A_465 = tpu.memref_slice %arg11[%run_scoped3A_84, %dma_start3A_463, %dma_start3A_464] : memref<2x112x64xf32, #tpu.memory_space<vmem>> -> memref<1x112x64xf32, #tpu.memory_space<vmem>>
      %dma_start3A_466 = tpu.memref_squeeze %dma_start3A_465 : memref<1x112x64xf32, #tpu.memory_space<vmem>> -> memref<112x64xf32, #tpu.memory_space<vmem>>
      %dma_start3A_467 = arith.constant 0 : i32
      %dma_start3A_468 = tpu.memref_slice %arg7[%multiple_of3A_64, %dma_start3A_467] : memref<25088x64xf32, #tpu.memory_space<hbm>> -> memref<112x64xf32, #tpu.memory_space<hbm>>
      %dma_start3A_469 = arith.constant 0 : i32
      %dma_start3A_470 = tpu.memref_slice %arg7[%multiple_of3A_64, %dma_start3A_469] : memref<25088x64xf32, #tpu.memory_space<hbm>> -> memref<112x64xf32, #tpu.memory_space<hbm>>
      %dma_start3A_471 = arith.constant 0 : i32
      %dma_start3A_472 = arith.constant 0 : i32
      %dma_start3A_473 = tpu.memref_slice %arg11[%run_scoped3A_84, %dma_start3A_471, %dma_start3A_472] : memref<2x112x64xf32, #tpu.memory_space<vmem>> -> memref<1x112x64xf32, #tpu.memory_space<vmem>>
      %dma_start3A_474 = tpu.memref_squeeze %dma_start3A_473 : memref<1x112x64xf32, #tpu.memory_space<vmem>> -> memref<112x64xf32, #tpu.memory_space<vmem>>
      tpu.enqueue_dma source(%dma_start3A_474 : memref<112x64xf32, #tpu.memory_space<vmem>>) target(%dma_start3A_470 : memref<112x64xf32, #tpu.memory_space<hbm>>) target_semaphore(%run_scoped3A_462 : memref<!tpu.dma_semaphore, #tpu.memory_space<semaphore_mem>>)
      %dma_wait3A_475 = arith.constant 0 : i32
      %dma_wait3A_476 = arith.constant 0 : i32
      %dma_wait3A_477 = tpu.memref_slice %arg11[%run_scoped3A_84, %dma_wait3A_475, %dma_wait3A_476] : memref<2x112x64xf32, #tpu.memory_space<vmem>> -> memref<1x112x64xf32, #tpu.memory_space<vmem>>
      %dma_wait3A_478 = tpu.memref_squeeze %dma_wait3A_477 : memref<1x112x64xf32, #tpu.memory_space<vmem>> -> memref<112x64xf32, #tpu.memory_space<vmem>>
      %dma_wait3A_479 = arith.constant 0 : i32
      %dma_wait3A_480 = tpu.memref_slice %arg7[%multiple_of3A_64, %dma_wait3A_479] : memref<25088x64xf32, #tpu.memory_space<hbm>> -> memref<112x64xf32, #tpu.memory_space<hbm>>
      %dma_wait3A_481 = arith.constant 0 : i32
      %dma_wait3A_482 = tpu.memref_slice %arg7[%multiple_of3A_64, %dma_wait3A_481] : memref<25088x64xf32, #tpu.memory_space<hbm>> -> memref<112x64xf32, #tpu.memory_space<hbm>>
      %dma_wait3A_483 = arith.constant 0 : i32
      %dma_wait3A_484 = arith.constant 0 : i32
      %dma_wait3A_485 = tpu.memref_slice %arg11[%run_scoped3A_84, %dma_wait3A_483, %dma_wait3A_484] : memref<2x112x64xf32, #tpu.memory_space<vmem>> -> memref<1x112x64xf32, #tpu.memory_space<vmem>>
      %dma_wait3A_486 = tpu.memref_squeeze %dma_wait3A_485 : memref<1x112x64xf32, #tpu.memory_space<vmem>> -> memref<112x64xf32, #tpu.memory_space<vmem>>
      tpu.wait_dma2 semaphore(%run_scoped3A_462 : memref<!tpu.dma_semaphore, #tpu.memory_space<semaphore_mem>>) src(%dma_wait3A_486 : memref<112x64xf32, #tpu.memory_space<vmem>>) dst(%dma_wait3A_482 : memref<112x64xf32, #tpu.memory_space<hbm>>)
      tpu.yield
    }) : () -> ()
    %dma_wait3A_85 = arith.constant 0 : i32
    %dma_wait3A_86 = arith.constant 0 : i32
    %dma_wait3A_87 = arith.constant 0 : i32
    %dma_wait3A_88 = tpu.memref_slice %arg12[%dma_wait3A_85, %dma_wait3A_86, %dma_wait3A_87] : memref<2x112x16xf32, #tpu.memory_space<vmem>> -> memref<1x112x16xf32, #tpu.memory_space<vmem>>
    %dma_wait3A_89 = tpu.memref_squeeze %dma_wait3A_88 : memref<1x112x16xf32, #tpu.memory_space<vmem>> -> memref<112x16xf32, #tpu.memory_space<vmem>>
    %dma_wait3A_90 = arith.constant 0 : i32
    %dma_wait3A_91 = tpu.memref_slice %arg9[%dma_wait3A_90] : memref<784xi32, #tpu.memory_space<vmem>> -> memref<112xi32, #tpu.memory_space<vmem>>
    %dma_wait3A_92 = arith.constant 0 : i32
    %dma_wait3A_93 = arith.constant 0 : i32
    %dma_wait3A_94 = tpu.memref_slice %arg4[%dma_wait3A_92, %dma_wait3A_93] : memref<100000x16xf32, #tpu.memory_space<hbm>> -> memref<100000x16xf32, #tpu.memory_space<hbm>>
    tpu.wait_indirect_dma semaphore(%arg17 : memref<!tpu.dma_semaphore, #tpu.memory_space<semaphore_mem>>) src(%dma_wait3A_94 : memref<100000x16xf32, #tpu.memory_space<hbm>>) dst(%dma_wait3A_89 : memref<112x16xf32, #tpu.memory_space<vmem>>)
    %run_scoped3A_95 = arith.constant 0 : i32
    "tpu.region"() ({
      %run_scoped3A_462 = tpu.sem_alloc : memref<!tpu.dma_semaphore, #tpu.memory_space<semaphore_mem>>
      %dma_start3A_463 = arith.constant 0 : i32
      %dma_start3A_464 = arith.constant 0 : i32
      %dma_start3A_465 = tpu.memref_slice %arg12[%run_scoped3A_95, %dma_start3A_463, %dma_start3A_464] : memref<2x112x16xf32, #tpu.memory_space<vmem>> -> memref<1x112x16xf32, #tpu.memory_space<vmem>>
      %dma_start3A_466 = tpu.memref_squeeze %dma_start3A_465 : memref<1x112x16xf32, #tpu.memory_space<vmem>> -> memref<112x16xf32, #tpu.memory_space<vmem>>
      %dma_start3A_467 = arith.constant 0 : i32
      %dma_start3A_468 = tpu.memref_slice %arg8[%multiple_of3A_64, %dma_start3A_467] : memref<25088x16xf32, #tpu.memory_space<hbm>> -> memref<112x16xf32, #tpu.memory_space<hbm>>
      %dma_start3A_469 = arith.constant 0 : i32
      %dma_start3A_470 = tpu.memref_slice %arg8[%multiple_of3A_64, %dma_start3A_469] : memref<25088x16xf32, #tpu.memory_space<hbm>> -> memref<112x16xf32, #tpu.memory_space<hbm>>
      %dma_start3A_471 = arith.constant 0 : i32
      %dma_start3A_472 = arith.constant 0 : i32
      %dma_start3A_473 = tpu.memref_slice %arg12[%run_scoped3A_95, %dma_start3A_471, %dma_start3A_472] : memref<2x112x16xf32, #tpu.memory_space<vmem>> -> memref<1x112x16xf32, #tpu.memory_space<vmem>>
      %dma_start3A_474 = tpu.memref_squeeze %dma_start3A_473 : memref<1x112x16xf32, #tpu.memory_space<vmem>> -> memref<112x16xf32, #tpu.memory_space<vmem>>
      tpu.enqueue_dma source(%dma_start3A_474 : memref<112x16xf32, #tpu.memory_space<vmem>>) target(%dma_start3A_470 : memref<112x16xf32, #tpu.memory_space<hbm>>) target_semaphore(%run_scoped3A_462 : memref<!tpu.dma_semaphore, #tpu.memory_space<semaphore_mem>>)
      %dma_wait3A_475 = arith.constant 0 : i32
      %dma_wait3A_476 = arith.constant 0 : i32
      %dma_wait3A_477 = tpu.memref_slice %arg12[%run_scoped3A_95, %dma_wait3A_475, %dma_wait3A_476] : memref<2x112x16xf32, #tpu.memory_space<vmem>> -> memref<1x112x16xf32, #tpu.memory_space<vmem>>
      %dma_wait3A_478 = tpu.memref_squeeze %dma_wait3A_477 : memref<1x112x16xf32, #tpu.memory_space<vmem>> -> memref<112x16xf32, #tpu.memory_space<vmem>>
      %dma_wait3A_479 = arith.constant 0 : i32
      %dma_wait3A_480 = tpu.memref_slice %arg8[%multiple_of3A_64, %dma_wait3A_479] : memref<25088x16xf32, #tpu.memory_space<hbm>> -> memref<112x16xf32, #tpu.memory_space<hbm>>
      %dma_wait3A_481 = arith.constant 0 : i32
      %dma_wait3A_482 = tpu.memref_slice %arg8[%multiple_of3A_64, %dma_wait3A_481] : memref<25088x16xf32, #tpu.memory_space<hbm>> -> memref<112x16xf32, #tpu.memory_space<hbm>>
      %dma_wait3A_483 = arith.constant 0 : i32
      %dma_wait3A_484 = arith.constant 0 : i32
      %dma_wait3A_485 = tpu.memref_slice %arg12[%run_scoped3A_95, %dma_wait3A_483, %dma_wait3A_484] : memref<2x112x16xf32, #tpu.memory_space<vmem>> -> memref<1x112x16xf32, #tpu.memory_space<vmem>>
      %dma_wait3A_486 = tpu.memref_squeeze %dma_wait3A_485 : memref<1x112x16xf32, #tpu.memory_space<vmem>> -> memref<112x16xf32, #tpu.memory_space<vmem>>
      tpu.wait_dma2 semaphore(%run_scoped3A_462 : memref<!tpu.dma_semaphore, #tpu.memory_space<semaphore_mem>>) src(%dma_wait3A_486 : memref<112x16xf32, #tpu.memory_space<vmem>>) dst(%dma_wait3A_482 : memref<112x16xf32, #tpu.memory_space<hbm>>)
      tpu.yield
    }) : () -> ()
    %dma_start3A_96 = arith.constant 0 : i32
    %dma_start3A_97 = arith.constant 0 : i32
    %dma_start3A_98 = arith.constant 0 : i32
    %dma_start3A_99 = tpu.memref_slice %arg10[%dma_start3A_96, %dma_start3A_97, %dma_start3A_98] : memref<2x112x128xf32, #tpu.memory_space<vmem>> -> memref<1x112x128xf32, #tpu.memory_space<vmem>>
    %dma_start3A_100 = tpu.memref_squeeze %dma_start3A_99 : memref<1x112x128xf32, #tpu.memory_space<vmem>> -> memref<112x128xf32, #tpu.memory_space<vmem>>
    %dma_start3A_101 = arith.constant 224 : i32
    %dma_start3A_102 = tpu.memref_slice %arg9[%dma_start3A_101] : memref<784xi32, #tpu.memory_space<vmem>> -> memref<112xi32, #tpu.memory_space<vmem>>
    %dma_start3A_103 = arith.constant 0 : i32
    %dma_start3A_104 = arith.constant 0 : i32
    %dma_start3A_105 = tpu.memref_slice %arg2[%dma_start3A_103, %dma_start3A_104] : memref<100000x128xf32, #tpu.memory_space<hbm>> -> memref<100000x128xf32, #tpu.memory_space<hbm>>
    tpu.enqueue_indirect_dma source(%dma_start3A_105 : memref<100000x128xf32, #tpu.memory_space<hbm>>) target(%dma_start3A_100 : memref<112x128xf32, #tpu.memory_space<vmem>>) offsets(%dma_start3A_102 : memref<112xi32, #tpu.memory_space<vmem>>) semaphore(%arg13 : memref<!tpu.dma_semaphore, #tpu.memory_space<semaphore_mem>>)
    %dma_start3A_106 = arith.constant 0 : i32
    %dma_start3A_107 = arith.constant 0 : i32
    %dma_start3A_108 = arith.constant 0 : i32
    %dma_start3A_109 = tpu.memref_slice %arg11[%dma_start3A_106, %dma_start3A_107, %dma_start3A_108] : memref<2x112x64xf32, #tpu.memory_space<vmem>> -> memref<1x112x64xf32, #tpu.memory_space<vmem>>
    %dma_start3A_110 = tpu.memref_squeeze %dma_start3A_109 : memref<1x112x64xf32, #tpu.memory_space<vmem>> -> memref<112x64xf32, #tpu.memory_space<vmem>>
    %dma_start3A_111 = arith.constant 224 : i32
    %dma_start3A_112 = tpu.memref_slice %arg9[%dma_start3A_111] : memref<784xi32, #tpu.memory_space<vmem>> -> memref<112xi32, #tpu.memory_space<vmem>>
    %dma_start3A_113 = arith.constant 0 : i32
    %dma_start3A_114 = arith.constant 0 : i32
    %dma_start3A_115 = tpu.memref_slice %arg3[%dma_start3A_113, %dma_start3A_114] : memref<100000x64xf32, #tpu.memory_space<hbm>> -> memref<100000x64xf32, #tpu.memory_space<hbm>>
    tpu.enqueue_indirect_dma source(%dma_start3A_115 : memref<100000x64xf32, #tpu.memory_space<hbm>>) target(%dma_start3A_110 : memref<112x64xf32, #tpu.memory_space<vmem>>) offsets(%dma_start3A_112 : memref<112xi32, #tpu.memory_space<vmem>>) semaphore(%arg15 : memref<!tpu.dma_semaphore, #tpu.memory_space<semaphore_mem>>)
    %dma_start3A_116 = arith.constant 0 : i32
    %dma_start3A_117 = arith.constant 0 : i32
    %dma_start3A_118 = arith.constant 0 : i32
    %dma_start3A_119 = tpu.memref_slice %arg12[%dma_start3A_116, %dma_start3A_117, %dma_start3A_118] : memref<2x112x16xf32, #tpu.memory_space<vmem>> -> memref<1x112x16xf32, #tpu.memory_space<vmem>>
    %dma_start3A_120 = tpu.memref_squeeze %dma_start3A_119 : memref<1x112x16xf32, #tpu.memory_space<vmem>> -> memref<112x16xf32, #tpu.memory_space<vmem>>
    %dma_start3A_121 = arith.constant 224 : i32
    %dma_start3A_122 = tpu.memref_slice %arg9[%dma_start3A_121] : memref<784xi32, #tpu.memory_space<vmem>> -> memref<112xi32, #tpu.memory_space<vmem>>
    %dma_start3A_123 = arith.constant 0 : i32
    %dma_start3A_124 = arith.constant 0 : i32
    %dma_start3A_125 = tpu.memref_slice %arg4[%dma_start3A_123, %dma_start3A_124] : memref<100000x16xf32, #tpu.memory_space<hbm>> -> memref<100000x16xf32, #tpu.memory_space<hbm>>
    tpu.enqueue_indirect_dma source(%dma_start3A_125 : memref<100000x16xf32, #tpu.memory_space<hbm>>) target(%dma_start3A_120 : memref<112x16xf32, #tpu.memory_space<vmem>>) offsets(%dma_start3A_122 : memref<112xi32, #tpu.memory_space<vmem>>) semaphore(%arg17 : memref<!tpu.dma_semaphore, #tpu.memory_space<semaphore_mem>>)
    %add3A_126 = arith.constant 112 : i32
    %add3A_127 = arith.addi %multiple_of3A, %add3A_126 : i32
    %multiple_of3A_128 = tpu.assume_multiple %add3A_127, 8 : i32
    %dma_wait3A_129 = arith.constant 1 : i32
    %dma_wait3A_130 = arith.constant 0 : i32
    %dma_wait3A_131 = arith.constant 0 : i32
    %dma_wait3A_132 = tpu.memref_slice %arg10[%dma_wait3A_129, %dma_wait3A_130, %dma_wait3A_131] : memref<2x112x128xf32, #tpu.memory_space<vmem>> -> memref<1x112x128xf32, #tpu.memory_space<vmem>>
    %dma_wait3A_133 = tpu.memref_squeeze %dma_wait3A_132 : memref<1x112x128xf32, #tpu.memory_space<vmem>> -> memref<112x128xf32, #tpu.memory_space<vmem>>
    %dma_wait3A_134 = arith.constant 112 : i32
    %dma_wait3A_135 = tpu.memref_slice %arg9[%dma_wait3A_134] : memref<784xi32, #tpu.memory_space<vmem>> -> memref<112xi32, #tpu.memory_space<vmem>>
    %dma_wait3A_136 = arith.constant 0 : i32
    %dma_wait3A_137 = arith.constant 0 : i32
    %dma_wait3A_138 = tpu.memref_slice %arg2[%dma_wait3A_136, %dma_wait3A_137] : memref<100000x128xf32, #tpu.memory_space<hbm>> -> memref<100000x128xf32, #tpu.memory_space<hbm>>
    tpu.wait_indirect_dma semaphore(%arg14 : memref<!tpu.dma_semaphore, #tpu.memory_space<semaphore_mem>>) src(%dma_wait3A_138 : memref<100000x128xf32, #tpu.memory_space<hbm>>) dst(%dma_wait3A_133 : memref<112x128xf32, #tpu.memory_space<vmem>>)
    %run_scoped3A_139 = arith.constant 1 : i32
    "tpu.region"() ({
      %run_scoped3A_462 = tpu.sem_alloc : memref<!tpu.dma_semaphore, #tpu.memory_space<semaphore_mem>>
      %dma_start3A_463 = arith.constant 0 : i32
      %dma_start3A_464 = arith.constant 0 : i32
      %dma_start3A_465 = tpu.memref_slice %arg10[%run_scoped3A_139, %dma_start3A_463, %dma_start3A_464] : memref<2x112x128xf32, #tpu.memory_space<vmem>> -> memref<1x112x128xf32, #tpu.memory_space<vmem>>
      %dma_start3A_466 = tpu.memref_squeeze %dma_start3A_465 : memref<1x112x128xf32, #tpu.memory_space<vmem>> -> memref<112x128xf32, #tpu.memory_space<vmem>>
      %dma_start3A_467 = arith.constant 0 : i32
      %dma_start3A_468 = tpu.memref_slice %arg6[%multiple_of3A_128, %dma_start3A_467] : memref<25088x128xf32, #tpu.memory_space<hbm>> -> memref<112x128xf32, #tpu.memory_space<hbm>>
      %dma_start3A_469 = arith.constant 0 : i32
      %dma_start3A_470 = tpu.memref_slice %arg6[%multiple_of3A_128, %dma_start3A_469] : memref<25088x128xf32, #tpu.memory_space<hbm>> -> memref<112x128xf32, #tpu.memory_space<hbm>>
      %dma_start3A_471 = arith.constant 0 : i32
      %dma_start3A_472 = arith.constant 0 : i32
      %dma_start3A_473 = tpu.memref_slice %arg10[%run_scoped3A_139, %dma_start3A_471, %dma_start3A_472] : memref<2x112x128xf32, #tpu.memory_space<vmem>> -> memref<1x112x128xf32, #tpu.memory_space<vmem>>
      %dma_start3A_474 = tpu.memref_squeeze %dma_start3A_473 : memref<1x112x128xf32, #tpu.memory_space<vmem>> -> memref<112x128xf32, #tpu.memory_space<vmem>>
      tpu.enqueue_dma source(%dma_start3A_474 : memref<112x128xf32, #tpu.memory_space<vmem>>) target(%dma_start3A_470 : memref<112x128xf32, #tpu.memory_space<hbm>>) target_semaphore(%run_scoped3A_462 : memref<!tpu.dma_semaphore, #tpu.memory_space<semaphore_mem>>)
      %dma_wait3A_475 = arith.constant 0 : i32
      %dma_wait3A_476 = arith.constant 0 : i32
      %dma_wait3A_477 = tpu.memref_slice %arg10[%run_scoped3A_139, %dma_wait3A_475, %dma_wait3A_476] : memref<2x112x128xf32, #tpu.memory_space<vmem>> -> memref<1x112x128xf32, #tpu.memory_space<vmem>>
      %dma_wait3A_478 = tpu.memref_squeeze %dma_wait3A_477 : memref<1x112x128xf32, #tpu.memory_space<vmem>> -> memref<112x128xf32, #tpu.memory_space<vmem>>
      %dma_wait3A_479 = arith.constant 0 : i32
      %dma_wait3A_480 = tpu.memref_slice %arg6[%multiple_of3A_128, %dma_wait3A_479] : memref<25088x128xf32, #tpu.memory_space<hbm>> -> memref<112x128xf32, #tpu.memory_space<hbm>>
      %dma_wait3A_481 = arith.constant 0 : i32
      %dma_wait3A_482 = tpu.memref_slice %arg6[%multiple_of3A_128, %dma_wait3A_481] : memref<25088x128xf32, #tpu.memory_space<hbm>> -> memref<112x128xf32, #tpu.memory_space<hbm>>
      %dma_wait3A_483 = arith.constant 0 : i32
      %dma_wait3A_484 = arith.constant 0 : i32
      %dma_wait3A_485 = tpu.memref_slice %arg10[%run_scoped3A_139, %dma_wait3A_483, %dma_wait3A_484] : memref<2x112x128xf32, #tpu.memory_space<vmem>> -> memref<1x112x128xf32, #tpu.memory_space<vmem>>
      %dma_wait3A_486 = tpu.memref_squeeze %dma_wait3A_485 : memref<1x112x128xf32, #tpu.memory_space<vmem>> -> memref<112x128xf32, #tpu.memory_space<vmem>>
      tpu.wait_dma2 semaphore(%run_scoped3A_462 : memref<!tpu.dma_semaphore, #tpu.memory_space<semaphore_mem>>) src(%dma_wait3A_486 : memref<112x128xf32, #tpu.memory_space<vmem>>) dst(%dma_wait3A_482 : memref<112x128xf32, #tpu.memory_space<hbm>>)
      tpu.yield
    }) : () -> ()
    %dma_wait3A_140 = arith.constant 1 : i32
    %dma_wait3A_141 = arith.constant 0 : i32
    %dma_wait3A_142 = arith.constant 0 : i32
    %dma_wait3A_143 = tpu.memref_slice %arg11[%dma_wait3A_140, %dma_wait3A_141, %dma_wait3A_142] : memref<2x112x64xf32, #tpu.memory_space<vmem>> -> memref<1x112x64xf32, #tpu.memory_space<vmem>>
    %dma_wait3A_144 = tpu.memref_squeeze %dma_wait3A_143 : memref<1x112x64xf32, #tpu.memory_space<vmem>> -> memref<112x64xf32, #tpu.memory_space<vmem>>
    %dma_wait3A_145 = arith.constant 112 : i32
    %dma_wait3A_146 = tpu.memref_slice %arg9[%dma_wait3A_145] : memref<784xi32, #tpu.memory_space<vmem>> -> memref<112xi32, #tpu.memory_space<vmem>>
    %dma_wait3A_147 = arith.constant 0 : i32
    %dma_wait3A_148 = arith.constant 0 : i32
    %dma_wait3A_149 = tpu.memref_slice %arg3[%dma_wait3A_147, %dma_wait3A_148] : memref<100000x64xf32, #tpu.memory_space<hbm>> -> memref<100000x64xf32, #tpu.memory_space<hbm>>
    tpu.wait_indirect_dma semaphore(%arg16 : memref<!tpu.dma_semaphore, #tpu.memory_space<semaphore_mem>>) src(%dma_wait3A_149 : memref<100000x64xf32, #tpu.memory_space<hbm>>) dst(%dma_wait3A_144 : memref<112x64xf32, #tpu.memory_space<vmem>>)
    %run_scoped3A_150 = arith.constant 1 : i32
    "tpu.region"() ({
      %run_scoped3A_462 = tpu.sem_alloc : memref<!tpu.dma_semaphore, #tpu.memory_space<semaphore_mem>>
      %dma_start3A_463 = arith.constant 0 : i32
      %dma_start3A_464 = arith.constant 0 : i32
      %dma_start3A_465 = tpu.memref_slice %arg11[%run_scoped3A_150, %dma_start3A_463, %dma_start3A_464] : memref<2x112x64xf32, #tpu.memory_space<vmem>> -> memref<1x112x64xf32, #tpu.memory_space<vmem>>
      %dma_start3A_466 = tpu.memref_squeeze %dma_start3A_465 : memref<1x112x64xf32, #tpu.memory_space<vmem>> -> memref<112x64xf32, #tpu.memory_space<vmem>>
      %dma_start3A_467 = arith.constant 0 : i32
      %dma_start3A_468 = tpu.memref_slice %arg7[%multiple_of3A_128, %dma_start3A_467] : memref<25088x64xf32, #tpu.memory_space<hbm>> -> memref<112x64xf32, #tpu.memory_space<hbm>>
      %dma_start3A_469 = arith.constant 0 : i32
      %dma_start3A_470 = tpu.memref_slice %arg7[%multiple_of3A_128, %dma_start3A_469] : memref<25088x64xf32, #tpu.memory_space<hbm>> -> memref<112x64xf32, #tpu.memory_space<hbm>>
      %dma_start3A_471 = arith.constant 0 : i32
      %dma_start3A_472 = arith.constant 0 : i32
      %dma_start3A_473 = tpu.memref_slice %arg11[%run_scoped3A_150, %dma_start3A_471, %dma_start3A_472] : memref<2x112x64xf32, #tpu.memory_space<vmem>> -> memref<1x112x64xf32, #tpu.memory_space<vmem>>
      %dma_start3A_474 = tpu.memref_squeeze %dma_start3A_473 : memref<1x112x64xf32, #tpu.memory_space<vmem>> -> memref<112x64xf32, #tpu.memory_space<vmem>>
      tpu.enqueue_dma source(%dma_start3A_474 : memref<112x64xf32, #tpu.memory_space<vmem>>) target(%dma_start3A_470 : memref<112x64xf32, #tpu.memory_space<hbm>>) target_semaphore(%run_scoped3A_462 : memref<!tpu.dma_semaphore, #tpu.memory_space<semaphore_mem>>)
      %dma_wait3A_475 = arith.constant 0 : i32
      %dma_wait3A_476 = arith.constant 0 : i32
      %dma_wait3A_477 = tpu.memref_slice %arg11[%run_scoped3A_150, %dma_wait3A_475, %dma_wait3A_476] : memref<2x112x64xf32, #tpu.memory_space<vmem>> -> memref<1x112x64xf32, #tpu.memory_space<vmem>>
      %dma_wait3A_478 = tpu.memref_squeeze %dma_wait3A_477 : memref<1x112x64xf32, #tpu.memory_space<vmem>> -> memref<112x64xf32, #tpu.memory_space<vmem>>
      %dma_wait3A_479 = arith.constant 0 : i32
      %dma_wait3A_480 = tpu.memref_slice %arg7[%multiple_of3A_128, %dma_wait3A_479] : memref<25088x64xf32, #tpu.memory_space<hbm>> -> memref<112x64xf32, #tpu.memory_space<hbm>>
      %dma_wait3A_481 = arith.constant 0 : i32
      %dma_wait3A_482 = tpu.memref_slice %arg7[%multiple_of3A_128, %dma_wait3A_481] : memref<25088x64xf32, #tpu.memory_space<hbm>> -> memref<112x64xf32, #tpu.memory_space<hbm>>
      %dma_wait3A_483 = arith.constant 0 : i32
      %dma_wait3A_484 = arith.constant 0 : i32
      %dma_wait3A_485 = tpu.memref_slice %arg11[%run_scoped3A_150, %dma_wait3A_483, %dma_wait3A_484] : memref<2x112x64xf32, #tpu.memory_space<vmem>> -> memref<1x112x64xf32, #tpu.memory_space<vmem>>
      %dma_wait3A_486 = tpu.memref_squeeze %dma_wait3A_485 : memref<1x112x64xf32, #tpu.memory_space<vmem>> -> memref<112x64xf32, #tpu.memory_space<vmem>>
      tpu.wait_dma2 semaphore(%run_scoped3A_462 : memref<!tpu.dma_semaphore, #tpu.memory_space<semaphore_mem>>) src(%dma_wait3A_486 : memref<112x64xf32, #tpu.memory_space<vmem>>) dst(%dma_wait3A_482 : memref<112x64xf32, #tpu.memory_space<hbm>>)
      tpu.yield
    }) : () -> ()
    %dma_wait3A_151 = arith.constant 1 : i32
    %dma_wait3A_152 = arith.constant 0 : i32
    %dma_wait3A_153 = arith.constant 0 : i32
    %dma_wait3A_154 = tpu.memref_slice %arg12[%dma_wait3A_151, %dma_wait3A_152, %dma_wait3A_153] : memref<2x112x16xf32, #tpu.memory_space<vmem>> -> memref<1x112x16xf32, #tpu.memory_space<vmem>>
    %dma_wait3A_155 = tpu.memref_squeeze %dma_wait3A_154 : memref<1x112x16xf32, #tpu.memory_space<vmem>> -> memref<112x16xf32, #tpu.memory_space<vmem>>
    %dma_wait3A_156 = arith.constant 112 : i32
    %dma_wait3A_157 = tpu.memref_slice %arg9[%dma_wait3A_156] : memref<784xi32, #tpu.memory_space<vmem>> -> memref<112xi32, #tpu.memory_space<vmem>>
    %dma_wait3A_158 = arith.constant 0 : i32
    %dma_wait3A_159 = arith.constant 0 : i32
    %dma_wait3A_160 = tpu.memref_slice %arg4[%dma_wait3A_158, %dma_wait3A_159] : memref<100000x16xf32, #tpu.memory_space<hbm>> -> memref<100000x16xf32, #tpu.memory_space<hbm>>
    tpu.wait_indirect_dma semaphore(%arg18 : memref<!tpu.dma_semaphore, #tpu.memory_space<semaphore_mem>>) src(%dma_wait3A_160 : memref<100000x16xf32, #tpu.memory_space<hbm>>) dst(%dma_wait3A_155 : memref<112x16xf32, #tpu.memory_space<vmem>>)
    %run_scoped3A_161 = arith.constant 1 : i32
    "tpu.region"() ({
      %run_scoped3A_462 = tpu.sem_alloc : memref<!tpu.dma_semaphore, #tpu.memory_space<semaphore_mem>>
      %dma_start3A_463 = arith.constant 0 : i32
      %dma_start3A_464 = arith.constant 0 : i32
      %dma_start3A_465 = tpu.memref_slice %arg12[%run_scoped3A_161, %dma_start3A_463, %dma_start3A_464] : memref<2x112x16xf32, #tpu.memory_space<vmem>> -> memref<1x112x16xf32, #tpu.memory_space<vmem>>
      %dma_start3A_466 = tpu.memref_squeeze %dma_start3A_465 : memref<1x112x16xf32, #tpu.memory_space<vmem>> -> memref<112x16xf32, #tpu.memory_space<vmem>>
      %dma_start3A_467 = arith.constant 0 : i32
      %dma_start3A_468 = tpu.memref_slice %arg8[%multiple_of3A_128, %dma_start3A_467] : memref<25088x16xf32, #tpu.memory_space<hbm>> -> memref<112x16xf32, #tpu.memory_space<hbm>>
      %dma_start3A_469 = arith.constant 0 : i32
      %dma_start3A_470 = tpu.memref_slice %arg8[%multiple_of3A_128, %dma_start3A_469] : memref<25088x16xf32, #tpu.memory_space<hbm>> -> memref<112x16xf32, #tpu.memory_space<hbm>>
      %dma_start3A_471 = arith.constant 0 : i32
      %dma_start3A_472 = arith.constant 0 : i32
      %dma_start3A_473 = tpu.memref_slice %arg12[%run_scoped3A_161, %dma_start3A_471, %dma_start3A_472] : memref<2x112x16xf32, #tpu.memory_space<vmem>> -> memref<1x112x16xf32, #tpu.memory_space<vmem>>
      %dma_start3A_474 = tpu.memref_squeeze %dma_start3A_473 : memref<1x112x16xf32, #tpu.memory_space<vmem>> -> memref<112x16xf32, #tpu.memory_space<vmem>>
      tpu.enqueue_dma source(%dma_start3A_474 : memref<112x16xf32, #tpu.memory_space<vmem>>) target(%dma_start3A_470 : memref<112x16xf32, #tpu.memory_space<hbm>>) target_semaphore(%run_scoped3A_462 : memref<!tpu.dma_semaphore, #tpu.memory_space<semaphore_mem>>)
      %dma_wait3A_475 = arith.constant 0 : i32
      %dma_wait3A_476 = arith.constant 0 : i32
      %dma_wait3A_477 = tpu.memref_slice %arg12[%run_scoped3A_161, %dma_wait3A_475, %dma_wait3A_476] : memref<2x112x16xf32, #tpu.memory_space<vmem>> -> memref<1x112x16xf32, #tpu.memory_space<vmem>>
      %dma_wait3A_478 = tpu.memref_squeeze %dma_wait3A_477 : memref<1x112x16xf32, #tpu.memory_space<vmem>> -> memref<112x16xf32, #tpu.memory_space<vmem>>
      %dma_wait3A_479 = arith.constant 0 : i32
      %dma_wait3A_480 = tpu.memref_slice %arg8[%multiple_of3A_128, %dma_wait3A_479] : memref<25088x16xf32, #tpu.memory_space<hbm>> -> memref<112x16xf32, #tpu.memory_space<hbm>>
      %dma_wait3A_481 = arith.constant 0 : i32
      %dma_wait3A_482 = tpu.memref_slice %arg8[%multiple_of3A_128, %dma_wait3A_481] : memref<25088x16xf32, #tpu.memory_space<hbm>> -> memref<112x16xf32, #tpu.memory_space<hbm>>
      %dma_wait3A_483 = arith.constant 0 : i32
      %dma_wait3A_484 = arith.constant 0 : i32
      %dma_wait3A_485 = tpu.memref_slice %arg12[%run_scoped3A_161, %dma_wait3A_483, %dma_wait3A_484] : memref<2x112x16xf32, #tpu.memory_space<vmem>> -> memref<1x112x16xf32, #tpu.memory_space<vmem>>
      %dma_wait3A_486 = tpu.memref_squeeze %dma_wait3A_485 : memref<1x112x16xf32, #tpu.memory_space<vmem>> -> memref<112x16xf32, #tpu.memory_space<vmem>>
      tpu.wait_dma2 semaphore(%run_scoped3A_462 : memref<!tpu.dma_semaphore, #tpu.memory_space<semaphore_mem>>) src(%dma_wait3A_486 : memref<112x16xf32, #tpu.memory_space<vmem>>) dst(%dma_wait3A_482 : memref<112x16xf32, #tpu.memory_space<hbm>>)
      tpu.yield
    }) : () -> ()
    %dma_start3A_162 = arith.constant 1 : i32
    %dma_start3A_163 = arith.constant 0 : i32
    %dma_start3A_164 = arith.constant 0 : i32
    %dma_start3A_165 = tpu.memref_slice %arg10[%dma_start3A_162, %dma_start3A_163, %dma_start3A_164] : memref<2x112x128xf32, #tpu.memory_space<vmem>> -> memref<1x112x128xf32, #tpu.memory_space<vmem>>
    %dma_start3A_166 = tpu.memref_squeeze %dma_start3A_165 : memref<1x112x128xf32, #tpu.memory_space<vmem>> -> memref<112x128xf32, #tpu.memory_space<vmem>>
    %dma_start3A_167 = arith.constant 336 : i32
    %dma_start3A_168 = tpu.memref_slice %arg9[%dma_start3A_167] : memref<784xi32, #tpu.memory_space<vmem>> -> memref<112xi32, #tpu.memory_space<vmem>>
    %dma_start3A_169 = arith.constant 0 : i32
    %dma_start3A_170 = arith.constant 0 : i32
    %dma_start3A_171 = tpu.memref_slice %arg2[%dma_start3A_169, %dma_start3A_170] : memref<100000x128xf32, #tpu.memory_space<hbm>> -> memref<100000x128xf32, #tpu.memory_space<hbm>>
    tpu.enqueue_indirect_dma source(%dma_start3A_171 : memref<100000x128xf32, #tpu.memory_space<hbm>>) target(%dma_start3A_166 : memref<112x128xf32, #tpu.memory_space<vmem>>) offsets(%dma_start3A_168 : memref<112xi32, #tpu.memory_space<vmem>>) semaphore(%arg14 : memref<!tpu.dma_semaphore, #tpu.memory_space<semaphore_mem>>)
    %dma_start3A_172 = arith.constant 1 : i32
    %dma_start3A_173 = arith.constant 0 : i32
    %dma_start3A_174 = arith.constant 0 : i32
    %dma_start3A_175 = tpu.memref_slice %arg11[%dma_start3A_172, %dma_start3A_173, %dma_start3A_174] : memref<2x112x64xf32, #tpu.memory_space<vmem>> -> memref<1x112x64xf32, #tpu.memory_space<vmem>>
    %dma_start3A_176 = tpu.memref_squeeze %dma_start3A_175 : memref<1x112x64xf32, #tpu.memory_space<vmem>> -> memref<112x64xf32, #tpu.memory_space<vmem>>
    %dma_start3A_177 = arith.constant 336 : i32
    %dma_start3A_178 = tpu.memref_slice %arg9[%dma_start3A_177] : memref<784xi32, #tpu.memory_space<vmem>> -> memref<112xi32, #tpu.memory_space<vmem>>
    %dma_start3A_179 = arith.constant 0 : i32
    %dma_start3A_180 = arith.constant 0 : i32
    %dma_start3A_181 = tpu.memref_slice %arg3[%dma_start3A_179, %dma_start3A_180] : memref<100000x64xf32, #tpu.memory_space<hbm>> -> memref<100000x64xf32, #tpu.memory_space<hbm>>
    tpu.enqueue_indirect_dma source(%dma_start3A_181 : memref<100000x64xf32, #tpu.memory_space<hbm>>) target(%dma_start3A_176 : memref<112x64xf32, #tpu.memory_space<vmem>>) offsets(%dma_start3A_178 : memref<112xi32, #tpu.memory_space<vmem>>) semaphore(%arg16 : memref<!tpu.dma_semaphore, #tpu.memory_space<semaphore_mem>>)
    %dma_start3A_182 = arith.constant 1 : i32
    %dma_start3A_183 = arith.constant 0 : i32
    %dma_start3A_184 = arith.constant 0 : i32
    %dma_start3A_185 = tpu.memref_slice %arg12[%dma_start3A_182, %dma_start3A_183, %dma_start3A_184] : memref<2x112x16xf32, #tpu.memory_space<vmem>> -> memref<1x112x16xf32, #tpu.memory_space<vmem>>
    %dma_start3A_186 = tpu.memref_squeeze %dma_start3A_185 : memref<1x112x16xf32, #tpu.memory_space<vmem>> -> memref<112x16xf32, #tpu.memory_space<vmem>>
    %dma_start3A_187 = arith.constant 336 : i32
    %dma_start3A_188 = tpu.memref_slice %arg9[%dma_start3A_187] : memref<784xi32, #tpu.memory_space<vmem>> -> memref<112xi32, #tpu.memory_space<vmem>>
    %dma_start3A_189 = arith.constant 0 : i32
    %dma_start3A_190 = arith.constant 0 : i32
    %dma_start3A_191 = tpu.memref_slice %arg4[%dma_start3A_189, %dma_start3A_190] : memref<100000x16xf32, #tpu.memory_space<hbm>> -> memref<100000x16xf32, #tpu.memory_space<hbm>>
    tpu.enqueue_indirect_dma source(%dma_start3A_191 : memref<100000x16xf32, #tpu.memory_space<hbm>>) target(%dma_start3A_186 : memref<112x16xf32, #tpu.memory_space<vmem>>) offsets(%dma_start3A_188 : memref<112xi32, #tpu.memory_space<vmem>>) semaphore(%arg18 : memref<!tpu.dma_semaphore, #tpu.memory_space<semaphore_mem>>)
    %add3A_192 = arith.constant 224 : i32
    %add3A_193 = arith.addi %multiple_of3A, %add3A_192 : i32
    %multiple_of3A_194 = tpu.assume_multiple %add3A_193, 8 : i32
    %dma_wait3A_195 = arith.constant 0 : i32
    %dma_wait3A_196 = arith.constant 0 : i32
    %dma_wait3A_197 = arith.constant 0 : i32
    %dma_wait3A_198 = tpu.memref_slice %arg10[%dma_wait3A_195, %dma_wait3A_196, %dma_wait3A_197] : memref<2x112x128xf32, #tpu.memory_space<vmem>> -> memref<1x112x128xf32, #tpu.memory_space<vmem>>
    %dma_wait3A_199 = tpu.memref_squeeze %dma_wait3A_198 : memref<1x112x128xf32, #tpu.memory_space<vmem>> -> memref<112x128xf32, #tpu.memory_space<vmem>>
    %dma_wait3A_200 = arith.constant 224 : i32
    %dma_wait3A_201 = tpu.memref_slice %arg9[%dma_wait3A_200] : memref<784xi32, #tpu.memory_space<vmem>> -> memref<112xi32, #tpu.memory_space<vmem>>
    %dma_wait3A_202 = arith.constant 0 : i32
    %dma_wait3A_203 = arith.constant 0 : i32
    %dma_wait3A_204 = tpu.memref_slice %arg2[%dma_wait3A_202, %dma_wait3A_203] : memref<100000x128xf32, #tpu.memory_space<hbm>> -> memref<100000x128xf32, #tpu.memory_space<hbm>>
    tpu.wait_indirect_dma semaphore(%arg13 : memref<!tpu.dma_semaphore, #tpu.memory_space<semaphore_mem>>) src(%dma_wait3A_204 : memref<100000x128xf32, #tpu.memory_space<hbm>>) dst(%dma_wait3A_199 : memref<112x128xf32, #tpu.memory_space<vmem>>)
    %run_scoped3A_205 = arith.constant 0 : i32
    "tpu.region"() ({
      %run_scoped3A_462 = tpu.sem_alloc : memref<!tpu.dma_semaphore, #tpu.memory_space<semaphore_mem>>
      %dma_start3A_463 = arith.constant 0 : i32
      %dma_start3A_464 = arith.constant 0 : i32
      %dma_start3A_465 = tpu.memref_slice %arg10[%run_scoped3A_205, %dma_start3A_463, %dma_start3A_464] : memref<2x112x128xf32, #tpu.memory_space<vmem>> -> memref<1x112x128xf32, #tpu.memory_space<vmem>>
      %dma_start3A_466 = tpu.memref_squeeze %dma_start3A_465 : memref<1x112x128xf32, #tpu.memory_space<vmem>> -> memref<112x128xf32, #tpu.memory_space<vmem>>
      %dma_start3A_467 = arith.constant 0 : i32
      %dma_start3A_468 = tpu.memref_slice %arg6[%multiple_of3A_194, %dma_start3A_467] : memref<25088x128xf32, #tpu.memory_space<hbm>> -> memref<112x128xf32, #tpu.memory_space<hbm>>
      %dma_start3A_469 = arith.constant 0 : i32
      %dma_start3A_470 = tpu.memref_slice %arg6[%multiple_of3A_194, %dma_start3A_469] : memref<25088x128xf32, #tpu.memory_space<hbm>> -> memref<112x128xf32, #tpu.memory_space<hbm>>
      %dma_start3A_471 = arith.constant 0 : i32
      %dma_start3A_472 = arith.constant 0 : i32
      %dma_start3A_473 = tpu.memref_slice %arg10[%run_scoped3A_205, %dma_start3A_471, %dma_start3A_472] : memref<2x112x128xf32, #tpu.memory_space<vmem>> -> memref<1x112x128xf32, #tpu.memory_space<vmem>>
      %dma_start3A_474 = tpu.memref_squeeze %dma_start3A_473 : memref<1x112x128xf32, #tpu.memory_space<vmem>> -> memref<112x128xf32, #tpu.memory_space<vmem>>
      tpu.enqueue_dma source(%dma_start3A_474 : memref<112x128xf32, #tpu.memory_space<vmem>>) target(%dma_start3A_470 : memref<112x128xf32, #tpu.memory_space<hbm>>) target_semaphore(%run_scoped3A_462 : memref<!tpu.dma_semaphore, #tpu.memory_space<semaphore_mem>>)
      %dma_wait3A_475 = arith.constant 0 : i32
      %dma_wait3A_476 = arith.constant 0 : i32
      %dma_wait3A_477 = tpu.memref_slice %arg10[%run_scoped3A_205, %dma_wait3A_475, %dma_wait3A_476] : memref<2x112x128xf32, #tpu.memory_space<vmem>> -> memref<1x112x128xf32, #tpu.memory_space<vmem>>
      %dma_wait3A_478 = tpu.memref_squeeze %dma_wait3A_477 : memref<1x112x128xf32, #tpu.memory_space<vmem>> -> memref<112x128xf32, #tpu.memory_space<vmem>>
      %dma_wait3A_479 = arith.constant 0 : i32
      %dma_wait3A_480 = tpu.memref_slice %arg6[%multiple_of3A_194, %dma_wait3A_479] : memref<25088x128xf32, #tpu.memory_space<hbm>> -> memref<112x128xf32, #tpu.memory_space<hbm>>
      %dma_wait3A_481 = arith.constant 0 : i32
      %dma_wait3A_482 = tpu.memref_slice %arg6[%multiple_of3A_194, %dma_wait3A_481] : memref<25088x128xf32, #tpu.memory_space<hbm>> -> memref<112x128xf32, #tpu.memory_space<hbm>>
      %dma_wait3A_483 = arith.constant 0 : i32
      %dma_wait3A_484 = arith.constant 0 : i32
      %dma_wait3A_485 = tpu.memref_slice %arg10[%run_scoped3A_205, %dma_wait3A_483, %dma_wait3A_484] : memref<2x112x128xf32, #tpu.memory_space<vmem>> -> memref<1x112x128xf32, #tpu.memory_space<vmem>>
      %dma_wait3A_486 = tpu.memref_squeeze %dma_wait3A_485 : memref<1x112x128xf32, #tpu.memory_space<vmem>> -> memref<112x128xf32, #tpu.memory_space<vmem>>
      tpu.wait_dma2 semaphore(%run_scoped3A_462 : memref<!tpu.dma_semaphore, #tpu.memory_space<semaphore_mem>>) src(%dma_wait3A_486 : memref<112x128xf32, #tpu.memory_space<vmem>>) dst(%dma_wait3A_482 : memref<112x128xf32, #tpu.memory_space<hbm>>)
      tpu.yield
    }) : () -> ()
    %dma_wait3A_206 = arith.constant 0 : i32
    %dma_wait3A_207 = arith.constant 0 : i32
    %dma_wait3A_208 = arith.constant 0 : i32
    %dma_wait3A_209 = tpu.memref_slice %arg11[%dma_wait3A_206, %dma_wait3A_207, %dma_wait3A_208] : memref<2x112x64xf32, #tpu.memory_space<vmem>> -> memref<1x112x64xf32, #tpu.memory_space<vmem>>
    %dma_wait3A_210 = tpu.memref_squeeze %dma_wait3A_209 : memref<1x112x64xf32, #tpu.memory_space<vmem>> -> memref<112x64xf32, #tpu.memory_space<vmem>>
    %dma_wait3A_211 = arith.constant 224 : i32
    %dma_wait3A_212 = tpu.memref_slice %arg9[%dma_wait3A_211] : memref<784xi32, #tpu.memory_space<vmem>> -> memref<112xi32, #tpu.memory_space<vmem>>
    %dma_wait3A_213 = arith.constant 0 : i32
    %dma_wait3A_214 = arith.constant 0 : i32
    %dma_wait3A_215 = tpu.memref_slice %arg3[%dma_wait3A_213, %dma_wait3A_214] : memref<100000x64xf32, #tpu.memory_space<hbm>> -> memref<100000x64xf32, #tpu.memory_space<hbm>>
    tpu.wait_indirect_dma semaphore(%arg15 : memref<!tpu.dma_semaphore, #tpu.memory_space<semaphore_mem>>) src(%dma_wait3A_215 : memref<100000x64xf32, #tpu.memory_space<hbm>>) dst(%dma_wait3A_210 : memref<112x64xf32, #tpu.memory_space<vmem>>)
    %run_scoped3A_216 = arith.constant 0 : i32
    "tpu.region"() ({
      %run_scoped3A_462 = tpu.sem_alloc : memref<!tpu.dma_semaphore, #tpu.memory_space<semaphore_mem>>
      %dma_start3A_463 = arith.constant 0 : i32
      %dma_start3A_464 = arith.constant 0 : i32
      %dma_start3A_465 = tpu.memref_slice %arg11[%run_scoped3A_216, %dma_start3A_463, %dma_start3A_464] : memref<2x112x64xf32, #tpu.memory_space<vmem>> -> memref<1x112x64xf32, #tpu.memory_space<vmem>>
      %dma_start3A_466 = tpu.memref_squeeze %dma_start3A_465 : memref<1x112x64xf32, #tpu.memory_space<vmem>> -> memref<112x64xf32, #tpu.memory_space<vmem>>
      %dma_start3A_467 = arith.constant 0 : i32
      %dma_start3A_468 = tpu.memref_slice %arg7[%multiple_of3A_194, %dma_start3A_467] : memref<25088x64xf32, #tpu.memory_space<hbm>> -> memref<112x64xf32, #tpu.memory_space<hbm>>
      %dma_start3A_469 = arith.constant 0 : i32
      %dma_start3A_470 = tpu.memref_slice %arg7[%multiple_of3A_194, %dma_start3A_469] : memref<25088x64xf32, #tpu.memory_space<hbm>> -> memref<112x64xf32, #tpu.memory_space<hbm>>
      %dma_start3A_471 = arith.constant 0 : i32
      %dma_start3A_472 = arith.constant 0 : i32
      %dma_start3A_473 = tpu.memref_slice %arg11[%run_scoped3A_216, %dma_start3A_471, %dma_start3A_472] : memref<2x112x64xf32, #tpu.memory_space<vmem>> -> memref<1x112x64xf32, #tpu.memory_space<vmem>>
      %dma_start3A_474 = tpu.memref_squeeze %dma_start3A_473 : memref<1x112x64xf32, #tpu.memory_space<vmem>> -> memref<112x64xf32, #tpu.memory_space<vmem>>
      tpu.enqueue_dma source(%dma_start3A_474 : memref<112x64xf32, #tpu.memory_space<vmem>>) target(%dma_start3A_470 : memref<112x64xf32, #tpu.memory_space<hbm>>) target_semaphore(%run_scoped3A_462 : memref<!tpu.dma_semaphore, #tpu.memory_space<semaphore_mem>>)
      %dma_wait3A_475 = arith.constant 0 : i32
      %dma_wait3A_476 = arith.constant 0 : i32
      %dma_wait3A_477 = tpu.memref_slice %arg11[%run_scoped3A_216, %dma_wait3A_475, %dma_wait3A_476] : memref<2x112x64xf32, #tpu.memory_space<vmem>> -> memref<1x112x64xf32, #tpu.memory_space<vmem>>
      %dma_wait3A_478 = tpu.memref_squeeze %dma_wait3A_477 : memref<1x112x64xf32, #tpu.memory_space<vmem>> -> memref<112x64xf32, #tpu.memory_space<vmem>>
      %dma_wait3A_479 = arith.constant 0 : i32
      %dma_wait3A_480 = tpu.memref_slice %arg7[%multiple_of3A_194, %dma_wait3A_479] : memref<25088x64xf32, #tpu.memory_space<hbm>> -> memref<112x64xf32, #tpu.memory_space<hbm>>
      %dma_wait3A_481 = arith.constant 0 : i32
      %dma_wait3A_482 = tpu.memref_slice %arg7[%multiple_of3A_194, %dma_wait3A_481] : memref<25088x64xf32, #tpu.memory_space<hbm>> -> memref<112x64xf32, #tpu.memory_space<hbm>>
      %dma_wait3A_483 = arith.constant 0 : i32
      %dma_wait3A_484 = arith.constant 0 : i32
      %dma_wait3A_485 = tpu.memref_slice %arg11[%run_scoped3A_216, %dma_wait3A_483, %dma_wait3A_484] : memref<2x112x64xf32, #tpu.memory_space<vmem>> -> memref<1x112x64xf32, #tpu.memory_space<vmem>>
      %dma_wait3A_486 = tpu.memref_squeeze %dma_wait3A_485 : memref<1x112x64xf32, #tpu.memory_space<vmem>> -> memref<112x64xf32, #tpu.memory_space<vmem>>
      tpu.wait_dma2 semaphore(%run_scoped3A_462 : memref<!tpu.dma_semaphore, #tpu.memory_space<semaphore_mem>>) src(%dma_wait3A_486 : memref<112x64xf32, #tpu.memory_space<vmem>>) dst(%dma_wait3A_482 : memref<112x64xf32, #tpu.memory_space<hbm>>)
      tpu.yield
    }) : () -> ()
    %dma_wait3A_217 = arith.constant 0 : i32
    %dma_wait3A_218 = arith.constant 0 : i32
    %dma_wait3A_219 = arith.constant 0 : i32
    %dma_wait3A_220 = tpu.memref_slice %arg12[%dma_wait3A_217, %dma_wait3A_218, %dma_wait3A_219] : memref<2x112x16xf32, #tpu.memory_space<vmem>> -> memref<1x112x16xf32, #tpu.memory_space<vmem>>
    %dma_wait3A_221 = tpu.memref_squeeze %dma_wait3A_220 : memref<1x112x16xf32, #tpu.memory_space<vmem>> -> memref<112x16xf32, #tpu.memory_space<vmem>>
    %dma_wait3A_222 = arith.constant 224 : i32
    %dma_wait3A_223 = tpu.memref_slice %arg9[%dma_wait3A_222] : memref<784xi32, #tpu.memory_space<vmem>> -> memref<112xi32, #tpu.memory_space<vmem>>
    %dma_wait3A_224 = arith.constant 0 : i32
    %dma_wait3A_225 = arith.constant 0 : i32
    %dma_wait3A_226 = tpu.memref_slice %arg4[%dma_wait3A_224, %dma_wait3A_225] : memref<100000x16xf32, #tpu.memory_space<hbm>> -> memref<100000x16xf32, #tpu.memory_space<hbm>>
    tpu.wait_indirect_dma semaphore(%arg17 : memref<!tpu.dma_semaphore, #tpu.memory_space<semaphore_mem>>) src(%dma_wait3A_226 : memref<100000x16xf32, #tpu.memory_space<hbm>>) dst(%dma_wait3A_221 : memref<112x16xf32, #tpu.memory_space<vmem>>)
    %run_scoped3A_227 = arith.constant 0 : i32
    "tpu.region"() ({
      %run_scoped3A_462 = tpu.sem_alloc : memref<!tpu.dma_semaphore, #tpu.memory_space<semaphore_mem>>
      %dma_start3A_463 = arith.constant 0 : i32
      %dma_start3A_464 = arith.constant 0 : i32
      %dma_start3A_465 = tpu.memref_slice %arg12[%run_scoped3A_227, %dma_start3A_463, %dma_start3A_464] : memref<2x112x16xf32, #tpu.memory_space<vmem>> -> memref<1x112x16xf32, #tpu.memory_space<vmem>>
      %dma_start3A_466 = tpu.memref_squeeze %dma_start3A_465 : memref<1x112x16xf32, #tpu.memory_space<vmem>> -> memref<112x16xf32, #tpu.memory_space<vmem>>
      %dma_start3A_467 = arith.constant 0 : i32
      %dma_start3A_468 = tpu.memref_slice %arg8[%multiple_of3A_194, %dma_start3A_467] : memref<25088x16xf32, #tpu.memory_space<hbm>> -> memref<112x16xf32, #tpu.memory_space<hbm>>
      %dma_start3A_469 = arith.constant 0 : i32
      %dma_start3A_470 = tpu.memref_slice %arg8[%multiple_of3A_194, %dma_start3A_469] : memref<25088x16xf32, #tpu.memory_space<hbm>> -> memref<112x16xf32, #tpu.memory_space<hbm>>
      %dma_start3A_471 = arith.constant 0 : i32
      %dma_start3A_472 = arith.constant 0 : i32
      %dma_start3A_473 = tpu.memref_slice %arg12[%run_scoped3A_227, %dma_start3A_471, %dma_start3A_472] : memref<2x112x16xf32, #tpu.memory_space<vmem>> -> memref<1x112x16xf32, #tpu.memory_space<vmem>>
      %dma_start3A_474 = tpu.memref_squeeze %dma_start3A_473 : memref<1x112x16xf32, #tpu.memory_space<vmem>> -> memref<112x16xf32, #tpu.memory_space<vmem>>
      tpu.enqueue_dma source(%dma_start3A_474 : memref<112x16xf32, #tpu.memory_space<vmem>>) target(%dma_start3A_470 : memref<112x16xf32, #tpu.memory_space<hbm>>) target_semaphore(%run_scoped3A_462 : memref<!tpu.dma_semaphore, #tpu.memory_space<semaphore_mem>>)
      %dma_wait3A_475 = arith.constant 0 : i32
      %dma_wait3A_476 = arith.constant 0 : i32
      %dma_wait3A_477 = tpu.memref_slice %arg12[%run_scoped3A_227, %dma_wait3A_475, %dma_wait3A_476] : memref<2x112x16xf32, #tpu.memory_space<vmem>> -> memref<1x112x16xf32, #tpu.memory_space<vmem>>
      %dma_wait3A_478 = tpu.memref_squeeze %dma_wait3A_477 : memref<1x112x16xf32, #tpu.memory_space<vmem>> -> memref<112x16xf32, #tpu.memory_space<vmem>>
      %dma_wait3A_479 = arith.constant 0 : i32
      %dma_wait3A_480 = tpu.memref_slice %arg8[%multiple_of3A_194, %dma_wait3A_479] : memref<25088x16xf32, #tpu.memory_space<hbm>> -> memref<112x16xf32, #tpu.memory_space<hbm>>
      %dma_wait3A_481 = arith.constant 0 : i32
      %dma_wait3A_482 = tpu.memref_slice %arg8[%multiple_of3A_194, %dma_wait3A_481] : memref<25088x16xf32, #tpu.memory_space<hbm>> -> memref<112x16xf32, #tpu.memory_space<hbm>>
      %dma_wait3A_483 = arith.constant 0 : i32
      %dma_wait3A_484 = arith.constant 0 : i32
      %dma_wait3A_485 = tpu.memref_slice %arg12[%run_scoped3A_227, %dma_wait3A_483, %dma_wait3A_484] : memref<2x112x16xf32, #tpu.memory_space<vmem>> -> memref<1x112x16xf32, #tpu.memory_space<vmem>>
      %dma_wait3A_486 = tpu.memref_squeeze %dma_wait3A_485 : memref<1x112x16xf32, #tpu.memory_space<vmem>> -> memref<112x16xf32, #tpu.memory_space<vmem>>
      tpu.wait_dma2 semaphore(%run_scoped3A_462 : memref<!tpu.dma_semaphore, #tpu.memory_space<semaphore_mem>>) src(%dma_wait3A_486 : memref<112x16xf32, #tpu.memory_space<vmem>>) dst(%dma_wait3A_482 : memref<112x16xf32, #tpu.memory_space<hbm>>)
      tpu.yield
    }) : () -> ()
    %dma_start3A_228 = arith.constant 0 : i32
    %dma_start3A_229 = arith.constant 0 : i32
    %dma_start3A_230 = arith.constant 0 : i32
    %dma_start3A_231 = tpu.memref_slice %arg10[%dma_start3A_228, %dma_start3A_229, %dma_start3A_230] : memref<2x112x128xf32, #tpu.memory_space<vmem>> -> memref<1x112x128xf32, #tpu.memory_space<vmem>>
    %dma_start3A_232 = tpu.memref_squeeze %dma_start3A_231 : memref<1x112x128xf32, #tpu.memory_space<vmem>> -> memref<112x128xf32, #tpu.memory_space<vmem>>
    %dma_start3A_233 = arith.constant 448 : i32
    %dma_start3A_234 = tpu.memref_slice %arg9[%dma_start3A_233] : memref<784xi32, #tpu.memory_space<vmem>> -> memref<112xi32, #tpu.memory_space<vmem>>
    %dma_start3A_235 = arith.constant 0 : i32
    %dma_start3A_236 = arith.constant 0 : i32
    %dma_start3A_237 = tpu.memref_slice %arg2[%dma_start3A_235, %dma_start3A_236] : memref<100000x128xf32, #tpu.memory_space<hbm>> -> memref<100000x128xf32, #tpu.memory_space<hbm>>
    tpu.enqueue_indirect_dma source(%dma_start3A_237 : memref<100000x128xf32, #tpu.memory_space<hbm>>) target(%dma_start3A_232 : memref<112x128xf32, #tpu.memory_space<vmem>>) offsets(%dma_start3A_234 : memref<112xi32, #tpu.memory_space<vmem>>) semaphore(%arg13 : memref<!tpu.dma_semaphore, #tpu.memory_space<semaphore_mem>>)
    %dma_start3A_238 = arith.constant 0 : i32
    %dma_start3A_239 = arith.constant 0 : i32
    %dma_start3A_240 = arith.constant 0 : i32
    %dma_start3A_241 = tpu.memref_slice %arg11[%dma_start3A_238, %dma_start3A_239, %dma_start3A_240] : memref<2x112x64xf32, #tpu.memory_space<vmem>> -> memref<1x112x64xf32, #tpu.memory_space<vmem>>
    %dma_start3A_242 = tpu.memref_squeeze %dma_start3A_241 : memref<1x112x64xf32, #tpu.memory_space<vmem>> -> memref<112x64xf32, #tpu.memory_space<vmem>>
    %dma_start3A_243 = arith.constant 448 : i32
    %dma_start3A_244 = tpu.memref_slice %arg9[%dma_start3A_243] : memref<784xi32, #tpu.memory_space<vmem>> -> memref<112xi32, #tpu.memory_space<vmem>>
    %dma_start3A_245 = arith.constant 0 : i32
    %dma_start3A_246 = arith.constant 0 : i32
    %dma_start3A_247 = tpu.memref_slice %arg3[%dma_start3A_245, %dma_start3A_246] : memref<100000x64xf32, #tpu.memory_space<hbm>> -> memref<100000x64xf32, #tpu.memory_space<hbm>>
    tpu.enqueue_indirect_dma source(%dma_start3A_247 : memref<100000x64xf32, #tpu.memory_space<hbm>>) target(%dma_start3A_242 : memref<112x64xf32, #tpu.memory_space<vmem>>) offsets(%dma_start3A_244 : memref<112xi32, #tpu.memory_space<vmem>>) semaphore(%arg15 : memref<!tpu.dma_semaphore, #tpu.memory_space<semaphore_mem>>)
    %dma_start3A_248 = arith.constant 0 : i32
    %dma_start3A_249 = arith.constant 0 : i32
    %dma_start3A_250 = arith.constant 0 : i32
    %dma_start3A_251 = tpu.memref_slice %arg12[%dma_start3A_248, %dma_start3A_249, %dma_start3A_250] : memref<2x112x16xf32, #tpu.memory_space<vmem>> -> memref<1x112x16xf32, #tpu.memory_space<vmem>>
    %dma_start3A_252 = tpu.memref_squeeze %dma_start3A_251 : memref<1x112x16xf32, #tpu.memory_space<vmem>> -> memref<112x16xf32, #tpu.memory_space<vmem>>
    %dma_start3A_253 = arith.constant 448 : i32
    %dma_start3A_254 = tpu.memref_slice %arg9[%dma_start3A_253] : memref<784xi32, #tpu.memory_space<vmem>> -> memref<112xi32, #tpu.memory_space<vmem>>
    %dma_start3A_255 = arith.constant 0 : i32
    %dma_start3A_256 = arith.constant 0 : i32
    %dma_start3A_257 = tpu.memref_slice %arg4[%dma_start3A_255, %dma_start3A_256] : memref<100000x16xf32, #tpu.memory_space<hbm>> -> memref<100000x16xf32, #tpu.memory_space<hbm>>
    tpu.enqueue_indirect_dma source(%dma_start3A_257 : memref<100000x16xf32, #tpu.memory_space<hbm>>) target(%dma_start3A_252 : memref<112x16xf32, #tpu.memory_space<vmem>>) offsets(%dma_start3A_254 : memref<112xi32, #tpu.memory_space<vmem>>) semaphore(%arg17 : memref<!tpu.dma_semaphore, #tpu.memory_space<semaphore_mem>>)
    %add3A_258 = arith.constant 336 : i32
    %add3A_259 = arith.addi %multiple_of3A, %add3A_258 : i32
    %multiple_of3A_260 = tpu.assume_multiple %add3A_259, 8 : i32
    %dma_wait3A_261 = arith.constant 1 : i32
    %dma_wait3A_262 = arith.constant 0 : i32
    %dma_wait3A_263 = arith.constant 0 : i32
    %dma_wait3A_264 = tpu.memref_slice %arg10[%dma_wait3A_261, %dma_wait3A_262, %dma_wait3A_263] : memref<2x112x128xf32, #tpu.memory_space<vmem>> -> memref<1x112x128xf32, #tpu.memory_space<vmem>>
    %dma_wait3A_265 = tpu.memref_squeeze %dma_wait3A_264 : memref<1x112x128xf32, #tpu.memory_space<vmem>> -> memref<112x128xf32, #tpu.memory_space<vmem>>
    %dma_wait3A_266 = arith.constant 336 : i32
    %dma_wait3A_267 = tpu.memref_slice %arg9[%dma_wait3A_266] : memref<784xi32, #tpu.memory_space<vmem>> -> memref<112xi32, #tpu.memory_space<vmem>>
    %dma_wait3A_268 = arith.constant 0 : i32
    %dma_wait3A_269 = arith.constant 0 : i32
    %dma_wait3A_270 = tpu.memref_slice %arg2[%dma_wait3A_268, %dma_wait3A_269] : memref<100000x128xf32, #tpu.memory_space<hbm>> -> memref<100000x128xf32, #tpu.memory_space<hbm>>
    tpu.wait_indirect_dma semaphore(%arg14 : memref<!tpu.dma_semaphore, #tpu.memory_space<semaphore_mem>>) src(%dma_wait3A_270 : memref<100000x128xf32, #tpu.memory_space<hbm>>) dst(%dma_wait3A_265 : memref<112x128xf32, #tpu.memory_space<vmem>>)
    %run_scoped3A_271 = arith.constant 1 : i32
    "tpu.region"() ({
      %run_scoped3A_462 = tpu.sem_alloc : memref<!tpu.dma_semaphore, #tpu.memory_space<semaphore_mem>>
      %dma_start3A_463 = arith.constant 0 : i32
      %dma_start3A_464 = arith.constant 0 : i32
      %dma_start3A_465 = tpu.memref_slice %arg10[%run_scoped3A_271, %dma_start3A_463, %dma_start3A_464] : memref<2x112x128xf32, #tpu.memory_space<vmem>> -> memref<1x112x128xf32, #tpu.memory_space<vmem>>
      %dma_start3A_466 = tpu.memref_squeeze %dma_start3A_465 : memref<1x112x128xf32, #tpu.memory_space<vmem>> -> memref<112x128xf32, #tpu.memory_space<vmem>>
      %dma_start3A_467 = arith.constant 0 : i32
      %dma_start3A_468 = tpu.memref_slice %arg6[%multiple_of3A_260, %dma_start3A_467] : memref<25088x128xf32, #tpu.memory_space<hbm>> -> memref<112x128xf32, #tpu.memory_space<hbm>>
      %dma_start3A_469 = arith.constant 0 : i32
      %dma_start3A_470 = tpu.memref_slice %arg6[%multiple_of3A_260, %dma_start3A_469] : memref<25088x128xf32, #tpu.memory_space<hbm>> -> memref<112x128xf32, #tpu.memory_space<hbm>>
      %dma_start3A_471 = arith.constant 0 : i32
      %dma_start3A_472 = arith.constant 0 : i32
      %dma_start3A_473 = tpu.memref_slice %arg10[%run_scoped3A_271, %dma_start3A_471, %dma_start3A_472] : memref<2x112x128xf32, #tpu.memory_space<vmem>> -> memref<1x112x128xf32, #tpu.memory_space<vmem>>
      %dma_start3A_474 = tpu.memref_squeeze %dma_start3A_473 : memref<1x112x128xf32, #tpu.memory_space<vmem>> -> memref<112x128xf32, #tpu.memory_space<vmem>>
      tpu.enqueue_dma source(%dma_start3A_474 : memref<112x128xf32, #tpu.memory_space<vmem>>) target(%dma_start3A_470 : memref<112x128xf32, #tpu.memory_space<hbm>>) target_semaphore(%run_scoped3A_462 : memref<!tpu.dma_semaphore, #tpu.memory_space<semaphore_mem>>)
      %dma_wait3A_475 = arith.constant 0 : i32
      %dma_wait3A_476 = arith.constant 0 : i32
      %dma_wait3A_477 = tpu.memref_slice %arg10[%run_scoped3A_271, %dma_wait3A_475, %dma_wait3A_476] : memref<2x112x128xf32, #tpu.memory_space<vmem>> -> memref<1x112x128xf32, #tpu.memory_space<vmem>>
      %dma_wait3A_478 = tpu.memref_squeeze %dma_wait3A_477 : memref<1x112x128xf32, #tpu.memory_space<vmem>> -> memref<112x128xf32, #tpu.memory_space<vmem>>
      %dma_wait3A_479 = arith.constant 0 : i32
      %dma_wait3A_480 = tpu.memref_slice %arg6[%multiple_of3A_260, %dma_wait3A_479] : memref<25088x128xf32, #tpu.memory_space<hbm>> -> memref<112x128xf32, #tpu.memory_space<hbm>>
      %dma_wait3A_481 = arith.constant 0 : i32
      %dma_wait3A_482 = tpu.memref_slice %arg6[%multiple_of3A_260, %dma_wait3A_481] : memref<25088x128xf32, #tpu.memory_space<hbm>> -> memref<112x128xf32, #tpu.memory_space<hbm>>
      %dma_wait3A_483 = arith.constant 0 : i32
      %dma_wait3A_484 = arith.constant 0 : i32
      %dma_wait3A_485 = tpu.memref_slice %arg10[%run_scoped3A_271, %dma_wait3A_483, %dma_wait3A_484] : memref<2x112x128xf32, #tpu.memory_space<vmem>> -> memref<1x112x128xf32, #tpu.memory_space<vmem>>
      %dma_wait3A_486 = tpu.memref_squeeze %dma_wait3A_485 : memref<1x112x128xf32, #tpu.memory_space<vmem>> -> memref<112x128xf32, #tpu.memory_space<vmem>>
      tpu.wait_dma2 semaphore(%run_scoped3A_462 : memref<!tpu.dma_semaphore, #tpu.memory_space<semaphore_mem>>) src(%dma_wait3A_486 : memref<112x128xf32, #tpu.memory_space<vmem>>) dst(%dma_wait3A_482 : memref<112x128xf32, #tpu.memory_space<hbm>>)
      tpu.yield
    }) : () -> ()
    %dma_wait3A_272 = arith.constant 1 : i32
    %dma_wait3A_273 = arith.constant 0 : i32
    %dma_wait3A_274 = arith.constant 0 : i32
    %dma_wait3A_275 = tpu.memref_slice %arg11[%dma_wait3A_272, %dma_wait3A_273, %dma_wait3A_274] : memref<2x112x64xf32, #tpu.memory_space<vmem>> -> memref<1x112x64xf32, #tpu.memory_space<vmem>>
    %dma_wait3A_276 = tpu.memref_squeeze %dma_wait3A_275 : memref<1x112x64xf32, #tpu.memory_space<vmem>> -> memref<112x64xf32, #tpu.memory_space<vmem>>
    %dma_wait3A_277 = arith.constant 336 : i32
    %dma_wait3A_278 = tpu.memref_slice %arg9[%dma_wait3A_277] : memref<784xi32, #tpu.memory_space<vmem>> -> memref<112xi32, #tpu.memory_space<vmem>>
    %dma_wait3A_279 = arith.constant 0 : i32
    %dma_wait3A_280 = arith.constant 0 : i32
    %dma_wait3A_281 = tpu.memref_slice %arg3[%dma_wait3A_279, %dma_wait3A_280] : memref<100000x64xf32, #tpu.memory_space<hbm>> -> memref<100000x64xf32, #tpu.memory_space<hbm>>
    tpu.wait_indirect_dma semaphore(%arg16 : memref<!tpu.dma_semaphore, #tpu.memory_space<semaphore_mem>>) src(%dma_wait3A_281 : memref<100000x64xf32, #tpu.memory_space<hbm>>) dst(%dma_wait3A_276 : memref<112x64xf32, #tpu.memory_space<vmem>>)
    %run_scoped3A_282 = arith.constant 1 : i32
    "tpu.region"() ({
      %run_scoped3A_462 = tpu.sem_alloc : memref<!tpu.dma_semaphore, #tpu.memory_space<semaphore_mem>>
      %dma_start3A_463 = arith.constant 0 : i32
      %dma_start3A_464 = arith.constant 0 : i32
      %dma_start3A_465 = tpu.memref_slice %arg11[%run_scoped3A_282, %dma_start3A_463, %dma_start3A_464] : memref<2x112x64xf32, #tpu.memory_space<vmem>> -> memref<1x112x64xf32, #tpu.memory_space<vmem>>
      %dma_start3A_466 = tpu.memref_squeeze %dma_start3A_465 : memref<1x112x64xf32, #tpu.memory_space<vmem>> -> memref<112x64xf32, #tpu.memory_space<vmem>>
      %dma_start3A_467 = arith.constant 0 : i32
      %dma_start3A_468 = tpu.memref_slice %arg7[%multiple_of3A_260, %dma_start3A_467] : memref<25088x64xf32, #tpu.memory_space<hbm>> -> memref<112x64xf32, #tpu.memory_space<hbm>>
      %dma_start3A_469 = arith.constant 0 : i32
      %dma_start3A_470 = tpu.memref_slice %arg7[%multiple_of3A_260, %dma_start3A_469] : memref<25088x64xf32, #tpu.memory_space<hbm>> -> memref<112x64xf32, #tpu.memory_space<hbm>>
      %dma_start3A_471 = arith.constant 0 : i32
      %dma_start3A_472 = arith.constant 0 : i32
      %dma_start3A_473 = tpu.memref_slice %arg11[%run_scoped3A_282, %dma_start3A_471, %dma_start3A_472] : memref<2x112x64xf32, #tpu.memory_space<vmem>> -> memref<1x112x64xf32, #tpu.memory_space<vmem>>
      %dma_start3A_474 = tpu.memref_squeeze %dma_start3A_473 : memref<1x112x64xf32, #tpu.memory_space<vmem>> -> memref<112x64xf32, #tpu.memory_space<vmem>>
      tpu.enqueue_dma source(%dma_start3A_474 : memref<112x64xf32, #tpu.memory_space<vmem>>) target(%dma_start3A_470 : memref<112x64xf32, #tpu.memory_space<hbm>>) target_semaphore(%run_scoped3A_462 : memref<!tpu.dma_semaphore, #tpu.memory_space<semaphore_mem>>)
      %dma_wait3A_475 = arith.constant 0 : i32
      %dma_wait3A_476 = arith.constant 0 : i32
      %dma_wait3A_477 = tpu.memref_slice %arg11[%run_scoped3A_282, %dma_wait3A_475, %dma_wait3A_476] : memref<2x112x64xf32, #tpu.memory_space<vmem>> -> memref<1x112x64xf32, #tpu.memory_space<vmem>>
      %dma_wait3A_478 = tpu.memref_squeeze %dma_wait3A_477 : memref<1x112x64xf32, #tpu.memory_space<vmem>> -> memref<112x64xf32, #tpu.memory_space<vmem>>
      %dma_wait3A_479 = arith.constant 0 : i32
      %dma_wait3A_480 = tpu.memref_slice %arg7[%multiple_of3A_260, %dma_wait3A_479] : memref<25088x64xf32, #tpu.memory_space<hbm>> -> memref<112x64xf32, #tpu.memory_space<hbm>>
      %dma_wait3A_481 = arith.constant 0 : i32
      %dma_wait3A_482 = tpu.memref_slice %arg7[%multiple_of3A_260, %dma_wait3A_481] : memref<25088x64xf32, #tpu.memory_space<hbm>> -> memref<112x64xf32, #tpu.memory_space<hbm>>
      %dma_wait3A_483 = arith.constant 0 : i32
      %dma_wait3A_484 = arith.constant 0 : i32
      %dma_wait3A_485 = tpu.memref_slice %arg11[%run_scoped3A_282, %dma_wait3A_483, %dma_wait3A_484] : memref<2x112x64xf32, #tpu.memory_space<vmem>> -> memref<1x112x64xf32, #tpu.memory_space<vmem>>
      %dma_wait3A_486 = tpu.memref_squeeze %dma_wait3A_485 : memref<1x112x64xf32, #tpu.memory_space<vmem>> -> memref<112x64xf32, #tpu.memory_space<vmem>>
      tpu.wait_dma2 semaphore(%run_scoped3A_462 : memref<!tpu.dma_semaphore, #tpu.memory_space<semaphore_mem>>) src(%dma_wait3A_486 : memref<112x64xf32, #tpu.memory_space<vmem>>) dst(%dma_wait3A_482 : memref<112x64xf32, #tpu.memory_space<hbm>>)
      tpu.yield
    }) : () -> ()
    %dma_wait3A_283 = arith.constant 1 : i32
    %dma_wait3A_284 = arith.constant 0 : i32
    %dma_wait3A_285 = arith.constant 0 : i32
    %dma_wait3A_286 = tpu.memref_slice %arg12[%dma_wait3A_283, %dma_wait3A_284, %dma_wait3A_285] : memref<2x112x16xf32, #tpu.memory_space<vmem>> -> memref<1x112x16xf32, #tpu.memory_space<vmem>>
    %dma_wait3A_287 = tpu.memref_squeeze %dma_wait3A_286 : memref<1x112x16xf32, #tpu.memory_space<vmem>> -> memref<112x16xf32, #tpu.memory_space<vmem>>
    %dma_wait3A_288 = arith.constant 336 : i32
    %dma_wait3A_289 = tpu.memref_slice %arg9[%dma_wait3A_288] : memref<784xi32, #tpu.memory_space<vmem>> -> memref<112xi32, #tpu.memory_space<vmem>>
    %dma_wait3A_290 = arith.constant 0 : i32
    %dma_wait3A_291 = arith.constant 0 : i32
    %dma_wait3A_292 = tpu.memref_slice %arg4[%dma_wait3A_290, %dma_wait3A_291] : memref<100000x16xf32, #tpu.memory_space<hbm>> -> memref<100000x16xf32, #tpu.memory_space<hbm>>
    tpu.wait_indirect_dma semaphore(%arg18 : memref<!tpu.dma_semaphore, #tpu.memory_space<semaphore_mem>>) src(%dma_wait3A_292 : memref<100000x16xf32, #tpu.memory_space<hbm>>) dst(%dma_wait3A_287 : memref<112x16xf32, #tpu.memory_space<vmem>>)
    %run_scoped3A_293 = arith.constant 1 : i32
    "tpu.region"() ({
      %run_scoped3A_462 = tpu.sem_alloc : memref<!tpu.dma_semaphore, #tpu.memory_space<semaphore_mem>>
      %dma_start3A_463 = arith.constant 0 : i32
      %dma_start3A_464 = arith.constant 0 : i32
      %dma_start3A_465 = tpu.memref_slice %arg12[%run_scoped3A_293, %dma_start3A_463, %dma_start3A_464] : memref<2x112x16xf32, #tpu.memory_space<vmem>> -> memref<1x112x16xf32, #tpu.memory_space<vmem>>
      %dma_start3A_466 = tpu.memref_squeeze %dma_start3A_465 : memref<1x112x16xf32, #tpu.memory_space<vmem>> -> memref<112x16xf32, #tpu.memory_space<vmem>>
      %dma_start3A_467 = arith.constant 0 : i32
      %dma_start3A_468 = tpu.memref_slice %arg8[%multiple_of3A_260, %dma_start3A_467] : memref<25088x16xf32, #tpu.memory_space<hbm>> -> memref<112x16xf32, #tpu.memory_space<hbm>>
      %dma_start3A_469 = arith.constant 0 : i32
      %dma_start3A_470 = tpu.memref_slice %arg8[%multiple_of3A_260, %dma_start3A_469] : memref<25088x16xf32, #tpu.memory_space<hbm>> -> memref<112x16xf32, #tpu.memory_space<hbm>>
      %dma_start3A_471 = arith.constant 0 : i32
      %dma_start3A_472 = arith.constant 0 : i32
      %dma_start3A_473 = tpu.memref_slice %arg12[%run_scoped3A_293, %dma_start3A_471, %dma_start3A_472] : memref<2x112x16xf32, #tpu.memory_space<vmem>> -> memref<1x112x16xf32, #tpu.memory_space<vmem>>
      %dma_start3A_474 = tpu.memref_squeeze %dma_start3A_473 : memref<1x112x16xf32, #tpu.memory_space<vmem>> -> memref<112x16xf32, #tpu.memory_space<vmem>>
      tpu.enqueue_dma source(%dma_start3A_474 : memref<112x16xf32, #tpu.memory_space<vmem>>) target(%dma_start3A_470 : memref<112x16xf32, #tpu.memory_space<hbm>>) target_semaphore(%run_scoped3A_462 : memref<!tpu.dma_semaphore, #tpu.memory_space<semaphore_mem>>)
      %dma_wait3A_475 = arith.constant 0 : i32
      %dma_wait3A_476 = arith.constant 0 : i32
      %dma_wait3A_477 = tpu.memref_slice %arg12[%run_scoped3A_293, %dma_wait3A_475, %dma_wait3A_476] : memref<2x112x16xf32, #tpu.memory_space<vmem>> -> memref<1x112x16xf32, #tpu.memory_space<vmem>>
      %dma_wait3A_478 = tpu.memref_squeeze %dma_wait3A_477 : memref<1x112x16xf32, #tpu.memory_space<vmem>> -> memref<112x16xf32, #tpu.memory_space<vmem>>
      %dma_wait3A_479 = arith.constant 0 : i32
      %dma_wait3A_480 = tpu.memref_slice %arg8[%multiple_of3A_260, %dma_wait3A_479] : memref<25088x16xf32, #tpu.memory_space<hbm>> -> memref<112x16xf32, #tpu.memory_space<hbm>>
      %dma_wait3A_481 = arith.constant 0 : i32
      %dma_wait3A_482 = tpu.memref_slice %arg8[%multiple_of3A_260, %dma_wait3A_481] : memref<25088x16xf32, #tpu.memory_space<hbm>> -> memref<112x16xf32, #tpu.memory_space<hbm>>
      %dma_wait3A_483 = arith.constant 0 : i32
      %dma_wait3A_484 = arith.constant 0 : i32
      %dma_wait3A_485 = tpu.memref_slice %arg12[%run_scoped3A_293, %dma_wait3A_483, %dma_wait3A_484] : memref<2x112x16xf32, #tpu.memory_space<vmem>> -> memref<1x112x16xf32, #tpu.memory_space<vmem>>
      %dma_wait3A_486 = tpu.memref_squeeze %dma_wait3A_485 : memref<1x112x16xf32, #tpu.memory_space<vmem>> -> memref<112x16xf32, #tpu.memory_space<vmem>>
      tpu.wait_dma2 semaphore(%run_scoped3A_462 : memref<!tpu.dma_semaphore, #tpu.memory_space<semaphore_mem>>) src(%dma_wait3A_486 : memref<112x16xf32, #tpu.memory_space<vmem>>) dst(%dma_wait3A_482 : memref<112x16xf32, #tpu.memory_space<hbm>>)
      tpu.yield
    }) : () -> ()
    %dma_start3A_294 = arith.constant 1 : i32
    %dma_start3A_295 = arith.constant 0 : i32
    %dma_start3A_296 = arith.constant 0 : i32
    %dma_start3A_297 = tpu.memref_slice %arg10[%dma_start3A_294, %dma_start3A_295, %dma_start3A_296] : memref<2x112x128xf32, #tpu.memory_space<vmem>> -> memref<1x112x128xf32, #tpu.memory_space<vmem>>
    %dma_start3A_298 = tpu.memref_squeeze %dma_start3A_297 : memref<1x112x128xf32, #tpu.memory_space<vmem>> -> memref<112x128xf32, #tpu.memory_space<vmem>>
    %dma_start3A_299 = arith.constant 560 : i32
    %dma_start3A_300 = tpu.memref_slice %arg9[%dma_start3A_299] : memref<784xi32, #tpu.memory_space<vmem>> -> memref<112xi32, #tpu.memory_space<vmem>>
    %dma_start3A_301 = arith.constant 0 : i32
    %dma_start3A_302 = arith.constant 0 : i32
    %dma_start3A_303 = tpu.memref_slice %arg2[%dma_start3A_301, %dma_start3A_302] : memref<100000x128xf32, #tpu.memory_space<hbm>> -> memref<100000x128xf32, #tpu.memory_space<hbm>>
    tpu.enqueue_indirect_dma source(%dma_start3A_303 : memref<100000x128xf32, #tpu.memory_space<hbm>>) target(%dma_start3A_298 : memref<112x128xf32, #tpu.memory_space<vmem>>) offsets(%dma_start3A_300 : memref<112xi32, #tpu.memory_space<vmem>>) semaphore(%arg14 : memref<!tpu.dma_semaphore, #tpu.memory_space<semaphore_mem>>)
    %dma_start3A_304 = arith.constant 1 : i32
    %dma_start3A_305 = arith.constant 0 : i32
    %dma_start3A_306 = arith.constant 0 : i32
    %dma_start3A_307 = tpu.memref_slice %arg11[%dma_start3A_304, %dma_start3A_305, %dma_start3A_306] : memref<2x112x64xf32, #tpu.memory_space<vmem>> -> memref<1x112x64xf32, #tpu.memory_space<vmem>>
    %dma_start3A_308 = tpu.memref_squeeze %dma_start3A_307 : memref<1x112x64xf32, #tpu.memory_space<vmem>> -> memref<112x64xf32, #tpu.memory_space<vmem>>
    %dma_start3A_309 = arith.constant 560 : i32
    %dma_start3A_310 = tpu.memref_slice %arg9[%dma_start3A_309] : memref<784xi32, #tpu.memory_space<vmem>> -> memref<112xi32, #tpu.memory_space<vmem>>
    %dma_start3A_311 = arith.constant 0 : i32
    %dma_start3A_312 = arith.constant 0 : i32
    %dma_start3A_313 = tpu.memref_slice %arg3[%dma_start3A_311, %dma_start3A_312] : memref<100000x64xf32, #tpu.memory_space<hbm>> -> memref<100000x64xf32, #tpu.memory_space<hbm>>
    tpu.enqueue_indirect_dma source(%dma_start3A_313 : memref<100000x64xf32, #tpu.memory_space<hbm>>) target(%dma_start3A_308 : memref<112x64xf32, #tpu.memory_space<vmem>>) offsets(%dma_start3A_310 : memref<112xi32, #tpu.memory_space<vmem>>) semaphore(%arg16 : memref<!tpu.dma_semaphore, #tpu.memory_space<semaphore_mem>>)
    %dma_start3A_314 = arith.constant 1 : i32
    %dma_start3A_315 = arith.constant 0 : i32
    %dma_start3A_316 = arith.constant 0 : i32
    %dma_start3A_317 = tpu.memref_slice %arg12[%dma_start3A_314, %dma_start3A_315, %dma_start3A_316] : memref<2x112x16xf32, #tpu.memory_space<vmem>> -> memref<1x112x16xf32, #tpu.memory_space<vmem>>
    %dma_start3A_318 = tpu.memref_squeeze %dma_start3A_317 : memref<1x112x16xf32, #tpu.memory_space<vmem>> -> memref<112x16xf32, #tpu.memory_space<vmem>>
    %dma_start3A_319 = arith.constant 560 : i32
    %dma_start3A_320 = tpu.memref_slice %arg9[%dma_start3A_319] : memref<784xi32, #tpu.memory_space<vmem>> -> memref<112xi32, #tpu.memory_space<vmem>>
    %dma_start3A_321 = arith.constant 0 : i32
    %dma_start3A_322 = arith.constant 0 : i32
    %dma_start3A_323 = tpu.memref_slice %arg4[%dma_start3A_321, %dma_start3A_322] : memref<100000x16xf32, #tpu.memory_space<hbm>> -> memref<100000x16xf32, #tpu.memory_space<hbm>>
    tpu.enqueue_indirect_dma source(%dma_start3A_323 : memref<100000x16xf32, #tpu.memory_space<hbm>>) target(%dma_start3A_318 : memref<112x16xf32, #tpu.memory_space<vmem>>) offsets(%dma_start3A_320 : memref<112xi32, #tpu.memory_space<vmem>>) semaphore(%arg18 : memref<!tpu.dma_semaphore, #tpu.memory_space<semaphore_mem>>)
    %add3A_324 = arith.constant 448 : i32
    %add3A_325 = arith.addi %multiple_of3A, %add3A_324 : i32
    %multiple_of3A_326 = tpu.assume_multiple %add3A_325, 8 : i32
    %dma_wait3A_327 = arith.constant 0 : i32
    %dma_wait3A_328 = arith.constant 0 : i32
    %dma_wait3A_329 = arith.constant 0 : i32
    %dma_wait3A_330 = tpu.memref_slice %arg10[%dma_wait3A_327, %dma_wait3A_328, %dma_wait3A_329] : memref<2x112x128xf32, #tpu.memory_space<vmem>> -> memref<1x112x128xf32, #tpu.memory_space<vmem>>
    %dma_wait3A_331 = tpu.memref_squeeze %dma_wait3A_330 : memref<1x112x128xf32, #tpu.memory_space<vmem>> -> memref<112x128xf32, #tpu.memory_space<vmem>>
    %dma_wait3A_332 = arith.constant 448 : i32
    %dma_wait3A_333 = tpu.memref_slice %arg9[%dma_wait3A_332] : memref<784xi32, #tpu.memory_space<vmem>> -> memref<112xi32, #tpu.memory_space<vmem>>
    %dma_wait3A_334 = arith.constant 0 : i32
    %dma_wait3A_335 = arith.constant 0 : i32
    %dma_wait3A_336 = tpu.memref_slice %arg2[%dma_wait3A_334, %dma_wait3A_335] : memref<100000x128xf32, #tpu.memory_space<hbm>> -> memref<100000x128xf32, #tpu.memory_space<hbm>>
    tpu.wait_indirect_dma semaphore(%arg13 : memref<!tpu.dma_semaphore, #tpu.memory_space<semaphore_mem>>) src(%dma_wait3A_336 : memref<100000x128xf32, #tpu.memory_space<hbm>>) dst(%dma_wait3A_331 : memref<112x128xf32, #tpu.memory_space<vmem>>)
    %run_scoped3A_337 = arith.constant 0 : i32
    "tpu.region"() ({
      %run_scoped3A_462 = tpu.sem_alloc : memref<!tpu.dma_semaphore, #tpu.memory_space<semaphore_mem>>
      %dma_start3A_463 = arith.constant 0 : i32
      %dma_start3A_464 = arith.constant 0 : i32
      %dma_start3A_465 = tpu.memref_slice %arg10[%run_scoped3A_337, %dma_start3A_463, %dma_start3A_464] : memref<2x112x128xf32, #tpu.memory_space<vmem>> -> memref<1x112x128xf32, #tpu.memory_space<vmem>>
      %dma_start3A_466 = tpu.memref_squeeze %dma_start3A_465 : memref<1x112x128xf32, #tpu.memory_space<vmem>> -> memref<112x128xf32, #tpu.memory_space<vmem>>
      %dma_start3A_467 = arith.constant 0 : i32
      %dma_start3A_468 = tpu.memref_slice %arg6[%multiple_of3A_326, %dma_start3A_467] : memref<25088x128xf32, #tpu.memory_space<hbm>> -> memref<112x128xf32, #tpu.memory_space<hbm>>
      %dma_start3A_469 = arith.constant 0 : i32
      %dma_start3A_470 = tpu.memref_slice %arg6[%multiple_of3A_326, %dma_start3A_469] : memref<25088x128xf32, #tpu.memory_space<hbm>> -> memref<112x128xf32, #tpu.memory_space<hbm>>
      %dma_start3A_471 = arith.constant 0 : i32
      %dma_start3A_472 = arith.constant 0 : i32
      %dma_start3A_473 = tpu.memref_slice %arg10[%run_scoped3A_337, %dma_start3A_471, %dma_start3A_472] : memref<2x112x128xf32, #tpu.memory_space<vmem>> -> memref<1x112x128xf32, #tpu.memory_space<vmem>>
      %dma_start3A_474 = tpu.memref_squeeze %dma_start3A_473 : memref<1x112x128xf32, #tpu.memory_space<vmem>> -> memref<112x128xf32, #tpu.memory_space<vmem>>
      tpu.enqueue_dma source(%dma_start3A_474 : memref<112x128xf32, #tpu.memory_space<vmem>>) target(%dma_start3A_470 : memref<112x128xf32, #tpu.memory_space<hbm>>) target_semaphore(%run_scoped3A_462 : memref<!tpu.dma_semaphore, #tpu.memory_space<semaphore_mem>>)
      %dma_wait3A_475 = arith.constant 0 : i32
      %dma_wait3A_476 = arith.constant 0 : i32
      %dma_wait3A_477 = tpu.memref_slice %arg10[%run_scoped3A_337, %dma_wait3A_475, %dma_wait3A_476] : memref<2x112x128xf32, #tpu.memory_space<vmem>> -> memref<1x112x128xf32, #tpu.memory_space<vmem>>
      %dma_wait3A_478 = tpu.memref_squeeze %dma_wait3A_477 : memref<1x112x128xf32, #tpu.memory_space<vmem>> -> memref<112x128xf32, #tpu.memory_space<vmem>>
      %dma_wait3A_479 = arith.constant 0 : i32
      %dma_wait3A_480 = tpu.memref_slice %arg6[%multiple_of3A_326, %dma_wait3A_479] : memref<25088x128xf32, #tpu.memory_space<hbm>> -> memref<112x128xf32, #tpu.memory_space<hbm>>
      %dma_wait3A_481 = arith.constant 0 : i32
      %dma_wait3A_482 = tpu.memref_slice %arg6[%multiple_of3A_326, %dma_wait3A_481] : memref<25088x128xf32, #tpu.memory_space<hbm>> -> memref<112x128xf32, #tpu.memory_space<hbm>>
      %dma_wait3A_483 = arith.constant 0 : i32
      %dma_wait3A_484 = arith.constant 0 : i32
      %dma_wait3A_485 = tpu.memref_slice %arg10[%run_scoped3A_337, %dma_wait3A_483, %dma_wait3A_484] : memref<2x112x128xf32, #tpu.memory_space<vmem>> -> memref<1x112x128xf32, #tpu.memory_space<vmem>>
      %dma_wait3A_486 = tpu.memref_squeeze %dma_wait3A_485 : memref<1x112x128xf32, #tpu.memory_space<vmem>> -> memref<112x128xf32, #tpu.memory_space<vmem>>
      tpu.wait_dma2 semaphore(%run_scoped3A_462 : memref<!tpu.dma_semaphore, #tpu.memory_space<semaphore_mem>>) src(%dma_wait3A_486 : memref<112x128xf32, #tpu.memory_space<vmem>>) dst(%dma_wait3A_482 : memref<112x128xf32, #tpu.memory_space<hbm>>)
      tpu.yield
    }) : () -> ()
    %dma_wait3A_338 = arith.constant 0 : i32
    %dma_wait3A_339 = arith.constant 0 : i32
    %dma_wait3A_340 = arith.constant 0 : i32
    %dma_wait3A_341 = tpu.memref_slice %arg11[%dma_wait3A_338, %dma_wait3A_339, %dma_wait3A_340] : memref<2x112x64xf32, #tpu.memory_space<vmem>> -> memref<1x112x64xf32, #tpu.memory_space<vmem>>
    %dma_wait3A_342 = tpu.memref_squeeze %dma_wait3A_341 : memref<1x112x64xf32, #tpu.memory_space<vmem>> -> memref<112x64xf32, #tpu.memory_space<vmem>>
    %dma_wait3A_343 = arith.constant 448 : i32
    %dma_wait3A_344 = tpu.memref_slice %arg9[%dma_wait3A_343] : memref<784xi32, #tpu.memory_space<vmem>> -> memref<112xi32, #tpu.memory_space<vmem>>
    %dma_wait3A_345 = arith.constant 0 : i32
    %dma_wait3A_346 = arith.constant 0 : i32
    %dma_wait3A_347 = tpu.memref_slice %arg3[%dma_wait3A_345, %dma_wait3A_346] : memref<100000x64xf32, #tpu.memory_space<hbm>> -> memref<100000x64xf32, #tpu.memory_space<hbm>>
    tpu.wait_indirect_dma semaphore(%arg15 : memref<!tpu.dma_semaphore, #tpu.memory_space<semaphore_mem>>) src(%dma_wait3A_347 : memref<100000x64xf32, #tpu.memory_space<hbm>>) dst(%dma_wait3A_342 : memref<112x64xf32, #tpu.memory_space<vmem>>)
    %run_scoped3A_348 = arith.constant 0 : i32
    "tpu.region"() ({
      %run_scoped3A_462 = tpu.sem_alloc : memref<!tpu.dma_semaphore, #tpu.memory_space<semaphore_mem>>
      %dma_start3A_463 = arith.constant 0 : i32
      %dma_start3A_464 = arith.constant 0 : i32
      %dma_start3A_465 = tpu.memref_slice %arg11[%run_scoped3A_348, %dma_start3A_463, %dma_start3A_464] : memref<2x112x64xf32, #tpu.memory_space<vmem>> -> memref<1x112x64xf32, #tpu.memory_space<vmem>>
      %dma_start3A_466 = tpu.memref_squeeze %dma_start3A_465 : memref<1x112x64xf32, #tpu.memory_space<vmem>> -> memref<112x64xf32, #tpu.memory_space<vmem>>
      %dma_start3A_467 = arith.constant 0 : i32
      %dma_start3A_468 = tpu.memref_slice %arg7[%multiple_of3A_326, %dma_start3A_467] : memref<25088x64xf32, #tpu.memory_space<hbm>> -> memref<112x64xf32, #tpu.memory_space<hbm>>
      %dma_start3A_469 = arith.constant 0 : i32
      %dma_start3A_470 = tpu.memref_slice %arg7[%multiple_of3A_326, %dma_start3A_469] : memref<25088x64xf32, #tpu.memory_space<hbm>> -> memref<112x64xf32, #tpu.memory_space<hbm>>
      %dma_start3A_471 = arith.constant 0 : i32
      %dma_start3A_472 = arith.constant 0 : i32
      %dma_start3A_473 = tpu.memref_slice %arg11[%run_scoped3A_348, %dma_start3A_471, %dma_start3A_472] : memref<2x112x64xf32, #tpu.memory_space<vmem>> -> memref<1x112x64xf32, #tpu.memory_space<vmem>>
      %dma_start3A_474 = tpu.memref_squeeze %dma_start3A_473 : memref<1x112x64xf32, #tpu.memory_space<vmem>> -> memref<112x64xf32, #tpu.memory_space<vmem>>
      tpu.enqueue_dma source(%dma_start3A_474 : memref<112x64xf32, #tpu.memory_space<vmem>>) target(%dma_start3A_470 : memref<112x64xf32, #tpu.memory_space<hbm>>) target_semaphore(%run_scoped3A_462 : memref<!tpu.dma_semaphore, #tpu.memory_space<semaphore_mem>>)
      %dma_wait3A_475 = arith.constant 0 : i32
      %dma_wait3A_476 = arith.constant 0 : i32
      %dma_wait3A_477 = tpu.memref_slice %arg11[%run_scoped3A_348, %dma_wait3A_475, %dma_wait3A_476] : memref<2x112x64xf32, #tpu.memory_space<vmem>> -> memref<1x112x64xf32, #tpu.memory_space<vmem>>
      %dma_wait3A_478 = tpu.memref_squeeze %dma_wait3A_477 : memref<1x112x64xf32, #tpu.memory_space<vmem>> -> memref<112x64xf32, #tpu.memory_space<vmem>>
      %dma_wait3A_479 = arith.constant 0 : i32
      %dma_wait3A_480 = tpu.memref_slice %arg7[%multiple_of3A_326, %dma_wait3A_479] : memref<25088x64xf32, #tpu.memory_space<hbm>> -> memref<112x64xf32, #tpu.memory_space<hbm>>
      %dma_wait3A_481 = arith.constant 0 : i32
      %dma_wait3A_482 = tpu.memref_slice %arg7[%multiple_of3A_326, %dma_wait3A_481] : memref<25088x64xf32, #tpu.memory_space<hbm>> -> memref<112x64xf32, #tpu.memory_space<hbm>>
      %dma_wait3A_483 = arith.constant 0 : i32
      %dma_wait3A_484 = arith.constant 0 : i32
      %dma_wait3A_485 = tpu.memref_slice %arg11[%run_scoped3A_348, %dma_wait3A_483, %dma_wait3A_484] : memref<2x112x64xf32, #tpu.memory_space<vmem>> -> memref<1x112x64xf32, #tpu.memory_space<vmem>>
      %dma_wait3A_486 = tpu.memref_squeeze %dma_wait3A_485 : memref<1x112x64xf32, #tpu.memory_space<vmem>> -> memref<112x64xf32, #tpu.memory_space<vmem>>
      tpu.wait_dma2 semaphore(%run_scoped3A_462 : memref<!tpu.dma_semaphore, #tpu.memory_space<semaphore_mem>>) src(%dma_wait3A_486 : memref<112x64xf32, #tpu.memory_space<vmem>>) dst(%dma_wait3A_482 : memref<112x64xf32, #tpu.memory_space<hbm>>)
      tpu.yield
    }) : () -> ()
    %dma_wait3A_349 = arith.constant 0 : i32
    %dma_wait3A_350 = arith.constant 0 : i32
    %dma_wait3A_351 = arith.constant 0 : i32
    %dma_wait3A_352 = tpu.memref_slice %arg12[%dma_wait3A_349, %dma_wait3A_350, %dma_wait3A_351] : memref<2x112x16xf32, #tpu.memory_space<vmem>> -> memref<1x112x16xf32, #tpu.memory_space<vmem>>
    %dma_wait3A_353 = tpu.memref_squeeze %dma_wait3A_352 : memref<1x112x16xf32, #tpu.memory_space<vmem>> -> memref<112x16xf32, #tpu.memory_space<vmem>>
    %dma_wait3A_354 = arith.constant 448 : i32
    %dma_wait3A_355 = tpu.memref_slice %arg9[%dma_wait3A_354] : memref<784xi32, #tpu.memory_space<vmem>> -> memref<112xi32, #tpu.memory_space<vmem>>
    %dma_wait3A_356 = arith.constant 0 : i32
    %dma_wait3A_357 = arith.constant 0 : i32
    %dma_wait3A_358 = tpu.memref_slice %arg4[%dma_wait3A_356, %dma_wait3A_357] : memref<100000x16xf32, #tpu.memory_space<hbm>> -> memref<100000x16xf32, #tpu.memory_space<hbm>>
    tpu.wait_indirect_dma semaphore(%arg17 : memref<!tpu.dma_semaphore, #tpu.memory_space<semaphore_mem>>) src(%dma_wait3A_358 : memref<100000x16xf32, #tpu.memory_space<hbm>>) dst(%dma_wait3A_353 : memref<112x16xf32, #tpu.memory_space<vmem>>)
    %run_scoped3A_359 = arith.constant 0 : i32
    "tpu.region"() ({
      %run_scoped3A_462 = tpu.sem_alloc : memref<!tpu.dma_semaphore, #tpu.memory_space<semaphore_mem>>
      %dma_start3A_463 = arith.constant 0 : i32
      %dma_start3A_464 = arith.constant 0 : i32
      %dma_start3A_465 = tpu.memref_slice %arg12[%run_scoped3A_359, %dma_start3A_463, %dma_start3A_464] : memref<2x112x16xf32, #tpu.memory_space<vmem>> -> memref<1x112x16xf32, #tpu.memory_space<vmem>>
      %dma_start3A_466 = tpu.memref_squeeze %dma_start3A_465 : memref<1x112x16xf32, #tpu.memory_space<vmem>> -> memref<112x16xf32, #tpu.memory_space<vmem>>
      %dma_start3A_467 = arith.constant 0 : i32
      %dma_start3A_468 = tpu.memref_slice %arg8[%multiple_of3A_326, %dma_start3A_467] : memref<25088x16xf32, #tpu.memory_space<hbm>> -> memref<112x16xf32, #tpu.memory_space<hbm>>
      %dma_start3A_469 = arith.constant 0 : i32
      %dma_start3A_470 = tpu.memref_slice %arg8[%multiple_of3A_326, %dma_start3A_469] : memref<25088x16xf32, #tpu.memory_space<hbm>> -> memref<112x16xf32, #tpu.memory_space<hbm>>
      %dma_start3A_471 = arith.constant 0 : i32
      %dma_start3A_472 = arith.constant 0 : i32
      %dma_start3A_473 = tpu.memref_slice %arg12[%run_scoped3A_359, %dma_start3A_471, %dma_start3A_472] : memref<2x112x16xf32, #tpu.memory_space<vmem>> -> memref<1x112x16xf32, #tpu.memory_space<vmem>>
      %dma_start3A_474 = tpu.memref_squeeze %dma_start3A_473 : memref<1x112x16xf32, #tpu.memory_space<vmem>> -> memref<112x16xf32, #tpu.memory_space<vmem>>
      tpu.enqueue_dma source(%dma_start3A_474 : memref<112x16xf32, #tpu.memory_space<vmem>>) target(%dma_start3A_470 : memref<112x16xf32, #tpu.memory_space<hbm>>) target_semaphore(%run_scoped3A_462 : memref<!tpu.dma_semaphore, #tpu.memory_space<semaphore_mem>>)
      %dma_wait3A_475 = arith.constant 0 : i32
      %dma_wait3A_476 = arith.constant 0 : i32
      %dma_wait3A_477 = tpu.memref_slice %arg12[%run_scoped3A_359, %dma_wait3A_475, %dma_wait3A_476] : memref<2x112x16xf32, #tpu.memory_space<vmem>> -> memref<1x112x16xf32, #tpu.memory_space<vmem>>
      %dma_wait3A_478 = tpu.memref_squeeze %dma_wait3A_477 : memref<1x112x16xf32, #tpu.memory_space<vmem>> -> memref<112x16xf32, #tpu.memory_space<vmem>>
      %dma_wait3A_479 = arith.constant 0 : i32
      %dma_wait3A_480 = tpu.memref_slice %arg8[%multiple_of3A_326, %dma_wait3A_479] : memref<25088x16xf32, #tpu.memory_space<hbm>> -> memref<112x16xf32, #tpu.memory_space<hbm>>
      %dma_wait3A_481 = arith.constant 0 : i32
      %dma_wait3A_482 = tpu.memref_slice %arg8[%multiple_of3A_326, %dma_wait3A_481] : memref<25088x16xf32, #tpu.memory_space<hbm>> -> memref<112x16xf32, #tpu.memory_space<hbm>>
      %dma_wait3A_483 = arith.constant 0 : i32
      %dma_wait3A_484 = arith.constant 0 : i32
      %dma_wait3A_485 = tpu.memref_slice %arg12[%run_scoped3A_359, %dma_wait3A_483, %dma_wait3A_484] : memref<2x112x16xf32, #tpu.memory_space<vmem>> -> memref<1x112x16xf32, #tpu.memory_space<vmem>>
      %dma_wait3A_486 = tpu.memref_squeeze %dma_wait3A_485 : memref<1x112x16xf32, #tpu.memory_space<vmem>> -> memref<112x16xf32, #tpu.memory_space<vmem>>
      tpu.wait_dma2 semaphore(%run_scoped3A_462 : memref<!tpu.dma_semaphore, #tpu.memory_space<semaphore_mem>>) src(%dma_wait3A_486 : memref<112x16xf32, #tpu.memory_space<vmem>>) dst(%dma_wait3A_482 : memref<112x16xf32, #tpu.memory_space<hbm>>)
      tpu.yield
    }) : () -> ()
    %dma_start3A_360 = arith.constant 0 : i32
    %dma_start3A_361 = arith.constant 0 : i32
    %dma_start3A_362 = arith.constant 0 : i32
    %dma_start3A_363 = tpu.memref_slice %arg10[%dma_start3A_360, %dma_start3A_361, %dma_start3A_362] : memref<2x112x128xf32, #tpu.memory_space<vmem>> -> memref<1x112x128xf32, #tpu.memory_space<vmem>>
    %dma_start3A_364 = tpu.memref_squeeze %dma_start3A_363 : memref<1x112x128xf32, #tpu.memory_space<vmem>> -> memref<112x128xf32, #tpu.memory_space<vmem>>
    %dma_start3A_365 = arith.constant 672 : i32
    %dma_start3A_366 = tpu.memref_slice %arg9[%dma_start3A_365] : memref<784xi32, #tpu.memory_space<vmem>> -> memref<112xi32, #tpu.memory_space<vmem>>
    %dma_start3A_367 = arith.constant 0 : i32
    %dma_start3A_368 = arith.constant 0 : i32
    %dma_start3A_369 = tpu.memref_slice %arg2[%dma_start3A_367, %dma_start3A_368] : memref<100000x128xf32, #tpu.memory_space<hbm>> -> memref<100000x128xf32, #tpu.memory_space<hbm>>
    tpu.enqueue_indirect_dma source(%dma_start3A_369 : memref<100000x128xf32, #tpu.memory_space<hbm>>) target(%dma_start3A_364 : memref<112x128xf32, #tpu.memory_space<vmem>>) offsets(%dma_start3A_366 : memref<112xi32, #tpu.memory_space<vmem>>) semaphore(%arg13 : memref<!tpu.dma_semaphore, #tpu.memory_space<semaphore_mem>>)
    %dma_start3A_370 = arith.constant 0 : i32
    %dma_start3A_371 = arith.constant 0 : i32
    %dma_start3A_372 = arith.constant 0 : i32
    %dma_start3A_373 = tpu.memref_slice %arg11[%dma_start3A_370, %dma_start3A_371, %dma_start3A_372] : memref<2x112x64xf32, #tpu.memory_space<vmem>> -> memref<1x112x64xf32, #tpu.memory_space<vmem>>
    %dma_start3A_374 = tpu.memref_squeeze %dma_start3A_373 : memref<1x112x64xf32, #tpu.memory_space<vmem>> -> memref<112x64xf32, #tpu.memory_space<vmem>>
    %dma_start3A_375 = arith.constant 672 : i32
    %dma_start3A_376 = tpu.memref_slice %arg9[%dma_start3A_375] : memref<784xi32, #tpu.memory_space<vmem>> -> memref<112xi32, #tpu.memory_space<vmem>>
    %dma_start3A_377 = arith.constant 0 : i32
    %dma_start3A_378 = arith.constant 0 : i32
    %dma_start3A_379 = tpu.memref_slice %arg3[%dma_start3A_377, %dma_start3A_378] : memref<100000x64xf32, #tpu.memory_space<hbm>> -> memref<100000x64xf32, #tpu.memory_space<hbm>>
    tpu.enqueue_indirect_dma source(%dma_start3A_379 : memref<100000x64xf32, #tpu.memory_space<hbm>>) target(%dma_start3A_374 : memref<112x64xf32, #tpu.memory_space<vmem>>) offsets(%dma_start3A_376 : memref<112xi32, #tpu.memory_space<vmem>>) semaphore(%arg15 : memref<!tpu.dma_semaphore, #tpu.memory_space<semaphore_mem>>)
    %dma_start3A_380 = arith.constant 0 : i32
    %dma_start3A_381 = arith.constant 0 : i32
    %dma_start3A_382 = arith.constant 0 : i32
    %dma_start3A_383 = tpu.memref_slice %arg12[%dma_start3A_380, %dma_start3A_381, %dma_start3A_382] : memref<2x112x16xf32, #tpu.memory_space<vmem>> -> memref<1x112x16xf32, #tpu.memory_space<vmem>>
    %dma_start3A_384 = tpu.memref_squeeze %dma_start3A_383 : memref<1x112x16xf32, #tpu.memory_space<vmem>> -> memref<112x16xf32, #tpu.memory_space<vmem>>
    %dma_start3A_385 = arith.constant 672 : i32
    %dma_start3A_386 = tpu.memref_slice %arg9[%dma_start3A_385] : memref<784xi32, #tpu.memory_space<vmem>> -> memref<112xi32, #tpu.memory_space<vmem>>
    %dma_start3A_387 = arith.constant 0 : i32
    %dma_start3A_388 = arith.constant 0 : i32
    %dma_start3A_389 = tpu.memref_slice %arg4[%dma_start3A_387, %dma_start3A_388] : memref<100000x16xf32, #tpu.memory_space<hbm>> -> memref<100000x16xf32, #tpu.memory_space<hbm>>
    tpu.enqueue_indirect_dma source(%dma_start3A_389 : memref<100000x16xf32, #tpu.memory_space<hbm>>) target(%dma_start3A_384 : memref<112x16xf32, #tpu.memory_space<vmem>>) offsets(%dma_start3A_386 : memref<112xi32, #tpu.memory_space<vmem>>) semaphore(%arg17 : memref<!tpu.dma_semaphore, #tpu.memory_space<semaphore_mem>>)
    %add3A_390 = arith.constant 560 : i32
    %add3A_391 = arith.addi %multiple_of3A, %add3A_390 : i32
    %multiple_of3A_392 = tpu.assume_multiple %add3A_391, 8 : i32
    %dma_wait3A_393 = arith.constant 1 : i32
    %dma_wait3A_394 = arith.constant 0 : i32
    %dma_wait3A_395 = arith.constant 0 : i32
    %dma_wait3A_396 = tpu.memref_slice %arg10[%dma_wait3A_393, %dma_wait3A_394, %dma_wait3A_395] : memref<2x112x128xf32, #tpu.memory_space<vmem>> -> memref<1x112x128xf32, #tpu.memory_space<vmem>>
    %dma_wait3A_397 = tpu.memref_squeeze %dma_wait3A_396 : memref<1x112x128xf32, #tpu.memory_space<vmem>> -> memref<112x128xf32, #tpu.memory_space<vmem>>
    %dma_wait3A_398 = arith.constant 560 : i32
    %dma_wait3A_399 = tpu.memref_slice %arg9[%dma_wait3A_398] : memref<784xi32, #tpu.memory_space<vmem>> -> memref<112xi32, #tpu.memory_space<vmem>>
    %dma_wait3A_400 = arith.constant 0 : i32
    %dma_wait3A_401 = arith.constant 0 : i32
    %dma_wait3A_402 = tpu.memref_slice %arg2[%dma_wait3A_400, %dma_wait3A_401] : memref<100000x128xf32, #tpu.memory_space<hbm>> -> memref<100000x128xf32, #tpu.memory_space<hbm>>
    tpu.wait_indirect_dma semaphore(%arg14 : memref<!tpu.dma_semaphore, #tpu.memory_space<semaphore_mem>>) src(%dma_wait3A_402 : memref<100000x128xf32, #tpu.memory_space<hbm>>) dst(%dma_wait3A_397 : memref<112x128xf32, #tpu.memory_space<vmem>>)
    %run_scoped3A_403 = arith.constant 1 : i32
    "tpu.region"() ({
      %run_scoped3A_462 = tpu.sem_alloc : memref<!tpu.dma_semaphore, #tpu.memory_space<semaphore_mem>>
      %dma_start3A_463 = arith.constant 0 : i32
      %dma_start3A_464 = arith.constant 0 : i32
      %dma_start3A_465 = tpu.memref_slice %arg10[%run_scoped3A_403, %dma_start3A_463, %dma_start3A_464] : memref<2x112x128xf32, #tpu.memory_space<vmem>> -> memref<1x112x128xf32, #tpu.memory_space<vmem>>
      %dma_start3A_466 = tpu.memref_squeeze %dma_start3A_465 : memref<1x112x128xf32, #tpu.memory_space<vmem>> -> memref<112x128xf32, #tpu.memory_space<vmem>>
      %dma_start3A_467 = arith.constant 0 : i32
      %dma_start3A_468 = tpu.memref_slice %arg6[%multiple_of3A_392, %dma_start3A_467] : memref<25088x128xf32, #tpu.memory_space<hbm>> -> memref<112x128xf32, #tpu.memory_space<hbm>>
      %dma_start3A_469 = arith.constant 0 : i32
      %dma_start3A_470 = tpu.memref_slice %arg6[%multiple_of3A_392, %dma_start3A_469] : memref<25088x128xf32, #tpu.memory_space<hbm>> -> memref<112x128xf32, #tpu.memory_space<hbm>>
      %dma_start3A_471 = arith.constant 0 : i32
      %dma_start3A_472 = arith.constant 0 : i32
      %dma_start3A_473 = tpu.memref_slice %arg10[%run_scoped3A_403, %dma_start3A_471, %dma_start3A_472] : memref<2x112x128xf32, #tpu.memory_space<vmem>> -> memref<1x112x128xf32, #tpu.memory_space<vmem>>
      %dma_start3A_474 = tpu.memref_squeeze %dma_start3A_473 : memref<1x112x128xf32, #tpu.memory_space<vmem>> -> memref<112x128xf32, #tpu.memory_space<vmem>>
      tpu.enqueue_dma source(%dma_start3A_474 : memref<112x128xf32, #tpu.memory_space<vmem>>) target(%dma_start3A_470 : memref<112x128xf32, #tpu.memory_space<hbm>>) target_semaphore(%run_scoped3A_462 : memref<!tpu.dma_semaphore, #tpu.memory_space<semaphore_mem>>)
      %dma_wait3A_475 = arith.constant 0 : i32
      %dma_wait3A_476 = arith.constant 0 : i32
      %dma_wait3A_477 = tpu.memref_slice %arg10[%run_scoped3A_403, %dma_wait3A_475, %dma_wait3A_476] : memref<2x112x128xf32, #tpu.memory_space<vmem>> -> memref<1x112x128xf32, #tpu.memory_space<vmem>>
      %dma_wait3A_478 = tpu.memref_squeeze %dma_wait3A_477 : memref<1x112x128xf32, #tpu.memory_space<vmem>> -> memref<112x128xf32, #tpu.memory_space<vmem>>
      %dma_wait3A_479 = arith.constant 0 : i32
      %dma_wait3A_480 = tpu.memref_slice %arg6[%multiple_of3A_392, %dma_wait3A_479] : memref<25088x128xf32, #tpu.memory_space<hbm>> -> memref<112x128xf32, #tpu.memory_space<hbm>>
      %dma_wait3A_481 = arith.constant 0 : i32
      %dma_wait3A_482 = tpu.memref_slice %arg6[%multiple_of3A_392, %dma_wait3A_481] : memref<25088x128xf32, #tpu.memory_space<hbm>> -> memref<112x128xf32, #tpu.memory_space<hbm>>
      %dma_wait3A_483 = arith.constant 0 : i32
      %dma_wait3A_484 = arith.constant 0 : i32
      %dma_wait3A_485 = tpu.memref_slice %arg10[%run_scoped3A_403, %dma_wait3A_483, %dma_wait3A_484] : memref<2x112x128xf32, #tpu.memory_space<vmem>> -> memref<1x112x128xf32, #tpu.memory_space<vmem>>
      %dma_wait3A_486 = tpu.memref_squeeze %dma_wait3A_485 : memref<1x112x128xf32, #tpu.memory_space<vmem>> -> memref<112x128xf32, #tpu.memory_space<vmem>>
      tpu.wait_dma2 semaphore(%run_scoped3A_462 : memref<!tpu.dma_semaphore, #tpu.memory_space<semaphore_mem>>) src(%dma_wait3A_486 : memref<112x128xf32, #tpu.memory_space<vmem>>) dst(%dma_wait3A_482 : memref<112x128xf32, #tpu.memory_space<hbm>>)
      tpu.yield
    }) : () -> ()
    %dma_wait3A_404 = arith.constant 1 : i32
    %dma_wait3A_405 = arith.constant 0 : i32
    %dma_wait3A_406 = arith.constant 0 : i32
    %dma_wait3A_407 = tpu.memref_slice %arg11[%dma_wait3A_404, %dma_wait3A_405, %dma_wait3A_406] : memref<2x112x64xf32, #tpu.memory_space<vmem>> -> memref<1x112x64xf32, #tpu.memory_space<vmem>>
    %dma_wait3A_408 = tpu.memref_squeeze %dma_wait3A_407 : memref<1x112x64xf32, #tpu.memory_space<vmem>> -> memref<112x64xf32, #tpu.memory_space<vmem>>
    %dma_wait3A_409 = arith.constant 560 : i32
    %dma_wait3A_410 = tpu.memref_slice %arg9[%dma_wait3A_409] : memref<784xi32, #tpu.memory_space<vmem>> -> memref<112xi32, #tpu.memory_space<vmem>>
    %dma_wait3A_411 = arith.constant 0 : i32
    %dma_wait3A_412 = arith.constant 0 : i32
    %dma_wait3A_413 = tpu.memref_slice %arg3[%dma_wait3A_411, %dma_wait3A_412] : memref<100000x64xf32, #tpu.memory_space<hbm>> -> memref<100000x64xf32, #tpu.memory_space<hbm>>
    tpu.wait_indirect_dma semaphore(%arg16 : memref<!tpu.dma_semaphore, #tpu.memory_space<semaphore_mem>>) src(%dma_wait3A_413 : memref<100000x64xf32, #tpu.memory_space<hbm>>) dst(%dma_wait3A_408 : memref<112x64xf32, #tpu.memory_space<vmem>>)
    %run_scoped3A_414 = arith.constant 1 : i32
    "tpu.region"() ({
      %run_scoped3A_462 = tpu.sem_alloc : memref<!tpu.dma_semaphore, #tpu.memory_space<semaphore_mem>>
      %dma_start3A_463 = arith.constant 0 : i32
      %dma_start3A_464 = arith.constant 0 : i32
      %dma_start3A_465 = tpu.memref_slice %arg11[%run_scoped3A_414, %dma_start3A_463, %dma_start3A_464] : memref<2x112x64xf32, #tpu.memory_space<vmem>> -> memref<1x112x64xf32, #tpu.memory_space<vmem>>
      %dma_start3A_466 = tpu.memref_squeeze %dma_start3A_465 : memref<1x112x64xf32, #tpu.memory_space<vmem>> -> memref<112x64xf32, #tpu.memory_space<vmem>>
      %dma_start3A_467 = arith.constant 0 : i32
      %dma_start3A_468 = tpu.memref_slice %arg7[%multiple_of3A_392, %dma_start3A_467] : memref<25088x64xf32, #tpu.memory_space<hbm>> -> memref<112x64xf32, #tpu.memory_space<hbm>>
      %dma_start3A_469 = arith.constant 0 : i32
      %dma_start3A_470 = tpu.memref_slice %arg7[%multiple_of3A_392, %dma_start3A_469] : memref<25088x64xf32, #tpu.memory_space<hbm>> -> memref<112x64xf32, #tpu.memory_space<hbm>>
      %dma_start3A_471 = arith.constant 0 : i32
      %dma_start3A_472 = arith.constant 0 : i32
      %dma_start3A_473 = tpu.memref_slice %arg11[%run_scoped3A_414, %dma_start3A_471, %dma_start3A_472] : memref<2x112x64xf32, #tpu.memory_space<vmem>> -> memref<1x112x64xf32, #tpu.memory_space<vmem>>
      %dma_start3A_474 = tpu.memref_squeeze %dma_start3A_473 : memref<1x112x64xf32, #tpu.memory_space<vmem>> -> memref<112x64xf32, #tpu.memory_space<vmem>>
      tpu.enqueue_dma source(%dma_start3A_474 : memref<112x64xf32, #tpu.memory_space<vmem>>) target(%dma_start3A_470 : memref<112x64xf32, #tpu.memory_space<hbm>>) target_semaphore(%run_scoped3A_462 : memref<!tpu.dma_semaphore, #tpu.memory_space<semaphore_mem>>)
      %dma_wait3A_475 = arith.constant 0 : i32
      %dma_wait3A_476 = arith.constant 0 : i32
      %dma_wait3A_477 = tpu.memref_slice %arg11[%run_scoped3A_414, %dma_wait3A_475, %dma_wait3A_476] : memref<2x112x64xf32, #tpu.memory_space<vmem>> -> memref<1x112x64xf32, #tpu.memory_space<vmem>>
      %dma_wait3A_478 = tpu.memref_squeeze %dma_wait3A_477 : memref<1x112x64xf32, #tpu.memory_space<vmem>> -> memref<112x64xf32, #tpu.memory_space<vmem>>
      %dma_wait3A_479 = arith.constant 0 : i32
      %dma_wait3A_480 = tpu.memref_slice %arg7[%multiple_of3A_392, %dma_wait3A_479] : memref<25088x64xf32, #tpu.memory_space<hbm>> -> memref<112x64xf32, #tpu.memory_space<hbm>>
      %dma_wait3A_481 = arith.constant 0 : i32
      %dma_wait3A_482 = tpu.memref_slice %arg7[%multiple_of3A_392, %dma_wait3A_481] : memref<25088x64xf32, #tpu.memory_space<hbm>> -> memref<112x64xf32, #tpu.memory_space<hbm>>
      %dma_wait3A_483 = arith.constant 0 : i32
      %dma_wait3A_484 = arith.constant 0 : i32
      %dma_wait3A_485 = tpu.memref_slice %arg11[%run_scoped3A_414, %dma_wait3A_483, %dma_wait3A_484] : memref<2x112x64xf32, #tpu.memory_space<vmem>> -> memref<1x112x64xf32, #tpu.memory_space<vmem>>
      %dma_wait3A_486 = tpu.memref_squeeze %dma_wait3A_485 : memref<1x112x64xf32, #tpu.memory_space<vmem>> -> memref<112x64xf32, #tpu.memory_space<vmem>>
      tpu.wait_dma2 semaphore(%run_scoped3A_462 : memref<!tpu.dma_semaphore, #tpu.memory_space<semaphore_mem>>) src(%dma_wait3A_486 : memref<112x64xf32, #tpu.memory_space<vmem>>) dst(%dma_wait3A_482 : memref<112x64xf32, #tpu.memory_space<hbm>>)
      tpu.yield
    }) : () -> ()
    %dma_wait3A_415 = arith.constant 1 : i32
    %dma_wait3A_416 = arith.constant 0 : i32
    %dma_wait3A_417 = arith.constant 0 : i32
    %dma_wait3A_418 = tpu.memref_slice %arg12[%dma_wait3A_415, %dma_wait3A_416, %dma_wait3A_417] : memref<2x112x16xf32, #tpu.memory_space<vmem>> -> memref<1x112x16xf32, #tpu.memory_space<vmem>>
    %dma_wait3A_419 = tpu.memref_squeeze %dma_wait3A_418 : memref<1x112x16xf32, #tpu.memory_space<vmem>> -> memref<112x16xf32, #tpu.memory_space<vmem>>
    %dma_wait3A_420 = arith.constant 560 : i32
    %dma_wait3A_421 = tpu.memref_slice %arg9[%dma_wait3A_420] : memref<784xi32, #tpu.memory_space<vmem>> -> memref<112xi32, #tpu.memory_space<vmem>>
    %dma_wait3A_422 = arith.constant 0 : i32
    %dma_wait3A_423 = arith.constant 0 : i32
    %dma_wait3A_424 = tpu.memref_slice %arg4[%dma_wait3A_422, %dma_wait3A_423] : memref<100000x16xf32, #tpu.memory_space<hbm>> -> memref<100000x16xf32, #tpu.memory_space<hbm>>
    tpu.wait_indirect_dma semaphore(%arg18 : memref<!tpu.dma_semaphore, #tpu.memory_space<semaphore_mem>>) src(%dma_wait3A_424 : memref<100000x16xf32, #tpu.memory_space<hbm>>) dst(%dma_wait3A_419 : memref<112x16xf32, #tpu.memory_space<vmem>>)
    %run_scoped3A_425 = arith.constant 1 : i32
    "tpu.region"() ({
      %run_scoped3A_462 = tpu.sem_alloc : memref<!tpu.dma_semaphore, #tpu.memory_space<semaphore_mem>>
      %dma_start3A_463 = arith.constant 0 : i32
      %dma_start3A_464 = arith.constant 0 : i32
      %dma_start3A_465 = tpu.memref_slice %arg12[%run_scoped3A_425, %dma_start3A_463, %dma_start3A_464] : memref<2x112x16xf32, #tpu.memory_space<vmem>> -> memref<1x112x16xf32, #tpu.memory_space<vmem>>
      %dma_start3A_466 = tpu.memref_squeeze %dma_start3A_465 : memref<1x112x16xf32, #tpu.memory_space<vmem>> -> memref<112x16xf32, #tpu.memory_space<vmem>>
      %dma_start3A_467 = arith.constant 0 : i32
      %dma_start3A_468 = tpu.memref_slice %arg8[%multiple_of3A_392, %dma_start3A_467] : memref<25088x16xf32, #tpu.memory_space<hbm>> -> memref<112x16xf32, #tpu.memory_space<hbm>>
      %dma_start3A_469 = arith.constant 0 : i32
      %dma_start3A_470 = tpu.memref_slice %arg8[%multiple_of3A_392, %dma_start3A_469] : memref<25088x16xf32, #tpu.memory_space<hbm>> -> memref<112x16xf32, #tpu.memory_space<hbm>>
      %dma_start3A_471 = arith.constant 0 : i32
      %dma_start3A_472 = arith.constant 0 : i32
      %dma_start3A_473 = tpu.memref_slice %arg12[%run_scoped3A_425, %dma_start3A_471, %dma_start3A_472] : memref<2x112x16xf32, #tpu.memory_space<vmem>> -> memref<1x112x16xf32, #tpu.memory_space<vmem>>
      %dma_start3A_474 = tpu.memref_squeeze %dma_start3A_473 : memref<1x112x16xf32, #tpu.memory_space<vmem>> -> memref<112x16xf32, #tpu.memory_space<vmem>>
      tpu.enqueue_dma source(%dma_start3A_474 : memref<112x16xf32, #tpu.memory_space<vmem>>) target(%dma_start3A_470 : memref<112x16xf32, #tpu.memory_space<hbm>>) target_semaphore(%run_scoped3A_462 : memref<!tpu.dma_semaphore, #tpu.memory_space<semaphore_mem>>)
      %dma_wait3A_475 = arith.constant 0 : i32
      %dma_wait3A_476 = arith.constant 0 : i32
      %dma_wait3A_477 = tpu.memref_slice %arg12[%run_scoped3A_425, %dma_wait3A_475, %dma_wait3A_476] : memref<2x112x16xf32, #tpu.memory_space<vmem>> -> memref<1x112x16xf32, #tpu.memory_space<vmem>>
      %dma_wait3A_478 = tpu.memref_squeeze %dma_wait3A_477 : memref<1x112x16xf32, #tpu.memory_space<vmem>> -> memref<112x16xf32, #tpu.memory_space<vmem>>
      %dma_wait3A_479 = arith.constant 0 : i32
      %dma_wait3A_480 = tpu.memref_slice %arg8[%multiple_of3A_392, %dma_wait3A_479] : memref<25088x16xf32, #tpu.memory_space<hbm>> -> memref<112x16xf32, #tpu.memory_space<hbm>>
      %dma_wait3A_481 = arith.constant 0 : i32
      %dma_wait3A_482 = tpu.memref_slice %arg8[%multiple_of3A_392, %dma_wait3A_481] : memref<25088x16xf32, #tpu.memory_space<hbm>> -> memref<112x16xf32, #tpu.memory_space<hbm>>
      %dma_wait3A_483 = arith.constant 0 : i32
      %dma_wait3A_484 = arith.constant 0 : i32
      %dma_wait3A_485 = tpu.memref_slice %arg12[%run_scoped3A_425, %dma_wait3A_483, %dma_wait3A_484] : memref<2x112x16xf32, #tpu.memory_space<vmem>> -> memref<1x112x16xf32, #tpu.memory_space<vmem>>
      %dma_wait3A_486 = tpu.memref_squeeze %dma_wait3A_485 : memref<1x112x16xf32, #tpu.memory_space<vmem>> -> memref<112x16xf32, #tpu.memory_space<vmem>>
      tpu.wait_dma2 semaphore(%run_scoped3A_462 : memref<!tpu.dma_semaphore, #tpu.memory_space<semaphore_mem>>) src(%dma_wait3A_486 : memref<112x16xf32, #tpu.memory_space<vmem>>) dst(%dma_wait3A_482 : memref<112x16xf32, #tpu.memory_space<hbm>>)
      tpu.yield
    }) : () -> ()
    %add3A_426 = arith.constant 672 : i32
    %add3A_427 = arith.addi %multiple_of3A, %add3A_426 : i32
    %multiple_of3A_428 = tpu.assume_multiple %add3A_427, 8 : i32
    %dma_wait3A_429 = arith.constant 0 : i32
    %dma_wait3A_430 = arith.constant 0 : i32
    %dma_wait3A_431 = arith.constant 0 : i32
    %dma_wait3A_432 = tpu.memref_slice %arg10[%dma_wait3A_429, %dma_wait3A_430, %dma_wait3A_431] : memref<2x112x128xf32, #tpu.memory_space<vmem>> -> memref<1x112x128xf32, #tpu.memory_space<vmem>>
    %dma_wait3A_433 = tpu.memref_squeeze %dma_wait3A_432 : memref<1x112x128xf32, #tpu.memory_space<vmem>> -> memref<112x128xf32, #tpu.memory_space<vmem>>
    %dma_wait3A_434 = arith.constant 672 : i32
    %dma_wait3A_435 = tpu.memref_slice %arg9[%dma_wait3A_434] : memref<784xi32, #tpu.memory_space<vmem>> -> memref<112xi32, #tpu.memory_space<vmem>>
    %dma_wait3A_436 = arith.constant 0 : i32
    %dma_wait3A_437 = arith.constant 0 : i32
    %dma_wait3A_438 = tpu.memref_slice %arg2[%dma_wait3A_436, %dma_wait3A_437] : memref<100000x128xf32, #tpu.memory_space<hbm>> -> memref<100000x128xf32, #tpu.memory_space<hbm>>
    tpu.wait_indirect_dma semaphore(%arg13 : memref<!tpu.dma_semaphore, #tpu.memory_space<semaphore_mem>>) src(%dma_wait3A_438 : memref<100000x128xf32, #tpu.memory_space<hbm>>) dst(%dma_wait3A_433 : memref<112x128xf32, #tpu.memory_space<vmem>>)
    %run_scoped3A_439 = arith.constant 0 : i32
    "tpu.region"() ({
      %run_scoped3A_462 = tpu.sem_alloc : memref<!tpu.dma_semaphore, #tpu.memory_space<semaphore_mem>>
      %dma_start3A_463 = arith.constant 0 : i32
      %dma_start3A_464 = arith.constant 0 : i32
      %dma_start3A_465 = tpu.memref_slice %arg10[%run_scoped3A_439, %dma_start3A_463, %dma_start3A_464] : memref<2x112x128xf32, #tpu.memory_space<vmem>> -> memref<1x112x128xf32, #tpu.memory_space<vmem>>
      %dma_start3A_466 = tpu.memref_squeeze %dma_start3A_465 : memref<1x112x128xf32, #tpu.memory_space<vmem>> -> memref<112x128xf32, #tpu.memory_space<vmem>>
      %dma_start3A_467 = arith.constant 0 : i32
      %dma_start3A_468 = tpu.memref_slice %arg6[%multiple_of3A_428, %dma_start3A_467] : memref<25088x128xf32, #tpu.memory_space<hbm>> -> memref<112x128xf32, #tpu.memory_space<hbm>>
      %dma_start3A_469 = arith.constant 0 : i32
      %dma_start3A_470 = tpu.memref_slice %arg6[%multiple_of3A_428, %dma_start3A_469] : memref<25088x128xf32, #tpu.memory_space<hbm>> -> memref<112x128xf32, #tpu.memory_space<hbm>>
      %dma_start3A_471 = arith.constant 0 : i32
      %dma_start3A_472 = arith.constant 0 : i32
      %dma_start3A_473 = tpu.memref_slice %arg10[%run_scoped3A_439, %dma_start3A_471, %dma_start3A_472] : memref<2x112x128xf32, #tpu.memory_space<vmem>> -> memref<1x112x128xf32, #tpu.memory_space<vmem>>
      %dma_start3A_474 = tpu.memref_squeeze %dma_start3A_473 : memref<1x112x128xf32, #tpu.memory_space<vmem>> -> memref<112x128xf32, #tpu.memory_space<vmem>>
      tpu.enqueue_dma source(%dma_start3A_474 : memref<112x128xf32, #tpu.memory_space<vmem>>) target(%dma_start3A_470 : memref<112x128xf32, #tpu.memory_space<hbm>>) target_semaphore(%run_scoped3A_462 : memref<!tpu.dma_semaphore, #tpu.memory_space<semaphore_mem>>)
      %dma_wait3A_475 = arith.constant 0 : i32
      %dma_wait3A_476 = arith.constant 0 : i32
      %dma_wait3A_477 = tpu.memref_slice %arg10[%run_scoped3A_439, %dma_wait3A_475, %dma_wait3A_476] : memref<2x112x128xf32, #tpu.memory_space<vmem>> -> memref<1x112x128xf32, #tpu.memory_space<vmem>>
      %dma_wait3A_478 = tpu.memref_squeeze %dma_wait3A_477 : memref<1x112x128xf32, #tpu.memory_space<vmem>> -> memref<112x128xf32, #tpu.memory_space<vmem>>
      %dma_wait3A_479 = arith.constant 0 : i32
      %dma_wait3A_480 = tpu.memref_slice %arg6[%multiple_of3A_428, %dma_wait3A_479] : memref<25088x128xf32, #tpu.memory_space<hbm>> -> memref<112x128xf32, #tpu.memory_space<hbm>>
      %dma_wait3A_481 = arith.constant 0 : i32
      %dma_wait3A_482 = tpu.memref_slice %arg6[%multiple_of3A_428, %dma_wait3A_481] : memref<25088x128xf32, #tpu.memory_space<hbm>> -> memref<112x128xf32, #tpu.memory_space<hbm>>
      %dma_wait3A_483 = arith.constant 0 : i32
      %dma_wait3A_484 = arith.constant 0 : i32
      %dma_wait3A_485 = tpu.memref_slice %arg10[%run_scoped3A_439, %dma_wait3A_483, %dma_wait3A_484] : memref<2x112x128xf32, #tpu.memory_space<vmem>> -> memref<1x112x128xf32, #tpu.memory_space<vmem>>
      %dma_wait3A_486 = tpu.memref_squeeze %dma_wait3A_485 : memref<1x112x128xf32, #tpu.memory_space<vmem>> -> memref<112x128xf32, #tpu.memory_space<vmem>>
      tpu.wait_dma2 semaphore(%run_scoped3A_462 : memref<!tpu.dma_semaphore, #tpu.memory_space<semaphore_mem>>) src(%dma_wait3A_486 : memref<112x128xf32, #tpu.memory_space<vmem>>) dst(%dma_wait3A_482 : memref<112x128xf32, #tpu.memory_space<hbm>>)
      tpu.yield
    }) : () -> ()
    %dma_wait3A_440 = arith.constant 0 : i32
    %dma_wait3A_441 = arith.constant 0 : i32
    %dma_wait3A_442 = arith.constant 0 : i32
    %dma_wait3A_443 = tpu.memref_slice %arg11[%dma_wait3A_440, %dma_wait3A_441, %dma_wait3A_442] : memref<2x112x64xf32, #tpu.memory_space<vmem>> -> memref<1x112x64xf32, #tpu.memory_space<vmem>>
    %dma_wait3A_444 = tpu.memref_squeeze %dma_wait3A_443 : memref<1x112x64xf32, #tpu.memory_space<vmem>> -> memref<112x64xf32, #tpu.memory_space<vmem>>
    %dma_wait3A_445 = arith.constant 672 : i32
    %dma_wait3A_446 = tpu.memref_slice %arg9[%dma_wait3A_445] : memref<784xi32, #tpu.memory_space<vmem>> -> memref<112xi32, #tpu.memory_space<vmem>>
    %dma_wait3A_447 = arith.constant 0 : i32
    %dma_wait3A_448 = arith.constant 0 : i32
    %dma_wait3A_449 = tpu.memref_slice %arg3[%dma_wait3A_447, %dma_wait3A_448] : memref<100000x64xf32, #tpu.memory_space<hbm>> -> memref<100000x64xf32, #tpu.memory_space<hbm>>
    tpu.wait_indirect_dma semaphore(%arg15 : memref<!tpu.dma_semaphore, #tpu.memory_space<semaphore_mem>>) src(%dma_wait3A_449 : memref<100000x64xf32, #tpu.memory_space<hbm>>) dst(%dma_wait3A_444 : memref<112x64xf32, #tpu.memory_space<vmem>>)
    %run_scoped3A_450 = arith.constant 0 : i32
    "tpu.region"() ({
      %run_scoped3A_462 = tpu.sem_alloc : memref<!tpu.dma_semaphore, #tpu.memory_space<semaphore_mem>>
      %dma_start3A_463 = arith.constant 0 : i32
      %dma_start3A_464 = arith.constant 0 : i32
      %dma_start3A_465 = tpu.memref_slice %arg11[%run_scoped3A_450, %dma_start3A_463, %dma_start3A_464] : memref<2x112x64xf32, #tpu.memory_space<vmem>> -> memref<1x112x64xf32, #tpu.memory_space<vmem>>
      %dma_start3A_466 = tpu.memref_squeeze %dma_start3A_465 : memref<1x112x64xf32, #tpu.memory_space<vmem>> -> memref<112x64xf32, #tpu.memory_space<vmem>>
      %dma_start3A_467 = arith.constant 0 : i32
      %dma_start3A_468 = tpu.memref_slice %arg7[%multiple_of3A_428, %dma_start3A_467] : memref<25088x64xf32, #tpu.memory_space<hbm>> -> memref<112x64xf32, #tpu.memory_space<hbm>>
      %dma_start3A_469 = arith.constant 0 : i32
      %dma_start3A_470 = tpu.memref_slice %arg7[%multiple_of3A_428, %dma_start3A_469] : memref<25088x64xf32, #tpu.memory_space<hbm>> -> memref<112x64xf32, #tpu.memory_space<hbm>>
      %dma_start3A_471 = arith.constant 0 : i32
      %dma_start3A_472 = arith.constant 0 : i32
      %dma_start3A_473 = tpu.memref_slice %arg11[%run_scoped3A_450, %dma_start3A_471, %dma_start3A_472] : memref<2x112x64xf32, #tpu.memory_space<vmem>> -> memref<1x112x64xf32, #tpu.memory_space<vmem>>
      %dma_start3A_474 = tpu.memref_squeeze %dma_start3A_473 : memref<1x112x64xf32, #tpu.memory_space<vmem>> -> memref<112x64xf32, #tpu.memory_space<vmem>>
      tpu.enqueue_dma source(%dma_start3A_474 : memref<112x64xf32, #tpu.memory_space<vmem>>) target(%dma_start3A_470 : memref<112x64xf32, #tpu.memory_space<hbm>>) target_semaphore(%run_scoped3A_462 : memref<!tpu.dma_semaphore, #tpu.memory_space<semaphore_mem>>)
      %dma_wait3A_475 = arith.constant 0 : i32
      %dma_wait3A_476 = arith.constant 0 : i32
      %dma_wait3A_477 = tpu.memref_slice %arg11[%run_scoped3A_450, %dma_wait3A_475, %dma_wait3A_476] : memref<2x112x64xf32, #tpu.memory_space<vmem>> -> memref<1x112x64xf32, #tpu.memory_space<vmem>>
      %dma_wait3A_478 = tpu.memref_squeeze %dma_wait3A_477 : memref<1x112x64xf32, #tpu.memory_space<vmem>> -> memref<112x64xf32, #tpu.memory_space<vmem>>
      %dma_wait3A_479 = arith.constant 0 : i32
      %dma_wait3A_480 = tpu.memref_slice %arg7[%multiple_of3A_428, %dma_wait3A_479] : memref<25088x64xf32, #tpu.memory_space<hbm>> -> memref<112x64xf32, #tpu.memory_space<hbm>>
      %dma_wait3A_481 = arith.constant 0 : i32
      %dma_wait3A_482 = tpu.memref_slice %arg7[%multiple_of3A_428, %dma_wait3A_481] : memref<25088x64xf32, #tpu.memory_space<hbm>> -> memref<112x64xf32, #tpu.memory_space<hbm>>
      %dma_wait3A_483 = arith.constant 0 : i32
      %dma_wait3A_484 = arith.constant 0 : i32
      %dma_wait3A_485 = tpu.memref_slice %arg11[%run_scoped3A_450, %dma_wait3A_483, %dma_wait3A_484] : memref<2x112x64xf32, #tpu.memory_space<vmem>> -> memref<1x112x64xf32, #tpu.memory_space<vmem>>
      %dma_wait3A_486 = tpu.memref_squeeze %dma_wait3A_485 : memref<1x112x64xf32, #tpu.memory_space<vmem>> -> memref<112x64xf32, #tpu.memory_space<vmem>>
      tpu.wait_dma2 semaphore(%run_scoped3A_462 : memref<!tpu.dma_semaphore, #tpu.memory_space<semaphore_mem>>) src(%dma_wait3A_486 : memref<112x64xf32, #tpu.memory_space<vmem>>) dst(%dma_wait3A_482 : memref<112x64xf32, #tpu.memory_space<hbm>>)
      tpu.yield
    }) : () -> ()
    %dma_wait3A_451 = arith.constant 0 : i32
    %dma_wait3A_452 = arith.constant 0 : i32
    %dma_wait3A_453 = arith.constant 0 : i32
    %dma_wait3A_454 = tpu.memref_slice %arg12[%dma_wait3A_451, %dma_wait3A_452, %dma_wait3A_453] : memref<2x112x16xf32, #tpu.memory_space<vmem>> -> memref<1x112x16xf32, #tpu.memory_space<vmem>>
    %dma_wait3A_455 = tpu.memref_squeeze %dma_wait3A_454 : memref<1x112x16xf32, #tpu.memory_space<vmem>> -> memref<112x16xf32, #tpu.memory_space<vmem>>
    %dma_wait3A_456 = arith.constant 672 : i32
    %dma_wait3A_457 = tpu.memref_slice %arg9[%dma_wait3A_456] : memref<784xi32, #tpu.memory_space<vmem>> -> memref<112xi32, #tpu.memory_space<vmem>>
    %dma_wait3A_458 = arith.constant 0 : i32
    %dma_wait3A_459 = arith.constant 0 : i32
    %dma_wait3A_460 = tpu.memref_slice %arg4[%dma_wait3A_458, %dma_wait3A_459] : memref<100000x16xf32, #tpu.memory_space<hbm>> -> memref<100000x16xf32, #tpu.memory_space<hbm>>
    tpu.wait_indirect_dma semaphore(%arg17 : memref<!tpu.dma_semaphore, #tpu.memory_space<semaphore_mem>>) src(%dma_wait3A_460 : memref<100000x16xf32, #tpu.memory_space<hbm>>) dst(%dma_wait3A_455 : memref<112x16xf32, #tpu.memory_space<vmem>>)
    %run_scoped3A_461 = arith.constant 0 : i32
    "tpu.region"() ({
      %run_scoped3A_462 = tpu.sem_alloc : memref<!tpu.dma_semaphore, #tpu.memory_space<semaphore_mem>>
      %dma_start3A_463 = arith.constant 0 : i32
      %dma_start3A_464 = arith.constant 0 : i32
      %dma_start3A_465 = tpu.memref_slice %arg12[%run_scoped3A_461, %dma_start3A_463, %dma_start3A_464] : memref<2x112x16xf32, #tpu.memory_space<vmem>> -> memref<1x112x16xf32, #tpu.memory_space<vmem>>
      %dma_start3A_466 = tpu.memref_squeeze %dma_start3A_465 : memref<1x112x16xf32, #tpu.memory_space<vmem>> -> memref<112x16xf32, #tpu.memory_space<vmem>>
      %dma_start3A_467 = arith.constant 0 : i32
      %dma_start3A_468 = tpu.memref_slice %arg8[%multiple_of3A_428, %dma_start3A_467] : memref<25088x16xf32, #tpu.memory_space<hbm>> -> memref<112x16xf32, #tpu.memory_space<hbm>>
      %dma_start3A_469 = arith.constant 0 : i32
      %dma_start3A_470 = tpu.memref_slice %arg8[%multiple_of3A_428, %dma_start3A_469] : memref<25088x16xf32, #tpu.memory_space<hbm>> -> memref<112x16xf32, #tpu.memory_space<hbm>>
      %dma_start3A_471 = arith.constant 0 : i32
      %dma_start3A_472 = arith.constant 0 : i32
      %dma_start3A_473 = tpu.memref_slice %arg12[%run_scoped3A_461, %dma_start3A_471, %dma_start3A_472] : memref<2x112x16xf32, #tpu.memory_space<vmem>> -> memref<1x112x16xf32, #tpu.memory_space<vmem>>
      %dma_start3A_474 = tpu.memref_squeeze %dma_start3A_473 : memref<1x112x16xf32, #tpu.memory_space<vmem>> -> memref<112x16xf32, #tpu.memory_space<vmem>>
      tpu.enqueue_dma source(%dma_start3A_474 : memref<112x16xf32, #tpu.memory_space<vmem>>) target(%dma_start3A_470 : memref<112x16xf32, #tpu.memory_space<hbm>>) target_semaphore(%run_scoped3A_462 : memref<!tpu.dma_semaphore, #tpu.memory_space<semaphore_mem>>)
      %dma_wait3A_475 = arith.constant 0 : i32
      %dma_wait3A_476 = arith.constant 0 : i32
      %dma_wait3A_477 = tpu.memref_slice %arg12[%run_scoped3A_461, %dma_wait3A_475, %dma_wait3A_476] : memref<2x112x16xf32, #tpu.memory_space<vmem>> -> memref<1x112x16xf32, #tpu.memory_space<vmem>>
      %dma_wait3A_478 = tpu.memref_squeeze %dma_wait3A_477 : memref<1x112x16xf32, #tpu.memory_space<vmem>> -> memref<112x16xf32, #tpu.memory_space<vmem>>
      %dma_wait3A_479 = arith.constant 0 : i32
      %dma_wait3A_480 = tpu.memref_slice %arg8[%multiple_of3A_428, %dma_wait3A_479] : memref<25088x16xf32, #tpu.memory_space<hbm>> -> memref<112x16xf32, #tpu.memory_space<hbm>>
      %dma_wait3A_481 = arith.constant 0 : i32
      %dma_wait3A_482 = tpu.memref_slice %arg8[%multiple_of3A_428, %dma_wait3A_481] : memref<25088x16xf32, #tpu.memory_space<hbm>> -> memref<112x16xf32, #tpu.memory_space<hbm>>
      %dma_wait3A_483 = arith.constant 0 : i32
      %dma_wait3A_484 = arith.constant 0 : i32
      %dma_wait3A_485 = tpu.memref_slice %arg12[%run_scoped3A_461, %dma_wait3A_483, %dma_wait3A_484] : memref<2x112x16xf32, #tpu.memory_space<vmem>> -> memref<1x112x16xf32, #tpu.memory_space<vmem>>
      %dma_wait3A_486 = tpu.memref_squeeze %dma_wait3A_485 : memref<1x112x16xf32, #tpu.memory_space<vmem>> -> memref<112x16xf32, #tpu.memory_space<vmem>>
      tpu.wait_dma2 semaphore(%run_scoped3A_462 : memref<!tpu.dma_semaphore, #tpu.memory_space<semaphore_mem>>) src(%dma_wait3A_486 : memref<112x16xf32, #tpu.memory_space<vmem>>) dst(%dma_wait3A_482 : memref<112x16xf32, #tpu.memory_space<hbm>>)
      tpu.yield
    }) : () -> ()
    return
  }
}

module attributes {stable_mosaic.version = 14 : i64} {
  func.func @body(%arg0: i32, %arg1: memref<512x128xf32, #tpu.memory_space<vmem>>, %arg2: memref<512x64xf32, #tpu.memory_space<vmem>>, %arg3: memref<512x16xf32, #tpu.memory_space<vmem>>, %arg4: memref<1024x64xf32, #tpu.memory_space<vmem>>, %arg5: memref<128x64xf32, #tpu.memory_space<vmem>>, %arg6: memref<1x64xf32, #tpu.memory_space<vmem>>, %arg7: memref<16x64xf32, #tpu.memory_space<vmem>>, %arg8: memref<1x64xf32, #tpu.memory_space<vmem>>, %arg9: memref<256x64xf32, #tpu.memory_space<vmem>>, %arg10: memref<1x64xf32, #tpu.memory_space<vmem>>, %arg11: memref<64x1xf32, #tpu.memory_space<vmem>>, %arg12: memref<1x1xf32, #tpu.memory_space<vmem>>, %arg13: memref<512x49xf32, #tpu.memory_space<vmem>>) attributes {dimension_semantics = [#tpu.dimension_semantics<arbitrary>], iteration_bounds = array<i64: 49>, scalar_prefetch = 0 : i64, scratch_operands = 0 : i64, tpu.core_type = #tpu.core_type<tc>, window_params = [{transform_indices = @transform_0, window_bounds = array<i64: 512, 128>}, {transform_indices = @transform_1, window_bounds = array<i64: 512, 64>}, {transform_indices = @transform_2, window_bounds = array<i64: 512, 16>}, {pipeline_mode = #tpu.pipeline_mode<synchronous>, transform_indices = @transform_3, window_bounds = array<i64: 1024, 64>}, {pipeline_mode = #tpu.pipeline_mode<synchronous>, transform_indices = @transform_4, window_bounds = array<i64: 128, 64>}, {pipeline_mode = #tpu.pipeline_mode<synchronous>, transform_indices = @transform_5, window_bounds = array<i64: 1, 64>}, {pipeline_mode = #tpu.pipeline_mode<synchronous>, transform_indices = @transform_6, window_bounds = array<i64: 16, 64>}, {pipeline_mode = #tpu.pipeline_mode<synchronous>, transform_indices = @transform_7, window_bounds = array<i64: 1, 64>}, {pipeline_mode = #tpu.pipeline_mode<synchronous>, transform_indices = @transform_8, window_bounds = array<i64: 256, 64>}, {pipeline_mode = #tpu.pipeline_mode<synchronous>, transform_indices = @transform_9, window_bounds = array<i64: 1, 64>}, {pipeline_mode = #tpu.pipeline_mode<synchronous>, transform_indices = @transform_10, window_bounds = array<i64: 64, 1>}, {pipeline_mode = #tpu.pipeline_mode<synchronous>, transform_indices = @transform_11, window_bounds = array<i64: 1, 1>}, {pipeline_mode = #tpu.pipeline_mode<synchronous>, transform_indices = @transform_12, window_bounds = array<i64: 512, 49>}]} {
    %get3A = arith.constant 0 : index
    %get3A_0 = arith.constant 0 : index
    %get3A_1 = vector.load %arg1[%get3A, %get3A_0] : memref<512x128xf32, #tpu.memory_space<vmem>>, vector<512x128xf32>
    %convert_element_type3A = arith.truncf %get3A_1 : vector<512x128xf32> to vector<512x128xbf16>
    %get3A_2 = arith.constant 0 : index
    %get3A_3 = arith.constant 0 : index
    %get3A_4 = vector.load %arg5[%get3A_2, %get3A_3] : memref<128x64xf32, #tpu.memory_space<vmem>>, vector<128x64xf32>
    %dot_general3A = arith.constant dense<0.000000e+00> : vector<512x64xf32>
    %dot_general3A_5 = tpu.matmul %convert_element_type3A, %get3A_4, %dot_general3A {dimension_numbers = #tpu.dot_dimension_numbers<[1], [0], [0], [1], [0, 0, 1, 1], [], []>, transpose_lhs_hint = false} : vector<512x128xbf16>, vector<128x64xf32>, vector<512x64xf32> -> vector<512x64xf32>
    %get3A_6 = arith.constant 0 : index
    %get3A_7 = arith.constant 0 : index
    %get3A_8 = vector.load %arg6[%get3A_6, %get3A_7] : memref<1x64xf32, #tpu.memory_space<vmem>>, vector<1x64xf32>
    %add3A = vector.broadcast %get3A_8 : vector<1x64xf32> to vector<512x64xf32>
    %add3A_9 = arith.addf %dot_general3A_5, %add3A : vector<512x64xf32>
    %convert_element_type3A_10 = arith.truncf %add3A_9 : vector<512x64xf32> to vector<512x64xbf16>
    %get3A_11 = arith.constant 0 : index
    %get3A_12 = arith.constant 0 : index
    %get3A_13 = vector.load %arg4[%get3A_11, %get3A_12] : memref<1024x64xf32, #tpu.memory_space<vmem>>, vector<1024x64xf32>
    %reduce_sum3A = arith.constant dense<0.000000e+00> : vector<64xf32>
    %reduce_sum3A_14 = vector.multi_reduction <add>, %get3A_13, %reduce_sum3A [0] : vector<1024x64xf32> to vector<64xf32>
    %broadcast_in_dim3A = vector.shape_cast %reduce_sum3A_14 : vector<64xf32> to vector<1x64xf32>
    %mul3A = arith.constant 9.765625E-4 : f32
    %mul3A_15 = vector.broadcast %mul3A : f32 to vector<1x64xf32>
    %mul3A_16 = arith.mulf %broadcast_in_dim3A, %mul3A_15 : vector<1x64xf32>
    %convert_element_type3A_17 = arith.truncf %mul3A_16 : vector<1x64xf32> to vector<1x64xbf16>
    %get3A_18 = arith.constant 0 : index
    %get3A_19 = arith.constant 0 : index
    %get3A_20 = vector.load %arg3[%get3A_18, %get3A_19] : memref<512x16xf32, #tpu.memory_space<vmem>>, vector<512x16xf32>
    %convert_element_type3A_21 = arith.truncf %get3A_20 : vector<512x16xf32> to vector<512x16xbf16>
    %get3A_22 = arith.constant 0 : index
    %get3A_23 = arith.constant 0 : index
    %get3A_24 = vector.load %arg7[%get3A_22, %get3A_23] : memref<16x64xf32, #tpu.memory_space<vmem>>, vector<16x64xf32>
    %dot_general3A_25 = arith.constant dense<0.000000e+00> : vector<512x64xf32>
    %dot_general3A_26 = tpu.matmul %convert_element_type3A_21, %get3A_24, %dot_general3A_25 {dimension_numbers = #tpu.dot_dimension_numbers<[1], [0], [0], [1], [0, 0, 1, 1], [], []>, transpose_lhs_hint = false} : vector<512x16xbf16>, vector<16x64xf32>, vector<512x64xf32> -> vector<512x64xf32>
    %get3A_27 = arith.constant 0 : index
    %get3A_28 = arith.constant 0 : index
    %get3A_29 = vector.load %arg8[%get3A_27, %get3A_28] : memref<1x64xf32, #tpu.memory_space<vmem>>, vector<1x64xf32>
    %add3A_30 = vector.broadcast %get3A_29 : vector<1x64xf32> to vector<512x64xf32>
    %add3A_31 = arith.addf %dot_general3A_26, %add3A_30 : vector<512x64xf32>
    %convert_element_type3A_32 = arith.truncf %add3A_31 : vector<512x64xf32> to vector<512x64xbf16>
    %get3A_33 = arith.constant 0 : index
    %get3A_34 = arith.constant 0 : index
    %get3A_35 = vector.load %arg2[%get3A_33, %get3A_34] : memref<512x64xf32, #tpu.memory_space<vmem>>, vector<512x64xf32>
    %convert_element_type3A_36 = arith.truncf %get3A_35 : vector<512x64xf32> to vector<512x64xbf16>
    %broadcast_in_dim3A_37 = vector.shape_cast %convert_element_type3A_17 : vector<1x64xbf16> to vector<1x64xbf16>
    %broadcast_in_dim3A_38 = vector.broadcast %broadcast_in_dim3A_37 : vector<1x64xbf16> to vector<512x64xbf16>
    %concatenate3A = tpu.concatenate %convert_element_type3A_10, %convert_element_type3A_36, %broadcast_in_dim3A_38, %convert_element_type3A_32 in 1 : vector<512x64xbf16>, vector<512x64xbf16>, vector<512x64xbf16>, vector<512x64xbf16> -> vector<512x256xbf16>
    %max3A = arith.constant 0.000000e+00 : bf16
    %max3A_39 = vector.broadcast %max3A : bf16 to vector<512x256xbf16>
    %max3A_40 = arith.maximumf %concatenate3A, %max3A_39 : vector<512x256xbf16>
    %get3A_41 = arith.constant 0 : index
    %get3A_42 = arith.constant 0 : index
    %get3A_43 = vector.load %arg9[%get3A_41, %get3A_42] : memref<256x64xf32, #tpu.memory_space<vmem>>, vector<256x64xf32>
    %dot_general3A_44 = arith.constant dense<0.000000e+00> : vector<512x64xf32>
    %dot_general3A_45 = tpu.matmul %max3A_40, %get3A_43, %dot_general3A_44 {dimension_numbers = #tpu.dot_dimension_numbers<[1], [0], [0], [1], [0, 0, 1, 1], [], []>, transpose_lhs_hint = false} : vector<512x256xbf16>, vector<256x64xf32>, vector<512x64xf32> -> vector<512x64xf32>
    %get3A_46 = arith.constant 0 : index
    %get3A_47 = arith.constant 0 : index
    %get3A_48 = vector.load %arg10[%get3A_46, %get3A_47] : memref<1x64xf32, #tpu.memory_space<vmem>>, vector<1x64xf32>
    %add3A_49 = vector.broadcast %get3A_48 : vector<1x64xf32> to vector<512x64xf32>
    %add3A_50 = arith.addf %dot_general3A_45, %add3A_49 : vector<512x64xf32>
    %max3A_51 = arith.constant 0.000000e+00 : f32
    %max3A_52 = vector.broadcast %max3A_51 : f32 to vector<512x64xf32>
    %max3A_53 = arith.maximumf %add3A_50, %max3A_52 : vector<512x64xf32>
    %convert_element_type3A_54 = arith.truncf %max3A_53 : vector<512x64xf32> to vector<512x64xbf16>
    %get3A_55 = arith.constant 0 : index
    %get3A_56 = arith.constant 0 : index
    %get3A_57 = vector.load %arg11[%get3A_55, %get3A_56] : memref<64x1xf32, #tpu.memory_space<vmem>>, vector<64x1xf32>
    %dot_general3A_58 = arith.constant dense<0.000000e+00> : vector<512x1xf32>
    %dot_general3A_59 = tpu.matmul %convert_element_type3A_54, %get3A_57, %dot_general3A_58 {dimension_numbers = #tpu.dot_dimension_numbers<[1], [0], [0], [1], [0, 0, 1, 1], [], []>, transpose_lhs_hint = false} : vector<512x64xbf16>, vector<64x1xf32>, vector<512x1xf32> -> vector<512x1xf32>
    %get3A_60 = arith.constant 0 : index
    %get3A_61 = arith.constant 0 : index
    %get3A_62 = vector.load %arg12[%get3A_60, %get3A_61] : memref<1x1xf32, #tpu.memory_space<vmem>>, vector<1x1xf32>
    %add3A_63 = vector.broadcast %get3A_62 : vector<1x1xf32> to vector<512x1xf32>
    %add3A_64 = arith.addf %dot_general3A_59, %add3A_63 : vector<512x1xf32>
    %iota3A = tpu.iota {dimensions = array<i32: 1>} : vector<512x49xi32>
    %eq3A = vector.broadcast %arg0 : i32 to vector<512x49xi32>
    %eq3A_65 = arith.cmpi eq, %iota3A, %eq3A : vector<512x49xi32>
    %broadcast_in_dim3A_66 = vector.shape_cast %add3A_64 : vector<512x1xf32> to vector<512x1xf32>
    %broadcast_in_dim3A_67 = vector.broadcast %broadcast_in_dim3A_66 : vector<512x1xf32> to vector<512x49xf32>
    %get3A_68 = arith.constant 0 : index
    %get3A_69 = arith.constant 0 : index
    %get3A_70 = vector.load %arg13[%get3A_68, %get3A_69] : memref<512x49xf32, #tpu.memory_space<vmem>>, vector<512x49xf32>
    %select_n3A = arith.select %eq3A_65, %broadcast_in_dim3A_67, %get3A_70 : vector<512x49xi1>, vector<512x49xf32>
    %swap3A = arith.constant 0 : index
    %swap3A_71 = arith.constant 0 : index
    %swap3A_72 = vector.load %arg13[%swap3A, %swap3A_71] : memref<512x49xf32, #tpu.memory_space<vmem>>, vector<512x49xf32>
    tpu.vector_store %arg13[%swap3A, %swap3A_71], %select_n3A {strides = array<i32>} : memref<512x49xf32, #tpu.memory_space<vmem>>, vector<512x49xf32>,
    return
  }
  func.func @transform_0(%arg0: i32) -> (i32, i32) {
    %c0_i32 = arith.constant 0 : i32
    %c0_i32_0 = arith.constant 0 : i32
    return %arg0, %c0_i32 : i32, i32
  }
  func.func @transform_1(%arg0: i32) -> (i32, i32) {
    %c0_i32 = arith.constant 0 : i32
    %c0_i32_0 = arith.constant 0 : i32
    return %arg0, %c0_i32 : i32, i32
  }
  func.func @transform_2(%arg0: i32) -> (i32, i32) {
    %c0_i32 = arith.constant 0 : i32
    %c0_i32_0 = arith.constant 0 : i32
    return %arg0, %c0_i32 : i32, i32
  }
  func.func @transform_3(%arg0: i32) -> (i32, i32) {
    %c0_i32 = arith.constant 0 : i32
    %c0_i32_0 = arith.constant 0 : i32
    %c0_i32_1 = arith.constant 0 : i32
    return %c0_i32, %c0_i32_0 : i32, i32
  }
  func.func @transform_4(%arg0: i32) -> (i32, i32) {
    %c0_i32 = arith.constant 0 : i32
    %c0_i32_0 = arith.constant 0 : i32
    %c0_i32_1 = arith.constant 0 : i32
    return %c0_i32, %c0_i32_0 : i32, i32
  }
  func.func @transform_5(%arg0: i32) -> (i32, i32) {
    %c0_i32 = arith.constant 0 : i32
    %c0_i32_0 = arith.constant 0 : i32
    %c0_i32_1 = arith.constant 0 : i32
    return %c0_i32, %c0_i32_0 : i32, i32
  }
  func.func @transform_6(%arg0: i32) -> (i32, i32) {
    %c0_i32 = arith.constant 0 : i32
    %c0_i32_0 = arith.constant 0 : i32
    %c0_i32_1 = arith.constant 0 : i32
    return %c0_i32, %c0_i32_0 : i32, i32
  }
  func.func @transform_7(%arg0: i32) -> (i32, i32) {
    %c0_i32 = arith.constant 0 : i32
    %c0_i32_0 = arith.constant 0 : i32
    %c0_i32_1 = arith.constant 0 : i32
    return %c0_i32, %c0_i32_0 : i32, i32
  }
  func.func @transform_8(%arg0: i32) -> (i32, i32) {
    %c0_i32 = arith.constant 0 : i32
    %c0_i32_0 = arith.constant 0 : i32
    %c0_i32_1 = arith.constant 0 : i32
    return %c0_i32, %c0_i32_0 : i32, i32
  }
  func.func @transform_9(%arg0: i32) -> (i32, i32) {
    %c0_i32 = arith.constant 0 : i32
    %c0_i32_0 = arith.constant 0 : i32
    %c0_i32_1 = arith.constant 0 : i32
    return %c0_i32, %c0_i32_0 : i32, i32
  }
  func.func @transform_10(%arg0: i32) -> (i32, i32) {
    %c0_i32 = arith.constant 0 : i32
    %c0_i32_0 = arith.constant 0 : i32
    %c0_i32_1 = arith.constant 0 : i32
    return %c0_i32, %c0_i32_0 : i32, i32
  }
  func.func @transform_11(%arg0: i32) -> (i32, i32) {
    %c0_i32 = arith.constant 0 : i32
    %c0_i32_0 = arith.constant 0 : i32
    %c0_i32_1 = arith.constant 0 : i32
    return %c0_i32, %c0_i32_0 : i32, i32
  }
  func.func @transform_12(%arg0: i32) -> (i32, i32) {
    %c0_i32 = arith.constant 0 : i32
    %c0_i32_0 = arith.constant 0 : i32
    %c0_i32_1 = arith.constant 0 : i32
    return %c0_i32, %c0_i32_0 : i32, i32
  }
}

module attributes {stable_mosaic.version = 14 : i64} {
  func.func @body(%arg0: i32, %arg1: memref<512x49xf32, #tpu.memory_space<vmem>>, %arg2: memref<512x49xf32, #tpu.memory_space<vmem>>, %arg3: memref<512x98xi32, #tpu.memory_space<vmem>>, %arg4: memref<1x128xf32, #tpu.memory_space<vmem>>, %arg5: memref<1x128xi32, #tpu.memory_space<vmem>>, %arg6: memref<512x98xf32, #tpu.memory_space<vmem>>) attributes {dimension_semantics = [#tpu.dimension_semantics<arbitrary>], iteration_bounds = array<i64: 1>, scalar_prefetch = 0 : i64, scratch_operands = 1 : i64, tpu.core_type = #tpu.core_type<tc>, window_params = [{pipeline_mode = #tpu.pipeline_mode<synchronous>, transform_indices = @transform_0, window_bounds = array<i64: 512, 49>}, {pipeline_mode = #tpu.pipeline_mode<synchronous>, transform_indices = @transform_1, window_bounds = array<i64: 512, 49>}, {pipeline_mode = #tpu.pipeline_mode<synchronous>, transform_indices = @transform_2, window_bounds = array<i64: 512, 98>}, {pipeline_mode = #tpu.pipeline_mode<synchronous>, transform_indices = @transform_3, window_bounds = array<i64: 1, 128>}, {pipeline_mode = #tpu.pipeline_mode<synchronous>, transform_indices = @transform_4, window_bounds = array<i64: 1, 128>}]} {
    %iota3A = tpu.iota {dimensions = array<i32: 1>} : vector<512x98xi32>
    %get3A = arith.constant 0 : index
    %get3A_0 = arith.constant 0 : index
    %get3A_1 = vector.load %arg1[%get3A, %get3A_0] : memref<512x49xf32, #tpu.memory_space<vmem>>, vector<512x49xf32>
    %get3A_2 = arith.constant 0 : index
    %get3A_3 = arith.constant 0 : index
    %get3A_4 = vector.load %arg2[%get3A_2, %get3A_3] : memref<512x49xf32, #tpu.memory_space<vmem>>, vector<512x49xf32>
    %concatenate3A = tpu.concatenate %get3A_1, %get3A_4 in 1 : vector<512x49xf32>, vector<512x49xf32> -> vector<512x98xf32>
    %swap3A = arith.constant 0 : index
    %swap3A_5 = arith.constant 0 : index
    %swap3A_6 = vector.load %arg6[%swap3A, %swap3A_5] : memref<512x98xf32, #tpu.memory_space<vmem>>, vector<512x98xf32>
    tpu.vector_store %arg6[%swap3A, %swap3A_5], %concatenate3A {strides = array<i32>} : memref<512x98xf32, #tpu.memory_space<vmem>>, vector<512x98xf32>,
    %mul3A = arith.constant 512 : i32
    %mul3A_7 = vector.broadcast %mul3A : i32 to vector<512x98xi32>
    %mul3A_8 = arith.muli %iota3A, %mul3A_7 : vector<512x98xi32>
    %iota3A_9 = tpu.iota {dimensions = array<i32: 0>} : vector<512x98xi32>
    %add3A = arith.addi %mul3A_8, %iota3A_9 : vector<512x98xi32>
    %ge3A = arith.constant 50000 : i32
    %ge3A_10 = vector.broadcast %ge3A : i32 to vector<512x98xi32>
    %ge3A_11 = arith.cmpi sge, %add3A, %ge3A_10 : vector<512x98xi32>
    %get3A_12 = arith.constant 0 : index
    %get3A_13 = arith.constant 0 : index
    %get3A_14 = vector.load %arg6[%get3A_12, %get3A_13] : memref<512x98xf32, #tpu.memory_space<vmem>>, vector<512x98xf32>
    %jit3A = arith.constant 0xFF800000 : f32
    %broadcast_in_dim3A = vector.broadcast %jit3A : f32 to vector<512x98xf32>
    %select_n3A = arith.select %ge3A_11, %broadcast_in_dim3A, %get3A_14 : vector<512x98xi1>, vector<512x98xf32>
    %swap3A_15 = arith.constant 0 : index
    %swap3A_16 = arith.constant 0 : index
    %swap3A_17 = vector.load %arg6[%swap3A_15, %swap3A_16] : memref<512x98xf32, #tpu.memory_space<vmem>>, vector<512x98xf32>
    tpu.vector_store %arg6[%swap3A_15, %swap3A_16], %select_n3A {strides = array<i32>} : memref<512x98xf32, #tpu.memory_space<vmem>>, vector<512x98xf32>,
    %iota3A_18 = tpu.iota {dimensions = array<i32: 1>} : vector<1x128xi32>
    %get3A_19 = arith.constant 0 : index
    %get3A_20 = arith.constant 0 : index
    %get3A_21 = vector.load %arg6[%get3A_19, %get3A_20] : memref<512x98xf32, #tpu.memory_space<vmem>>, vector<512x98xf32>
    %reshape3A = vector.shape_cast %get3A_21 : vector<512x98xf32> to vector<64x8x98xf32>
    %slice3A = vector.extract_strided_slice %reshape3A {offsets = [0, 0, 0], sizes = [64, 1, 98], strides = [1, 1, 1]} : vector<64x8x98xf32> to vector<64x1x98xf32>
    %squeeze3A = vector.shape_cast %slice3A : vector<64x1x98xf32> to vector<64x98xf32>
    %slice3A_22 = vector.extract_strided_slice %reshape3A {offsets = [0, 1, 0], sizes = [64, 1, 98], strides = [1, 1, 1]} : vector<64x8x98xf32> to vector<64x1x98xf32>
    %squeeze3A_23 = vector.shape_cast %slice3A_22 : vector<64x1x98xf32> to vector<64x98xf32>
    %max3A = arith.maximumf %squeeze3A, %squeeze3A_23 : vector<64x98xf32>
    %slice3A_24 = vector.extract_strided_slice %reshape3A {offsets = [0, 2, 0], sizes = [64, 1, 98], strides = [1, 1, 1]} : vector<64x8x98xf32> to vector<64x1x98xf32>
    %squeeze3A_25 = vector.shape_cast %slice3A_24 : vector<64x1x98xf32> to vector<64x98xf32>
    %max3A_26 = arith.maximumf %max3A, %squeeze3A_25 : vector<64x98xf32>
    %slice3A_27 = vector.extract_strided_slice %reshape3A {offsets = [0, 3, 0], sizes = [64, 1, 98], strides = [1, 1, 1]} : vector<64x8x98xf32> to vector<64x1x98xf32>
    %squeeze3A_28 = vector.shape_cast %slice3A_27 : vector<64x1x98xf32> to vector<64x98xf32>
    %max3A_29 = arith.maximumf %max3A_26, %squeeze3A_28 : vector<64x98xf32>
    %slice3A_30 = vector.extract_strided_slice %reshape3A {offsets = [0, 4, 0], sizes = [64, 1, 98], strides = [1, 1, 1]} : vector<64x8x98xf32> to vector<64x1x98xf32>
    %squeeze3A_31 = vector.shape_cast %slice3A_30 : vector<64x1x98xf32> to vector<64x98xf32>
    %max3A_32 = arith.maximumf %max3A_29, %squeeze3A_31 : vector<64x98xf32>
    %slice3A_33 = vector.extract_strided_slice %reshape3A {offsets = [0, 5, 0], sizes = [64, 1, 98], strides = [1, 1, 1]} : vector<64x8x98xf32> to vector<64x1x98xf32>
    %squeeze3A_34 = vector.shape_cast %slice3A_33 : vector<64x1x98xf32> to vector<64x98xf32>
    %max3A_35 = arith.maximumf %max3A_32, %squeeze3A_34 : vector<64x98xf32>
    %slice3A_36 = vector.extract_strided_slice %reshape3A {offsets = [0, 6, 0], sizes = [64, 1, 98], strides = [1, 1, 1]} : vector<64x8x98xf32> to vector<64x1x98xf32>
    %squeeze3A_37 = vector.shape_cast %slice3A_36 : vector<64x1x98xf32> to vector<64x98xf32>
    %max3A_38 = arith.maximumf %max3A_35, %squeeze3A_37 : vector<64x98xf32>
    %slice3A_39 = vector.extract_strided_slice %reshape3A {offsets = [0, 7, 0], sizes = [64, 1, 98], strides = [1, 1, 1]} : vector<64x8x98xf32> to vector<64x1x98xf32>
    %squeeze3A_40 = vector.shape_cast %slice3A_39 : vector<64x1x98xf32> to vector<64x98xf32>
    %max3A_41 = arith.maximumf %max3A_38, %squeeze3A_40 : vector<64x98xf32>
    %iota3A_42 = tpu.iota {dimensions = array<i32: 1>} : vector<64x98xi32>
    %mul3A_43 = arith.constant 64 : i32
    %mul3A_44 = vector.broadcast %mul3A_43 : i32 to vector<64x98xi32>
    %mul3A_45 = arith.muli %iota3A_42, %mul3A_44 : vector<64x98xi32>
    %iota3A_46 = tpu.iota {dimensions = array<i32: 0>} : vector<64x98xi32>
    %add3A_47 = arith.addi %mul3A_45, %iota3A_46 : vector<64x98xi32>
    %iota3A_48 = tpu.iota {dimensions = array<i32: 0>} : vector<8x98xi32>
    %iota3A_49 = tpu.iota {dimensions = array<i32: 1>} : vector<8x98xi32>
    %broadcast_in_dim3A_50 = arith.constant 0 : i32
    %broadcast_in_dim3A_51 = vector.broadcast %broadcast_in_dim3A_50 : i32 to vector<1x128xi32>
    %scan3A = arith.constant 2147483647 : i32
    %scan3A_52 = arith.constant 0 : i32
    %scan3A_53 = arith.constant 128 : i32
    %scan3A_54 = arith.addi %scan3A_52, %scan3A_53 : i32
    %scan3A_55 = arith.constant 1 : i32
    %scan3A_56:2 = scf.for %scan3A_66 = %scan3A_52 to %scan3A_54 step %scan3A_55 iter_args(%scan3A_67 = %max3A_41, %scan3A_68 = %broadcast_in_dim3A_51) -> (vector<64x98xf32>, vector<1x128xi32>)  : i32 {
      %reduce_max3A = vector.shape_cast %scan3A_67 : vector<64x98xf32> to vector<1x64x98xf32>
      %reduce_max3A_69 = arith.constant dense<0xFF800000> : vector<1xf32>
      %reduce_max3A_70 = vector.multi_reduction <maximumf>, %reduce_max3A, %reduce_max3A_69 [1, 2] : vector<1x64x98xf32> to vector<1xf32>
      %reduce_max3A_71 = vector.shape_cast %reduce_max3A_70 : vector<1xf32> to vector<1x1x1xf32>
      %reduce_max3A_72 = vector.extract %reduce_max3A_71[0, 0, 0] : f32 from vector<1x1x1xf32>
      %eq3A = vector.broadcast %reduce_max3A_72 : f32 to vector<64x98xf32>
      %eq3A_73 = arith.cmpf oeq, %scan3A_67, %eq3A : vector<64x98xf32>
      %broadcast_in_dim3A_74 = vector.broadcast %scan3A : i32 to vector<64x98xi32>
      %select_n3A_75 = arith.select %eq3A_73, %add3A_47, %broadcast_in_dim3A_74 : vector<64x98xi1>, vector<64x98xi32>
      %reduce_min3A = vector.shape_cast %select_n3A_75 : vector<64x98xi32> to vector<1x64x98xi32>
      %reduce_min3A_76 = arith.constant dense<2147483647> : vector<1xi32>
      %reduce_min3A_77 = vector.multi_reduction <minsi>, %reduce_min3A, %reduce_min3A_76 [1, 2] : vector<1x64x98xi32> to vector<1xi32>
      %reduce_min3A_78 = vector.shape_cast %reduce_min3A_77 : vector<1xi32> to vector<1x1x1xi32>
      %reduce_min3A_79 = vector.extract %reduce_min3A_78[0, 0, 0] : i32 from vector<1x1x1xi32>
      %jit3A_80 = arith.constant 64 : i32
      %eq3A_81 = arith.constant 0 : i32
      %eq3A_82 = arith.cmpi eq, %jit3A_80, %eq3A_81 : i32
      %jit3A_83 = arith.constant 1 : i32
      %select_n3A_84 = arith.select %eq3A_82, %jit3A_83, %jit3A_80 : i32
      %rem3A = arith.remsi %reduce_min3A_79, %select_n3A_84 : i32
      %ne3A = arith.constant 0 : i32
      %ne3A_85 = arith.cmpi ne, %rem3A, %ne3A : i32
      %lt3A = arith.constant 0 : i32
      %lt3A_86 = arith.cmpi slt, %rem3A, %lt3A : i32
      %lt3A_87 = arith.constant 0 : i32
      %lt3A_88 = arith.cmpi slt, %select_n3A_84, %lt3A_87 : i32
      %ne3A_89 = arith.xori %lt3A_86, %lt3A_88 : i1
      %and3A = arith.andi %ne3A_89, %ne3A_85 : i1
      %add3A_90 = arith.addi %rem3A, %select_n3A_84 : i32
      %select_n3A_91 = arith.select %and3A, %add3A_90, %rem3A : i32
      %mul3A_92 = arith.constant 8 : i32
      %mul3A_93 = arith.muli %select_n3A_91, %mul3A_92 : i32
      %get3A_94 = arith.index_cast %mul3A_93 : i32 to index
      %get3A_95 = arith.constant 0 : index
      %get3A_96 = vector.load %arg6[%get3A_94, %get3A_95] : memref<512x98xf32, #tpu.memory_space<vmem>>, vector<8x98xf32>
      %mul3A_97 = arith.constant 512 : i32
      %mul3A_98 = vector.broadcast %mul3A_97 : i32 to vector<8x98xi32>
      %mul3A_99 = arith.muli %iota3A_49, %mul3A_98 : vector<8x98xi32>
      %mul3A_100 = arith.constant 8 : i32
      %mul3A_101 = arith.muli %select_n3A_91, %mul3A_100 : i32
      %add3A_102 = vector.broadcast %mul3A_101 : i32 to vector<8x98xi32>
      %add3A_103 = arith.addi %add3A_102, %iota3A_48 : vector<8x98xi32>
      %add3A_104 = arith.addi %mul3A_99, %add3A_103 : vector<8x98xi32>
      %eq3A_105 = vector.broadcast %reduce_max3A_72 : f32 to vector<8x98xf32>
      %eq3A_106 = arith.cmpf oeq, %get3A_96, %eq3A_105 : vector<8x98xf32>
      %broadcast_in_dim3A_107 = vector.broadcast %scan3A : i32 to vector<8x98xi32>
      %select_n3A_108 = arith.select %eq3A_106, %add3A_104, %broadcast_in_dim3A_107 : vector<8x98xi1>, vector<8x98xi32>
      %reduce_min3A_109 = vector.shape_cast %select_n3A_108 : vector<8x98xi32> to vector<1x8x98xi32>
      %reduce_min3A_110 = arith.constant dense<2147483647> : vector<1xi32>
      %reduce_min3A_111 = vector.multi_reduction <minsi>, %reduce_min3A_109, %reduce_min3A_110 [1, 2] : vector<1x8x98xi32> to vector<1xi32>
      %reduce_min3A_112 = vector.shape_cast %reduce_min3A_111 : vector<1xi32> to vector<1x1x1xi32>
      %reduce_min3A_113 = vector.extract %reduce_min3A_112[0, 0, 0] : i32 from vector<1x1x1xi32>
      %eq3A_114 = vector.broadcast %reduce_min3A_113 : i32 to vector<8x98xi32>
      %eq3A_115 = arith.cmpi eq, %add3A_104, %eq3A_114 : vector<8x98xi32>
      %jit3A_116 = arith.constant 0xFF800000 : f32
      %broadcast_in_dim3A_117 = vector.broadcast %jit3A_116 : f32 to vector<8x98xf32>
      %select_n3A_118 = arith.select %eq3A_115, %broadcast_in_dim3A_117, %get3A_96 : vector<8x98xi1>, vector<8x98xf32>
      %mul3A_119 = arith.constant 8 : i32
      %mul3A_120 = arith.muli %select_n3A_91, %mul3A_119 : i32
      %swap3A_121 = arith.index_cast %mul3A_120 : i32 to index
      %swap3A_122 = arith.constant 0 : index
      %swap3A_123 = vector.load %arg6[%swap3A_121, %swap3A_122] : memref<512x98xf32, #tpu.memory_space<vmem>>, vector<8x98xf32>
      tpu.vector_store %arg6[%swap3A_121, %swap3A_122], %select_n3A_118 {strides = array<i32>} : memref<512x98xf32, #tpu.memory_space<vmem>>, vector<8x98xf32>,
      %mul3A_124 = arith.constant 8 : i32
      %mul3A_125 = arith.muli %select_n3A_91, %mul3A_124 : i32
      %get3A_126 = arith.index_cast %mul3A_125 : i32 to index
      %get3A_127 = arith.constant 0 : index
      %get3A_128 = vector.load %arg3[%get3A_126, %get3A_127] : memref<512x98xi32, #tpu.memory_space<vmem>>, vector<8x98xi32>
      %eq3A_129 = vector.broadcast %reduce_min3A_113 : i32 to vector<8x98xi32>
      %eq3A_130 = arith.cmpi eq, %add3A_104, %eq3A_129 : vector<8x98xi32>
      %jit3A_131 = arith.constant -1 : i32
      %broadcast_in_dim3A_132 = vector.broadcast %jit3A_131 : i32 to vector<8x98xi32>
      %select_n3A_133 = arith.select %eq3A_130, %get3A_128, %broadcast_in_dim3A_132 : vector<8x98xi1>, vector<8x98xi32>
      %reduce_max3A_134 = vector.shape_cast %select_n3A_133 : vector<8x98xi32> to vector<1x8x98xi32>
      %reduce_max3A_135 = arith.constant dense<-2147483648> : vector<1xi32>
      %reduce_max3A_136 = vector.multi_reduction <maxsi>, %reduce_max3A_134, %reduce_max3A_135 [1, 2] : vector<1x8x98xi32> to vector<1xi32>
      %reduce_max3A_137 = vector.shape_cast %reduce_max3A_136 : vector<1xi32> to vector<1x1x1xi32>
      %reduce_max3A_138 = vector.extract %reduce_max3A_137[0, 0, 0] : i32 from vector<1x1x1xi32>
      %reduce_max3A_139 = arith.constant dense<0xFF800000> : vector<98xf32>
      %reduce_max3A_140 = vector.multi_reduction <maximumf>, %select_n3A_118, %reduce_max3A_139 [0] : vector<8x98xf32> to vector<98xf32>
      %broadcast_in_dim3A_141 = vector.shape_cast %reduce_max3A_140 : vector<98xf32> to vector<1x98xf32>
      %jit3A_142 = arith.constant 64 : i32
      %eq3A_143 = arith.constant 0 : i32
      %eq3A_144 = arith.cmpi eq, %jit3A_142, %eq3A_143 : i32
      %jit3A_145 = arith.constant 1 : i32
      %select_n3A_146 = arith.select %eq3A_144, %jit3A_145, %jit3A_142 : i32
      %rem3A_147 = vector.broadcast %select_n3A_146 : i32 to vector<64x98xi32>
      %rem3A_148 = arith.remsi %add3A_47, %rem3A_147 : vector<64x98xi32>
      %ne3A_149 = arith.constant 0 : i32
      %ne3A_150 = vector.broadcast %ne3A_149 : i32 to vector<64x98xi32>
      %ne3A_151 = arith.cmpi ne, %rem3A_148, %ne3A_150 : vector<64x98xi32>
      %lt3A_152 = arith.constant 0 : i32
      %lt3A_153 = vector.broadcast %lt3A_152 : i32 to vector<64x98xi32>
      %lt3A_154 = arith.cmpi slt, %rem3A_148, %lt3A_153 : vector<64x98xi32>
      %lt3A_155 = arith.constant 0 : i32
      %lt3A_156 = arith.cmpi slt, %select_n3A_146, %lt3A_155 : i32
      %ne3A_157 = vector.broadcast %lt3A_156 : i1 to vector<64x98xi1>
      %ne3A_158 = vector.broadcast %ne3A_157 : vector<64x98xi1> to vector<64x98xi1>
      %ne3A_159 = arith.xori %lt3A_154, %ne3A_158 : vector<64x98xi1>
      %and3A_160 = arith.andi %ne3A_159, %ne3A_151 : vector<64x98xi1>
      %add3A_161 = vector.broadcast %select_n3A_146 : i32 to vector<64x98xi32>
      %add3A_162 = arith.addi %rem3A_148, %add3A_161 : vector<64x98xi32>
      %select_n3A_163 = arith.select %and3A_160, %add3A_162, %rem3A_148 : vector<64x98xi1>, vector<64x98xi32>
      %eq3A_164 = vector.broadcast %select_n3A_91 : i32 to vector<64x98xi32>
      %eq3A_165 = arith.cmpi eq, %select_n3A_163, %eq3A_164 : vector<64x98xi32>
      %broadcast_in_dim3A_166 = vector.shape_cast %broadcast_in_dim3A_141 : vector<1x98xf32> to vector<1x98xf32>
      %broadcast_in_dim3A_167 = vector.broadcast %broadcast_in_dim3A_166 : vector<1x98xf32> to vector<64x98xf32>
      %select_n3A_168 = arith.select %eq3A_165, %broadcast_in_dim3A_167, %scan3A_67 : vector<64x98xi1>, vector<64x98xf32>
      %eq3A_169 = vector.broadcast %scan3A_66 : i32 to vector<1x128xi32>
      %eq3A_170 = arith.cmpi eq, %iota3A_18, %eq3A_169 : vector<1x128xi32>
      %broadcast_in_dim3A_171 = vector.broadcast %reduce_max3A_138 : i32 to vector<1x128xi32>
      %select_n3A_172 = arith.select %eq3A_170, %broadcast_in_dim3A_171, %scan3A_68 : vector<1x128xi1>, vector<1x128xi32>
      scf.yield %select_n3A_168, %select_n3A_172 : vector<64x98xf32>, vector<1x128xi32>
    }
    %scan3A_57 = arith.constant 128 : i32
    %swap3A_58 = arith.constant 0 : index
    %swap3A_59 = arith.constant 0 : index
    %swap3A_60 = vector.load %arg5[%swap3A_58, %swap3A_59] : memref<1x128xi32, #tpu.memory_space<vmem>>, vector<1x128xi32>
    tpu.vector_store %arg5[%swap3A_58, %swap3A_59], %scan3A_56#1 {strides = array<i32>} : memref<1x128xi32, #tpu.memory_space<vmem>>, vector<1x128xi32>,
    %broadcast_in_dim3A_61 = arith.constant 1.000000e+00 : f32
    %broadcast_in_dim3A_62 = vector.broadcast %broadcast_in_dim3A_61 : f32 to vector<1x128xf32>
    %swap3A_63 = arith.constant 0 : index
    %swap3A_64 = arith.constant 0 : index
    %swap3A_65 = vector.load %arg4[%swap3A_63, %swap3A_64] : memref<1x128xf32, #tpu.memory_space<vmem>>, vector<1x128xf32>
    tpu.vector_store %arg4[%swap3A_63, %swap3A_64], %broadcast_in_dim3A_62 {strides = array<i32>} : memref<1x128xf32, #tpu.memory_space<vmem>>, vector<1x128xf32>,
    return
  }
  func.func @transform_0(%arg0: i32) -> (i32, i32) {
    %c0_i32 = arith.constant 0 : i32
    %c0_i32_0 = arith.constant 0 : i32
    %c0_i32_1 = arith.constant 0 : i32
    return %c0_i32, %c0_i32_0 : i32, i32
  }
  func.func @transform_1(%arg0: i32) -> (i32, i32) {
    %c0_i32 = arith.constant 0 : i32
    %c0_i32_0 = arith.constant 0 : i32
    %c0_i32_1 = arith.constant 0 : i32
    return %c0_i32, %c0_i32_0 : i32, i32
  }
  func.func @transform_2(%arg0: i32) -> (i32, i32) {
    %c0_i32 = arith.constant 0 : i32
    %c0_i32_0 = arith.constant 0 : i32
    %c0_i32_1 = arith.constant 0 : i32
    return %c0_i32, %c0_i32_0 : i32, i32
  }
  func.func @transform_3(%arg0: i32) -> (i32, i32) {
    %c0_i32 = arith.constant 0 : i32
    %c0_i32_0 = arith.constant 0 : i32
    %c0_i32_1 = arith.constant 0 : i32
    return %c0_i32, %c0_i32_0 : i32, i32
  }
  func.func @transform_4(%arg0: i32) -> (i32, i32) {
    %c0_i32 = arith.constant 0 : i32
    %c0_i32_0 = arith.constant 0 : i32
    %c0_i32_1 = arith.constant 0 : i32
    return %c0_i32, %c0_i32_0 : i32, i32
  }
}

</mosaic_0001>

<sc_bundles>
// kernel: kernel.10.cloned.1.call-start
scs
__scs_entry_jumppad:
0x0: {  	(pc) =	sbr.rel $0x88, $3  }
0x1: {  	(tag) =	ssettag $0x0;
	lr =	simm.s32 $0x1  }
0x2: {  	[smem:$0x3F93] =	sst lr;
	_ =	strace $0xD0000000  }
0x3: {  	_ = 	snop  }
0x4: {  	_ = 	snop  }
0x5: {  	_ = 	snop  }
0x6: {  	_ = 	snop  }
0x7: {  	_ = 	snop  }
__scs_overlays_trampoline_lowered:
0x8: {  	[smem:$0x3FA2] =	sst s0  }
0x9: {  	[smem:$0x3FA3] =	sst s1  }
0xa: {  	[smem:$0x3FA4] =	sst s2  }
0xb: {  	[smem:$0x3FA5] =	sst s3  }
0xc: {  	[smem:$0x3FA6] =	sst s4  }
0xd: {  	[smem:$0x3FA7] =	sst s5  }
0xe: {  	[smem:$0x3FA8] =	sst s6  }
0xf: {  	[smem:$0x3FA9] =	sst s7  }
0x10: {  	[smem:$0x3FAA] =	sst s8  }
0x11: {  	[smem:$0x3FAB] =	sst s9;
	s0 =	simm.s32 @!p0 $0x0  }
0x12: {  	s1 =	sld [smem:$0x3F91];
	s0 =	simm.s32 @p0 $0x1  }
0x13: {  	[smem:$0x3FAC] =	sst s0;
	s0 =	simm.s32 @!p1 $0x0  }
0x14: {  	s2 =	sld [smem:$0x3F90];
	s0 =	simm.s32 @p1 $0x1  }
0x15: {  	[smem:$0x3FAD] =	sst s0;
	s0 =	simm.s32 @!p2 $0x0  }
0x16: {  	s3 =	sld [smem:$0x3FDB];
	s0 =	simm.s32 @p2 $0x1  }
0x17: {  	s4 =	simm.s32 $0x1BF5;
	[smem:$0x3FAF] =	sst s0  }
0x18: {  	s0 =	sld [smem:$0x3F92];
	_ =	swait.ge [sflag:s4], $0x0  }
0x19: {  	s7 =	sld [smem:$0x3F93]  }
0x1a: {  	s8 =	sadd.s32 $0xFFFFE003, lr  }
0x1b: {  	s9 =	sadd.s32 $0xFFFFFEF7, lr;
	s5 =	simm.s32 $0xFFFFFFFF;
	p2 =	slt.u32 s8, $0xFFFFF086  }
0x1c: {  	p1 =	slt.u32 s9, $0xF7A;
	s5 =	simm.s32 @!p2 $0x0  }
0x1d: {  	s5 =	simm.s32 @p1 $0x1;
	p0 =	seq.s32 s7, s2  }
0x1e: {  	s7 =	smul.u32 @!p0 $0xF7A, s2;
	p2 =	seq.s32 @!p0 s5, $0x0  }
0x1f: {  	s9 =	smul.u32 $0xF7A, s1;
	s8 =	simm.s32 @!p0 $0x1BF5;
	p2 =	por !p2, p0  }
0x20: {  	[sflag:s8] =	ssyncset.s32 @!p0 $0xFFFFF086;
	s6 =	sadd.s32 @!p0 s3, s7;
	s7 =	simm.s32 @!p0 $0x108  }
0x21: {  	s3 =	sadd.s32 s3, s9;
	s6 =	sadd.s32 @!p0 $0x88, s6;
	s7 =	simm.s32 @p2 $0x1082  }
0x22: {  	[simem:s7], [sflag:s8] =	dma.local @!p0 [hbm:s6], $0xF7A  }
0x23: {  	s9 =	sor.u32 $0xD0000000, s2;
	s6 =	simm.s32 $0x108;
	_ =	swait.ge @!p0 [sflag:s8], $0x0  }
0x24: {  	s3 =	sadd.s32 $0x88, s3;
	s6 =	simm.s32 @!p1 $0x1082;
	[sflag:s4] =	ssyncset.s32 $0xFFFFF086  }
0x25: {  	[simem:s6], [sflag:s4] =	dma.local [hbm:s3], $0xF7A  }
0x26: {  	[smem:$0x3F93] =	sst s1;
	(tag) =	ssettag s2;
	_ =	strace s9  }
0x27: {  	s1 =	sld [smem:$0x3FA3]  }
0x28: {  	s2 =	sld [smem:$0x3FA4]  }
0x29: {  	s4 =	sld [smem:$0x3FA6]  }
0x2a: {  	p0 =	seq.s32 s5, $0x0;
	s5 =	sld [smem:$0x3FA7]  }
0x2b: {  	s6 =	sld [smem:$0x3FA8]  }
0x2c: {  	s7 =	sld [smem:$0x3FA9]  }
0x2d: {  	s3 =	simm.s32 $0x108;
	s8 =	sld [smem:$0x3FAA]  }
0x2e: {  	s3 =	simm.s32 @!p0 $0x1082;
	s9 =	sld [smem:$0x3FAB]  }
0x2f: {  	lr =	sadd.s32 s0, s3;
	s0 =	sld [smem:$0x3FA2]  }
0x30: {  	s3 =	sld [smem:$0x3FA5]  }
0x31: {  	[smem:$0x3FAE] =	sst s10  }
0x32: {  	s10 =	sld [smem:$0x3FAC];
	_ =	sdelay $0x3  }
0x33: {  	p0 =	seq.s32 s10, $0x1;
	s10 =	sld [smem:$0x3FAE];
	_ =	sdelay $0x3  }
0x34: {  	[smem:$0x3FAE] =	sst s10  }
0x35: {  	s10 =	sld [smem:$0x3FAD];
	_ =	sdelay $0x3  }
0x36: {  	p1 =	seq.s32 s10, $0x1;
	s10 =	sld [smem:$0x3FAE];
	_ =	sdelay $0x3  }
0x37: {  	[smem:$0x3FAE] =	sst s10  }
0x38: {  	s10 =	sld [smem:$0x3FAF]  }
0x39: {  	_ = 	snop;
	(pc) =	sbr.ind lr, $3  }
0x3a: {  	_ = 	snop  }
0x3b: {  	_ = 	snop  }
0x3c: {  	p2 =	seq.s32 s10, $0x1;
	s10 =	sld [smem:$0x3FAE]  }
0x3d: {  	_ =	shalt  }
0x3e: {  	_ =	shalt  }
0x3f: {  	_ =	shalt  }
0x40: {  	_ =	shalt  }
0x41: {  	_ =	shalt  }
0x42: {  	_ =	shalt  }
0x43: {  	_ =	shalt  }
0x44: {  	_ =	shalt  }
0x45: {  	_ =	shalt  }
0x46: {  	_ =	shalt  }
0x47: {  	_ =	shalt  }
0x48: {  	_ =	shalt  }
0x49: {  	_ =	shalt  }
0x4a: {  	_ =	shalt  }
0x4b: {  	_ =	shalt  }
0x4c: {  	_ =	shalt  }
0x4d: {  	_ =	shalt  }
0x4e: {  	_ =	shalt  }
0x4f: {  	_ =	shalt  }
0x50: {  	_ =	shalt  }
0x51: {  	_ =	shalt  }
0x52: {  	_ =	shalt  }
0x53: {  	_ =	shalt  }
0x54: {  	_ =	shalt  }
0x55: {  	_ =	shalt  }
0x56: {  	_ =	shalt  }
0x57: {  	_ =	shalt  }
0x58: {  	_ =	shalt  }
0x59: {  	_ =	shalt  }
0x5a: {  	_ =	shalt  }
0x5b: {  	_ =	shalt  }
0x5c: {  	_ =	shalt  }
0x5d: {  	_ =	shalt  }
0x5e: {  	_ =	shalt  }
0x5f: {  	_ =	shalt  }
0x60: {  	_ =	shalt  }
0x61: {  	_ =	shalt  }
0x62: {  	_ =	shalt  }
0x63: {  	_ =	shalt  }
0x64: {  	_ =	shalt  }
0x65: {  	_ =	shalt  }
0x66: {  	_ =	shalt  }
0x67: {  	_ =	shalt  }
0x68: {  	_ =	shalt  }
0x69: {  	_ =	shalt  }
0x6a: {  	_ =	shalt  }
0x6b: {  	_ =	shalt  }
0x6c: {  	_ =	shalt  }
0x6d: {  	_ =	shalt  }
0x6e: {  	_ =	shalt  }
0x6f: {  	_ =	shalt  }
0x70: {  	_ =	shalt  }
0x71: {  	_ =	shalt  }
0x72: {  	_ =	shalt  }
0x73: {  	_ =	shalt  }
0x74: {  	_ =	shalt  }
0x75: {  	_ =	shalt  }
0x76: {  	_ =	shalt  }
0x77: {  	_ =	shalt  }
0x78: {  	_ =	shalt  }
0x79: {  	_ =	shalt  }
0x7a: {  	_ =	shalt  }
0x7b: {  	_ =	shalt  }
0x7c: {  	_ =	shalt  }
0x7d: {  	_ =	shalt  }
0x7e: {  	_ =	shalt  }
0x7f: {  	_ =	shalt  }
0x80: {  	_ =	shalt  }
0x81: {  	_ =	shalt  }
0x82: {  	_ =	shalt  }
0x83: {  	_ =	shalt  }
0x84: {  	_ =	shalt  }
0x85: {  	_ =	shalt  }
0x86: {  	_ =	shalt  }
0x87: {  	_ =	shalt  }
.Lfunc_end0:
.L_simem_size_0:
called_computation.1_lowered:
.L_overlay_start_0:
0x88: {  	s2 =	sld [smem:$0x3FD9]  }
0x89: {  	s3 =	sld [smem:$0x3FFE];
	_ =	sdelay $0x1  }
0x8a: {  	s1 =	srdreg.scid  }
0x8b: {  	s0 =	sand.u32 $0x1, s1  }
0x8c: {  	s17 =	sshll.u32 s0, $0xA;
	s2 =	sadd.s32 s3, s2  }
0x8d: {  	s2 =	sadd.s32 s2, s17  }
0x8e: {  	[smem:$0x3FBA] =	sst s2  }
0x8f: {  	_ = 	snop  }
0x90: {  	s18 =	sld [smem:$0x3FC9];
	(tm) =	ssettm $0x1  }
0x91: {  	s19 =	sld [smem:$0x3FFB];
	_ =	sdelay $0x3  }
0x92: {  	_ =	strace s19  }
0x93: {  	s2 =	sld [smem:$0x3FFC];
	_ =	sdelay $0x3  }
0x94: {  	_ =	strace s2  }
0x95: {  	s2 =	sld [smem:$0x3FFD];
	_ =	sdelay $0x3  }
0x96: {  	_ =	strace s2  }
0x97: {  	_ =	strace $0x8FFFFFFF  }
0x98: {  	s20 =	sld [smem:$0x3FDB];
	_ =	sdelay $0x1  }
0x99: {  	s4 =	simm.s32 $_scs_section_size  }
0x9a: {  	s5 =	simm.s32 $_size__tile_overlayer_lowered;
	s6 =	simm.s32 $_tile_overlayer_lowered  }
0x9b: {  	s7 =	simm.s32 $0x1BFF;
	s21 =	sshll.u32 s6, $0x1;
	s4 =	sadd.s32 s4, s20  }
0x9c: {  	s22 =	simm.s32 $0x0;
	s5 =	sshll.u32 s5, $0x1;
	s6 =	sadd.s32 s21, s4  }
0x9d: {  	[timem:s22], [sflag:s7] =	dma.local [hbm:s6], s5  }
0x9e: {  	_ =	swait.ge [sflag:s7], s5  }
0x9f: {  	s5 =	ssub.s32 $0x0, s5;
	[sflag:s7] =	ssyncset.done $0x0  }
0xa0: {  	[sflag:s7] =	ssyncadd.s32 s5;
	_ =	sdelay $0x1  }
0xa1: {  	s23 =	simm.s32 $0x1B8B  }
0xa2: {  	_ =	swait.ge [sflag:s23], $0x1  }
0xa3: {  	[sflag:s23] =	ssyncset.done $0x0  }
0xa4: {  	[sflag:s23] =	ssyncadd.s32 $0xFFFFFFFF  }
0xa5: {  	s5 =	sld [smem:$0x0]  }
0xa6: {  	s6 =	sand.u32 $0xFFFFFFFE, s1  }
0xa7: {  	p0 =	sne.s32 s1, s6  }
0xa8: {  	s6 =	sshll.u32 @p0 s6, $0xE  }
0xa9: {  	s6 =	sadd.s32 @p0 $0x11B8D, s6;
	s7 =	sshll.u32 @p0 s5, $0x11  }
0xaa: {  	s6 =	sor.u32 @p0 s7, s6  }
0xab: {  	[sflag:s6] =	ssyncadd.remote.s32 @p0 $0x1;
	_ =	sdelay $0x1  }
0xac: {  	s6 =	simm.s32 @p0 $0x1B8D  }
0xad: {  	_ =	swait.eq @p0 [sflag:s6], $0x1  }
0xae: {  	[sflag:s6] =	ssyncadd.s32 @p0 $0xFFFFFFFF  }
0xaf: {  	s7 =	sshll.u32 @!p0 s1, $0xE  }
0xb0: {  	s7 =	sor.u32 @!p0 $0x4000, s7;
	s6 =	simm.s32 @!p0 $0x1B8D  }
0xb1: {  	s5 =	sshll.u32 @!p0 s5, $0x11;
	s7 =	sadd.s32 @!p0 $0x11B8D, s7;
	_ =	swait.eq @!p0 [sflag:s6], $0x1  }
0xb2: {  	s5 =	sor.u32 @!p0 s5, s7;
	[sflag:s6] =	ssyncadd.s32 @!p0 $0xFFFFFFFF  }
0xb3: {  	s25 =	simm.s32 $0x1B8E;
	s24 =	sld [smem:$0x3FFE];
	[sflag:s5] =	ssyncadd.remote.s32 @!p0 $0x1  }
0xb4: {  	s26 =	simm.s32 $execute0_lowered;
	[smem:$0x3FD2] =	sst s25  }
0xb5: {  	s6 =	sshll.u32 s26, $0x1;
	_ =	strace $0x80000049;
	[dreg:$0x1] =	wrdreg $0xFFFFFFFF  }
0xb6: {  	s28 =	simm.s32 $_size_execute0_lowered;
	s4 =	sadd.s32 s4, s6;
	[dreg:$0x0] =	wrdreg $0x0  }
0xb7: {  	s6 =	sshll.u32 s28, $0x1;
	[dreg:$0x2] =	wrdreg s4  }
0xb8: {  	[dreg:$0x3] =	wrdreg s6  }
0xb9: {  	[dreg:$0x4] =	wrdreg $0xC0  }
0xba: {  	_ =	task [dreg:s22], $0x5FFFF  }
0xbb: {  	[dreg:$0x1] =	wrdreg $0xFFFFFFFF  }
0xbc: {  	[dreg:$0x0] =	wrdreg $0x60  }
0xbd: {  	[dreg:$0x2] =	wrdreg s18  }
0xbe: {  	[dreg:$0x3] =	wrdreg s24  }
0xbf: {  	[dreg:$0x4] =	wrdreg $0xA  }
0xc0: {  	_ =	task.clear_ibuf [dreg:s22], $0x5FFFF;
	_ =	strace $0x90000049  }
0xc1: {  	s29 =	simm.s32 $0xA;
	_ =	strace $0x8000004B  }
0xc2: {  	_ =	swait.ge [sflag:s29], $0x1  }
0xc3: {  	[sflag:s29] =	ssyncadd.s32 $0xFFFFFFFF  }
0xc4: {  	_ =	strace $0x9000004B  }
0xc5: {  	_ =	sfence  }
0xc6: {  	s30 =	sld [smem:$0x0];
	_ =	sdelay $0x2  }
0xc7: {  	s31 =	sshll.u32 s1, $0xD;
	s1 =	sshrl.u32 s1, $0x2  }
0xc8: {  	s4 =	sand.u32 $0x4000, s31;
	s1 =	sadd.s32 s1, s30  }
0xc9: {  	s0 =	sor.u32 s4, s0;
	s1 =	sshll.u32 s1, $0x11  }
0xca: {  	s0 =	sor.u32 s1, s0  }
0xcb: {  	s0 =	sadd.s32 $0x8F2B, s0  }
0xcc: {  	[sflag:s0] =	ssyncadd.remote.s32 $0x1  }
0xcd: {  	_ =	sfence.sel $0xFFFF  }
0xce: {  	[dreg:$0x0] =	wrdreg $0xFFFFFFFF;
	(pc) =	sbr.abs _section_cstart, $3  }
0xcf: {  	[dreg:$0x1] =	wrdreg $0xFFFFFFFF  }
0xd0: {  	_ =	task.clear_ibuf [dreg:s22], $0x2FFFF;
	_ =	strace $0x9FFFFFFF  }
0xd1: {  	(tm) =	ssettm $0x7FFFFFFF  }
tec
execute0_lowered:
.L_overlay_start_1:
0x0: {  	(tag) =	ssettag $0x1  }
0x1: {  	s0 =	srdreg.scid  }
0x2: {  	s1 =	stileid.u32;
	s3 =	rddreg [dreg:$0x0]  }
0x3: {  	s5 =	rddreg [dreg:$0x1];
	s2 =	simm.s32 $0x0;
	s31 =	simm.s32 $0xE0  }
0x4: {  	p0 =	por $0x0, $0x0;
	s0 =	sand.u32 $0x1, s0;
	s1 =	sshll.u32 s1, $0x1  }
0x5: {  	s30 =	simm.s32 $0x150;
	s29 =	simm.s32 $0x1C0;
	s4 =	sor.u32 s0, s1  }
0x6: {  	s28 =	simm.s32 $0x230;
	[smem:$0x7FF] =	sst s2;
	s1 =	smul.u32 $0x310, s4  }
0x7: {  	s7 =	sadd.s32 $0xB2400, s5;
	s0 =	ssub.s32 $0x2, s0;
	s10 =	smul.u32 $0x3100, s4  }
0x8: {  	s9 =	sadd.s32 $0xA6000, s5;
	s11 =	smul.u32 $0x1880, s4;
	s26 =	sshrl.u32 s0, $0x1  }
0x9: {  	_ =	strace $0x8000004A;
	s4 =	smul.u32 $0x620, s4;
	s0 =	ssub.s32 s0, s26  }
0xa: {  	s6 =	sshrl.u32 s1, $0x3;
	s12 =	sadd.s32 s7, s11;
	s13 =	sadd.s32 $0x70, s1  }
0xb: {  	s4 =	sadd.s32 s9, s4;
	s18 =	sadd.s32 $0xE0, s1;
	s22 =	sadd.s32 $0x150, s1  }
0xc: {  	s0 =	smax.u32 s0, $0x1;
	s8 =	sadd.s32 s6, s5;
	[dreg:$0x5] =	wrdreg s12  }
0xd: {  	s6 =	sadd.s32 $0xE3400, s5;
	s14 =	sshll.u32 s13, $0x4;
	[dreg:$0x6] =	wrdreg s4  }
0xe: {  	s16 =	sshll.u32 s13, $0x3;
	s17 =	sshll.u32 s13, $0x1;
	s19 =	sshll.u32 s18, $0x4  }
0xf: {  	s21 =	sshll.u32 s18, $0x3;
	s24 =	sshll.u32 s22, $0x4;
	s13 =	sshll.u32 s22, $0x3  }
0x10: {  	s11 =	sshll.u32 s22, $0x1;
	s12 =	sadd.s32 $0x1C0, s1;
	s8 =	sadd.s32 $0x3E00, s8  }
0x11: {  	p1 =	sne.s32 s0, $0x1;
	s10 =	sadd.s32 s6, s10;
	[dreg:$0x3] =	wrdreg s8  }
0x12: {  	s15 =	sadd.s32 s6, s14;
	s4 =	sadd.s32 s7, s16;
	[dreg:$0x4] =	wrdreg s10  }
0x13: {  	s20 =	sadd.s32 s6, s19;
	s25 =	sadd.s32 s6, s24;
	[dreg:$0x7] =	wrdreg s15  }
0x14: {  	s14 =	sadd.s32 s9, s11;
	s19 =	sshll.u32 s12, $0x1;
	[dreg:$0x8] =	wrdreg s4  }
0x15: {  	s11 =	simm.s32 $0x7310;
	s8 =	sadd.s32 s9, s17;
	[dreg:$0xa] =	wrdreg s20  }
0x16: {  	s4 =	sadd.s32 $0x189A00, s5;
	s5 =	sadd.s32 $0x24D000, s5;
	[dreg:$0xd] =	wrdreg s25  }
0x17: {  	s10 =	sshll.u32 s18, $0x1;
	s15 =	sshll.u32 s12, $0x4;
	[dreg:$0xf] =	wrdreg s14  }
0x18: {  	s17 =	sshll.u32 s12, $0x3;
	s20 =	sadd.s32 s9, s19;
	s14 =	simm.s32 $0x310  }
0x19: {  	s19 =	simm.s32 $0xB210;
	s12 =	simm.s32 $0x5;
	[dreg:$0x9] =	wrdreg s8  }
0x1a: {  	s8 =	sadd.s32 s7, s21;
	s23 =	sadd.s32 s9, s10;
	[dreg:$0x12] =	wrdreg s20  }
0x1b: {  	s16 =	sadd.s32 s6, s15;
	s18 =	sadd.s32 s7, s17;
	[dreg:$0xb] =	wrdreg s8  }
0x1c: {  	s21 =	sadd.s32 $0x230, s1;
	s1 =	sadd.s32 $0x2A0, s1;
	[dreg:$0xc] =	wrdreg s23  }
0x1d: {  	s20 =	simm.s32 $0x8F10;
	s15 =	simm.s32 $0x3;
	[dreg:$0x10] =	wrdreg s16  }
0x1e: {  	s8 =	sadd.s32 s7, s13;
	[dreg:$0x11] =	wrdreg s18;
	s22 =	sshll.u32 s21, $0x4  }
0x1f: {  	s23 =	sshll.u32 s21, $0x3;
	s24 =	sshll.u32 s21, $0x1;
	s25 =	sshll.u32 s1, $0x4  }
0x20: {  	s26 =	sshll.u32 s1, $0x3;
	s1 =	sshll.u32 s1, $0x1;
	s18 =	simm.s32 $0x1  }
0x21: {  	s21 =	simm.s32 $0x6;
	[dreg:$0xe] =	wrdreg s8;
	s17 =	sadd.s32 s6, s22  }
.Ltmp0:
0x22: {  	s16 =	sadd.s32 s7, s23;
	s13 =	sadd.s32 s9, s24;
	(pc) =	sbr.rel @!p1 .LBB2_3-.Ltmp0, $4  }
0x23: {  	s10 =	sadd.s32 s6, s25;
	s8 =	sadd.s32 s7, s26;
	s7 =	sadd.s32 s9, s1  }
0x24: {  	s6 =	simm.s32 $0x7;
	s22 =	simm.s32 $0x70;
	s9 =	simm.s32 $0xAB10  }
0x25: {  	s23 =	simm.s32 $0x3B10;
	s25 =	simm.s32 $0x2;
	s1 =	sadd.s32 $0xFFFFFFFF, s0  }
0x26: {  	s24 =	simm.s32 $0x4;
	s26 =	simm.s32 $0x2A0;
	s0 =	rddreg [dreg:$0x3]  }
0x27: {  	[tilespmem:s2], [sflag:$0x7] =	stream.linear.gather [hbm4b:s0+s2], $0x310, $0x38;
	[tilespmem:$0xB910] =	vst v63  }
0x28: {  	_ =	swait.ge [sflag:s6], $0x310  }
0x29: {  	[sflag:s6] =	ssyncset.done $0x0  }
0x2a: {  	[sflag:s6] =	ssyncadd.s32 $0xFFFFFCF0  }
0x2b: {  	[tilespmem:s14], [sflag:$0x1] =	stream.indirect.gather [hbm4b:s3+s22], $0x80, s2, s22, $0xb8;
	[tilespmem:$0xB910] =	vst v63  }
0x2c: {  	_ = 	snop  }
0x2d: {  	[tilespmem:s11], [sflag:$0x3] =	stream.indirect.gather [hbm4b:s4+s22], $0x40, s2, s22, $0xb8;
	[tilespmem:$0xB910] =	vst v63  }
0x2e: {  	_ = 	snop  }
0x2f: {  	[tilespmem:s9], [sflag:$0x5] =	stream.indirect.gather [hbm4b:s5+s22], $0x10, s2, s22, $0xb8;
	[tilespmem:$0xB910] =	vst v63  }
0x30: {  	_ = 	snop  }
0x31: {  	[tilespmem:s23], [sflag:$0x2] =	stream.indirect.gather [hbm4b:s3+s22], $0x80, s22, s22, $0xb8;
	[tilespmem:$0xB910] =	vst v63  }
0x32: {  	_ = 	snop  }
0x33: {  	[tilespmem:s20], [sflag:$0x4] =	stream.indirect.gather [hbm4b:s4+s22], $0x40, s22, s22, $0xb8;
	[tilespmem:$0xB910] =	vst v63  }
0x34: {  	_ = 	snop  }
0x35: {  	[tilespmem:s19], [sflag:$0x6] =	stream.indirect.gather [hbm4b:s5+s22], $0x10, s22, s22, $0xb8;
	[tilespmem:$0xB910] =	vst v63  }
0x36: {  	_ =	swait.ge [sflag:s18], $0x3800  }
0x37: {  	[sflag:s18] =	ssyncset.done $0x0  }
0x38: {  	s0 =	rddreg [dreg:$0x4];
	[sflag:s18] =	ssyncadd.s32 $0xFFFFC800  }
0x39: {  	[hbm4b:s0+s2] =	stream.linear.scatter [tilespmem:s14], [sflag:$0x7], $0x3800, $0x38;
	[tilespmem:$0xB910] =	vst v63  }
0x3a: {  	_ =	swait.ge [sflag:s6], $0x3800  }
0x3b: {  	[sflag:s6] =	ssyncset.done $0x0  }
0x3c: {  	[sflag:s6] =	ssyncadd.s32 $0xFFFFC800  }
0x3d: {  	_ =	swait.ge [sflag:s15], $0x1C00  }
0x3e: {  	[sflag:s15] =	ssyncset.done $0x0  }
0x3f: {  	s0 =	rddreg [dreg:$0x5];
	[sflag:s15] =	ssyncadd.s32 $0xFFFFE400  }
0x40: {  	[hbm4b:s0+s2] =	stream.linear.scatter [tilespmem:s11], [sflag:$0x7], $0x1C00, $0x38;
	[tilespmem:$0xB910] =	vst v63  }
0x41: {  	_ =	swait.ge [sflag:s6], $0x1C00  }
0x42: {  	[sflag:s6] =	ssyncset.done $0x0  }
0x43: {  	[sflag:s6] =	ssyncadd.s32 $0xFFFFE400  }
0x44: {  	_ =	swait.ge [sflag:s12], $0x700  }
0x45: {  	[sflag:s12] =	ssyncset.done $0x0  }
0x46: {  	s0 =	rddreg [dreg:$0x6];
	[sflag:s12] =	ssyncadd.s32 $0xFFFFF900  }
0x47: {  	[hbm4b:s0+s2] =	stream.linear.scatter [tilespmem:s9], [sflag:$0x7], $0x700, $0x38;
	[tilespmem:$0xB910] =	vst v63  }
0x48: {  	_ =	swait.ge [sflag:s6], $0x700  }
0x49: {  	[sflag:s6] =	ssyncset.done $0x0  }
0x4a: {  	[sflag:s6] =	ssyncadd.s32 $0xFFFFF900  }
0x4b: {  	[tilespmem:s14], [sflag:$0x1] =	stream.indirect.gather [hbm4b:s3+s22], $0x80, s31, s22, $0xb8;
	[tilespmem:$0xB910] =	vst v63  }
0x4c: {  	_ = 	snop  }
0x4d: {  	[tilespmem:s11], [sflag:$0x3] =	stream.indirect.gather [hbm4b:s4+s22], $0x40, s31, s22, $0xb8;
	[tilespmem:$0xB910] =	vst v63  }
0x4e: {  	_ = 	snop  }
0x4f: {  	[tilespmem:s9], [sflag:$0x5] =	stream.indirect.gather [hbm4b:s5+s22], $0x10, s31, s22, $0xb8;
	[tilespmem:$0xB910] =	vst v63  }
0x50: {  	_ =	swait.ge [sflag:s25], $0x3800  }
0x51: {  	[sflag:s25] =	ssyncset.done $0x0  }
0x52: {  	s0 =	rddreg [dreg:$0x7];
	[sflag:s25] =	ssyncadd.s32 $0xFFFFC800  }
0x53: {  	[hbm4b:s0+s2] =	stream.linear.scatter [tilespmem:s23], [sflag:$0x7], $0x3800, $0x38;
	[tilespmem:$0xB910] =	vst v63  }
0x54: {  	_ =	swait.ge [sflag:s6], $0x3800  }
0x55: {  	[sflag:s6] =	ssyncset.done $0x0  }
0x56: {  	[sflag:s6] =	ssyncadd.s32 $0xFFFFC800  }
0x57: {  	_ =	swait.ge [sflag:s24], $0x1C00  }
0x58: {  	[sflag:s24] =	ssyncset.done $0x0  }
0x59: {  	s0 =	rddreg [dreg:$0x8];
	[sflag:s24] =	ssyncadd.s32 $0xFFFFE400  }
0x5a: {  	[hbm4b:s0+s2] =	stream.linear.scatter [tilespmem:s20], [sflag:$0x7], $0x1C00, $0x38;
	[tilespmem:$0xB910] =	vst v63  }
0x5b: {  	_ =	swait.ge [sflag:s6], $0x1C00  }
0x5c: {  	[sflag:s6] =	ssyncset.done $0x0  }
0x5d: {  	[sflag:s6] =	ssyncadd.s32 $0xFFFFE400  }
0x5e: {  	_ =	swait.ge [sflag:s21], $0x700  }
0x5f: {  	[sflag:s21] =	ssyncset.done $0x0  }
0x60: {  	s0 =	rddreg [dreg:$0x9];
	[sflag:s21] =	ssyncadd.s32 $0xFFFFF900  }
0x61: {  	[hbm4b:s0+s2] =	stream.linear.scatter [tilespmem:s19], [sflag:$0x7], $0x700, $0x38;
	[tilespmem:$0xB910] =	vst v63  }
0x62: {  	_ =	swait.ge [sflag:s6], $0x700  }
0x63: {  	[sflag:s6] =	ssyncset.done $0x0  }
0x64: {  	[sflag:s6] =	ssyncadd.s32 $0xFFFFF900  }
0x65: {  	[tilespmem:s23], [sflag:$0x2] =	stream.indirect.gather [hbm4b:s3+s22], $0x80, s30, s22, $0xb8;
	[tilespmem:$0xB910] =	vst v63  }
0x66: {  	_ = 	snop  }
0x67: {  	[tilespmem:s20], [sflag:$0x4] =	stream.indirect.gather [hbm4b:s4+s22], $0x40, s30, s22, $0xb8;
	[tilespmem:$0xB910] =	vst v63  }
0x68: {  	_ = 	snop  }
0x69: {  	[tilespmem:s19], [sflag:$0x6] =	stream.indirect.gather [hbm4b:s5+s22], $0x10, s30, s22, $0xb8;
	[tilespmem:$0xB910] =	vst v63  }
0x6a: {  	_ =	swait.ge [sflag:s18], $0x3800  }
0x6b: {  	[sflag:s18] =	ssyncset.done $0x0  }
0x6c: {  	s0 =	rddreg [dreg:$0xa];
	[sflag:s18] =	ssyncadd.s32 $0xFFFFC800  }
0x6d: {  	[hbm4b:s0+s2] =	stream.linear.scatter [tilespmem:s14], [sflag:$0x7], $0x3800, $0x38;
	[tilespmem:$0xB910] =	vst v63  }
0x6e: {  	_ =	swait.ge [sflag:s6], $0x3800  }
0x6f: {  	[sflag:s6] =	ssyncset.done $0x0  }
0x70: {  	[sflag:s6] =	ssyncadd.s32 $0xFFFFC800  }
0x71: {  	_ =	swait.ge [sflag:s15], $0x1C00  }
0x72: {  	[sflag:s15] =	ssyncset.done $0x0  }
0x73: {  	s0 =	rddreg [dreg:$0xb];
	[sflag:s15] =	ssyncadd.s32 $0xFFFFE400  }
0x74: {  	[hbm4b:s0+s2] =	stream.linear.scatter [tilespmem:s11], [sflag:$0x7], $0x1C00, $0x38;
	[tilespmem:$0xB910] =	vst v63  }
0x75: {  	_ =	swait.ge [sflag:s6], $0x1C00  }
0x76: {  	[sflag:s6] =	ssyncset.done $0x0  }
0x77: {  	[sflag:s6] =	ssyncadd.s32 $0xFFFFE400  }
0x78: {  	_ =	swait.ge [sflag:s12], $0x700  }
0x79: {  	[sflag:s12] =	ssyncset.done $0x0  }
0x7a: {  	s0 =	rddreg [dreg:$0xc];
	[sflag:s12] =	ssyncadd.s32 $0xFFFFF900  }
0x7b: {  	[hbm4b:s0+s2] =	stream.linear.scatter [tilespmem:s9], [sflag:$0x7], $0x700, $0x38;
	[tilespmem:$0xB910] =	vst v63  }
0x7c: {  	_ =	swait.ge [sflag:s6], $0x700  }
0x7d: {  	[sflag:s6] =	ssyncset.done $0x0  }
0x7e: {  	[sflag:s6] =	ssyncadd.s32 $0xFFFFF900  }
0x7f: {  	[tilespmem:s14], [sflag:$0x1] =	stream.indirect.gather [hbm4b:s3+s22], $0x80, s29, s22, $0xb8;
	[tilespmem:$0xB910] =	vst v63  }
0x80: {  	_ = 	snop  }
0x81: {  	[tilespmem:s11], [sflag:$0x3] =	stream.indirect.gather [hbm4b:s4+s22], $0x40, s29, s22, $0xb8;
	[tilespmem:$0xB910] =	vst v63  }
0x82: {  	_ = 	snop  }
0x83: {  	[tilespmem:s9], [sflag:$0x5] =	stream.indirect.gather [hbm4b:s5+s22], $0x10, s29, s22, $0xb8;
	[tilespmem:$0xB910] =	vst v63  }
0x84: {  	_ =	swait.ge [sflag:s25], $0x3800  }
0x85: {  	[sflag:s25] =	ssyncset.done $0x0  }
0x86: {  	s0 =	rddreg [dreg:$0xd];
	[sflag:s25] =	ssyncadd.s32 $0xFFFFC800  }
0x87: {  	[hbm4b:s0+s2] =	stream.linear.scatter [tilespmem:s23], [sflag:$0x7], $0x3800, $0x38;
	[tilespmem:$0xB910] =	vst v63  }
0x88: {  	_ =	swait.ge [sflag:s6], $0x3800  }
0x89: {  	[sflag:s6] =	ssyncset.done $0x0  }
0x8a: {  	[sflag:s6] =	ssyncadd.s32 $0xFFFFC800  }
0x8b: {  	_ =	swait.ge [sflag:s24], $0x1C00  }
0x8c: {  	[sflag:s24] =	ssyncset.done $0x0  }
0x8d: {  	s0 =	rddreg [dreg:$0xe];
	[sflag:s24] =	ssyncadd.s32 $0xFFFFE400  }
0x8e: {  	[hbm4b:s0+s2] =	stream.linear.scatter [tilespmem:s20], [sflag:$0x7], $0x1C00, $0x38;
	[tilespmem:$0xB910] =	vst v63  }
0x8f: {  	_ =	swait.ge [sflag:s6], $0x1C00  }
0x90: {  	[sflag:s6] =	ssyncset.done $0x0  }
0x91: {  	[sflag:s6] =	ssyncadd.s32 $0xFFFFE400  }
0x92: {  	_ =	swait.ge [sflag:s21], $0x700  }
0x93: {  	[sflag:s21] =	ssyncset.done $0x0  }
0x94: {  	s0 =	rddreg [dreg:$0xf];
	[sflag:s21] =	ssyncadd.s32 $0xFFFFF900  }
0x95: {  	[hbm4b:s0+s2] =	stream.linear.scatter [tilespmem:s19], [sflag:$0x7], $0x700, $0x38;
	[tilespmem:$0xB910] =	vst v63  }
0x96: {  	_ =	swait.ge [sflag:s6], $0x700  }
0x97: {  	[sflag:s6] =	ssyncset.done $0x0  }
0x98: {  	[sflag:s6] =	ssyncadd.s32 $0xFFFFF900  }
0x99: {  	[tilespmem:s23], [sflag:$0x2] =	stream.indirect.gather [hbm4b:s3+s22], $0x80, s28, s22, $0xb8;
	[tilespmem:$0xB910] =	vst v63  }
0x9a: {  	_ = 	snop  }
0x9b: {  	[tilespmem:s20], [sflag:$0x4] =	stream.indirect.gather [hbm4b:s4+s22], $0x40, s28, s22, $0xb8;
	[tilespmem:$0xB910] =	vst v63  }
0x9c: {  	_ = 	snop  }
0x9d: {  	[tilespmem:s19], [sflag:$0x6] =	stream.indirect.gather [hbm4b:s5+s22], $0x10, s28, s22, $0xb8;
	[tilespmem:$0xB910] =	vst v63  }
0x9e: {  	_ =	swait.ge [sflag:s18], $0x3800  }
0x9f: {  	[sflag:s18] =	ssyncset.done $0x0  }
0xa0: {  	s0 =	rddreg [dreg:$0x10];
	[sflag:s18] =	ssyncadd.s32 $0xFFFFC800  }
0xa1: {  	[hbm4b:s0+s2] =	stream.linear.scatter [tilespmem:s14], [sflag:$0x7], $0x3800, $0x38;
	[tilespmem:$0xB910] =	vst v63  }
0xa2: {  	_ =	swait.ge [sflag:s6], $0x3800  }
0xa3: {  	[sflag:s6] =	ssyncset.done $0x0  }
0xa4: {  	[sflag:s6] =	ssyncadd.s32 $0xFFFFC800  }
0xa5: {  	_ =	swait.ge [sflag:s15], $0x1C00  }
0xa6: {  	[sflag:s15] =	ssyncset.done $0x0  }
0xa7: {  	s0 =	rddreg [dreg:$0x11];
	[sflag:s15] =	ssyncadd.s32 $0xFFFFE400  }
0xa8: {  	[hbm4b:s0+s2] =	stream.linear.scatter [tilespmem:s11], [sflag:$0x7], $0x1C00, $0x38;
	[tilespmem:$0xB910] =	vst v63  }
0xa9: {  	_ =	swait.ge [sflag:s6], $0x1C00  }
0xaa: {  	[sflag:s6] =	ssyncset.done $0x0  }
0xab: {  	[sflag:s6] =	ssyncadd.s32 $0xFFFFE400  }
0xac: {  	_ =	swait.ge [sflag:s12], $0x700  }
0xad: {  	[sflag:s12] =	ssyncset.done $0x0  }
0xae: {  	s0 =	rddreg [dreg:$0x12];
	[sflag:s12] =	ssyncadd.s32 $0xFFFFF900  }
0xaf: {  	[hbm4b:s0+s2] =	stream.linear.scatter [tilespmem:s9], [sflag:$0x7], $0x700, $0x38;
	[tilespmem:$0xB910] =	vst v63  }
0xb0: {  	_ =	swait.ge [sflag:s6], $0x700  }
0xb1: {  	[sflag:s6] =	ssyncset.done $0x0  }
0xb2: {  	[sflag:s6] =	ssyncadd.s32 $0xFFFFF900  }
0xb3: {  	[tilespmem:s14], [sflag:$0x1] =	stream.indirect.gather [hbm4b:s3+s22], $0x80, s26, s22, $0xb8;
	[tilespmem:$0xB910] =	vst v63  }
0xb4: {  	_ = 	snop  }
0xb5: {  	[tilespmem:s11], [sflag:$0x3] =	stream.indirect.gather [hbm4b:s4+s22], $0x40, s26, s22, $0xb8;
	[tilespmem:$0xB910] =	vst v63  }
0xb6: {  	_ = 	snop  }
0xb7: {  	[tilespmem:s9], [sflag:$0x5] =	stream.indirect.gather [hbm4b:s5+s22], $0x10, s26, s22, $0xb8;
	[tilespmem:$0xB910] =	vst v63  }
0xb8: {  	_ =	swait.ge [sflag:s25], $0x3800  }
0xb9: {  	[sflag:s25] =	ssyncset.done $0x0  }
0xba: {  	[sflag:s25] =	ssyncadd.s32 $0xFFFFC800  }
0xbb: {  	[hbm4b:s17+s2] =	stream.linear.scatter [tilespmem:s23], [sflag:$0x7], $0x3800, $0x38;
	[tilespmem:$0xB910] =	vst v63  }
0xbc: {  	_ =	swait.ge [sflag:s6], $0x3800  }
0xbd: {  	[sflag:s6] =	ssyncset.done $0x0  }
0xbe: {  	[sflag:s6] =	ssyncadd.s32 $0xFFFFC800  }
0xbf: {  	_ =	swait.ge [sflag:s24], $0x1C00  }
0xc0: {  	[sflag:s24] =	ssyncset.done $0x0  }
0xc1: {  	[sflag:s24] =	ssyncadd.s32 $0xFFFFE400  }
0xc2: {  	[hbm4b:s16+s2] =	stream.linear.scatter [tilespmem:s20], [sflag:$0x7], $0x1C00, $0x38;
	[tilespmem:$0xB910] =	vst v63  }
0xc3: {  	_ =	swait.ge [sflag:s6], $0x1C00  }
0xc4: {  	[sflag:s6] =	ssyncset.done $0x0  }
0xc5: {  	[sflag:s6] =	ssyncadd.s32 $0xFFFFE400  }
0xc6: {  	_ =	swait.ge [sflag:s21], $0x700  }
0xc7: {  	[sflag:s21] =	ssyncset.done $0x0  }
0xc8: {  	[sflag:s21] =	ssyncadd.s32 $0xFFFFF900  }
0xc9: {  	[hbm4b:s13+s2] =	stream.linear.scatter [tilespmem:s19], [sflag:$0x7], $0x700, $0x38;
	[tilespmem:$0xB910] =	vst v63  }
0xca: {  	_ =	swait.ge [sflag:s6], $0x700  }
0xcb: {  	[sflag:s6] =	ssyncset.done $0x0  }
0xcc: {  	[sflag:s6] =	ssyncadd.s32 $0xFFFFF900  }
0xcd: {  	_ =	swait.ge [sflag:s18], $0x3800  }
0xce: {  	[sflag:s18] =	ssyncset.done $0x0  }
0xcf: {  	[sflag:s18] =	ssyncadd.s32 $0xFFFFC800  }
0xd0: {  	[hbm4b:s10+s2] =	stream.linear.scatter [tilespmem:s14], [sflag:$0x7], $0x3800, $0x38;
	[tilespmem:$0xB910] =	vst v63  }
0xd1: {  	_ =	swait.ge [sflag:s6], $0x3800  }
0xd2: {  	[sflag:s6] =	ssyncset.done $0x0  }
0xd3: {  	[sflag:s6] =	ssyncadd.s32 $0xFFFFC800  }
0xd4: {  	_ =	swait.ge [sflag:s15], $0x1C00  }
0xd5: {  	[sflag:s15] =	ssyncset.done $0x0  }
0xd6: {  	[sflag:s15] =	ssyncadd.s32 $0xFFFFE400  }
0xd7: {  	[hbm4b:s8+s2] =	stream.linear.scatter [tilespmem:s11], [sflag:$0x7], $0x1C00, $0x38;
	[tilespmem:$0xB910] =	vst v63  }
0xd8: {  	_ =	swait.ge [sflag:s6], $0x1C00  }
0xd9: {  	[sflag:s6] =	ssyncset.done $0x0  }
0xda: {  	[sflag:s6] =	ssyncadd.s32 $0xFFFFE400  }
0xdb: {  	p1 =	sne.s32 s1, $0x1;
	_ =	swait.ge [sflag:s12], $0x700  }
.Ltmp1:
0xdc: {  	[sflag:s12] =	ssyncset.done $0x0;
	(pc) =	sbr.rel @!p1 .LBB2_3-.Ltmp1, $4  }
0xdd: {  	[sflag:s12] =	ssyncadd.s32 $0xFFFFF900  }
0xde: {  	[hbm4b:s7+s2] =	stream.linear.scatter [tilespmem:s9], [sflag:$0x7], $0x700, $0x38;
	[tilespmem:$0xB910] =	vst v63  }
0xdf: {  	s1 =	sadd.s32 $0xFFFFFFFF, s1;
	_ =	swait.ge [sflag:s6], $0x700  }
0xe0: {  	p0 =	por $0x1, $0x1;
	s0 =	rddreg [dreg:$0x3];
	[sflag:s6] =	ssyncset.done $0x0  }
.LBB2_2:
0xe1: {  	[sflag:s6] =	ssyncadd.s32 $0xFFFFF900  }
0xe2: {  	[tilespmem:s2], [sflag:$0x7] =	stream.linear.gather [hbm4b:s0+s2], $0x310, $0x38;
	[tilespmem:$0xB910] =	vst v63  }
0xe3: {  	_ =	swait.ge [sflag:s6], $0x310  }
0xe4: {  	[sflag:s6] =	ssyncset.done $0x0  }
0xe5: {  	[sflag:s6] =	ssyncadd.s32 $0xFFFFFCF0  }
0xe6: {  	[tilespmem:s14], [sflag:$0x1] =	stream.indirect.gather [hbm4b:s3+s22], $0x80, s2, s22, $0xb8;
	[tilespmem:$0xB910] =	vst v63  }
0xe7: {  	_ = 	snop  }
0xe8: {  	[tilespmem:s11], [sflag:$0x3] =	stream.indirect.gather [hbm4b:s4+s22], $0x40, s2, s22, $0xb8;
	[tilespmem:$0xB910] =	vst v63  }
0xe9: {  	_ = 	snop  }
0xea: {  	[tilespmem:s9], [sflag:$0x5] =	stream.indirect.gather [hbm4b:s5+s22], $0x10, s2, s22, $0xb8;
	[tilespmem:$0xB910] =	vst v63  }
0xeb: {  	_ = 	snop  }
0xec: {  	[tilespmem:s23], [sflag:$0x2] =	stream.indirect.gather [hbm4b:s3+s22], $0x80, s22, s22, $0xb8;
	[tilespmem:$0xB910] =	vst v63  }
0xed: {  	_ = 	snop  }
0xee: {  	[tilespmem:s20], [sflag:$0x4] =	stream.indirect.gather [hbm4b:s4+s22], $0x40, s22, s22, $0xb8;
	[tilespmem:$0xB910] =	vst v63  }
0xef: {  	_ = 	snop  }
0xf0: {  	[tilespmem:s19], [sflag:$0x6] =	stream.indirect.gather [hbm4b:s5+s22], $0x10, s22, s22, $0xb8;
	[tilespmem:$0xB910] =	vst v63  }
0xf1: {  	_ =	swait.ge [sflag:s18], $0x3800  }
0xf2: {  	[sflag:s18] =	ssyncset.done $0x0  }
0xf3: {  	s0 =	rddreg [dreg:$0x4];
	[sflag:s18] =	ssyncadd.s32 $0xFFFFC800  }
0xf4: {  	[hbm4b:s0+s2] =	stream.linear.scatter [tilespmem:s14], [sflag:$0x7], $0x3800, $0x38;
	[tilespmem:$0xB910] =	vst v63  }
0xf5: {  	_ =	swait.ge [sflag:s6], $0x3800  }
0xf6: {  	[sflag:s6] =	ssyncset.done $0x0  }
0xf7: {  	[sflag:s6] =	ssyncadd.s32 $0xFFFFC800  }
0xf8: {  	_ =	swait.ge [sflag:s15], $0x1C00  }
0xf9: {  	[sflag:s15] =	ssyncset.done $0x0  }
0xfa: {  	s0 =	rddreg [dreg:$0x5];
	[sflag:s15] =	ssyncadd.s32 $0xFFFFE400  }
0xfb: {  	[hbm4b:s0+s2] =	stream.linear.scatter [tilespmem:s11], [sflag:$0x7], $0x1C00, $0x38;
	[tilespmem:$0xB910] =	vst v63  }
0xfc: {  	_ =	swait.ge [sflag:s6], $0x1C00  }
0xfd: {  	[sflag:s6] =	ssyncset.done $0x0  }
0xfe: {  	[sflag:s6] =	ssyncadd.s32 $0xFFFFE400  }
0xff: {  	_ =	swait.ge [sflag:s12], $0x700  }
0x100: {  	[sflag:s12] =	ssyncset.done $0x0  }
0x101: {  	s0 =	rddreg [dreg:$0x6];
	[sflag:s12] =	ssyncadd.s32 $0xFFFFF900  }
0x102: {  	[hbm4b:s0+s2] =	stream.linear.scatter [tilespmem:s9], [sflag:$0x7], $0x700, $0x38;
	[tilespmem:$0xB910] =	vst v63  }
0x103: {  	_ =	swait.ge [sflag:s6], $0x700  }
0x104: {  	[sflag:s6] =	ssyncset.done $0x0  }
0x105: {  	[sflag:s6] =	ssyncadd.s32 $0xFFFFF900  }
0x106: {  	[tilespmem:s14], [sflag:$0x1] =	stream.indirect.gather [hbm4b:s3+s22], $0x80, s31, s22, $0xb8;
	[tilespmem:$0xB910] =	vst v63  }
0x107: {  	_ = 	snop  }
0x108: {  	[tilespmem:s11], [sflag:$0x3] =	stream.indirect.gather [hbm4b:s4+s22], $0x40, s31, s22, $0xb8;
	[tilespmem:$0xB910] =	vst v63  }
0x109: {  	_ = 	snop  }
0x10a: {  	[tilespmem:s9], [sflag:$0x5] =	stream.indirect.gather [hbm4b:s5+s22], $0x10, s31, s22, $0xb8;
	[tilespmem:$0xB910] =	vst v63  }
0x10b: {  	_ =	swait.ge [sflag:s25], $0x3800  }
0x10c: {  	[sflag:s25] =	ssyncset.done $0x0  }
0x10d: {  	s0 =	rddreg [dreg:$0x7];
	[sflag:s25] =	ssyncadd.s32 $0xFFFFC800  }
0x10e: {  	[hbm4b:s0+s2] =	stream.linear.scatter [tilespmem:s23], [sflag:$0x7], $0x3800, $0x38;
	[tilespmem:$0xB910] =	vst v63  }
0x10f: {  	_ =	swait.ge [sflag:s6], $0x3800  }
0x110: {  	[sflag:s6] =	ssyncset.done $0x0  }
0x111: {  	[sflag:s6] =	ssyncadd.s32 $0xFFFFC800  }
0x112: {  	_ =	swait.ge [sflag:s24], $0x1C00  }
0x113: {  	[sflag:s24] =	ssyncset.done $0x0  }
0x114: {  	s0 =	rddreg [dreg:$0x8];
	[sflag:s24] =	ssyncadd.s32 $0xFFFFE400  }
0x115: {  	[hbm4b:s0+s2] =	stream.linear.scatter [tilespmem:s20], [sflag:$0x7], $0x1C00, $0x38;
	[tilespmem:$0xB910] =	vst v63  }
0x116: {  	_ =	swait.ge [sflag:s6], $0x1C00  }
0x117: {  	[sflag:s6] =	ssyncset.done $0x0  }
0x118: {  	[sflag:s6] =	ssyncadd.s32 $0xFFFFE400  }
0x119: {  	_ =	swait.ge [sflag:s21], $0x700  }
0x11a: {  	[sflag:s21] =	ssyncset.done $0x0  }
0x11b: {  	s0 =	rddreg [dreg:$0x9];
	[sflag:s21] =	ssyncadd.s32 $0xFFFFF900  }
0x11c: {  	[hbm4b:s0+s2] =	stream.linear.scatter [tilespmem:s19], [sflag:$0x7], $0x700, $0x38;
	[tilespmem:$0xB910] =	vst v63  }
0x11d: {  	_ =	swait.ge [sflag:s6], $0x700  }
0x11e: {  	[sflag:s6] =	ssyncset.done $0x0  }
0x11f: {  	[sflag:s6] =	ssyncadd.s32 $0xFFFFF900  }
0x120: {  	[tilespmem:s23], [sflag:$0x2] =	stream.indirect.gather [hbm4b:s3+s22], $0x80, s30, s22, $0xb8;
	[tilespmem:$0xB910] =	vst v63  }
0x121: {  	_ = 	snop  }
0x122: {  	[tilespmem:s20], [sflag:$0x4] =	stream.indirect.gather [hbm4b:s4+s22], $0x40, s30, s22, $0xb8;
	[tilespmem:$0xB910] =	vst v63  }
0x123: {  	_ = 	snop  }
0x124: {  	[tilespmem:s19], [sflag:$0x6] =	stream.indirect.gather [hbm4b:s5+s22], $0x10, s30, s22, $0xb8;
	[tilespmem:$0xB910] =	vst v63  }
0x125: {  	_ =	swait.ge [sflag:s18], $0x3800  }
0x126: {  	[sflag:s18] =	ssyncset.done $0x0  }
0x127: {  	s0 =	rddreg [dreg:$0xa];
	[sflag:s18] =	ssyncadd.s32 $0xFFFFC800  }
0x128: {  	[hbm4b:s0+s2] =	stream.linear.scatter [tilespmem:s14], [sflag:$0x7], $0x3800, $0x38;
	[tilespmem:$0xB910] =	vst v63  }
0x129: {  	_ =	swait.ge [sflag:s6], $0x3800  }
0x12a: {  	[sflag:s6] =	ssyncset.done $0x0  }
0x12b: {  	[sflag:s6] =	ssyncadd.s32 $0xFFFFC800  }
0x12c: {  	_ =	swait.ge [sflag:s15], $0x1C00  }
0x12d: {  	[sflag:s15] =	ssyncset.done $0x0  }
0x12e: {  	s0 =	rddreg [dreg:$0xb];
	[sflag:s15] =	ssyncadd.s32 $0xFFFFE400  }
0x12f: {  	[hbm4b:s0+s2] =	stream.linear.scatter [tilespmem:s11], [sflag:$0x7], $0x1C00, $0x38;
	[tilespmem:$0xB910] =	vst v63  }
0x130: {  	_ =	swait.ge [sflag:s6], $0x1C00  }
0x131: {  	[sflag:s6] =	ssyncset.done $0x0  }
0x132: {  	[sflag:s6] =	ssyncadd.s32 $0xFFFFE400  }
0x133: {  	_ =	swait.ge [sflag:s12], $0x700  }
0x134: {  	[sflag:s12] =	ssyncset.done $0x0  }
0x135: {  	s0 =	rddreg [dreg:$0xc];
	[sflag:s12] =	ssyncadd.s32 $0xFFFFF900  }
0x136: {  	[hbm4b:s0+s2] =	stream.linear.scatter [tilespmem:s9], [sflag:$0x7], $0x700, $0x38;
	[tilespmem:$0xB910] =	vst v63  }
0x137: {  	_ =	swait.ge [sflag:s6], $0x700  }
0x138: {  	[sflag:s6] =	ssyncset.done $0x0  }
0x139: {  	[sflag:s6] =	ssyncadd.s32 $0xFFFFF900  }
0x13a: {  	[tilespmem:s14], [sflag:$0x1] =	stream.indirect.gather [hbm4b:s3+s22], $0x80, s29, s22, $0xb8;
	[tilespmem:$0xB910] =	vst v63  }
0x13b: {  	_ = 	snop  }
0x13c: {  	[tilespmem:s11], [sflag:$0x3] =	stream.indirect.gather [hbm4b:s4+s22], $0x40, s29, s22, $0xb8;
	[tilespmem:$0xB910] =	vst v63  }
0x13d: {  	_ = 	snop  }
0x13e: {  	[tilespmem:s9], [sflag:$0x5] =	stream.indirect.gather [hbm4b:s5+s22], $0x10, s29, s22, $0xb8;
	[tilespmem:$0xB910] =	vst v63  }
0x13f: {  	_ =	swait.ge [sflag:s25], $0x3800  }
0x140: {  	[sflag:s25] =	ssyncset.done $0x0  }
0x141: {  	s0 =	rddreg [dreg:$0xd];
	[sflag:s25] =	ssyncadd.s32 $0xFFFFC800  }
0x142: {  	[hbm4b:s0+s2] =	stream.linear.scatter [tilespmem:s23], [sflag:$0x7], $0x3800, $0x38;
	[tilespmem:$0xB910] =	vst v63  }
0x143: {  	_ =	swait.ge [sflag:s6], $0x3800  }
0x144: {  	[sflag:s6] =	ssyncset.done $0x0  }
0x145: {  	[sflag:s6] =	ssyncadd.s32 $0xFFFFC800  }
0x146: {  	_ =	swait.ge [sflag:s24], $0x1C00  }
0x147: {  	[sflag:s24] =	ssyncset.done $0x0  }
0x148: {  	s0 =	rddreg [dreg:$0xe];
	[sflag:s24] =	ssyncadd.s32 $0xFFFFE400  }
0x149: {  	[hbm4b:s0+s2] =	stream.linear.scatter [tilespmem:s20], [sflag:$0x7], $0x1C00, $0x38;
	[tilespmem:$0xB910] =	vst v63  }
0x14a: {  	_ =	swait.ge [sflag:s6], $0x1C00  }
0x14b: {  	[sflag:s6] =	ssyncset.done $0x0  }
0x14c: {  	[sflag:s6] =	ssyncadd.s32 $0xFFFFE400  }
0x14d: {  	_ =	swait.ge [sflag:s21], $0x700  }
0x14e: {  	[sflag:s21] =	ssyncset.done $0x0  }
0x14f: {  	s0 =	rddreg [dreg:$0xf];
	[sflag:s21] =	ssyncadd.s32 $0xFFFFF900  }
0x150: {  	[hbm4b:s0+s2] =	stream.linear.scatter [tilespmem:s19], [sflag:$0x7], $0x700, $0x38;
	[tilespmem:$0xB910] =	vst v63  }
0x151: {  	_ =	swait.ge [sflag:s6], $0x700  }
0x152: {  	[sflag:s6] =	ssyncset.done $0x0  }
0x153: {  	[sflag:s6] =	ssyncadd.s32 $0xFFFFF900  }
0x154: {  	[tilespmem:s23], [sflag:$0x2] =	stream.indirect.gather [hbm4b:s3+s22], $0x80, s28, s22, $0xb8;
	[tilespmem:$0xB910] =	vst v63  }
0x155: {  	_ = 	snop  }
0x156: {  	[tilespmem:s20], [sflag:$0x4] =	stream.indirect.gather [hbm4b:s4+s22], $0x40, s28, s22, $0xb8;
	[tilespmem:$0xB910] =	vst v63  }
0x157: {  	_ = 	snop  }
0x158: {  	[tilespmem:s19], [sflag:$0x6] =	stream.indirect.gather [hbm4b:s5+s22], $0x10, s28, s22, $0xb8;
	[tilespmem:$0xB910] =	vst v63  }
0x159: {  	_ =	swait.ge [sflag:s18], $0x3800  }
0x15a: {  	[sflag:s18] =	ssyncset.done $0x0  }
0x15b: {  	s0 =	rddreg [dreg:$0x10];
	[sflag:s18] =	ssyncadd.s32 $0xFFFFC800  }
0x15c: {  	[hbm4b:s0+s2] =	stream.linear.scatter [tilespmem:s14], [sflag:$0x7], $0x3800, $0x38;
	[tilespmem:$0xB910] =	vst v63  }
0x15d: {  	_ =	swait.ge [sflag:s6], $0x3800  }
0x15e: {  	[sflag:s6] =	ssyncset.done $0x0  }
0x15f: {  	[sflag:s6] =	ssyncadd.s32 $0xFFFFC800  }
0x160: {  	_ =	swait.ge [sflag:s15], $0x1C00  }
0x161: {  	[sflag:s15] =	ssyncset.done $0x0  }
0x162: {  	s0 =	rddreg [dreg:$0x11];
	[sflag:s15] =	ssyncadd.s32 $0xFFFFE400  }
0x163: {  	[hbm4b:s0+s2] =	stream.linear.scatter [tilespmem:s11], [sflag:$0x7], $0x1C00, $0x38;
	[tilespmem:$0xB910] =	vst v63  }
0x164: {  	_ =	swait.ge [sflag:s6], $0x1C00  }
0x165: {  	[sflag:s6] =	ssyncset.done $0x0  }
0x166: {  	[sflag:s6] =	ssyncadd.s32 $0xFFFFE400  }
0x167: {  	_ =	swait.ge [sflag:s12], $0x700  }
0x168: {  	[sflag:s12] =	ssyncset.done $0x0  }
0x169: {  	s0 =	rddreg [dreg:$0x12];
	[sflag:s12] =	ssyncadd.s32 $0xFFFFF900  }
0x16a: {  	[hbm4b:s0+s2] =	stream.linear.scatter [tilespmem:s9], [sflag:$0x7], $0x700, $0x38;
	[tilespmem:$0xB910] =	vst v63  }
0x16b: {  	_ =	swait.ge [sflag:s6], $0x700  }
0x16c: {  	[sflag:s6] =	ssyncset.done $0x0  }
0x16d: {  	[sflag:s6] =	ssyncadd.s32 $0xFFFFF900  }
0x16e: {  	[tilespmem:s14], [sflag:$0x1] =	stream.indirect.gather [hbm4b:s3+s22], $0x80, s26, s22, $0xb8;
	[tilespmem:$0xB910] =	vst v63  }
0x16f: {  	_ = 	snop  }
0x170: {  	[tilespmem:s11], [sflag:$0x3] =	stream.indirect.gather [hbm4b:s4+s22], $0x40, s26, s22, $0xb8;
	[tilespmem:$0xB910] =	vst v63  }
0x171: {  	_ = 	snop  }
0x172: {  	[tilespmem:s9], [sflag:$0x5] =	stream.indirect.gather [hbm4b:s5+s22], $0x10, s26, s22, $0xb8;
	[tilespmem:$0xB910] =	vst v63  }
0x173: {  	_ =	swait.ge [sflag:s25], $0x3800  }
0x174: {  	[sflag:s25] =	ssyncset.done $0x0  }
0x175: {  	[sflag:s25] =	ssyncadd.s32 $0xFFFFC800  }
0x176: {  	[hbm4b:s17+s2] =	stream.linear.scatter [tilespmem:s23], [sflag:$0x7], $0x3800, $0x38;
	[tilespmem:$0xB910] =	vst v63  }
0x177: {  	_ =	swait.ge [sflag:s6], $0x3800  }
0x178: {  	[sflag:s6] =	ssyncset.done $0x0  }
0x179: {  	[sflag:s6] =	ssyncadd.s32 $0xFFFFC800  }
0x17a: {  	_ =	swait.ge [sflag:s24], $0x1C00  }
0x17b: {  	[sflag:s24] =	ssyncset.done $0x0  }
0x17c: {  	[sflag:s24] =	ssyncadd.s32 $0xFFFFE400  }
0x17d: {  	[hbm4b:s16+s2] =	stream.linear.scatter [tilespmem:s20], [sflag:$0x7], $0x1C00, $0x38;
	[tilespmem:$0xB910] =	vst v63  }
0x17e: {  	_ =	swait.ge [sflag:s6], $0x1C00  }
0x17f: {  	[sflag:s6] =	ssyncset.done $0x0  }
0x180: {  	[sflag:s6] =	ssyncadd.s32 $0xFFFFE400  }
0x181: {  	_ =	swait.ge [sflag:s21], $0x700  }
0x182: {  	[sflag:s21] =	ssyncset.done $0x0  }
0x183: {  	[sflag:s21] =	ssyncadd.s32 $0xFFFFF900  }
0x184: {  	[hbm4b:s13+s2] =	stream.linear.scatter [tilespmem:s19], [sflag:$0x7], $0x700, $0x38;
	[tilespmem:$0xB910] =	vst v63  }
0x185: {  	_ =	swait.ge [sflag:s6], $0x700  }
0x186: {  	[sflag:s6] =	ssyncset.done $0x0  }
0x187: {  	[sflag:s6] =	ssyncadd.s32 $0xFFFFF900  }
0x188: {  	_ =	swait.ge [sflag:s18], $0x3800  }
0x189: {  	[sflag:s18] =	ssyncset.done $0x0  }
0x18a: {  	[sflag:s18] =	ssyncadd.s32 $0xFFFFC800  }
0x18b: {  	[hbm4b:s10+s2] =	stream.linear.scatter [tilespmem:s14], [sflag:$0x7], $0x3800, $0x38;
	[tilespmem:$0xB910] =	vst v63  }
0x18c: {  	_ =	swait.ge [sflag:s6], $0x3800  }
0x18d: {  	[sflag:s6] =	ssyncset.done $0x0  }
0x18e: {  	[sflag:s6] =	ssyncadd.s32 $0xFFFFC800  }
0x18f: {  	_ =	swait.ge [sflag:s15], $0x1C00  }
0x190: {  	[sflag:s15] =	ssyncset.done $0x0  }
0x191: {  	[sflag:s15] =	ssyncadd.s32 $0xFFFFE400  }
0x192: {  	[hbm4b:s8+s2] =	stream.linear.scatter [tilespmem:s11], [sflag:$0x7], $0x1C00, $0x38;
	[tilespmem:$0xB910] =	vst v63  }
0x193: {  	_ =	swait.ge [sflag:s6], $0x1C00  }
0x194: {  	[sflag:s6] =	ssyncset.done $0x0  }
0x195: {  	[sflag:s6] =	ssyncadd.s32 $0xFFFFE400  }
0x196: {  	p1 =	sne.s32 s1, $0x1;
	_ =	swait.ge [sflag:s12], $0x700  }
.Ltmp2:
0x197: {  	[sflag:s12] =	ssyncset.done $0x0;
	(pc) =	sbr.rel @p1 .LBB2_2-.Ltmp2, $4  }
0x198: {  	[sflag:s12] =	ssyncadd.s32 $0xFFFFF900  }
0x199: {  	[hbm4b:s7+s2] =	stream.linear.scatter [tilespmem:s9], [sflag:$0x7], $0x700, $0x38;
	[tilespmem:$0xB910] =	vst v63  }
0x19a: {  	_ =	swait.ge [sflag:s6], $0x700  }
0x19b: {  	s1 =	sadd.s32 $0xFFFFFFFF, s1;
	s0 =	rddreg [dreg:$0x3];
	[sflag:s6] =	ssyncset.done $0x0  }
.LBB2_3:
0x19c: {  	[sflag:s6] =	ssyncadd.s32 @p0 $0xFFFFF900  }
0x19d: {  	[tilespmem:s2], [sflag:$0x7] =	stream.linear.gather [hbm4b:s0+s2], $0x310, $0x38;
	[tilespmem:$0xB910] =	vst v63  }
0x19e: {  	_ =	swait.ge [sflag:s6], $0x310  }
0x19f: {  	[sflag:s6] =	ssyncset.done $0x0  }
0x1a0: {  	[sflag:s6] =	ssyncadd.s32 $0xFFFFFCF0  }
0x1a1: {  	[tilespmem:s14], [sflag:$0x1] =	stream.indirect.gather [hbm4b:s3+s22], $0x80, s2, s22, $0xb8;
	[tilespmem:$0xB910] =	vst v63  }
0x1a2: {  	_ = 	snop  }
0x1a3: {  	[tilespmem:s11], [sflag:$0x3] =	stream.indirect.gather [hbm4b:s4+s22], $0x40, s2, s22, $0xb8;
	[tilespmem:$0xB910] =	vst v63  }
0x1a4: {  	_ = 	snop  }
0x1a5: {  	[tilespmem:s9], [sflag:$0x5] =	stream.indirect.gather [hbm4b:s5+s22], $0x10, s2, s22, $0xb8;
	[tilespmem:$0xB910] =	vst v63  }
0x1a6: {  	_ = 	snop  }
0x1a7: {  	[tilespmem:s23], [sflag:$0x2] =	stream.indirect.gather [hbm4b:s3+s22], $0x80, s22, s22, $0xb8;
	[tilespmem:$0xB910] =	vst v63  }
0x1a8: {  	_ = 	snop  }
0x1a9: {  	[tilespmem:s20], [sflag:$0x4] =	stream.indirect.gather [hbm4b:s4+s22], $0x40, s22, s22, $0xb8;
	[tilespmem:$0xB910] =	vst v63  }
0x1aa: {  	_ = 	snop  }
0x1ab: {  	[tilespmem:s19], [sflag:$0x6] =	stream.indirect.gather [hbm4b:s5+s22], $0x10, s22, s22, $0xb8;
	[tilespmem:$0xB910] =	vst v63  }
0x1ac: {  	_ =	swait.ge [sflag:s18], $0x3800  }
0x1ad: {  	[sflag:s18] =	ssyncset.done $0x0  }
0x1ae: {  	s1 =	rddreg [dreg:$0x4];
	[sflag:s18] =	ssyncadd.s32 $0xFFFFC800  }
0x1af: {  	[hbm4b:s1+s2] =	stream.linear.scatter [tilespmem:s14], [sflag:$0x7], $0x3800, $0x38;
	[tilespmem:$0xB910] =	vst v63  }
0x1b0: {  	_ =	swait.ge [sflag:s6], $0x3800  }
0x1b1: {  	[sflag:s6] =	ssyncset.done $0x0  }
0x1b2: {  	[sflag:s6] =	ssyncadd.s32 $0xFFFFC800  }
0x1b3: {  	_ =	swait.ge [sflag:s15], $0x1C00  }
0x1b4: {  	[sflag:s15] =	ssyncset.done $0x0  }
0x1b5: {  	s1 =	rddreg [dreg:$0x5];
	[sflag:s15] =	ssyncadd.s32 $0xFFFFE400  }
0x1b6: {  	[hbm4b:s1+s2] =	stream.linear.scatter [tilespmem:s11], [sflag:$0x7], $0x1C00, $0x38;
	[tilespmem:$0xB910] =	vst v63  }
0x1b7: {  	_ =	swait.ge [sflag:s6], $0x1C00  }
0x1b8: {  	[sflag:s6] =	ssyncset.done $0x0  }
0x1b9: {  	[sflag:s6] =	ssyncadd.s32 $0xFFFFE400  }
0x1ba: {  	_ =	swait.ge [sflag:s12], $0x700  }
0x1bb: {  	[sflag:s12] =	ssyncset.done $0x0  }
0x1bc: {  	s1 =	rddreg [dreg:$0x6];
	[sflag:s12] =	ssyncadd.s32 $0xFFFFF900  }
0x1bd: {  	[hbm4b:s1+s2] =	stream.linear.scatter [tilespmem:s9], [sflag:$0x7], $0x700, $0x38;
	[tilespmem:$0xB910] =	vst v63  }
0x1be: {  	_ =	swait.ge [sflag:s6], $0x700  }
0x1bf: {  	[sflag:s6] =	ssyncset.done $0x0  }
0x1c0: {  	[sflag:s6] =	ssyncadd.s32 $0xFFFFF900  }
0x1c1: {  	[tilespmem:s14], [sflag:$0x1] =	stream.indirect.gather [hbm4b:s3+s22], $0x80, s31, s22, $0xb8;
	[tilespmem:$0xB910] =	vst v63  }
0x1c2: {  	_ = 	snop  }
0x1c3: {  	[tilespmem:s11], [sflag:$0x3] =	stream.indirect.gather [hbm4b:s4+s22], $0x40, s31, s22, $0xb8;
	[tilespmem:$0xB910] =	vst v63  }
0x1c4: {  	_ = 	snop  }
0x1c5: {  	[tilespmem:s9], [sflag:$0x5] =	stream.indirect.gather [hbm4b:s5+s22], $0x10, s31, s22, $0xb8;
	[tilespmem:$0xB910] =	vst v63  }
0x1c6: {  	_ =	swait.ge [sflag:s25], $0x3800  }
0x1c7: {  	[sflag:s25] =	ssyncset.done $0x0  }
0x1c8: {  	s1 =	rddreg [dreg:$0x7];
	[sflag:s25] =	ssyncadd.s32 $0xFFFFC800  }
0x1c9: {  	[hbm4b:s1+s2] =	stream.linear.scatter [tilespmem:s23], [sflag:$0x7], $0x3800, $0x38;
	[tilespmem:$0xB910] =	vst v63  }
0x1ca: {  	_ =	swait.ge [sflag:s6], $0x3800  }
0x1cb: {  	[sflag:s6] =	ssyncset.done $0x0  }
0x1cc: {  	[sflag:s6] =	ssyncadd.s32 $0xFFFFC800  }
0x1cd: {  	_ =	swait.ge [sflag:s24], $0x1C00  }
0x1ce: {  	[sflag:s24] =	ssyncset.done $0x0  }
0x1cf: {  	s31 =	rddreg [dreg:$0x8];
	[sflag:s24] =	ssyncadd.s32 $0xFFFFE400  }
0x1d0: {  	[hbm4b:s31+s2] =	stream.linear.scatter [tilespmem:s20], [sflag:$0x7], $0x1C00, $0x38;
	[tilespmem:$0xB910] =	vst v63  }
0x1d1: {  	_ =	swait.ge [sflag:s6], $0x1C00  }
0x1d2: {  	[sflag:s6] =	ssyncset.done $0x0  }
0x1d3: {  	[sflag:s6] =	ssyncadd.s32 $0xFFFFE400  }
0x1d4: {  	_ =	swait.ge [sflag:s21], $0x700  }
0x1d5: {  	[sflag:s21] =	ssyncset.done $0x0  }
0x1d6: {  	s1 =	rddreg [dreg:$0x9];
	[sflag:s21] =	ssyncadd.s32 $0xFFFFF900  }
0x1d7: {  	[hbm4b:s1+s2] =	stream.linear.scatter [tilespmem:s19], [sflag:$0x7], $0x700, $0x38;
	[tilespmem:$0xB910] =	vst v63  }
0x1d8: {  	_ =	swait.ge [sflag:s6], $0x700  }
0x1d9: {  	[sflag:s6] =	ssyncset.done $0x0  }
0x1da: {  	[sflag:s6] =	ssyncadd.s32 $0xFFFFF900  }
0x1db: {  	[tilespmem:s23], [sflag:$0x2] =	stream.indirect.gather [hbm4b:s3+s22], $0x80, s30, s22, $0xb8;
	[tilespmem:$0xB910] =	vst v63  }
0x1dc: {  	_ = 	snop  }
0x1dd: {  	[tilespmem:s20], [sflag:$0x4] =	stream.indirect.gather [hbm4b:s4+s22], $0x40, s30, s22, $0xb8;
	[tilespmem:$0xB910] =	vst v63  }
0x1de: {  	_ = 	snop  }
0x1df: {  	[tilespmem:s19], [sflag:$0x6] =	stream.indirect.gather [hbm4b:s5+s22], $0x10, s30, s22, $0xb8;
	[tilespmem:$0xB910] =	vst v63  }
0x1e0: {  	_ =	swait.ge [sflag:s18], $0x3800  }
0x1e1: {  	[sflag:s18] =	ssyncset.done $0x0  }
0x1e2: {  	s30 =	rddreg [dreg:$0xa];
	[sflag:s18] =	ssyncadd.s32 $0xFFFFC800  }
0x1e3: {  	[hbm4b:s30+s2] =	stream.linear.scatter [tilespmem:s14], [sflag:$0x7], $0x3800, $0x38;
	[tilespmem:$0xB910] =	vst v63  }
0x1e4: {  	_ =	swait.ge [sflag:s6], $0x3800  }
0x1e5: {  	[sflag:s6] =	ssyncset.done $0x0  }
0x1e6: {  	[sflag:s6] =	ssyncadd.s32 $0xFFFFC800  }
0x1e7: {  	_ =	swait.ge [sflag:s15], $0x1C00  }
0x1e8: {  	[sflag:s15] =	ssyncset.done $0x0  }
0x1e9: {  	s31 =	rddreg [dreg:$0xb];
	[sflag:s15] =	ssyncadd.s32 $0xFFFFE400  }
0x1ea: {  	[hbm4b:s31+s2] =	stream.linear.scatter [tilespmem:s11], [sflag:$0x7], $0x1C00, $0x38;
	[tilespmem:$0xB910] =	vst v63  }
0x1eb: {  	_ =	swait.ge [sflag:s6], $0x1C00  }
0x1ec: {  	[sflag:s6] =	ssyncset.done $0x0  }
0x1ed: {  	[sflag:s6] =	ssyncadd.s32 $0xFFFFE400  }
0x1ee: {  	_ =	swait.ge [sflag:s12], $0x700  }
0x1ef: {  	[sflag:s12] =	ssyncset.done $0x0  }
0x1f0: {  	s1 =	rddreg [dreg:$0xc];
	[sflag:s12] =	ssyncadd.s32 $0xFFFFF900  }
0x1f1: {  	[hbm4b:s1+s2] =	stream.linear.scatter [tilespmem:s9], [sflag:$0x7], $0x700, $0x38;
	[tilespmem:$0xB910] =	vst v63  }
0x1f2: {  	_ =	swait.ge [sflag:s6], $0x700  }
0x1f3: {  	[sflag:s6] =	ssyncset.done $0x0  }
0x1f4: {  	[sflag:s6] =	ssyncadd.s32 $0xFFFFF900  }
0x1f5: {  	[tilespmem:s14], [sflag:$0x1] =	stream.indirect.gather [hbm4b:s3+s22], $0x80, s29, s22, $0xb8;
	[tilespmem:$0xB910] =	vst v63  }
0x1f6: {  	_ = 	snop  }
0x1f7: {  	[tilespmem:s11], [sflag:$0x3] =	stream.indirect.gather [hbm4b:s4+s22], $0x40, s29, s22, $0xb8;
	[tilespmem:$0xB910] =	vst v63  }
0x1f8: {  	_ = 	snop  }
0x1f9: {  	[tilespmem:s9], [sflag:$0x5] =	stream.indirect.gather [hbm4b:s5+s22], $0x10, s29, s22, $0xb8;
	[tilespmem:$0xB910] =	vst v63  }
0x1fa: {  	_ =	swait.ge [sflag:s25], $0x3800  }
0x1fb: {  	[sflag:s25] =	ssyncset.done $0x0  }
0x1fc: {  	s30 =	rddreg [dreg:$0xd];
	[sflag:s25] =	ssyncadd.s32 $0xFFFFC800  }
0x1fd: {  	[hbm4b:s30+s2] =	stream.linear.scatter [tilespmem:s23], [sflag:$0x7], $0x3800, $0x38;
	[tilespmem:$0xB910] =	vst v63  }
0x1fe: {  	_ =	swait.ge [sflag:s6], $0x3800  }
0x1ff: {  	[sflag:s6] =	ssyncset.done $0x0  }
0x200: {  	[sflag:s6] =	ssyncadd.s32 $0xFFFFC800  }
0x201: {  	_ =	swait.ge [sflag:s24], $0x1C00  }
0x202: {  	[sflag:s24] =	ssyncset.done $0x0  }
0x203: {  	s31 =	rddreg [dreg:$0xe];
	[sflag:s24] =	ssyncadd.s32 $0xFFFFE400  }
0x204: {  	[hbm4b:s31+s2] =	stream.linear.scatter [tilespmem:s20], [sflag:$0x7], $0x1C00, $0x38;
	[tilespmem:$0xB910] =	vst v63  }
0x205: {  	_ =	swait.ge [sflag:s6], $0x1C00  }
0x206: {  	[sflag:s6] =	ssyncset.done $0x0  }
0x207: {  	[sflag:s6] =	ssyncadd.s32 $0xFFFFE400  }
0x208: {  	_ =	swait.ge [sflag:s21], $0x700  }
0x209: {  	[sflag:s21] =	ssyncset.done $0x0  }
0x20a: {  	s1 =	rddreg [dreg:$0xf];
	[sflag:s21] =	ssyncadd.s32 $0xFFFFF900  }
0x20b: {  	[hbm4b:s1+s2] =	stream.linear.scatter [tilespmem:s19], [sflag:$0x7], $0x700, $0x38;
	[tilespmem:$0xB910] =	vst v63  }
0x20c: {  	_ =	swait.ge [sflag:s6], $0x700  }
0x20d: {  	[sflag:s6] =	ssyncset.done $0x0  }
0x20e: {  	[sflag:s6] =	ssyncadd.s32 $0xFFFFF900  }
0x20f: {  	[tilespmem:s23], [sflag:$0x2] =	stream.indirect.gather [hbm4b:s3+s22], $0x80, s28, s22, $0xb8;
	[tilespmem:$0xB910] =	vst v63  }
0x210: {  	_ = 	snop  }
0x211: {  	[tilespmem:s20], [sflag:$0x4] =	stream.indirect.gather [hbm4b:s4+s22], $0x40, s28, s22, $0xb8;
	[tilespmem:$0xB910] =	vst v63  }
0x212: {  	_ = 	snop  }
0x213: {  	[tilespmem:s19], [sflag:$0x6] =	stream.indirect.gather [hbm4b:s5+s22], $0x10, s28, s22, $0xb8;
	[tilespmem:$0xB910] =	vst v63  }
0x214: {  	_ =	swait.ge [sflag:s18], $0x3800  }
0x215: {  	[sflag:s18] =	ssyncset.done $0x0  }
0x216: {  	s28 =	rddreg [dreg:$0x10];
	[sflag:s18] =	ssyncadd.s32 $0xFFFFC800  }
0x217: {  	[hbm4b:s28+s2] =	stream.linear.scatter [tilespmem:s14], [sflag:$0x7], $0x3800, $0x38;
	[tilespmem:$0xB910] =	vst v63  }
0x218: {  	_ =	swait.ge [sflag:s6], $0x3800  }
0x219: {  	[sflag:s6] =	ssyncset.done $0x0  }
0x21a: {  	[sflag:s6] =	ssyncadd.s32 $0xFFFFC800  }
0x21b: {  	_ =	swait.ge [sflag:s15], $0x1C00  }
0x21c: {  	[sflag:s15] =	ssyncset.done $0x0  }
0x21d: {  	s29 =	rddreg [dreg:$0x11];
	[sflag:s15] =	ssyncadd.s32 $0xFFFFE400  }
0x21e: {  	[hbm4b:s29+s2] =	stream.linear.scatter [tilespmem:s11], [sflag:$0x7], $0x1C00, $0x38;
	[tilespmem:$0xB910] =	vst v63  }
0x21f: {  	_ =	swait.ge [sflag:s6], $0x1C00  }
0x220: {  	[sflag:s6] =	ssyncset.done $0x0  }
0x221: {  	[sflag:s6] =	ssyncadd.s32 $0xFFFFE400  }
0x222: {  	_ =	swait.ge [sflag:s12], $0x700  }
0x223: {  	[sflag:s12] =	ssyncset.done $0x0  }
0x224: {  	s30 =	rddreg [dreg:$0x12];
	[sflag:s12] =	ssyncadd.s32 $0xFFFFF900  }
0x225: {  	[hbm4b:s30+s2] =	stream.linear.scatter [tilespmem:s9], [sflag:$0x7], $0x700, $0x38;
	[tilespmem:$0xB910] =	vst v63  }
0x226: {  	_ =	swait.ge [sflag:s6], $0x700  }
0x227: {  	[sflag:s6] =	ssyncset.done $0x0  }
0x228: {  	[sflag:s6] =	ssyncadd.s32 $0xFFFFF900  }
0x229: {  	[tilespmem:s14], [sflag:$0x1] =	stream.indirect.gather [hbm4b:s3+s22], $0x80, s26, s22, $0xb8;
	[tilespmem:$0xB910] =	vst v63  }
0x22a: {  	_ = 	snop  }
0x22b: {  	[tilespmem:s11], [sflag:$0x3] =	stream.indirect.gather [hbm4b:s4+s22], $0x40, s26, s22, $0xb8;
	[tilespmem:$0xB910] =	vst v63  }
0x22c: {  	_ = 	snop  }
0x22d: {  	[tilespmem:s9], [sflag:$0x5] =	stream.indirect.gather [hbm4b:s5+s22], $0x10, s26, s22, $0xb8;
	[tilespmem:$0xB910] =	vst v63  }
0x22e: {  	_ =	swait.ge [sflag:s25], $0x3800  }
0x22f: {  	[sflag:s25] =	ssyncset.done $0x0  }
0x230: {  	[sflag:s25] =	ssyncadd.s32 $0xFFFFC800  }
0x231: {  	[hbm4b:s17+s2] =	stream.linear.scatter [tilespmem:s23], [sflag:$0x7], $0x3800, $0x38;
	[tilespmem:$0xB910] =	vst v63  }
0x232: {  	_ =	swait.ge [sflag:s6], $0x3800  }
0x233: {  	[sflag:s6] =	ssyncset.done $0x0  }
0x234: {  	[sflag:s6] =	ssyncadd.s32 $0xFFFFC800  }
0x235: {  	_ =	swait.ge [sflag:s24], $0x1C00  }
0x236: {  	[sflag:s24] =	ssyncset.done $0x0  }
0x237: {  	[sflag:s24] =	ssyncadd.s32 $0xFFFFE400  }
0x238: {  	[hbm4b:s16+s2] =	stream.linear.scatter [tilespmem:s20], [sflag:$0x7], $0x1C00, $0x38;
	[tilespmem:$0xB910] =	vst v63  }
0x239: {  	_ =	swait.ge [sflag:s6], $0x1C00  }
0x23a: {  	[sflag:s6] =	ssyncset.done $0x0  }
0x23b: {  	[sflag:s6] =	ssyncadd.s32 $0xFFFFE400  }
0x23c: {  	_ =	swait.ge [sflag:s21], $0x700  }
0x23d: {  	[sflag:s21] =	ssyncset.done $0x0  }
0x23e: {  	[sflag:s21] =	ssyncadd.s32 $0xFFFFF900  }
0x23f: {  	[hbm4b:s13+s2] =	stream.linear.scatter [tilespmem:s19], [sflag:$0x7], $0x700, $0x38;
	[tilespmem:$0xB910] =	vst v63  }
0x240: {  	_ =	swait.ge [sflag:s6], $0x700  }
0x241: {  	[sflag:s6] =	ssyncset.done $0x0  }
0x242: {  	[sflag:s6] =	ssyncadd.s32 $0xFFFFF900  }
0x243: {  	_ =	swait.ge [sflag:s18], $0x3800  }
0x244: {  	[sflag:s18] =	ssyncset.done $0x0  }
0x245: {  	[sflag:s18] =	ssyncadd.s32 $0xFFFFC800  }
0x246: {  	[hbm4b:s10+s2] =	stream.linear.scatter [tilespmem:s14], [sflag:$0x7], $0x3800, $0x38;
	[tilespmem:$0xB910] =	vst v63  }
0x247: {  	_ =	swait.ge [sflag:s6], $0x3800  }
0x248: {  	[sflag:s6] =	ssyncset.done $0x0  }
0x249: {  	[sflag:s6] =	ssyncadd.s32 $0xFFFFC800  }
0x24a: {  	_ =	swait.ge [sflag:s15], $0x1C00  }
0x24b: {  	[sflag:s15] =	ssyncset.done $0x0  }
0x24c: {  	[sflag:s15] =	ssyncadd.s32 $0xFFFFE400  }
0x24d: {  	[hbm4b:s8+s2] =	stream.linear.scatter [tilespmem:s11], [sflag:$0x7], $0x1C00, $0x38;
	[tilespmem:$0xB910] =	vst v63  }
0x24e: {  	_ =	swait.ge [sflag:s6], $0x1C00  }
0x24f: {  	[sflag:s6] =	ssyncset.done $0x0  }
0x250: {  	[sflag:s6] =	ssyncadd.s32 $0xFFFFE400  }
0x251: {  	_ =	swait.ge [sflag:s12], $0x700  }
0x252: {  	[sflag:s12] =	ssyncset.done $0x0  }
0x253: {  	[sflag:s12] =	ssyncadd.s32 $0xFFFFF900  }
0x254: {  	[hbm4b:s7+s2] =	stream.linear.scatter [tilespmem:s9], [sflag:$0x7], $0x700, $0x38;
	[tilespmem:$0xB910] =	vst v63  }
0x255: {  	_ =	swait.ge [sflag:s6], $0x700  }
0x256: {  	[sflag:s6] =	ssyncset.done $0x0  }
0x257: {  	[sflag:s6] =	ssyncadd.s32 $0xFFFFF900  }
0x258: {  	_ =	sfence.sel $0x180000  }
0x259: {  	[bflag:$0x0] =	sbarrier.arrive $0xFFFF  }
0x25a: {  	_ =	strace $0x9000004A  }
0x25b: {  	s31 =	stileid.u32;
	[bflag:$0x2] =	sbarrier.arrive $0xFFFF  }
0x25c: {  	p0 =	sne.s32 s31, $0x0;
	s0 =	rddreg [dreg:$0x2]  }
0x25d: {  	s0 =	sadd.s32 @!p0 $0x100000, s0  }
0x25e: {  	[sflag:s0] =	ssyncadd.tile.s32 @!p0 $0x1;
	_ =	shalt  }
.Lfunc_end2:
_tile_overlayer_lowered:
.L_overlay_start_2:
0x25f: {  	(tag) =	ssettag $0x2  }
0x260: {  	s0 =	rddreg [dreg:$0x0];
	s2 =	stileid.u32  }
0x261: {  	s1 =	rddreg [dreg:$0x1];
	p0 =	sne.s32 s2, $0x0  }
0x262: {  	s3 =	rddreg [dreg:$0x2];
	[bflag:$0x3] =	sbarrier.arrive $0xFFFF;
	s2 =	simm.s32 @!p0 $0x1C07  }
0x263: {  	[timem:s3], [sflag:s2] =	dma.local @!p0 [hbm:s0], s1  }
0x264: {  	s0 =	simm.s32 @!p0 $0x7  }
0x265: {  	_ =	swait.ge @!p0 [sflag:s0], s1  }
0x266: {  	s1 =	ssub.s32 @!p0 $0x0, s1;
	[sflag:s0] =	ssyncset.done @!p0 $0x0  }
0x267: {  	[sflag:s0] =	ssyncadd.s32 @!p0 s1  }
0x268: {  	[bflag:$0x3] =	sbarrier.arrive $0xFFFF  }
0x269: {  	_ =	shalt  }

// kernel: kernel.7.cloned.1.call-start
scs
__scs_entry_jumppad:
0x0: {  	(pc) =	sbr.rel $0x88, $3  }
0x1: {  	(tag) =	ssettag $0x0;
	lr =	simm.s32 $0x1  }
0x2: {  	[smem:$0x3F93] =	sst lr;
	_ =	strace $0xD0000000  }
0x3: {  	_ = 	snop  }
0x4: {  	_ = 	snop  }
0x5: {  	_ = 	snop  }
0x6: {  	_ = 	snop  }
0x7: {  	_ = 	snop  }
__scs_overlays_trampoline_lowered:
0x8: {  	[smem:$0x3FA2] =	sst s0  }
0x9: {  	[smem:$0x3FA3] =	sst s1  }
0xa: {  	[smem:$0x3FA4] =	sst s2  }
0xb: {  	[smem:$0x3FA5] =	sst s3  }
0xc: {  	[smem:$0x3FA6] =	sst s4  }
0xd: {  	[smem:$0x3FA7] =	sst s5  }
0xe: {  	[smem:$0x3FA8] =	sst s6  }
0xf: {  	[smem:$0x3FA9] =	sst s7  }
0x10: {  	[smem:$0x3FAA] =	sst s8  }
0x11: {  	[smem:$0x3FAB] =	sst s9;
	s0 =	simm.s32 @!p0 $0x0  }
0x12: {  	s1 =	sld [smem:$0x3F91];
	s0 =	simm.s32 @p0 $0x1  }
0x13: {  	[smem:$0x3FAC] =	sst s0;
	s0 =	simm.s32 @!p1 $0x0  }
0x14: {  	s2 =	sld [smem:$0x3F90];
	s0 =	simm.s32 @p1 $0x1  }
0x15: {  	[smem:$0x3FAD] =	sst s0;
	s0 =	simm.s32 @!p2 $0x0  }
0x16: {  	s3 =	sld [smem:$0x3FDB];
	s0 =	simm.s32 @p2 $0x1  }
0x17: {  	s4 =	simm.s32 $0x1BF5;
	[smem:$0x3FAF] =	sst s0  }
0x18: {  	s0 =	sld [smem:$0x3F92];
	_ =	swait.ge [sflag:s4], $0x0  }
0x19: {  	s7 =	sld [smem:$0x3F93]  }
0x1a: {  	s8 =	sadd.s32 $0xFFFFE003, lr  }
0x1b: {  	s9 =	sadd.s32 $0xFFFFFEF7, lr;
	s5 =	simm.s32 $0xFFFFFFFF;
	p2 =	slt.u32 s8, $0xFFFFF086  }
0x1c: {  	p1 =	slt.u32 s9, $0xF7A;
	s5 =	simm.s32 @!p2 $0x0  }
0x1d: {  	s5 =	simm.s32 @p1 $0x1;
	p0 =	seq.s32 s7, s2  }
0x1e: {  	s7 =	smul.u32 @!p0 $0xF7A, s2;
	p2 =	seq.s32 @!p0 s5, $0x0  }
0x1f: {  	s9 =	smul.u32 $0xF7A, s1;
	s8 =	simm.s32 @!p0 $0x1BF5;
	p2 =	por !p2, p0  }
0x20: {  	[sflag:s8] =	ssyncset.s32 @!p0 $0xFFFFF086;
	s6 =	sadd.s32 @!p0 s3, s7;
	s7 =	simm.s32 @!p0 $0x108  }
0x21: {  	s3 =	sadd.s32 s3, s9;
	s6 =	sadd.s32 @!p0 $0x88, s6;
	s7 =	simm.s32 @p2 $0x1082  }
0x22: {  	[simem:s7], [sflag:s8] =	dma.local @!p0 [hbm:s6], $0xF7A  }
0x23: {  	s9 =	sor.u32 $0xD0000000, s2;
	s6 =	simm.s32 $0x108;
	_ =	swait.ge @!p0 [sflag:s8], $0x0  }
0x24: {  	s3 =	sadd.s32 $0x88, s3;
	s6 =	simm.s32 @!p1 $0x1082;
	[sflag:s4] =	ssyncset.s32 $0xFFFFF086  }
0x25: {  	[simem:s6], [sflag:s4] =	dma.local [hbm:s3], $0xF7A  }
0x26: {  	[smem:$0x3F93] =	sst s1;
	(tag) =	ssettag s2;
	_ =	strace s9  }
0x27: {  	s1 =	sld [smem:$0x3FA3]  }
0x28: {  	s2 =	sld [smem:$0x3FA4]  }
0x29: {  	s4 =	sld [smem:$0x3FA6]  }
0x2a: {  	p0 =	seq.s32 s5, $0x0;
	s5 =	sld [smem:$0x3FA7]  }
0x2b: {  	s6 =	sld [smem:$0x3FA8]  }
0x2c: {  	s7 =	sld [smem:$0x3FA9]  }
0x2d: {  	s3 =	simm.s32 $0x108;
	s8 =	sld [smem:$0x3FAA]  }
0x2e: {  	s3 =	simm.s32 @!p0 $0x1082;
	s9 =	sld [smem:$0x3FAB]  }
0x2f: {  	lr =	sadd.s32 s0, s3;
	s0 =	sld [smem:$0x3FA2]  }
0x30: {  	s3 =	sld [smem:$0x3FA5]  }
0x31: {  	[smem:$0x3FAE] =	sst s10  }
0x32: {  	s10 =	sld [smem:$0x3FAC];
	_ =	sdelay $0x3  }
0x33: {  	p0 =	seq.s32 s10, $0x1;
	s10 =	sld [smem:$0x3FAE];
	_ =	sdelay $0x3  }
0x34: {  	[smem:$0x3FAE] =	sst s10  }
0x35: {  	s10 =	sld [smem:$0x3FAD];
	_ =	sdelay $0x3  }
0x36: {  	p1 =	seq.s32 s10, $0x1;
	s10 =	sld [smem:$0x3FAE];
	_ =	sdelay $0x3  }
0x37: {  	[smem:$0x3FAE] =	sst s10  }
0x38: {  	s10 =	sld [smem:$0x3FAF]  }
0x39: {  	_ = 	snop;
	(pc) =	sbr.ind lr, $3  }
0x3a: {  	_ = 	snop  }
0x3b: {  	_ = 	snop  }
0x3c: {  	p2 =	seq.s32 s10, $0x1;
	s10 =	sld [smem:$0x3FAE]  }
0x3d: {  	_ =	shalt  }
0x3e: {  	_ =	shalt  }
0x3f: {  	_ =	shalt  }
0x40: {  	_ =	shalt  }
0x41: {  	_ =	shalt  }
0x42: {  	_ =	shalt  }
0x43: {  	_ =	shalt  }
0x44: {  	_ =	shalt  }
0x45: {  	_ =	shalt  }
0x46: {  	_ =	shalt  }
0x47: {  	_ =	shalt  }
0x48: {  	_ =	shalt  }
0x49: {  	_ =	shalt  }
0x4a: {  	_ =	shalt  }
0x4b: {  	_ =	shalt  }
0x4c: {  	_ =	shalt  }
0x4d: {  	_ =	shalt  }
0x4e: {  	_ =	shalt  }
0x4f: {  	_ =	shalt  }
0x50: {  	_ =	shalt  }
0x51: {  	_ =	shalt  }
0x52: {  	_ =	shalt  }
0x53: {  	_ =	shalt  }
0x54: {  	_ =	shalt  }
0x55: {  	_ =	shalt  }
0x56: {  	_ =	shalt  }
0x57: {  	_ =	shalt  }
0x58: {  	_ =	shalt  }
0x59: {  	_ =	shalt  }
0x5a: {  	_ =	shalt  }
0x5b: {  	_ =	shalt  }
0x5c: {  	_ =	shalt  }
0x5d: {  	_ =	shalt  }
0x5e: {  	_ =	shalt  }
0x5f: {  	_ =	shalt  }
0x60: {  	_ =	shalt  }
0x61: {  	_ =	shalt  }
0x62: {  	_ =	shalt  }
0x63: {  	_ =	shalt  }
0x64: {  	_ =	shalt  }
0x65: {  	_ =	shalt  }
0x66: {  	_ =	shalt  }
0x67: {  	_ =	shalt  }
0x68: {  	_ =	shalt  }
0x69: {  	_ =	shalt  }
0x6a: {  	_ =	shalt  }
0x6b: {  	_ =	shalt  }
0x6c: {  	_ =	shalt  }
0x6d: {  	_ =	shalt  }
0x6e: {  	_ =	shalt  }
0x6f: {  	_ =	shalt  }
0x70: {  	_ =	shalt  }
0x71: {  	_ =	shalt  }
0x72: {  	_ =	shalt  }
0x73: {  	_ =	shalt  }
0x74: {  	_ =	shalt  }
0x75: {  	_ =	shalt  }
0x76: {  	_ =	shalt  }
0x77: {  	_ =	shalt  }
0x78: {  	_ =	shalt  }
0x79: {  	_ =	shalt  }
0x7a: {  	_ =	shalt  }
0x7b: {  	_ =	shalt  }
0x7c: {  	_ =	shalt  }
0x7d: {  	_ =	shalt  }
0x7e: {  	_ =	shalt  }
0x7f: {  	_ =	shalt  }
0x80: {  	_ =	shalt  }
0x81: {  	_ =	shalt  }
0x82: {  	_ =	shalt  }
0x83: {  	_ =	shalt  }
0x84: {  	_ =	shalt  }
0x85: {  	_ =	shalt  }
0x86: {  	_ =	shalt  }
0x87: {  	_ =	shalt  }
.Lfunc_end0:
.L_simem_size_0:
called_computation_lowered:
.L_overlay_start_0:
0x88: {  	s2 =	sld [smem:$0x3FD9]  }
0x89: {  	s3 =	sld [smem:$0x3FFE];
	_ =	sdelay $0x1  }
0x8a: {  	s1 =	srdreg.scid  }
0x8b: {  	s0 =	sand.u32 $0x1, s1  }
0x8c: {  	s17 =	sshll.u32 s0, $0xA;
	s2 =	sadd.s32 s3, s2  }
0x8d: {  	s2 =	sadd.s32 s2, s17  }
0x8e: {  	[smem:$0x3FBA] =	sst s2  }
0x8f: {  	_ = 	snop  }
0x90: {  	s2 =	sld [smem:$0x3FC9]  }
0x91: {  	s18 =	sld [smem:$0x3FC5];
	(tm) =	ssettm $0x1  }
0x92: {  	s4 =	sld [smem:$0x3FFB];
	_ =	sdelay $0x3  }
0x93: {  	_ =	strace s4  }
0x94: {  	s4 =	sld [smem:$0x3FFC];
	_ =	sdelay $0x3  }
0x95: {  	_ =	strace s4  }
0x96: {  	s4 =	sld [smem:$0x3FFD];
	_ =	sdelay $0x3  }
0x97: {  	_ =	strace s4  }
0x98: {  	_ =	strace $0x8FFFFFFF  }
0x99: {  	s19 =	sld [smem:$0x3FDB];
	_ =	sdelay $0x1  }
0x9a: {  	s5 =	simm.s32 $_scs_section_size  }
0x9b: {  	s6 =	simm.s32 $_size__tile_overlayer_lowered;
	s7 =	simm.s32 $_tile_overlayer_lowered  }
0x9c: {  	s22 =	simm.s32 $0x1BFF;
	s21 =	sshll.u32 s7, $0x1;
	s4 =	sadd.s32 s5, s19  }
0x9d: {  	s8 =	simm.s32 $0x0;
	s20 =	sshll.u32 s6, $0x1;
	s6 =	sadd.s32 s21, s4  }
0x9e: {  	[timem:s8], [sflag:s22] =	dma.local [hbm:s6], s20  }
0x9f: {  	_ =	swait.ge [sflag:s22], s20  }
0xa0: {  	s5 =	ssub.s32 $0x0, s20;
	[sflag:s22] =	ssyncset.done $0x0  }
0xa1: {  	[sflag:s22] =	ssyncadd.s32 s5;
	_ =	sdelay $0x1  }
0xa2: {  	s23 =	simm.s32 $0x1B8B  }
0xa3: {  	_ =	swait.ge [sflag:s23], $0x1  }
0xa4: {  	[sflag:s23] =	ssyncset.done $0x0  }
0xa5: {  	s25 =	simm.s32 $0x1B8E;
	s24 =	sld [smem:$0x3FFE];
	[sflag:s23] =	ssyncadd.s32 $0xFFFFFFFF  }
0xa6: {  	s26 =	simm.s32 $execute0_lowered;
	[smem:$0x3FD2] =	sst s25  }
0xa7: {  	s6 =	sshll.u32 s26, $0x1;
	_ =	strace $0x80000046;
	[dreg:$0x1] =	wrdreg $0xFFFFFFFF  }
0xa8: {  	s28 =	simm.s32 $_size_execute0_lowered;
	s4 =	sadd.s32 s4, s6;
	[dreg:$0x0] =	wrdreg $0x0  }
0xa9: {  	s6 =	sshll.u32 s28, $0x1;
	[dreg:$0x2] =	wrdreg s4  }
0xaa: {  	[dreg:$0x3] =	wrdreg s6  }
0xab: {  	[dreg:$0x4] =	wrdreg $0xC0  }
0xac: {  	_ =	task [dreg:s8], $0x5FFFF  }
0xad: {  	[dreg:$0x1] =	wrdreg $0xFFFFFFFF  }
0xae: {  	[dreg:$0x0] =	wrdreg $0x60  }
0xaf: {  	[dreg:$0x2] =	wrdreg s2  }
0xb0: {  	[dreg:$0x3] =	wrdreg s24  }
0xb1: {  	[dreg:$0x4] =	wrdreg s18  }
0xb2: {  	[dreg:$0x5] =	wrdreg $0x9  }
0xb3: {  	_ =	task.clear_ibuf [dreg:s8], $0x6FFFF;
	_ =	strace $0x90000046  }
0xb4: {  	s29 =	simm.s32 $0x9;
	_ =	strace $0x80000048  }
0xb5: {  	_ =	swait.ge [sflag:s29], $0x1  }
0xb6: {  	[sflag:s29] =	ssyncadd.s32 $0xFFFFFFFF  }
0xb7: {  	_ =	strace $0x90000048  }
0xb8: {  	_ =	sfence  }
0xb9: {  	s30 =	sld [smem:$0x0];
	_ =	sdelay $0x2  }
0xba: {  	s31 =	sshll.u32 s1, $0xD;
	s1 =	sshrl.u32 s1, $0x2  }
0xbb: {  	s3 =	sand.u32 $0x4000, s31;
	s1 =	sadd.s32 s1, s30  }
0xbc: {  	s0 =	sor.u32 s3, s0;
	s1 =	sshll.u32 s1, $0x11  }
0xbd: {  	s0 =	sor.u32 s1, s0  }
0xbe: {  	s0 =	sadd.s32 $0x8F2B, s0  }
0xbf: {  	[sflag:s0] =	ssyncadd.remote.s32 $0x1  }
0xc0: {  	_ =	sfence.sel $0xFFFF  }
0xc1: {  	[dreg:$0x0] =	wrdreg $0xFFFFFFFF;
	(pc) =	sbr.abs _section_cstart, $3  }
0xc2: {  	[dreg:$0x1] =	wrdreg $0xFFFFFFFF  }
0xc3: {  	_ =	task.clear_ibuf [dreg:s8], $0x2FFFF;
	_ =	strace $0x9FFFFFFF  }
0xc4: {  	(tm) =	ssettm $0x7FFFFFFF  }
0xc5: {  	_ =	shalt  }
tec
execute0_lowered:
.L_overlay_start_1:
0x0: {  	(tag) =	ssettag $0x1  }
0x1: {  	s0 =	srdreg.scid;
	s4 =	rddreg [dreg:$0x0]  }
0x2: {  	s1 =	stileid.u32;
	s12 =	rddreg [dreg:$0x1];
	s2 =	simm.s32 $0x0  }
0x3: {  	s31 =	simm.s32 $0xE0;
	s11 =	sand.u32 $0x1, s0;
	s15 =	sshll.u32 s1, $0x1  }
0x4: {  	s30 =	simm.s32 $0x150;
	p0 =	por $0x0, $0x0;
	s5 =	sor.u32 s11, s15  }
0x5: {  	s29 =	simm.s32 $0x1C0;
	s1 =	rddreg [dreg:$0x2];
	s8 =	smul.u32 $0x310, s5  }
0x6: {  	s28 =	simm.s32 $0x230;
	[smem:$0x7FF] =	sst s2;
	s3 =	smul.u32 $0x3100, s5  }
0x7: {  	s9 =	sadd.s32 $0x44000, s12;
	s7 =	sadd.s32 $0x13000, s12;
	s10 =	smul.u32 $0x1880, s5  }
0x8: {  	s6 =	sadd.s32 $0x6C00, s12;
	_ =	strace $0x80000047;
	s18 =	smul.u32 $0x620, s5  }
0x9: {  	s11 =	ssub.s32 $0x2, s11;
	s16 =	sshrl.u32 s8, $0x3;
	s17 =	sadd.s32 s9, s3  }
0xa: {  	s19 =	sadd.s32 s7, s10;
	s20 =	sadd.s32 $0x70, s8;
	s21 =	sadd.s32 s6, s18  }
0xb: {  	s26 =	sadd.s32 $0xE0, s8;
	s10 =	sadd.s32 $0x24D000, s12;
	[dreg:$0x5] =	wrdreg s17  }
0xc: {  	s0 =	sadd.s32 s16, s12;
	[dreg:$0x6] =	wrdreg s19;
	s22 =	sshll.u32 s20, $0x4  }
0xd: {  	[dreg:$0x7] =	wrdreg s21;
	s24 =	sshll.u32 s20, $0x3;
	s25 =	sshll.u32 s20, $0x1  }
0xe: {  	s13 =	sshll.u32 s26, $0x4;
	s15 =	sshll.u32 s26, $0x3;
	s16 =	sshll.u32 s26, $0x1  }
0xf: {  	s26 =	sadd.s32 $0x230, s8;
	s0 =	sadd.s32 $0x3000, s0;
	s23 =	sadd.s32 s9, s22  }
0x10: {  	s3 =	sadd.s32 s6, s25;
	s14 =	sadd.s32 s9, s13;
	[dreg:$0x4] =	wrdreg s0  }
0x11: {  	s13 =	sadd.s32 $0x150, s8;
	s17 =	sadd.s32 s6, s16;
	[dreg:$0x8] =	wrdreg s23  }
0x12: {  	s16 =	sshll.u32 s26, $0x4;
	s0 =	sadd.s32 s7, s24;
	[dreg:$0xa] =	wrdreg s3  }
0x13: {  	[dreg:$0xb] =	wrdreg s14;
	s18 =	sshll.u32 s13, $0x4;
	s3 =	sadd.s32 $0x189A00, s12  }
0x14: {  	[dreg:$0xd] =	wrdreg s17;
	s20 =	sshll.u32 s13, $0x3;
	s13 =	sshll.u32 s13, $0x1  }
0x15: {  	s14 =	sadd.s32 $0x1C0, s8;
	s17 =	sadd.s32 s9, s16;
	s8 =	sadd.s32 $0x2A0, s8  }
0x16: {  	s16 =	simm.s32 $0x20;
	[dreg:$0x9] =	wrdreg s0;
	s0 =	sadd.s32 s7, s15  }
0x17: {  	s19 =	sadd.s32 s9, s18;
	s21 =	sadd.s32 s6, s13;
	s22 =	sshll.u32 s14, $0x4  }
0x18: {  	s15 =	sshll.u32 s5, $0x8;
	s24 =	sshll.u32 s14, $0x3;
	s25 =	sshll.u32 s14, $0x1  }
0x19: {  	s18 =	sshrl.u32 s11, $0x1;
	[dreg:$0x14] =	wrdreg s17;
	s14 =	sshll.u32 s26, $0x1  }
0x1a: {  	s5 =	sshll.u32 s5, $0x2;
	s17 =	simm.s32 $0x310;
	[dreg:$0xc] =	wrdreg s0  }
0x1b: {  	s13 =	simm.s32 $0x5;
	[dreg:$0xe] =	wrdreg s19;
	s0 =	sadd.s32 s7, s20  }
0x1c: {  	[dreg:$0x10] =	wrdreg s21;
	s23 =	sadd.s32 s9, s22;
	s12 =	sadd.s32 s15, s12  }
0x1d: {  	s15 =	sadd.s32 s6, s25;
	s19 =	sshll.u32 s26, $0x3;
	s20 =	sadd.s32 s6, s14  }
0x1e: {  	s21 =	sshll.u32 s8, $0x4;
	s11 =	ssub.s32 s11, s18;
	[dreg:$0xf] =	wrdreg s0  }
0x1f: {  	s25 =	sshll.u32 s8, $0x1;
	s18 =	simm.s32 $0x3;
	[dreg:$0x11] =	wrdreg s23  }
0x20: {  	s14 =	simm.s32 $0xB930;
	s0 =	sadd.s32 s7, s24;
	[dreg:$0x13] =	wrdreg s15  }
0x21: {  	[dreg:$0x16] =	wrdreg s20;
	s22 =	sadd.s32 s9, s21;
	s23 =	sshll.u32 s8, $0x3  }
0x22: {  	s8 =	sadd.s32 s6, s25;
	s6 =	sadd.s32 $0x4C00, s12;
	s26 =	smax.u32 s11, $0x1  }
0x23: {  	s12 =	simm.s32 $0x7310;
	s11 =	simm.s32 $0xAB10;
	s20 =	simm.s32 $0x8F10  }
0x24: {  	s9 =	simm.s32 $0x1;
	s25 =	simm.s32 $0x2;
	s21 =	simm.s32 $0x6  }
0x25: {  	s15 =	simm.s32 $0xB910;
	[dreg:$0x12] =	wrdreg s0;
	p1 =	sne.s32 s26, $0x1  }
.Ltmp0:
0x26: {  	s0 =	sadd.s32 s7, s19;
	[dreg:$0x17] =	wrdreg s22;
	(pc) =	sbr.rel @!p1 .LBB2_3-.Ltmp0, $4  }
0x27: {  	s24 =	sadd.s32 s7, s23;
	s7 =	sadd.s32 s1, s5;
	s5 =	simm.s32 $0x7  }
0x28: {  	s23 =	simm.s32 $0x70;
	s22 =	simm.s32 $0x3B10;
	[dreg:$0x15] =	wrdreg s0  }
0x29: {  	s19 =	simm.s32 $0xB210;
	s1 =	sadd.s32 $0xFFFFFFFF, s26;
	[dreg:$0x18] =	wrdreg s24  }
0x2a: {  	s26 =	simm.s32 $0x2A0;
	s24 =	simm.s32 $0x4;
	s0 =	rddreg [dreg:$0x4]  }
0x2b: {  	[tilespmem:s2], [sflag:$0x7] =	stream.linear.gather [hbm4b:s0+s2], $0x310, $0x38;
	[tilespmem:$0xC130] =	vst v63  }
0x2c: {  	_ =	swait.ge [sflag:s5], $0x310  }
0x2d: {  	[sflag:s5] =	ssyncset.done $0x0  }
0x2e: {  	[sflag:s5] =	ssyncadd.s32 $0xFFFFFCF0  }
0x2f: {  	[tilespmem:s17], [sflag:$0x1] =	stream.indirect.gather [hbm4b:s4+s23], $0x80, s2, s23, $0xb8;
	[tilespmem:$0xC130] =	vst v63  }
0x30: {  	_ = 	snop  }
0x31: {  	[tilespmem:s12], [sflag:$0x3] =	stream.indirect.gather [hbm4b:s3+s23], $0x40, s2, s23, $0xb8;
	[tilespmem:$0xC130] =	vst v63  }
0x32: {  	_ = 	snop  }
0x33: {  	[tilespmem:s11], [sflag:$0x5] =	stream.indirect.gather [hbm4b:s10+s23], $0x10, s2, s23, $0xb8;
	[tilespmem:$0xC130] =	vst v63  }
0x34: {  	_ = 	snop  }
0x35: {  	[tilespmem:s22], [sflag:$0x2] =	stream.indirect.gather [hbm4b:s4+s23], $0x80, s23, s23, $0xb8;
	[tilespmem:$0xC130] =	vst v63  }
0x36: {  	_ = 	snop  }
0x37: {  	[tilespmem:s20], [sflag:$0x4] =	stream.indirect.gather [hbm4b:s3+s23], $0x40, s23, s23, $0xb8;
	[tilespmem:$0xC130] =	vst v63  }
0x38: {  	_ = 	snop  }
0x39: {  	[tilespmem:s19], [sflag:$0x6] =	stream.indirect.gather [hbm4b:s10+s23], $0x10, s23, s23, $0xb8;
	[tilespmem:$0xC130] =	vst v63  }
0x3a: {  	_ =	swait.ge [sflag:s9], $0x3800  }
0x3b: {  	[sflag:s9] =	ssyncset.done $0x0  }
0x3c: {  	s0 =	rddreg [dreg:$0x5];
	[sflag:s9] =	ssyncadd.s32 $0xFFFFC800  }
0x3d: {  	[hbm4b:s0+s2] =	stream.linear.scatter [tilespmem:s17], [sflag:$0x7], $0x3800, $0x38;
	[tilespmem:$0xC130] =	vst v63  }
0x3e: {  	_ =	swait.ge [sflag:s5], $0x3800  }
0x3f: {  	[sflag:s5] =	ssyncset.done $0x0  }
0x40: {  	[sflag:s5] =	ssyncadd.s32 $0xFFFFC800  }
0x41: {  	_ =	swait.ge [sflag:s18], $0x1C00  }
0x42: {  	[sflag:s18] =	ssyncset.done $0x0  }
0x43: {  	s0 =	rddreg [dreg:$0x6];
	[sflag:s18] =	ssyncadd.s32 $0xFFFFE400  }
0x44: {  	[hbm4b:s0+s2] =	stream.linear.scatter [tilespmem:s12], [sflag:$0x7], $0x1C00, $0x38;
	[tilespmem:$0xC130] =	vst v63  }
0x45: {  	_ =	swait.ge [sflag:s5], $0x1C00  }
0x46: {  	[sflag:s5] =	ssyncset.done $0x0  }
0x47: {  	[sflag:s5] =	ssyncadd.s32 $0xFFFFE400  }
0x48: {  	_ =	swait.ge [sflag:s13], $0x700  }
0x49: {  	[sflag:s13] =	ssyncset.done $0x0  }
0x4a: {  	s0 =	rddreg [dreg:$0x7];
	[sflag:s13] =	ssyncadd.s32 $0xFFFFF900  }
0x4b: {  	[hbm4b:s0+s2] =	stream.linear.scatter [tilespmem:s11], [sflag:$0x7], $0x700, $0x38;
	[tilespmem:$0xC130] =	vst v63  }
0x4c: {  	_ =	swait.ge [sflag:s5], $0x700  }
0x4d: {  	[sflag:s5] =	ssyncset.done $0x0  }
0x4e: {  	[sflag:s5] =	ssyncadd.s32 $0xFFFFF900  }
0x4f: {  	[tilespmem:s17], [sflag:$0x1] =	stream.indirect.gather [hbm4b:s4+s23], $0x80, s31, s23, $0xb8;
	[tilespmem:$0xC130] =	vst v63  }
0x50: {  	_ = 	snop  }
0x51: {  	[tilespmem:s12], [sflag:$0x3] =	stream.indirect.gather [hbm4b:s3+s23], $0x40, s31, s23, $0xb8;
	[tilespmem:$0xC130] =	vst v63  }
0x52: {  	_ = 	snop  }
0x53: {  	[tilespmem:s11], [sflag:$0x5] =	stream.indirect.gather [hbm4b:s10+s23], $0x10, s31, s23, $0xb8;
	[tilespmem:$0xC130] =	vst v63  }
0x54: {  	_ =	swait.ge [sflag:s25], $0x3800  }
0x55: {  	[sflag:s25] =	ssyncset.done $0x0  }
0x56: {  	s0 =	rddreg [dreg:$0x8];
	[sflag:s25] =	ssyncadd.s32 $0xFFFFC800  }
0x57: {  	[hbm4b:s0+s2] =	stream.linear.scatter [tilespmem:s22], [sflag:$0x7], $0x3800, $0x38;
	[tilespmem:$0xC130] =	vst v63  }
0x58: {  	_ =	swait.ge [sflag:s5], $0x3800  }
0x59: {  	[sflag:s5] =	ssyncset.done $0x0  }
0x5a: {  	[sflag:s5] =	ssyncadd.s32 $0xFFFFC800  }
0x5b: {  	_ =	swait.ge [sflag:s24], $0x1C00  }
0x5c: {  	[sflag:s24] =	ssyncset.done $0x0  }
0x5d: {  	s0 =	rddreg [dreg:$0x9];
	[sflag:s24] =	ssyncadd.s32 $0xFFFFE400  }
0x5e: {  	[hbm4b:s0+s2] =	stream.linear.scatter [tilespmem:s20], [sflag:$0x7], $0x1C00, $0x38;
	[tilespmem:$0xC130] =	vst v63  }
0x5f: {  	_ =	swait.ge [sflag:s5], $0x1C00  }
0x60: {  	[sflag:s5] =	ssyncset.done $0x0  }
0x61: {  	[sflag:s5] =	ssyncadd.s32 $0xFFFFE400  }
0x62: {  	_ =	swait.ge [sflag:s21], $0x700  }
0x63: {  	[sflag:s21] =	ssyncset.done $0x0  }
0x64: {  	s0 =	rddreg [dreg:$0xa];
	[sflag:s21] =	ssyncadd.s32 $0xFFFFF900  }
0x65: {  	[hbm4b:s0+s2] =	stream.linear.scatter [tilespmem:s19], [sflag:$0x7], $0x700, $0x38;
	[tilespmem:$0xC130] =	vst v63  }
0x66: {  	_ =	swait.ge [sflag:s5], $0x700  }
0x67: {  	[sflag:s5] =	ssyncset.done $0x0  }
0x68: {  	[sflag:s5] =	ssyncadd.s32 $0xFFFFF900  }
0x69: {  	[tilespmem:s22], [sflag:$0x2] =	stream.indirect.gather [hbm4b:s4+s23], $0x80, s30, s23, $0xb8;
	[tilespmem:$0xC130] =	vst v63  }
0x6a: {  	_ = 	snop  }
0x6b: {  	[tilespmem:s20], [sflag:$0x4] =	stream.indirect.gather [hbm4b:s3+s23], $0x40, s30, s23, $0xb8;
	[tilespmem:$0xC130] =	vst v63  }
0x6c: {  	_ = 	snop  }
0x6d: {  	[tilespmem:s19], [sflag:$0x6] =	stream.indirect.gather [hbm4b:s10+s23], $0x10, s30, s23, $0xb8;
	[tilespmem:$0xC130] =	vst v63  }
0x6e: {  	_ =	swait.ge [sflag:s9], $0x3800  }
0x6f: {  	[sflag:s9] =	ssyncset.done $0x0  }
0x70: {  	s0 =	rddreg [dreg:$0xb];
	[sflag:s9] =	ssyncadd.s32 $0xFFFFC800  }
0x71: {  	[hbm4b:s0+s2] =	stream.linear.scatter [tilespmem:s17], [sflag:$0x7], $0x3800, $0x38;
	[tilespmem:$0xC130] =	vst v63  }
0x72: {  	_ =	swait.ge [sflag:s5], $0x3800  }
0x73: {  	[sflag:s5] =	ssyncset.done $0x0  }
0x74: {  	[sflag:s5] =	ssyncadd.s32 $0xFFFFC800  }
0x75: {  	_ =	swait.ge [sflag:s18], $0x1C00  }
0x76: {  	[sflag:s18] =	ssyncset.done $0x0  }
0x77: {  	s0 =	rddreg [dreg:$0xc];
	[sflag:s18] =	ssyncadd.s32 $0xFFFFE400  }
0x78: {  	[hbm4b:s0+s2] =	stream.linear.scatter [tilespmem:s12], [sflag:$0x7], $0x1C00, $0x38;
	[tilespmem:$0xC130] =	vst v63  }
0x79: {  	_ =	swait.ge [sflag:s5], $0x1C00  }
0x7a: {  	[sflag:s5] =	ssyncset.done $0x0  }
0x7b: {  	[sflag:s5] =	ssyncadd.s32 $0xFFFFE400  }
0x7c: {  	_ =	swait.ge [sflag:s13], $0x700  }
0x7d: {  	[sflag:s13] =	ssyncset.done $0x0  }
0x7e: {  	s0 =	rddreg [dreg:$0xd];
	[sflag:s13] =	ssyncadd.s32 $0xFFFFF900  }
0x7f: {  	[hbm4b:s0+s2] =	stream.linear.scatter [tilespmem:s11], [sflag:$0x7], $0x700, $0x38;
	[tilespmem:$0xC130] =	vst v63  }
0x80: {  	_ =	swait.ge [sflag:s5], $0x700  }
0x81: {  	[sflag:s5] =	ssyncset.done $0x0  }
0x82: {  	[sflag:s5] =	ssyncadd.s32 $0xFFFFF900  }
0x83: {  	[tilespmem:s17], [sflag:$0x1] =	stream.indirect.gather [hbm4b:s4+s23], $0x80, s29, s23, $0xb8;
	[tilespmem:$0xC130] =	vst v63  }
0x84: {  	_ = 	snop  }
0x85: {  	[tilespmem:s12], [sflag:$0x3] =	stream.indirect.gather [hbm4b:s3+s23], $0x40, s29, s23, $0xb8;
	[tilespmem:$0xC130] =	vst v63  }
0x86: {  	_ = 	snop  }
0x87: {  	[tilespmem:s11], [sflag:$0x5] =	stream.indirect.gather [hbm4b:s10+s23], $0x10, s29, s23, $0xb8;
	[tilespmem:$0xC130] =	vst v63  }
0x88: {  	_ =	swait.ge [sflag:s25], $0x3800  }
0x89: {  	[sflag:s25] =	ssyncset.done $0x0  }
0x8a: {  	s0 =	rddreg [dreg:$0xe];
	[sflag:s25] =	ssyncadd.s32 $0xFFFFC800  }
0x8b: {  	[hbm4b:s0+s2] =	stream.linear.scatter [tilespmem:s22], [sflag:$0x7], $0x3800, $0x38;
	[tilespmem:$0xC130] =	vst v63  }
0x8c: {  	_ =	swait.ge [sflag:s5], $0x3800  }
0x8d: {  	[sflag:s5] =	ssyncset.done $0x0  }
0x8e: {  	[sflag:s5] =	ssyncadd.s32 $0xFFFFC800  }
0x8f: {  	_ =	swait.ge [sflag:s24], $0x1C00  }
0x90: {  	[sflag:s24] =	ssyncset.done $0x0  }
0x91: {  	s0 =	rddreg [dreg:$0xf];
	[sflag:s24] =	ssyncadd.s32 $0xFFFFE400  }
0x92: {  	[hbm4b:s0+s2] =	stream.linear.scatter [tilespmem:s20], [sflag:$0x7], $0x1C00, $0x38;
	[tilespmem:$0xC130] =	vst v63  }
0x93: {  	_ =	swait.ge [sflag:s5], $0x1C00  }
0x94: {  	[sflag:s5] =	ssyncset.done $0x0  }
0x95: {  	[sflag:s5] =	ssyncadd.s32 $0xFFFFE400  }
0x96: {  	_ =	swait.ge [sflag:s21], $0x700  }
0x97: {  	[sflag:s21] =	ssyncset.done $0x0  }
0x98: {  	s0 =	rddreg [dreg:$0x10];
	[sflag:s21] =	ssyncadd.s32 $0xFFFFF900  }
0x99: {  	[hbm4b:s0+s2] =	stream.linear.scatter [tilespmem:s19], [sflag:$0x7], $0x700, $0x38;
	[tilespmem:$0xC130] =	vst v63  }
0x9a: {  	_ =	swait.ge [sflag:s5], $0x700  }
0x9b: {  	[sflag:s5] =	ssyncset.done $0x0  }
0x9c: {  	[sflag:s5] =	ssyncadd.s32 $0xFFFFF900  }
0x9d: {  	[tilespmem:s22], [sflag:$0x2] =	stream.indirect.gather [hbm4b:s4+s23], $0x80, s28, s23, $0xb8;
	[tilespmem:$0xC130] =	vst v63  }
0x9e: {  	_ = 	snop  }
0x9f: {  	[tilespmem:s20], [sflag:$0x4] =	stream.indirect.gather [hbm4b:s3+s23], $0x40, s28, s23, $0xb8;
	[tilespmem:$0xC130] =	vst v63  }
0xa0: {  	_ = 	snop  }
0xa1: {  	[tilespmem:s19], [sflag:$0x6] =	stream.indirect.gather [hbm4b:s10+s23], $0x10, s28, s23, $0xb8;
	[tilespmem:$0xC130] =	vst v63  }
0xa2: {  	_ =	swait.ge [sflag:s9], $0x3800  }
0xa3: {  	[sflag:s9] =	ssyncset.done $0x0  }
0xa4: {  	s0 =	rddreg [dreg:$0x11];
	[sflag:s9] =	ssyncadd.s32 $0xFFFFC800  }
0xa5: {  	[hbm4b:s0+s2] =	stream.linear.scatter [tilespmem:s17], [sflag:$0x7], $0x3800, $0x38;
	[tilespmem:$0xC130] =	vst v63  }
0xa6: {  	_ =	swait.ge [sflag:s5], $0x3800  }
0xa7: {  	[sflag:s5] =	ssyncset.done $0x0  }
0xa8: {  	[sflag:s5] =	ssyncadd.s32 $0xFFFFC800  }
0xa9: {  	_ =	swait.ge [sflag:s18], $0x1C00  }
0xaa: {  	[sflag:s18] =	ssyncset.done $0x0  }
0xab: {  	s0 =	rddreg [dreg:$0x12];
	[sflag:s18] =	ssyncadd.s32 $0xFFFFE400  }
0xac: {  	[hbm4b:s0+s2] =	stream.linear.scatter [tilespmem:s12], [sflag:$0x7], $0x1C00, $0x38;
	[tilespmem:$0xC130] =	vst v63  }
0xad: {  	_ =	swait.ge [sflag:s5], $0x1C00  }
0xae: {  	[sflag:s5] =	ssyncset.done $0x0  }
0xaf: {  	[sflag:s5] =	ssyncadd.s32 $0xFFFFE400  }
0xb0: {  	_ =	swait.ge [sflag:s13], $0x700  }
0xb1: {  	[sflag:s13] =	ssyncset.done $0x0  }
0xb2: {  	s0 =	rddreg [dreg:$0x13];
	[sflag:s13] =	ssyncadd.s32 $0xFFFFF900  }
0xb3: {  	[hbm4b:s0+s2] =	stream.linear.scatter [tilespmem:s11], [sflag:$0x7], $0x700, $0x38;
	[tilespmem:$0xC130] =	vst v63  }
0xb4: {  	_ =	swait.ge [sflag:s5], $0x700  }
0xb5: {  	[sflag:s5] =	ssyncset.done $0x0  }
0xb6: {  	[sflag:s5] =	ssyncadd.s32 $0xFFFFF900  }
0xb7: {  	[tilespmem:s17], [sflag:$0x1] =	stream.indirect.gather [hbm4b:s4+s23], $0x80, s26, s23, $0xb8;
	[tilespmem:$0xC130] =	vst v63  }
0xb8: {  	_ = 	snop  }
0xb9: {  	[tilespmem:s12], [sflag:$0x3] =	stream.indirect.gather [hbm4b:s3+s23], $0x40, s26, s23, $0xb8;
	[tilespmem:$0xC130] =	vst v63  }
0xba: {  	_ = 	snop  }
0xbb: {  	[tilespmem:s11], [sflag:$0x5] =	stream.indirect.gather [hbm4b:s10+s23], $0x10, s26, s23, $0xb8;
	[tilespmem:$0xC130] =	vst v63  }
0xbc: {  	_ =	swait.ge [sflag:s25], $0x3800  }
0xbd: {  	[sflag:s25] =	ssyncset.done $0x0  }
0xbe: {  	s0 =	rddreg [dreg:$0x14];
	[sflag:s25] =	ssyncadd.s32 $0xFFFFC800  }
0xbf: {  	[hbm4b:s0+s2] =	stream.linear.scatter [tilespmem:s22], [sflag:$0x7], $0x3800, $0x38;
	[tilespmem:$0xC130] =	vst v63  }
0xc0: {  	_ =	swait.ge [sflag:s5], $0x3800  }
0xc1: {  	[sflag:s5] =	ssyncset.done $0x0  }
0xc2: {  	[sflag:s5] =	ssyncadd.s32 $0xFFFFC800  }
0xc3: {  	_ =	swait.ge [sflag:s24], $0x1C00  }
0xc4: {  	[sflag:s24] =	ssyncset.done $0x0  }
0xc5: {  	s0 =	rddreg [dreg:$0x15];
	[sflag:s24] =	ssyncadd.s32 $0xFFFFE400  }
0xc6: {  	[hbm4b:s0+s2] =	stream.linear.scatter [tilespmem:s20], [sflag:$0x7], $0x1C00, $0x38;
	[tilespmem:$0xC130] =	vst v63  }
0xc7: {  	_ =	swait.ge [sflag:s5], $0x1C00  }
0xc8: {  	[sflag:s5] =	ssyncset.done $0x0  }
0xc9: {  	[sflag:s5] =	ssyncadd.s32 $0xFFFFE400  }
0xca: {  	_ =	swait.ge [sflag:s21], $0x700  }
0xcb: {  	[sflag:s21] =	ssyncset.done $0x0  }
0xcc: {  	s0 =	rddreg [dreg:$0x16];
	[sflag:s21] =	ssyncadd.s32 $0xFFFFF900  }
0xcd: {  	[hbm4b:s0+s2] =	stream.linear.scatter [tilespmem:s19], [sflag:$0x7], $0x700, $0x38;
	[tilespmem:$0xC130] =	vst v63  }
0xce: {  	_ =	swait.ge [sflag:s5], $0x700  }
0xcf: {  	[sflag:s5] =	ssyncset.done $0x0  }
0xd0: {  	[sflag:s5] =	ssyncadd.s32 $0xFFFFF900  }
0xd1: {  	_ =	swait.ge [sflag:s9], $0x3800  }
0xd2: {  	[sflag:s9] =	ssyncset.done $0x0  }
0xd3: {  	s0 =	rddreg [dreg:$0x17];
	[sflag:s9] =	ssyncadd.s32 $0xFFFFC800  }
0xd4: {  	[hbm4b:s0+s2] =	stream.linear.scatter [tilespmem:s17], [sflag:$0x7], $0x3800, $0x38;
	[tilespmem:$0xC130] =	vst v63  }
0xd5: {  	_ =	swait.ge [sflag:s5], $0x3800  }
0xd6: {  	[sflag:s5] =	ssyncset.done $0x0  }
0xd7: {  	[sflag:s5] =	ssyncadd.s32 $0xFFFFC800  }
0xd8: {  	_ =	swait.ge [sflag:s18], $0x1C00  }
0xd9: {  	[sflag:s18] =	ssyncset.done $0x0  }
0xda: {  	s0 =	rddreg [dreg:$0x18];
	[sflag:s18] =	ssyncadd.s32 $0xFFFFE400  }
0xdb: {  	[hbm4b:s0+s2] =	stream.linear.scatter [tilespmem:s12], [sflag:$0x7], $0x1C00, $0x38;
	[tilespmem:$0xC130] =	vst v63  }
0xdc: {  	_ =	swait.ge [sflag:s5], $0x1C00  }
0xdd: {  	[sflag:s5] =	ssyncset.done $0x0  }
0xde: {  	[sflag:s5] =	ssyncadd.s32 $0xFFFFE400  }
0xdf: {  	_ =	swait.ge [sflag:s13], $0x700  }
0xe0: {  	[sflag:s13] =	ssyncset.done $0x0  }
0xe1: {  	[sflag:s13] =	ssyncadd.s32 $0xFFFFF900  }
0xe2: {  	[hbm4b:s8+s2] =	stream.linear.scatter [tilespmem:s11], [sflag:$0x7], $0x700, $0x38;
	[tilespmem:$0xC130] =	vst v63  }
0xe3: {  	_ =	swait.ge [sflag:s5], $0x700  }
0xe4: {  	[sflag:s5] =	ssyncset.done $0x0  }
0xe5: {  	[sflag:s5] =	ssyncadd.s32 $0xFFFFF900  }
0xe6: {  	[tilespmem:s15], [sflag:$0x7] =	stream.linear.gather [hbm4b:s7+s2], $0x20, $0x38;
	[tilespmem:$0xC130] =	vst v63  }
0xe7: {  	_ =	swait.ge [sflag:s5], $0x20  }
0xe8: {  	[sflag:s5] =	ssyncset.done $0x0  }
0xe9: {  	[sflag:s5] =	ssyncadd.s32 $0xFFFFFFE0  }
0xea: {  	[tilespmem:s14], [sflag:$0x1] =	stream.indirect.gather [hbm4b:s3+s16], $0x40, s15, s16, $0xb8;
	[tilespmem:$0xC130] =	vst v63  }
0xeb: {  	p1 =	sne.s32 s1, $0x1;
	_ =	swait.ge [sflag:s9], $0x800  }
.Ltmp1:
0xec: {  	[sflag:s9] =	ssyncset.done $0x0;
	(pc) =	sbr.rel @!p1 .LBB2_3-.Ltmp1, $4  }
0xed: {  	[sflag:s9] =	ssyncadd.s32 $0xFFFFF800  }
0xee: {  	[hbm4b:s6+s2] =	stream.linear.scatter [tilespmem:s14], [sflag:$0x7], $0x800, $0x38;
	[tilespmem:$0xC130] =	vst v63  }
0xef: {  	s1 =	sadd.s32 $0xFFFFFFFF, s1;
	_ =	swait.ge [sflag:s5], $0x800  }
0xf0: {  	p0 =	por $0x1, $0x1;
	s0 =	rddreg [dreg:$0x4];
	[sflag:s5] =	ssyncset.done $0x0  }
.LBB2_2:
0xf1: {  	[sflag:s5] =	ssyncadd.s32 $0xFFFFF800  }
0xf2: {  	[tilespmem:s2], [sflag:$0x7] =	stream.linear.gather [hbm4b:s0+s2], $0x310, $0x38;
	[tilespmem:$0xC130] =	vst v63  }
0xf3: {  	_ =	swait.ge [sflag:s5], $0x310  }
0xf4: {  	[sflag:s5] =	ssyncset.done $0x0  }
0xf5: {  	[sflag:s5] =	ssyncadd.s32 $0xFFFFFCF0  }
0xf6: {  	[tilespmem:s17], [sflag:$0x1] =	stream.indirect.gather [hbm4b:s4+s23], $0x80, s2, s23, $0xb8;
	[tilespmem:$0xC130] =	vst v63  }
0xf7: {  	_ = 	snop  }
0xf8: {  	[tilespmem:s12], [sflag:$0x3] =	stream.indirect.gather [hbm4b:s3+s23], $0x40, s2, s23, $0xb8;
	[tilespmem:$0xC130] =	vst v63  }
0xf9: {  	_ = 	snop  }
0xfa: {  	[tilespmem:s11], [sflag:$0x5] =	stream.indirect.gather [hbm4b:s10+s23], $0x10, s2, s23, $0xb8;
	[tilespmem:$0xC130] =	vst v63  }
0xfb: {  	_ = 	snop  }
0xfc: {  	[tilespmem:s22], [sflag:$0x2] =	stream.indirect.gather [hbm4b:s4+s23], $0x80, s23, s23, $0xb8;
	[tilespmem:$0xC130] =	vst v63  }
0xfd: {  	_ = 	snop  }
0xfe: {  	[tilespmem:s20], [sflag:$0x4] =	stream.indirect.gather [hbm4b:s3+s23], $0x40, s23, s23, $0xb8;
	[tilespmem:$0xC130] =	vst v63  }
0xff: {  	_ = 	snop  }
0x100: {  	[tilespmem:s19], [sflag:$0x6] =	stream.indirect.gather [hbm4b:s10+s23], $0x10, s23, s23, $0xb8;
	[tilespmem:$0xC130] =	vst v63  }
0x101: {  	_ =	swait.ge [sflag:s9], $0x3800  }
0x102: {  	[sflag:s9] =	ssyncset.done $0x0  }
0x103: {  	s0 =	rddreg [dreg:$0x5];
	[sflag:s9] =	ssyncadd.s32 $0xFFFFC800  }
0x104: {  	[hbm4b:s0+s2] =	stream.linear.scatter [tilespmem:s17], [sflag:$0x7], $0x3800, $0x38;
	[tilespmem:$0xC130] =	vst v63  }
0x105: {  	_ =	swait.ge [sflag:s5], $0x3800  }
0x106: {  	[sflag:s5] =	ssyncset.done $0x0  }
0x107: {  	[sflag:s5] =	ssyncadd.s32 $0xFFFFC800  }
0x108: {  	_ =	swait.ge [sflag:s18], $0x1C00  }
0x109: {  	[sflag:s18] =	ssyncset.done $0x0  }
0x10a: {  	s0 =	rddreg [dreg:$0x6];
	[sflag:s18] =	ssyncadd.s32 $0xFFFFE400  }
0x10b: {  	[hbm4b:s0+s2] =	stream.linear.scatter [tilespmem:s12], [sflag:$0x7], $0x1C00, $0x38;
	[tilespmem:$0xC130] =	vst v63  }
0x10c: {  	_ =	swait.ge [sflag:s5], $0x1C00  }
0x10d: {  	[sflag:s5] =	ssyncset.done $0x0  }
0x10e: {  	[sflag:s5] =	ssyncadd.s32 $0xFFFFE400  }
0x10f: {  	_ =	swait.ge [sflag:s13], $0x700  }
0x110: {  	[sflag:s13] =	ssyncset.done $0x0  }
0x111: {  	s0 =	rddreg [dreg:$0x7];
	[sflag:s13] =	ssyncadd.s32 $0xFFFFF900  }
0x112: {  	[hbm4b:s0+s2] =	stream.linear.scatter [tilespmem:s11], [sflag:$0x7], $0x700, $0x38;
	[tilespmem:$0xC130] =	vst v63  }
0x113: {  	_ =	swait.ge [sflag:s5], $0x700  }
0x114: {  	[sflag:s5] =	ssyncset.done $0x0  }
0x115: {  	[sflag:s5] =	ssyncadd.s32 $0xFFFFF900  }
0x116: {  	[tilespmem:s17], [sflag:$0x1] =	stream.indirect.gather [hbm4b:s4+s23], $0x80, s31, s23, $0xb8;
	[tilespmem:$0xC130] =	vst v63  }
0x117: {  	_ = 	snop  }
0x118: {  	[tilespmem:s12], [sflag:$0x3] =	stream.indirect.gather [hbm4b:s3+s23], $0x40, s31, s23, $0xb8;
	[tilespmem:$0xC130] =	vst v63  }
0x119: {  	_ = 	snop  }
0x11a: {  	[tilespmem:s11], [sflag:$0x5] =	stream.indirect.gather [hbm4b:s10+s23], $0x10, s31, s23, $0xb8;
	[tilespmem:$0xC130] =	vst v63  }
0x11b: {  	_ =	swait.ge [sflag:s25], $0x3800  }
0x11c: {  	[sflag:s25] =	ssyncset.done $0x0  }
0x11d: {  	s0 =	rddreg [dreg:$0x8];
	[sflag:s25] =	ssyncadd.s32 $0xFFFFC800  }
0x11e: {  	[hbm4b:s0+s2] =	stream.linear.scatter [tilespmem:s22], [sflag:$0x7], $0x3800, $0x38;
	[tilespmem:$0xC130] =	vst v63  }
0x11f: {  	_ =	swait.ge [sflag:s5], $0x3800  }
0x120: {  	[sflag:s5] =	ssyncset.done $0x0  }
0x121: {  	[sflag:s5] =	ssyncadd.s32 $0xFFFFC800  }
0x122: {  	_ =	swait.ge [sflag:s24], $0x1C00  }
0x123: {  	[sflag:s24] =	ssyncset.done $0x0  }
0x124: {  	s0 =	rddreg [dreg:$0x9];
	[sflag:s24] =	ssyncadd.s32 $0xFFFFE400  }
0x125: {  	[hbm4b:s0+s2] =	stream.linear.scatter [tilespmem:s20], [sflag:$0x7], $0x1C00, $0x38;
	[tilespmem:$0xC130] =	vst v63  }
0x126: {  	_ =	swait.ge [sflag:s5], $0x1C00  }
0x127: {  	[sflag:s5] =	ssyncset.done $0x0  }
0x128: {  	[sflag:s5] =	ssyncadd.s32 $0xFFFFE400  }
0x129: {  	_ =	swait.ge [sflag:s21], $0x700  }
0x12a: {  	[sflag:s21] =	ssyncset.done $0x0  }
0x12b: {  	s0 =	rddreg [dreg:$0xa];
	[sflag:s21] =	ssyncadd.s32 $0xFFFFF900  }
0x12c: {  	[hbm4b:s0+s2] =	stream.linear.scatter [tilespmem:s19], [sflag:$0x7], $0x700, $0x38;
	[tilespmem:$0xC130] =	vst v63  }
0x12d: {  	_ =	swait.ge [sflag:s5], $0x700  }
0x12e: {  	[sflag:s5] =	ssyncset.done $0x0  }
0x12f: {  	[sflag:s5] =	ssyncadd.s32 $0xFFFFF900  }
0x130: {  	[tilespmem:s22], [sflag:$0x2] =	stream.indirect.gather [hbm4b:s4+s23], $0x80, s30, s23, $0xb8;
	[tilespmem:$0xC130] =	vst v63  }
0x131: {  	_ = 	snop  }
0x132: {  	[tilespmem:s20], [sflag:$0x4] =	stream.indirect.gather [hbm4b:s3+s23], $0x40, s30, s23, $0xb8;
	[tilespmem:$0xC130] =	vst v63  }
0x133: {  	_ = 	snop  }
0x134: {  	[tilespmem:s19], [sflag:$0x6] =	stream.indirect.gather [hbm4b:s10+s23], $0x10, s30, s23, $0xb8;
	[tilespmem:$0xC130] =	vst v63  }
0x135: {  	_ =	swait.ge [sflag:s9], $0x3800  }
0x136: {  	[sflag:s9] =	ssyncset.done $0x0  }
0x137: {  	s0 =	rddreg [dreg:$0xb];
	[sflag:s9] =	ssyncadd.s32 $0xFFFFC800  }
0x138: {  	[hbm4b:s0+s2] =	stream.linear.scatter [tilespmem:s17], [sflag:$0x7], $0x3800, $0x38;
	[tilespmem:$0xC130] =	vst v63  }
0x139: {  	_ =	swait.ge [sflag:s5], $0x3800  }
0x13a: {  	[sflag:s5] =	ssyncset.done $0x0  }
0x13b: {  	[sflag:s5] =	ssyncadd.s32 $0xFFFFC800  }
0x13c: {  	_ =	swait.ge [sflag:s18], $0x1C00  }
0x13d: {  	[sflag:s18] =	ssyncset.done $0x0  }
0x13e: {  	s0 =	rddreg [dreg:$0xc];
	[sflag:s18] =	ssyncadd.s32 $0xFFFFE400  }
0x13f: {  	[hbm4b:s0+s2] =	stream.linear.scatter [tilespmem:s12], [sflag:$0x7], $0x1C00, $0x38;
	[tilespmem:$0xC130] =	vst v63  }
0x140: {  	_ =	swait.ge [sflag:s5], $0x1C00  }
0x141: {  	[sflag:s5] =	ssyncset.done $0x0  }
0x142: {  	[sflag:s5] =	ssyncadd.s32 $0xFFFFE400  }
0x143: {  	_ =	swait.ge [sflag:s13], $0x700  }
0x144: {  	[sflag:s13] =	ssyncset.done $0x0  }
0x145: {  	s0 =	rddreg [dreg:$0xd];
	[sflag:s13] =	ssyncadd.s32 $0xFFFFF900  }
0x146: {  	[hbm4b:s0+s2] =	stream.linear.scatter [tilespmem:s11], [sflag:$0x7], $0x700, $0x38;
	[tilespmem:$0xC130] =	vst v63  }
0x147: {  	_ =	swait.ge [sflag:s5], $0x700  }
0x148: {  	[sflag:s5] =	ssyncset.done $0x0  }
0x149: {  	[sflag:s5] =	ssyncadd.s32 $0xFFFFF900  }
0x14a: {  	[tilespmem:s17], [sflag:$0x1] =	stream.indirect.gather [hbm4b:s4+s23], $0x80, s29, s23, $0xb8;
	[tilespmem:$0xC130] =	vst v63  }
0x14b: {  	_ = 	snop  }
0x14c: {  	[tilespmem:s12], [sflag:$0x3] =	stream.indirect.gather [hbm4b:s3+s23], $0x40, s29, s23, $0xb8;
	[tilespmem:$0xC130] =	vst v63  }
0x14d: {  	_ = 	snop  }
0x14e: {  	[tilespmem:s11], [sflag:$0x5] =	stream.indirect.gather [hbm4b:s10+s23], $0x10, s29, s23, $0xb8;
	[tilespmem:$0xC130] =	vst v63  }
0x14f: {  	_ =	swait.ge [sflag:s25], $0x3800  }
0x150: {  	[sflag:s25] =	ssyncset.done $0x0  }
0x151: {  	s0 =	rddreg [dreg:$0xe];
	[sflag:s25] =	ssyncadd.s32 $0xFFFFC800  }
0x152: {  	[hbm4b:s0+s2] =	stream.linear.scatter [tilespmem:s22], [sflag:$0x7], $0x3800, $0x38;
	[tilespmem:$0xC130] =	vst v63  }
0x153: {  	_ =	swait.ge [sflag:s5], $0x3800  }
0x154: {  	[sflag:s5] =	ssyncset.done $0x0  }
0x155: {  	[sflag:s5] =	ssyncadd.s32 $0xFFFFC800  }
0x156: {  	_ =	swait.ge [sflag:s24], $0x1C00  }
0x157: {  	[sflag:s24] =	ssyncset.done $0x0  }
0x158: {  	s0 =	rddreg [dreg:$0xf];
	[sflag:s24] =	ssyncadd.s32 $0xFFFFE400  }
0x159: {  	[hbm4b:s0+s2] =	stream.linear.scatter [tilespmem:s20], [sflag:$0x7], $0x1C00, $0x38;
	[tilespmem:$0xC130] =	vst v63  }
0x15a: {  	_ =	swait.ge [sflag:s5], $0x1C00  }
0x15b: {  	[sflag:s5] =	ssyncset.done $0x0  }
0x15c: {  	[sflag:s5] =	ssyncadd.s32 $0xFFFFE400  }
0x15d: {  	_ =	swait.ge [sflag:s21], $0x700  }
0x15e: {  	[sflag:s21] =	ssyncset.done $0x0  }
0x15f: {  	s0 =	rddreg [dreg:$0x10];
	[sflag:s21] =	ssyncadd.s32 $0xFFFFF900  }
0x160: {  	[hbm4b:s0+s2] =	stream.linear.scatter [tilespmem:s19], [sflag:$0x7], $0x700, $0x38;
	[tilespmem:$0xC130] =	vst v63  }
0x161: {  	_ =	swait.ge [sflag:s5], $0x700  }
0x162: {  	[sflag:s5] =	ssyncset.done $0x0  }
0x163: {  	[sflag:s5] =	ssyncadd.s32 $0xFFFFF900  }
0x164: {  	[tilespmem:s22], [sflag:$0x2] =	stream.indirect.gather [hbm4b:s4+s23], $0x80, s28, s23, $0xb8;
	[tilespmem:$0xC130] =	vst v63  }
0x165: {  	_ = 	snop  }
0x166: {  	[tilespmem:s20], [sflag:$0x4] =	stream.indirect.gather [hbm4b:s3+s23], $0x40, s28, s23, $0xb8;
	[tilespmem:$0xC130] =	vst v63  }
0x167: {  	_ = 	snop  }
0x168: {  	[tilespmem:s19], [sflag:$0x6] =	stream.indirect.gather [hbm4b:s10+s23], $0x10, s28, s23, $0xb8;
	[tilespmem:$0xC130] =	vst v63  }
0x169: {  	_ =	swait.ge [sflag:s9], $0x3800  }
0x16a: {  	[sflag:s9] =	ssyncset.done $0x0  }
0x16b: {  	s0 =	rddreg [dreg:$0x11];
	[sflag:s9] =	ssyncadd.s32 $0xFFFFC800  }
0x16c: {  	[hbm4b:s0+s2] =	stream.linear.scatter [tilespmem:s17], [sflag:$0x7], $0x3800, $0x38;
	[tilespmem:$0xC130] =	vst v63  }
0x16d: {  	_ =	swait.ge [sflag:s5], $0x3800  }
0x16e: {  	[sflag:s5] =	ssyncset.done $0x0  }
0x16f: {  	[sflag:s5] =	ssyncadd.s32 $0xFFFFC800  }
0x170: {  	_ =	swait.ge [sflag:s18], $0x1C00  }
0x171: {  	[sflag:s18] =	ssyncset.done $0x0  }
0x172: {  	s0 =	rddreg [dreg:$0x12];
	[sflag:s18] =	ssyncadd.s32 $0xFFFFE400  }
0x173: {  	[hbm4b:s0+s2] =	stream.linear.scatter [tilespmem:s12], [sflag:$0x7], $0x1C00, $0x38;
	[tilespmem:$0xC130] =	vst v63  }
0x174: {  	_ =	swait.ge [sflag:s5], $0x1C00  }
0x175: {  	[sflag:s5] =	ssyncset.done $0x0  }
0x176: {  	[sflag:s5] =	ssyncadd.s32 $0xFFFFE400  }
0x177: {  	_ =	swait.ge [sflag:s13], $0x700  }
0x178: {  	[sflag:s13] =	ssyncset.done $0x0  }
0x179: {  	s0 =	rddreg [dreg:$0x13];
	[sflag:s13] =	ssyncadd.s32 $0xFFFFF900  }
0x17a: {  	[hbm4b:s0+s2] =	stream.linear.scatter [tilespmem:s11], [sflag:$0x7], $0x700, $0x38;
	[tilespmem:$0xC130] =	vst v63  }
0x17b: {  	_ =	swait.ge [sflag:s5], $0x700  }
0x17c: {  	[sflag:s5] =	ssyncset.done $0x0  }
0x17d: {  	[sflag:s5] =	ssyncadd.s32 $0xFFFFF900  }
0x17e: {  	[tilespmem:s17], [sflag:$0x1] =	stream.indirect.gather [hbm4b:s4+s23], $0x80, s26, s23, $0xb8;
	[tilespmem:$0xC130] =	vst v63  }
0x17f: {  	_ = 	snop  }
0x180: {  	[tilespmem:s12], [sflag:$0x3] =	stream.indirect.gather [hbm4b:s3+s23], $0x40, s26, s23, $0xb8;
	[tilespmem:$0xC130] =	vst v63  }
0x181: {  	_ = 	snop  }
0x182: {  	[tilespmem:s11], [sflag:$0x5] =	stream.indirect.gather [hbm4b:s10+s23], $0x10, s26, s23, $0xb8;
	[tilespmem:$0xC130] =	vst v63  }
0x183: {  	_ =	swait.ge [sflag:s25], $0x3800  }
0x184: {  	[sflag:s25] =	ssyncset.done $0x0  }
0x185: {  	s0 =	rddreg [dreg:$0x14];
	[sflag:s25] =	ssyncadd.s32 $0xFFFFC800  }
0x186: {  	[hbm4b:s0+s2] =	stream.linear.scatter [tilespmem:s22], [sflag:$0x7], $0x3800, $0x38;
	[tilespmem:$0xC130] =	vst v63  }
0x187: {  	_ =	swait.ge [sflag:s5], $0x3800  }
0x188: {  	[sflag:s5] =	ssyncset.done $0x0  }
0x189: {  	[sflag:s5] =	ssyncadd.s32 $0xFFFFC800  }
0x18a: {  	_ =	swait.ge [sflag:s24], $0x1C00  }
0x18b: {  	[sflag:s24] =	ssyncset.done $0x0  }
0x18c: {  	s0 =	rddreg [dreg:$0x15];
	[sflag:s24] =	ssyncadd.s32 $0xFFFFE400  }
0x18d: {  	[hbm4b:s0+s2] =	stream.linear.scatter [tilespmem:s20], [sflag:$0x7], $0x1C00, $0x38;
	[tilespmem:$0xC130] =	vst v63  }
0x18e: {  	_ =	swait.ge [sflag:s5], $0x1C00  }
0x18f: {  	[sflag:s5] =	ssyncset.done $0x0  }
0x190: {  	[sflag:s5] =	ssyncadd.s32 $0xFFFFE400  }
0x191: {  	_ =	swait.ge [sflag:s21], $0x700  }
0x192: {  	[sflag:s21] =	ssyncset.done $0x0  }
0x193: {  	s0 =	rddreg [dreg:$0x16];
	[sflag:s21] =	ssyncadd.s32 $0xFFFFF900  }
0x194: {  	[hbm4b:s0+s2] =	stream.linear.scatter [tilespmem:s19], [sflag:$0x7], $0x700, $0x38;
	[tilespmem:$0xC130] =	vst v63  }
0x195: {  	_ =	swait.ge [sflag:s5], $0x700  }
0x196: {  	[sflag:s5] =	ssyncset.done $0x0  }
0x197: {  	[sflag:s5] =	ssyncadd.s32 $0xFFFFF900  }
0x198: {  	_ =	swait.ge [sflag:s9], $0x3800  }
0x199: {  	[sflag:s9] =	ssyncset.done $0x0  }
0x19a: {  	s0 =	rddreg [dreg:$0x17];
	[sflag:s9] =	ssyncadd.s32 $0xFFFFC800  }
0x19b: {  	[hbm4b:s0+s2] =	stream.linear.scatter [tilespmem:s17], [sflag:$0x7], $0x3800, $0x38;
	[tilespmem:$0xC130] =	vst v63  }
0x19c: {  	_ =	swait.ge [sflag:s5], $0x3800  }
0x19d: {  	[sflag:s5] =	ssyncset.done $0x0  }
0x19e: {  	[sflag:s5] =	ssyncadd.s32 $0xFFFFC800  }
0x19f: {  	_ =	swait.ge [sflag:s18], $0x1C00  }
0x1a0: {  	[sflag:s18] =	ssyncset.done $0x0  }
0x1a1: {  	s0 =	rddreg [dreg:$0x18];
	[sflag:s18] =	ssyncadd.s32 $0xFFFFE400  }
0x1a2: {  	[hbm4b:s0+s2] =	stream.linear.scatter [tilespmem:s12], [sflag:$0x7], $0x1C00, $0x38;
	[tilespmem:$0xC130] =	vst v63  }
0x1a3: {  	_ =	swait.ge [sflag:s5], $0x1C00  }
0x1a4: {  	[sflag:s5] =	ssyncset.done $0x0  }
0x1a5: {  	[sflag:s5] =	ssyncadd.s32 $0xFFFFE400  }
0x1a6: {  	_ =	swait.ge [sflag:s13], $0x700  }
0x1a7: {  	[sflag:s13] =	ssyncset.done $0x0  }
0x1a8: {  	[sflag:s13] =	ssyncadd.s32 $0xFFFFF900  }
0x1a9: {  	[hbm4b:s8+s2] =	stream.linear.scatter [tilespmem:s11], [sflag:$0x7], $0x700, $0x38;
	[tilespmem:$0xC130] =	vst v63  }
0x1aa: {  	_ =	swait.ge [sflag:s5], $0x700  }
0x1ab: {  	[sflag:s5] =	ssyncset.done $0x0  }
0x1ac: {  	[sflag:s5] =	ssyncadd.s32 $0xFFFFF900  }
0x1ad: {  	[tilespmem:s15], [sflag:$0x7] =	stream.linear.gather [hbm4b:s7+s2], $0x20, $0x38;
	[tilespmem:$0xC130] =	vst v63  }
0x1ae: {  	_ =	swait.ge [sflag:s5], $0x20  }
0x1af: {  	[sflag:s5] =	ssyncset.done $0x0  }
0x1b0: {  	[sflag:s5] =	ssyncadd.s32 $0xFFFFFFE0  }
0x1b1: {  	[tilespmem:s14], [sflag:$0x1] =	stream.indirect.gather [hbm4b:s3+s16], $0x40, s15, s16, $0xb8;
	[tilespmem:$0xC130] =	vst v63  }
0x1b2: {  	p1 =	sne.s32 s1, $0x1;
	_ =	swait.ge [sflag:s9], $0x800  }
.Ltmp2:
0x1b3: {  	[sflag:s9] =	ssyncset.done $0x0;
	(pc) =	sbr.rel @p1 .LBB2_2-.Ltmp2, $4  }
0x1b4: {  	[sflag:s9] =	ssyncadd.s32 $0xFFFFF800  }
0x1b5: {  	[hbm4b:s6+s2] =	stream.linear.scatter [tilespmem:s14], [sflag:$0x7], $0x800, $0x38;
	[tilespmem:$0xC130] =	vst v63  }
0x1b6: {  	_ =	swait.ge [sflag:s5], $0x800  }
0x1b7: {  	s1 =	sadd.s32 $0xFFFFFFFF, s1;
	s0 =	rddreg [dreg:$0x4];
	[sflag:s5] =	ssyncset.done $0x0  }
.LBB2_3:
0x1b8: {  	[sflag:s5] =	ssyncadd.s32 @p0 $0xFFFFF800  }
0x1b9: {  	[tilespmem:s2], [sflag:$0x7] =	stream.linear.gather [hbm4b:s0+s2], $0x310, $0x38;
	[tilespmem:$0xC130] =	vst v63  }
0x1ba: {  	_ =	swait.ge [sflag:s5], $0x310  }
0x1bb: {  	[sflag:s5] =	ssyncset.done $0x0  }
0x1bc: {  	[sflag:s5] =	ssyncadd.s32 $0xFFFFFCF0  }
0x1bd: {  	[tilespmem:s17], [sflag:$0x1] =	stream.indirect.gather [hbm4b:s4+s23], $0x80, s2, s23, $0xb8;
	[tilespmem:$0xC130] =	vst v63  }
0x1be: {  	_ = 	snop  }
0x1bf: {  	[tilespmem:s12], [sflag:$0x3] =	stream.indirect.gather [hbm4b:s3+s23], $0x40, s2, s23, $0xb8;
	[tilespmem:$0xC130] =	vst v63  }
0x1c0: {  	_ = 	snop  }
0x1c1: {  	[tilespmem:s11], [sflag:$0x5] =	stream.indirect.gather [hbm4b:s10+s23], $0x10, s2, s23, $0xb8;
	[tilespmem:$0xC130] =	vst v63  }
0x1c2: {  	_ = 	snop  }
0x1c3: {  	[tilespmem:s22], [sflag:$0x2] =	stream.indirect.gather [hbm4b:s4+s23], $0x80, s23, s23, $0xb8;
	[tilespmem:$0xC130] =	vst v63  }
0x1c4: {  	_ = 	snop  }
0x1c5: {  	[tilespmem:s20], [sflag:$0x4] =	stream.indirect.gather [hbm4b:s3+s23], $0x40, s23, s23, $0xb8;
	[tilespmem:$0xC130] =	vst v63  }
0x1c6: {  	_ = 	snop  }
0x1c7: {  	[tilespmem:s19], [sflag:$0x6] =	stream.indirect.gather [hbm4b:s10+s23], $0x10, s23, s23, $0xb8;
	[tilespmem:$0xC130] =	vst v63  }
0x1c8: {  	_ =	swait.ge [sflag:s9], $0x3800  }
0x1c9: {  	[sflag:s9] =	ssyncset.done $0x0  }
0x1ca: {  	s1 =	rddreg [dreg:$0x5];
	[sflag:s9] =	ssyncadd.s32 $0xFFFFC800  }
0x1cb: {  	[hbm4b:s1+s2] =	stream.linear.scatter [tilespmem:s17], [sflag:$0x7], $0x3800, $0x38;
	[tilespmem:$0xC130] =	vst v63  }
0x1cc: {  	_ =	swait.ge [sflag:s5], $0x3800  }
0x1cd: {  	[sflag:s5] =	ssyncset.done $0x0  }
0x1ce: {  	[sflag:s5] =	ssyncadd.s32 $0xFFFFC800  }
0x1cf: {  	_ =	swait.ge [sflag:s18], $0x1C00  }
0x1d0: {  	[sflag:s18] =	ssyncset.done $0x0  }
0x1d1: {  	s1 =	rddreg [dreg:$0x6];
	[sflag:s18] =	ssyncadd.s32 $0xFFFFE400  }
0x1d2: {  	[hbm4b:s1+s2] =	stream.linear.scatter [tilespmem:s12], [sflag:$0x7], $0x1C00, $0x38;
	[tilespmem:$0xC130] =	vst v63  }
0x1d3: {  	_ =	swait.ge [sflag:s5], $0x1C00  }
0x1d4: {  	[sflag:s5] =	ssyncset.done $0x0  }
0x1d5: {  	[sflag:s5] =	ssyncadd.s32 $0xFFFFE400  }
0x1d6: {  	_ =	swait.ge [sflag:s13], $0x700  }
0x1d7: {  	[sflag:s13] =	ssyncset.done $0x0  }
0x1d8: {  	s1 =	rddreg [dreg:$0x7];
	[sflag:s13] =	ssyncadd.s32 $0xFFFFF900  }
0x1d9: {  	[hbm4b:s1+s2] =	stream.linear.scatter [tilespmem:s11], [sflag:$0x7], $0x700, $0x38;
	[tilespmem:$0xC130] =	vst v63  }
0x1da: {  	_ =	swait.ge [sflag:s5], $0x700  }
0x1db: {  	[sflag:s5] =	ssyncset.done $0x0  }
0x1dc: {  	[sflag:s5] =	ssyncadd.s32 $0xFFFFF900  }
0x1dd: {  	[tilespmem:s17], [sflag:$0x1] =	stream.indirect.gather [hbm4b:s4+s23], $0x80, s31, s23, $0xb8;
	[tilespmem:$0xC130] =	vst v63  }
0x1de: {  	_ = 	snop  }
0x1df: {  	[tilespmem:s12], [sflag:$0x3] =	stream.indirect.gather [hbm4b:s3+s23], $0x40, s31, s23, $0xb8;
	[tilespmem:$0xC130] =	vst v63  }
0x1e0: {  	_ = 	snop  }
0x1e1: {  	[tilespmem:s11], [sflag:$0x5] =	stream.indirect.gather [hbm4b:s10+s23], $0x10, s31, s23, $0xb8;
	[tilespmem:$0xC130] =	vst v63  }
0x1e2: {  	_ =	swait.ge [sflag:s25], $0x3800  }
0x1e3: {  	[sflag:s25] =	ssyncset.done $0x0  }
0x1e4: {  	s1 =	rddreg [dreg:$0x8];
	[sflag:s25] =	ssyncadd.s32 $0xFFFFC800  }
0x1e5: {  	[hbm4b:s1+s2] =	stream.linear.scatter [tilespmem:s22], [sflag:$0x7], $0x3800, $0x38;
	[tilespmem:$0xC130] =	vst v63  }
0x1e6: {  	_ =	swait.ge [sflag:s5], $0x3800  }
0x1e7: {  	[sflag:s5] =	ssyncset.done $0x0  }
0x1e8: {  	[sflag:s5] =	ssyncadd.s32 $0xFFFFC800  }
0x1e9: {  	_ =	swait.ge [sflag:s24], $0x1C00  }
0x1ea: {  	[sflag:s24] =	ssyncset.done $0x0  }
0x1eb: {  	s31 =	rddreg [dreg:$0x9];
	[sflag:s24] =	ssyncadd.s32 $0xFFFFE400  }
0x1ec: {  	[hbm4b:s31+s2] =	stream.linear.scatter [tilespmem:s20], [sflag:$0x7], $0x1C00, $0x38;
	[tilespmem:$0xC130] =	vst v63  }
0x1ed: {  	_ =	swait.ge [sflag:s5], $0x1C00  }
0x1ee: {  	[sflag:s5] =	ssyncset.done $0x0  }
0x1ef: {  	[sflag:s5] =	ssyncadd.s32 $0xFFFFE400  }
0x1f0: {  	_ =	swait.ge [sflag:s21], $0x700  }
0x1f1: {  	[sflag:s21] =	ssyncset.done $0x0  }
0x1f2: {  	s1 =	rddreg [dreg:$0xa];
	[sflag:s21] =	ssyncadd.s32 $0xFFFFF900  }
0x1f3: {  	[hbm4b:s1+s2] =	stream.linear.scatter [tilespmem:s19], [sflag:$0x7], $0x700, $0x38;
	[tilespmem:$0xC130] =	vst v63  }
0x1f4: {  	_ =	swait.ge [sflag:s5], $0x700  }
0x1f5: {  	[sflag:s5] =	ssyncset.done $0x0  }
0x1f6: {  	[sflag:s5] =	ssyncadd.s32 $0xFFFFF900  }
0x1f7: {  	[tilespmem:s22], [sflag:$0x2] =	stream.indirect.gather [hbm4b:s4+s23], $0x80, s30, s23, $0xb8;
	[tilespmem:$0xC130] =	vst v63  }
0x1f8: {  	_ = 	snop  }
0x1f9: {  	[tilespmem:s20], [sflag:$0x4] =	stream.indirect.gather [hbm4b:s3+s23], $0x40, s30, s23, $0xb8;
	[tilespmem:$0xC130] =	vst v63  }
0x1fa: {  	_ = 	snop  }
0x1fb: {  	[tilespmem:s19], [sflag:$0x6] =	stream.indirect.gather [hbm4b:s10+s23], $0x10, s30, s23, $0xb8;
	[tilespmem:$0xC130] =	vst v63  }
0x1fc: {  	_ =	swait.ge [sflag:s9], $0x3800  }
0x1fd: {  	[sflag:s9] =	ssyncset.done $0x0  }
0x1fe: {  	s31 =	rddreg [dreg:$0xb];
	[sflag:s9] =	ssyncadd.s32 $0xFFFFC800  }
0x1ff: {  	[hbm4b:s31+s2] =	stream.linear.scatter [tilespmem:s17], [sflag:$0x7], $0x3800, $0x38;
	[tilespmem:$0xC130] =	vst v63  }
0x200: {  	_ =	swait.ge [sflag:s5], $0x3800  }
0x201: {  	[sflag:s5] =	ssyncset.done $0x0  }
0x202: {  	[sflag:s5] =	ssyncadd.s32 $0xFFFFC800  }
0x203: {  	_ =	swait.ge [sflag:s18], $0x1C00  }
0x204: {  	[sflag:s18] =	ssyncset.done $0x0  }
0x205: {  	s1 =	rddreg [dreg:$0xc];
	[sflag:s18] =	ssyncadd.s32 $0xFFFFE400  }
0x206: {  	[hbm4b:s1+s2] =	stream.linear.scatter [tilespmem:s12], [sflag:$0x7], $0x1C00, $0x38;
	[tilespmem:$0xC130] =	vst v63  }
0x207: {  	_ =	swait.ge [sflag:s5], $0x1C00  }
0x208: {  	[sflag:s5] =	ssyncset.done $0x0  }
0x209: {  	[sflag:s5] =	ssyncadd.s32 $0xFFFFE400  }
0x20a: {  	_ =	swait.ge [sflag:s13], $0x700  }
0x20b: {  	[sflag:s13] =	ssyncset.done $0x0  }
0x20c: {  	s30 =	rddreg [dreg:$0xd];
	[sflag:s13] =	ssyncadd.s32 $0xFFFFF900  }
0x20d: {  	[hbm4b:s30+s2] =	stream.linear.scatter [tilespmem:s11], [sflag:$0x7], $0x700, $0x38;
	[tilespmem:$0xC130] =	vst v63  }
0x20e: {  	_ =	swait.ge [sflag:s5], $0x700  }
0x20f: {  	[sflag:s5] =	ssyncset.done $0x0  }
0x210: {  	[sflag:s5] =	ssyncadd.s32 $0xFFFFF900  }
0x211: {  	[tilespmem:s17], [sflag:$0x1] =	stream.indirect.gather [hbm4b:s4+s23], $0x80, s29, s23, $0xb8;
	[tilespmem:$0xC130] =	vst v63  }
0x212: {  	_ = 	snop  }
0x213: {  	[tilespmem:s12], [sflag:$0x3] =	stream.indirect.gather [hbm4b:s3+s23], $0x40, s29, s23, $0xb8;
	[tilespmem:$0xC130] =	vst v63  }
0x214: {  	_ = 	snop  }
0x215: {  	[tilespmem:s11], [sflag:$0x5] =	stream.indirect.gather [hbm4b:s10+s23], $0x10, s29, s23, $0xb8;
	[tilespmem:$0xC130] =	vst v63  }
0x216: {  	_ =	swait.ge [sflag:s25], $0x3800  }
0x217: {  	[sflag:s25] =	ssyncset.done $0x0  }
0x218: {  	s31 =	rddreg [dreg:$0xe];
	[sflag:s25] =	ssyncadd.s32 $0xFFFFC800  }
0x219: {  	[hbm4b:s31+s2] =	stream.linear.scatter [tilespmem:s22], [sflag:$0x7], $0x3800, $0x38;
	[tilespmem:$0xC130] =	vst v63  }
0x21a: {  	_ =	swait.ge [sflag:s5], $0x3800  }
0x21b: {  	[sflag:s5] =	ssyncset.done $0x0  }
0x21c: {  	[sflag:s5] =	ssyncadd.s32 $0xFFFFC800  }
0x21d: {  	_ =	swait.ge [sflag:s24], $0x1C00  }
0x21e: {  	[sflag:s24] =	ssyncset.done $0x0  }
0x21f: {  	s1 =	rddreg [dreg:$0xf];
	[sflag:s24] =	ssyncadd.s32 $0xFFFFE400  }
0x220: {  	[hbm4b:s1+s2] =	stream.linear.scatter [tilespmem:s20], [sflag:$0x7], $0x1C00, $0x38;
	[tilespmem:$0xC130] =	vst v63  }
0x221: {  	_ =	swait.ge [sflag:s5], $0x1C00  }
0x222: {  	[sflag:s5] =	ssyncset.done $0x0  }
0x223: {  	[sflag:s5] =	ssyncadd.s32 $0xFFFFE400  }
0x224: {  	_ =	swait.ge [sflag:s21], $0x700  }
0x225: {  	[sflag:s21] =	ssyncset.done $0x0  }
0x226: {  	s29 =	rddreg [dreg:$0x10];
	[sflag:s21] =	ssyncadd.s32 $0xFFFFF900  }
0x227: {  	[hbm4b:s29+s2] =	stream.linear.scatter [tilespmem:s19], [sflag:$0x7], $0x700, $0x38;
	[tilespmem:$0xC130] =	vst v63  }
0x228: {  	_ =	swait.ge [sflag:s5], $0x700  }
0x229: {  	[sflag:s5] =	ssyncset.done $0x0  }
0x22a: {  	[sflag:s5] =	ssyncadd.s32 $0xFFFFF900  }
0x22b: {  	[tilespmem:s22], [sflag:$0x2] =	stream.indirect.gather [hbm4b:s4+s23], $0x80, s28, s23, $0xb8;
	[tilespmem:$0xC130] =	vst v63  }
0x22c: {  	_ = 	snop  }
0x22d: {  	[tilespmem:s20], [sflag:$0x4] =	stream.indirect.gather [hbm4b:s3+s23], $0x40, s28, s23, $0xb8;
	[tilespmem:$0xC130] =	vst v63  }
0x22e: {  	_ = 	snop  }
0x22f: {  	[tilespmem:s19], [sflag:$0x6] =	stream.indirect.gather [hbm4b:s10+s23], $0x10, s28, s23, $0xb8;
	[tilespmem:$0xC130] =	vst v63  }
0x230: {  	_ =	swait.ge [sflag:s9], $0x3800  }
0x231: {  	[sflag:s9] =	ssyncset.done $0x0  }
0x232: {  	s30 =	rddreg [dreg:$0x11];
	[sflag:s9] =	ssyncadd.s32 $0xFFFFC800  }
0x233: {  	[hbm4b:s30+s2] =	stream.linear.scatter [tilespmem:s17], [sflag:$0x7], $0x3800, $0x38;
	[tilespmem:$0xC130] =	vst v63  }
0x234: {  	_ =	swait.ge [sflag:s5], $0x3800  }
0x235: {  	[sflag:s5] =	ssyncset.done $0x0  }
0x236: {  	[sflag:s5] =	ssyncadd.s32 $0xFFFFC800  }
0x237: {  	_ =	swait.ge [sflag:s18], $0x1C00  }
0x238: {  	[sflag:s18] =	ssyncset.done $0x0  }
0x239: {  	s31 =	rddreg [dreg:$0x12];
	[sflag:s18] =	ssyncadd.s32 $0xFFFFE400  }
0x23a: {  	[hbm4b:s31+s2] =	stream.linear.scatter [tilespmem:s12], [sflag:$0x7], $0x1C00, $0x38;
	[tilespmem:$0xC130] =	vst v63  }
0x23b: {  	_ =	swait.ge [sflag:s5], $0x1C00  }
0x23c: {  	[sflag:s5] =	ssyncset.done $0x0  }
0x23d: {  	[sflag:s5] =	ssyncadd.s32 $0xFFFFE400  }
0x23e: {  	_ =	swait.ge [sflag:s13], $0x700  }
0x23f: {  	[sflag:s13] =	ssyncset.done $0x0  }
0x240: {  	s1 =	rddreg [dreg:$0x13];
	[sflag:s13] =	ssyncadd.s32 $0xFFFFF900  }
0x241: {  	[hbm4b:s1+s2] =	stream.linear.scatter [tilespmem:s11], [sflag:$0x7], $0x700, $0x38;
	[tilespmem:$0xC130] =	vst v63  }
0x242: {  	_ =	swait.ge [sflag:s5], $0x700  }
0x243: {  	[sflag:s5] =	ssyncset.done $0x0  }
0x244: {  	[sflag:s5] =	ssyncadd.s32 $0xFFFFF900  }
0x245: {  	[tilespmem:s17], [sflag:$0x1] =	stream.indirect.gather [hbm4b:s4+s23], $0x80, s26, s23, $0xb8;
	[tilespmem:$0xC130] =	vst v63  }
0x246: {  	_ = 	snop  }
0x247: {  	[tilespmem:s12], [sflag:$0x3] =	stream.indirect.gather [hbm4b:s3+s23], $0x40, s26, s23, $0xb8;
	[tilespmem:$0xC130] =	vst v63  }
0x248: {  	_ = 	snop  }
0x249: {  	[tilespmem:s11], [sflag:$0x5] =	stream.indirect.gather [hbm4b:s10+s23], $0x10, s26, s23, $0xb8;
	[tilespmem:$0xC130] =	vst v63  }
0x24a: {  	_ =	swait.ge [sflag:s25], $0x3800  }
0x24b: {  	[sflag:s25] =	ssyncset.done $0x0  }
0x24c: {  	s23 =	rddreg [dreg:$0x14];
	[sflag:s25] =	ssyncadd.s32 $0xFFFFC800  }
0x24d: {  	[hbm4b:s23+s2] =	stream.linear.scatter [tilespmem:s22], [sflag:$0x7], $0x3800, $0x38;
	[tilespmem:$0xC130] =	vst v63  }
0x24e: {  	_ =	swait.ge [sflag:s5], $0x3800  }
0x24f: {  	[sflag:s5] =	ssyncset.done $0x0  }
0x250: {  	[sflag:s5] =	ssyncadd.s32 $0xFFFFC800  }
0x251: {  	_ =	swait.ge [sflag:s24], $0x1C00  }
0x252: {  	[sflag:s24] =	ssyncset.done $0x0  }
0x253: {  	s26 =	rddreg [dreg:$0x15];
	[sflag:s24] =	ssyncadd.s32 $0xFFFFE400  }
0x254: {  	[hbm4b:s26+s2] =	stream.linear.scatter [tilespmem:s20], [sflag:$0x7], $0x1C00, $0x38;
	[tilespmem:$0xC130] =	vst v63  }
0x255: {  	_ =	swait.ge [sflag:s5], $0x1C00  }
0x256: {  	[sflag:s5] =	ssyncset.done $0x0  }
0x257: {  	[sflag:s5] =	ssyncadd.s32 $0xFFFFE400  }
0x258: {  	_ =	swait.ge [sflag:s21], $0x700  }
0x259: {  	[sflag:s21] =	ssyncset.done $0x0  }
0x25a: {  	s28 =	rddreg [dreg:$0x16];
	[sflag:s21] =	ssyncadd.s32 $0xFFFFF900  }
0x25b: {  	[hbm4b:s28+s2] =	stream.linear.scatter [tilespmem:s19], [sflag:$0x7], $0x700, $0x38;
	[tilespmem:$0xC130] =	vst v63  }
0x25c: {  	_ =	swait.ge [sflag:s5], $0x700  }
0x25d: {  	[sflag:s5] =	ssyncset.done $0x0  }
0x25e: {  	[sflag:s5] =	ssyncadd.s32 $0xFFFFF900  }
0x25f: {  	_ =	swait.ge [sflag:s9], $0x3800  }
0x260: {  	[sflag:s9] =	ssyncset.done $0x0  }
0x261: {  	s29 =	rddreg [dreg:$0x17];
	[sflag:s9] =	ssyncadd.s32 $0xFFFFC800  }
0x262: {  	[hbm4b:s29+s2] =	stream.linear.scatter [tilespmem:s17], [sflag:$0x7], $0x3800, $0x38;
	[tilespmem:$0xC130] =	vst v63  }
0x263: {  	_ =	swait.ge [sflag:s5], $0x3800  }
0x264: {  	[sflag:s5] =	ssyncset.done $0x0  }
0x265: {  	[sflag:s5] =	ssyncadd.s32 $0xFFFFC800  }
0x266: {  	_ =	swait.ge [sflag:s18], $0x1C00  }
0x267: {  	[sflag:s18] =	ssyncset.done $0x0  }
0x268: {  	s30 =	rddreg [dreg:$0x18];
	[sflag:s18] =	ssyncadd.s32 $0xFFFFE400  }
0x269: {  	[hbm4b:s30+s2] =	stream.linear.scatter [tilespmem:s12], [sflag:$0x7], $0x1C00, $0x38;
	[tilespmem:$0xC130] =	vst v63  }
0x26a: {  	_ =	swait.ge [sflag:s5], $0x1C00  }
0x26b: {  	[sflag:s5] =	ssyncset.done $0x0  }
0x26c: {  	[sflag:s5] =	ssyncadd.s32 $0xFFFFE400  }
0x26d: {  	_ =	swait.ge [sflag:s13], $0x700  }
0x26e: {  	[sflag:s13] =	ssyncset.done $0x0  }
0x26f: {  	[sflag:s13] =	ssyncadd.s32 $0xFFFFF900  }
0x270: {  	[hbm4b:s8+s2] =	stream.linear.scatter [tilespmem:s11], [sflag:$0x7], $0x700, $0x38;
	[tilespmem:$0xC130] =	vst v63  }
0x271: {  	_ =	swait.ge [sflag:s5], $0x700  }
0x272: {  	[sflag:s5] =	ssyncset.done $0x0  }
0x273: {  	[sflag:s5] =	ssyncadd.s32 $0xFFFFF900  }
0x274: {  	[tilespmem:s15], [sflag:$0x7] =	stream.linear.gather [hbm4b:s7+s2], $0x20, $0x38;
	[tilespmem:$0xC130] =	vst v63  }
0x275: {  	_ =	swait.ge [sflag:s5], $0x20  }
0x276: {  	[sflag:s5] =	ssyncset.done $0x0  }
0x277: {  	[sflag:s5] =	ssyncadd.s32 $0xFFFFFFE0  }
0x278: {  	[tilespmem:s14], [sflag:$0x1] =	stream.indirect.gather [hbm4b:s3+s16], $0x40, s15, s16, $0xb8;
	[tilespmem:$0xC130] =	vst v63  }
0x279: {  	_ =	swait.ge [sflag:s9], $0x800  }
0x27a: {  	[sflag:s9] =	ssyncset.done $0x0  }
0x27b: {  	[sflag:s9] =	ssyncadd.s32 $0xFFFFF800  }
0x27c: {  	[hbm4b:s6+s2] =	stream.linear.scatter [tilespmem:s14], [sflag:$0x7], $0x800, $0x38;
	[tilespmem:$0xC130] =	vst v63  }
0x27d: {  	_ =	swait.ge [sflag:s5], $0x800  }
0x27e: {  	[sflag:s5] =	ssyncset.done $0x0  }
0x27f: {  	[sflag:s5] =	ssyncadd.s32 $0xFFFFF800  }
0x280: {  	_ =	sfence.sel $0x180000  }
0x281: {  	[bflag:$0x0] =	sbarrier.arrive $0xFFFF  }
0x282: {  	_ =	strace $0x90000047  }
0x283: {  	s31 =	stileid.u32;
	[bflag:$0x2] =	sbarrier.arrive $0xFFFF  }
0x284: {  	p0 =	sne.s32 s31, $0x0;
	s0 =	rddreg [dreg:$0x3]  }
0x285: {  	s0 =	sadd.s32 @!p0 $0x100000, s0  }
0x286: {  	[sflag:s0] =	ssyncadd.tile.s32 @!p0 $0x1;
	_ =	shalt  }
.Lfunc_end2:
_tile_overlayer_lowered:
.L_overlay_start_2:
0x287: {  	(tag) =	ssettag $0x2  }
0x288: {  	s0 =	rddreg [dreg:$0x0];
	s2 =	stileid.u32  }
0x289: {  	s1 =	rddreg [dreg:$0x1];
	p0 =	sne.s32 s2, $0x0  }
0x28a: {  	s3 =	rddreg [dreg:$0x2];
	[bflag:$0x3] =	sbarrier.arrive $0xFFFF;
	s2 =	simm.s32 @!p0 $0x1C07  }
0x28b: {  	[timem:s3], [sflag:s2] =	dma.local @!p0 [hbm:s0], s1  }
0x28c: {  	s0 =	simm.s32 @!p0 $0x7  }
0x28d: {  	_ =	swait.ge @!p0 [sflag:s0], s1  }
0x28e: {  	s1 =	ssub.s32 @!p0 $0x0, s1;
	[sflag:s0] =	ssyncset.done @!p0 $0x0  }
0x28f: {  	[sflag:s0] =	ssyncadd.s32 @!p0 s1  }
0x290: {  	[bflag:$0x3] =	sbarrier.arrive $0xFFFF  }
0x291: {  	_ =	shalt  }

</sc_bundles>
